<compile_context>
chip_gen: v7x
topology: tpu7x:2x2x1
jax: 0.10.2.dev20260603
libtpu: 0.0.44.dev20260713+nightly
codegen_flags: <defaults>
</compile_context>

<pallas_src>
import functools

import jax
import jax.numpy as jnp
from jax import lax
from jax.experimental import pallas as pl
from jax.experimental.pallas import tpu as pltpu
from jax.experimental.pallas import tpu_sc as plsc

N = 10000
D = 128
E = 320000
NC, NS = 2, 16
CH = 128
NCH0 = 152
NCH1 = 8
EPAD = NS * (NCH0 + NCH1) * CH
RING = 16
RA = 10112
STRIPE_A = RA // NS
RD = 10240
STRIPE_D = RD // NS
BLK = 1000

_mesh = plsc.VectorSubcoreMesh(core_axis_name="c", subcore_axis_name="s")


def _zero_rows_buf(buf):
    z = jnp.zeros((16,), jnp.float32)

    def body(k, _):
        i = k // (D // 16)
        j = k % (D // 16)
        buf[i, pl.ds(j * 16, 16)] = z
        return 0

    lax.fori_loop(0, CH * (D // 16), body, 0)


@functools.partial(
    pl.kernel,
    out_type=jax.ShapeDtypeStruct((NC, RD), jnp.float32),
    mesh=_mesh,
    scratch_types=[
        pltpu.VMEM((RING, CH), jnp.int32),
        pltpu.VMEM((CH,), jnp.float32),
        pltpu.VMEM((STRIPE_D,), jnp.float32),
        pltpu.VMEM_SHARED((RD,), jnp.float32),
    ],
)
def _deg_kernel(dst0_hbm, dst1_hbm, out_hbm, dst_ring, ones_v, zero_v, acc):
    c = lax.axis_index("c")
    s = lax.axis_index("s")

    one = jnp.ones((16,), jnp.float32)
    z = jnp.zeros((16,), jnp.float32)

    def fill(i, _):
        ones_v[pl.ds(i * 16, 16)] = one
        return 0

    lax.fori_loop(0, CH // 16, fill, 0)

    def zfill(i, _):
        zero_v[pl.ds(i * 16, 16)] = z
        return 0

    lax.fori_loop(0, STRIPE_D // 16, zfill, 0)

    base = s * STRIPE_D
    pltpu.sync_copy(zero_v, acc.at[pl.ds(base, STRIPE_D)])
    plsc.subcore_barrier()

    def run(dst_hbm, nch):
        def group(gi, _):
            pltpu.sync_copy(dst_hbm.at[s, pl.ds(gi * RING, RING)], dst_ring)

            def body(i, _):
                pltpu.sync_copy(ones_v, acc.at[dst_ring.at[i]], add=True)
                return 0

            lax.fori_loop(0, RING, body, 0)
            return 0

        lax.fori_loop(0, nch // RING, group, 0)
        rem = nch % RING
        if rem:
            g0 = (nch // RING) * RING
            pltpu.sync_copy(dst_hbm.at[s, pl.ds(g0, rem)],
                            dst_ring.at[pl.ds(0, rem)])

            def rbody(i, _):
                pltpu.sync_copy(ones_v, acc.at[dst_ring.at[i]], add=True)
                return 0

            lax.fori_loop(0, rem, rbody, 0)

    @pl.when(c == 0)
    def _():
        run(dst0_hbm, NCH0)

    @pl.when(c == 1)
    def _():
        run(dst1_hbm, NCH1)

    plsc.subcore_barrier()
    pltpu.sync_copy(acc.at[pl.ds(base, STRIPE_D)],
                    out_hbm.at[c, pl.ds(base, STRIPE_D)])


@functools.partial(
    pl.kernel,
    out_type=jax.ShapeDtypeStruct((NC, RA, D), jnp.float32),
    mesh=_mesh,
    scratch_types=[
        pltpu.VMEM((RING, CH), jnp.int32),
        pltpu.VMEM((RING, CH), jnp.int32),
        pltpu.VMEM((CH, D), jnp.float32),
        pltpu.VMEM((CH, D), jnp.float32),
        pltpu.VMEM_SHARED((RA, D), jnp.float32),
        pltpu.SemaphoreType.DMA,
        pltpu.SemaphoreType.DMA,
    ],
)
def _agg_kernel(g_hbm, src0_hbm, dst0_hbm, src1_hbm, dst1_hbm, out_hbm,
                src_ring, dst_ring, buf_a, buf_b, acc, sem_a, sem_b):
    c = lax.axis_index("c")
    s = lax.axis_index("s")

    _zero_rows_buf(buf_a)
    base = s * STRIPE_A
    off = 0
    while off + CH <= STRIPE_A:
        pltpu.sync_copy(buf_a, acc.at[pl.ds(base + off, CH)])
        off += CH
    if off < STRIPE_A:
        pltpu.sync_copy(buf_a.at[pl.ds(0, STRIPE_A - off)],
                        acc.at[pl.ds(base + off, STRIPE_A - off)])
    plsc.subcore_barrier()

    def run(src_hbm, dst_hbm, nch):
        def group(gi, _):
            g0 = gi * RING
            pltpu.sync_copy(src_hbm.at[s, pl.ds(g0, RING)], src_ring)
            pltpu.sync_copy(dst_hbm.at[s, pl.ds(g0, RING)], dst_ring)

            def body(i, _):
                j0 = 2 * i
                j1 = 2 * i + 1
                da = pltpu.async_copy(
                    g_hbm.at[src_ring.at[j0]], buf_a, sem_a)
                db = pltpu.async_copy(
                    g_hbm.at[src_ring.at[j1]], buf_b, sem_b)
                da.wait()
                pltpu.sync_copy(buf_a, acc.at[dst_ring.at[j0]], add=True)
                db.wait()
                pltpu.sync_copy(buf_b, acc.at[dst_ring.at[j1]], add=True)
                return 0

            lax.fori_loop(0, RING // 2, body, 0)
            return 0

        lax.fori_loop(0, nch // RING, group, 0)
        rem = nch % RING
        if rem:
            g0 = (nch // RING) * RING
            pltpu.sync_copy(src_hbm.at[s, pl.ds(g0, rem)],
                            src_ring.at[pl.ds(0, rem)])
            pltpu.sync_copy(dst_hbm.at[s, pl.ds(g0, rem)],
                            dst_ring.at[pl.ds(0, rem)])

            def rbody(i, _):
                j0 = 2 * i
                j1 = 2 * i + 1
                da = pltpu.async_copy(
                    g_hbm.at[src_ring.at[j0]], buf_a, sem_a)
                db = pltpu.async_copy(
                    g_hbm.at[src_ring.at[j1]], buf_b, sem_b)
                da.wait()
                pltpu.sync_copy(buf_a, acc.at[dst_ring.at[j0]], add=True)
                db.wait()
                pltpu.sync_copy(buf_b, acc.at[dst_ring.at[j1]], add=True)
                return 0

            lax.fori_loop(0, rem // 2, rbody, 0)

    @pl.when(c == 0)
    def _():
        run(src0_hbm, dst0_hbm, NCH0)

    @pl.when(c == 1)
    def _():
        run(src1_hbm, dst1_hbm, NCH1)

    plsc.subcore_barrier()
    pltpu.sync_copy(acc.at[pl.ds(base, STRIPE_A)],
                    out_hbm.at[c, pl.ds(base, STRIPE_A)])


def _tc_a_body(d0_ref, d1_ref, x_ref, w_ref, dinv_ref, g_ref):
    deg = d0_ref[...] + d1_ref[...] + 1.0
    dinv = lax.rsqrt(deg)
    h = jnp.dot(x_ref[...], w_ref[...], preferred_element_type=jnp.float32)
    dinv_ref[...] = dinv
    g_ref[...] = dinv * h


def _tc_b_body(s0_ref, s1_ref, g1_ref, dinv_ref, b_ref, w_ref, g2_ref):
    dinv = dinv_ref[...]
    agg = (s0_ref[...] + s1_ref[...]).reshape(BLK, D)
    z = jnp.maximum(dinv * (agg + g1_ref[...]) + b_ref[...], 0.0)
    h2 = jnp.dot(z, w_ref[...], preferred_element_type=jnp.float32)
    g2_ref[...] = dinv * h2


def _tc_c_body(s0_ref, s1_ref, g2_ref, dinv_ref, b_ref, out_ref):
    agg = (s0_ref[...] + s1_ref[...]).reshape(BLK, D)
    out_ref[...] = jnp.maximum(
        dinv_ref[...] * (agg + g2_ref[...]) + b_ref[...], 0.0)


_col_spec = pl.BlockSpec((BLK, 1), lambda i: (i, 0))
_row_spec = pl.BlockSpec((BLK, D), lambda i: (i, 0))
_w_spec = pl.BlockSpec((D, D), lambda i: (0, 0))
_b_spec = pl.BlockSpec((1, D), lambda i: (0, 0))
_p0_spec = pl.BlockSpec((1, BLK, D), lambda i: (0, i, 0))
_p1_spec = pl.BlockSpec((1, BLK, D), lambda i: (1, i, 0))

_tc_a = pl.pallas_call(
    _tc_a_body,
    grid=(N // BLK,),
    in_specs=[_col_spec, _col_spec, _row_spec, _w_spec],
    out_specs=[_col_spec, _row_spec],
    out_shape=[
        jax.ShapeDtypeStruct((N, 1), jnp.float32),
        jax.ShapeDtypeStruct((N, D), jnp.float32),
    ],
)

_tc_b = pl.pallas_call(
    _tc_b_body,
    grid=(N // BLK,),
    in_specs=[_p0_spec, _p1_spec, _row_spec, _col_spec, _b_spec, _w_spec],
    out_specs=_row_spec,
    out_shape=jax.ShapeDtypeStruct((N, D), jnp.float32),
)

_tc_c = pl.pallas_call(
    _tc_c_body,
    grid=(N // BLK,),
    in_specs=[_p0_spec, _p1_spec, _row_spec, _col_spec, _b_spec],
    out_specs=_row_spec,
    out_shape=jax.ShapeDtypeStruct((N, D), jnp.float32),
)


@jax.jit
def kernel(x, edge_index, W1, b1, W2, b2):
    src = edge_index[0].astype(jnp.int32)
    dst = edge_index[1].astype(jnp.int32)
    npad = EPAD - E
    spread = (jnp.arange(npad, dtype=jnp.int32) * 131) % RA
    sink = N + jnp.arange(npad, dtype=jnp.int32) % (RA - N)
    src_p = jnp.concatenate([src, jnp.full((npad,), N, jnp.int32)])
    dst_p = jnp.concatenate([dst, spread])
    dstd_p = jnp.concatenate([dst, sink])
    n0 = NS * NCH0 * CH
    src0 = src_p[:n0].reshape(NS, NCH0, CH)
    dst0 = dst_p[:n0].reshape(NS, NCH0, CH)
    src1 = src_p[n0:].reshape(NS, NCH1, CH)
    dst1 = dst_p[n0:].reshape(NS, NCH1, CH)
    dstd0 = dstd_p[:n0].reshape(NS, NCH0, CH)
    dstd1 = dstd_p[n0:].reshape(NS, NCH1, CH)
    zrow = jnp.zeros((8, D), jnp.float32)

    degp = _deg_kernel(dstd0, dstd1)
    d0 = degp[0, :N].reshape(N, 1)
    d1 = degp[1, :N].reshape(N, 1)

    dinv, g1 = _tc_a(d0, d1, x, W1)

    s1 = _agg_kernel(jnp.concatenate([g1, zrow]), src0, dst0, src1, dst1)
    g2 = _tc_b(s1, s1, g1, dinv, b1.reshape(1, D), W2)

    s2 = _agg_kernel(jnp.concatenate([g2, zrow]), src0, dst0, src1, dst1)
    out = _tc_c(s2, s2, g2, dinv, b2.reshape(1, D))
    return out

# --- scband reference (transcript-rebuilt; emitter-appended) ---
"""Pipeline reference for scband-gnnencoder-57947698757714 (READ-ONLY COPY).

The authoritative reference and input builder live on the scoring server;
editing this copy changes nothing except your own understanding.
"""

import jax, jax.numpy as jnp
import numpy as np

N_NODES = 10000

def gcn_layer(x, edge_index, W, b):
    num_nodes = x.shape[0]
    src = edge_index[0]
    dst = edge_index[1]
    # add self loops (PyG GCNConv default add_self_loops=True)
    loop = jnp.arange(num_nodes, dtype=src.dtype)
    src = jnp.concatenate([src, loop])
    dst = jnp.concatenate([dst, loop])
    # symmetric normalization D^{-1/2} A_hat D^{-1/2}
    deg = jnp.zeros((num_nodes,), dtype=x.dtype).at[dst].add(1.0)
    dinv = jnp.where(deg > 0, deg ** -0.5, 0.0)
    norm = dinv[src] * dinv[dst]
    # linear transform (no bias inside lin), then propagate
    h = x @ W
    msg = jnp.take(h, src, axis=0) * norm[:, None]
    out = jnp.zeros((num_nodes, h.shape[1]), dtype=x.dtype).at[dst].add(msg)
    return out + b

def setup_inputs(seed: int = 0) -> dict:
    key = jax.random.key(seed)
    k1, k2, k3, k4, k5, k6 = jax.random.split(key, 6)
    d = 128
    x = jax.random.normal(k1, (N_NODES, d), dtype=jnp.float32)
    edge_index = jax.random.randint(k2, (2, 320000), 0, N_NODES, dtype=jnp.int64)
    s = (1.0 / d) ** 0.5
    W1 = jax.random.uniform(k3, (d, d), dtype=jnp.float32, minval=-s, maxval=s)
    b1 = jnp.zeros((d,), dtype=jnp.float32)
    W2 = jax.random.uniform(k4, (d, d), dtype=jnp.float32, minval=-s, maxval=s)
    b2 = jnp.zeros((d,), dtype=jnp.float32)
    return {"x": x, "edge_index": edge_index, "W1": W1, "b1": b1, "W2": W2, "b2": b2}

def reference(x, edge_index, W1, b1, W2, b2):
    h = gcn_layer(x, edge_index, W1, b1)
    h = jax.nn.relu(h)
    h = gcn_layer(h, edge_index, W2, b2)
    h = jax.nn.relu(h)
    return h

if __name__ == "__main__":
    import jax
    _d = setup_inputs()
    print(jax.jit(kernel)(*tuple(_d.values())))

</pallas_src>

<mosaic_0001>
#map = affine_map<(d0, d1) -> (0, 0, 0)>
#map1 = affine_map<(d0, d1) -> (0, 0)>
module attributes {stable_mosaic.version = 14 : i64} {
  func.func @_deg_kernel(%arg0: i32, %arg1: i32, %arg2: memref<16x152x128xi32, #tpu.memory_space<hbm>>, %arg3: memref<16x8x128xi32, #tpu.memory_space<hbm>>, %arg4: memref<2x10240xf32, #tpu.memory_space<hbm>>, %arg5: memref<16x128xi32, #tpu.memory_space<vmem>>, %arg6: memref<128xf32, #tpu.memory_space<vmem>>, %arg7: memref<640xf32, #tpu.memory_space<vmem>>, %arg8: memref<10240xf32, #tpu.memory_space<vmem_shared>>) attributes {dimension_semantics = [#tpu.dimension_semantics<core_parallel>, #tpu.dimension_semantics<subcore_parallel>], iteration_bounds = array<i64: 2, 16>, scalar_prefetch = 0 : i64, scratch_operands = 4 : i64, tpu.core_type = #tpu.core_type<sc_vector_subcore>, window_params = [{transform_indices = #map}, {transform_indices = #map}, {transform_indices = #map1}]} {
    %broadcast_in_dim3A = arith.constant 1.000000e+00 : f32
    %broadcast_in_dim3A_0 = vector.broadcast %broadcast_in_dim3A : f32 to vector<16xf32>
    %broadcast_in_dim3A_1 = arith.constant 0.000000e+00 : f32
    %broadcast_in_dim3A_2 = vector.broadcast %broadcast_in_dim3A_1 : f32 to vector<16xf32>
    %scan3A = arith.constant 0 : i32
    %scan3A_3 = arith.constant 0 : i32
    %scan3A_4 = arith.constant 8 : i32
    %scan3A_5 = arith.addi %scan3A_3, %scan3A_4 : i32
    %scan3A_6 = arith.constant 1 : i32
    %scan3A_7 = scf.for %scan3A_25 = %scan3A_3 to %scan3A_5 step %scan3A_6 iter_args(%scan3A_26 = %scan3A) -> (i32)  : i32 {
      %mul3A_27 = arith.constant 16 : i32
      %mul3A_28 = arith.muli %scan3A_25, %mul3A_27 : i32
      %swap3A = arith.index_cast %mul3A_28 : i32 to index
      %swap3A_29 = tpu.vector_load %arg6[%swap3A] {strides = array<i32>} : memref<128xf32, #tpu.memory_space<vmem>>, vector<16xf32>,
      %swap3A_30 = vector.shape_cast %swap3A_29 : vector<16xf32> to vector<16xf32>
      %swap3A_31 = vector.shape_cast %broadcast_in_dim3A_0 : vector<16xf32> to vector<16xf32>
      tpu.vector_store %arg6[%swap3A], %swap3A_31 {strides = array<i32>} : memref<128xf32, #tpu.memory_space<vmem>>, vector<16xf32>,
      %scan3A_32 = arith.constant 0 : i32
      scf.yield %scan3A_32 : i32
    }
    %scan3A_8 = arith.constant 8 : i32
    %scan3A_9 = arith.constant 0 : i32
    %scan3A_10 = arith.constant 0 : i32
    %scan3A_11 = arith.constant 40 : i32
    %scan3A_12 = arith.addi %scan3A_10, %scan3A_11 : i32
    %scan3A_13 = arith.constant 1 : i32
    %scan3A_14 = scf.for %scan3A_25 = %scan3A_10 to %scan3A_12 step %scan3A_13 iter_args(%scan3A_26 = %scan3A_9) -> (i32)  : i32 {
      %mul3A_27 = arith.constant 16 : i32
      %mul3A_28 = arith.muli %scan3A_25, %mul3A_27 : i32
      %swap3A = arith.index_cast %mul3A_28 : i32 to index
      %swap3A_29 = tpu.vector_load %arg7[%swap3A] {strides = array<i32>} : memref<640xf32, #tpu.memory_space<vmem>>, vector<16xf32>,
      %swap3A_30 = vector.shape_cast %swap3A_29 : vector<16xf32> to vector<16xf32>
      %swap3A_31 = vector.shape_cast %broadcast_in_dim3A_2 : vector<16xf32> to vector<16xf32>
      tpu.vector_store %arg7[%swap3A], %swap3A_31 {strides = array<i32>} : memref<640xf32, #tpu.memory_space<vmem>>, vector<16xf32>,
      %scan3A_32 = arith.constant 0 : i32
      scf.yield %scan3A_32 : i32
    }
    %scan3A_15 = arith.constant 40 : i32
    %mul3A = arith.constant 640 : i32
    %mul3A_16 = arith.muli %arg1, %mul3A : i32
    "tpu.region"() ({
      %run_scoped3A = tpu.sem_alloc : memref<!tpu.dma_semaphore, #tpu.memory_space<semaphore_mem>>
      %dma_start3A = tpu.memref_slice %arg8[%mul3A_16] : memref<10240xf32, #tpu.memory_space<vmem_shared>> -> memref<640xf32, #tpu.memory_space<vmem_shared>>
      %dma_start3A_25 = tpu.memref_slice %arg8[%mul3A_16] : memref<10240xf32, #tpu.memory_space<vmem_shared>> -> memref<640xf32, #tpu.memory_space<vmem_shared>>
      tpu.enqueue_dma source(%arg7 : memref<640xf32, #tpu.memory_space<vmem>>) target(%dma_start3A_25 : memref<640xf32, #tpu.memory_space<vmem_shared>>) target_semaphore(%run_scoped3A : memref<!tpu.dma_semaphore, #tpu.memory_space<semaphore_mem>>)
      %dma_wait3A = tpu.memref_slice %arg8[%mul3A_16] : memref<10240xf32, #tpu.memory_space<vmem_shared>> -> memref<640xf32, #tpu.memory_space<vmem_shared>>
      %dma_wait3A_26 = tpu.memref_slice %arg8[%mul3A_16] : memref<10240xf32, #tpu.memory_space<vmem_shared>> -> memref<640xf32, #tpu.memory_space<vmem_shared>>
      tpu.wait_dma2 semaphore(%run_scoped3A : memref<!tpu.dma_semaphore, #tpu.memory_space<semaphore_mem>>) src(%arg7 : memref<640xf32, #tpu.memory_space<vmem>>) dst(%dma_wait3A_26 : memref<640xf32, #tpu.memory_space<vmem_shared>>)
      tpu.yield
    }) : () -> ()
    %barrier3A = arith.constant 0 : index
    tpu.barrier barrier_id(%barrier3A)
    %eq3A = arith.constant 0 : i32
    %eq3A_17 = arith.cmpi eq, %arg0, %eq3A : i32
    %convert_element_type3A = arith.extui %eq3A_17 : i1 to i32
    %cond3A = arith.constant 0 : i32
    %cond3A_18 = arith.cmpi ne, %convert_element_type3A, %cond3A : i32
    scf.if %cond3A_18 {
      %scan3A_25 = arith.constant 0 : i32
      %scan3A_26 = arith.constant 0 : i32
      %scan3A_27 = arith.constant 9 : i32
      %scan3A_28 = arith.addi %scan3A_26, %scan3A_27 : i32
      %scan3A_29 = arith.constant 1 : i32
      %scan3A_30 = scf.for %scan3A_39 = %scan3A_26 to %scan3A_28 step %scan3A_29 iter_args(%scan3A_40 = %scan3A_25) -> (i32)  : i32 {
        %mul3A_41 = arith.constant 16 : i32
        %mul3A_42 = arith.muli %scan3A_39, %mul3A_41 : i32
        "tpu.region"() ({
          %run_scoped3A = tpu.sem_alloc : memref<!tpu.dma_semaphore, #tpu.memory_space<semaphore_mem>>
          %dma_start3A = arith.constant 0 : i32
          %dma_start3A_51 = tpu.memref_slice %arg2[%arg1, %mul3A_42, %dma_start3A] : memref<16x152x128xi32, #tpu.memory_space<hbm>> -> memref<1x16x128xi32, #tpu.memory_space<hbm>>
          %dma_start3A_52 = tpu.memref_squeeze %dma_start3A_51 : memref<1x16x128xi32, #tpu.memory_space<hbm>> -> memref<16x128xi32, #tpu.memory_space<hbm>>
          %dma_start3A_53 = arith.constant 0 : i32
          %dma_start3A_54 = tpu.memref_slice %arg2[%arg1, %mul3A_42, %dma_start3A_53] : memref<16x152x128xi32, #tpu.memory_space<hbm>> -> memref<1x16x128xi32, #tpu.memory_space<hbm>>
          %dma_start3A_55 = tpu.memref_squeeze %dma_start3A_54 : memref<1x16x128xi32, #tpu.memory_space<hbm>> -> memref<16x128xi32, #tpu.memory_space<hbm>>
          tpu.enqueue_dma source(%dma_start3A_55 : memref<16x128xi32, #tpu.memory_space<hbm>>) target(%arg5 : memref<16x128xi32, #tpu.memory_space<vmem>>) target_semaphore(%run_scoped3A : memref<!tpu.dma_semaphore, #tpu.memory_space<semaphore_mem>>)
          %dma_wait3A = arith.constant 0 : i32
          %dma_wait3A_56 = tpu.memref_slice %arg2[%arg1, %mul3A_42, %dma_wait3A] : memref<16x152x128xi32, #tpu.memory_space<hbm>> -> memref<1x16x128xi32, #tpu.memory_space<hbm>>
          %dma_wait3A_57 = tpu.memref_squeeze %dma_wait3A_56 : memref<1x16x128xi32, #tpu.memory_space<hbm>> -> memref<16x128xi32, #tpu.memory_space<hbm>>
          %dma_wait3A_58 = arith.constant 0 : i32
          %dma_wait3A_59 = tpu.memref_slice %arg2[%arg1, %mul3A_42, %dma_wait3A_58] : memref<16x152x128xi32, #tpu.memory_space<hbm>> -> memref<1x16x128xi32, #tpu.memory_space<hbm>>
          %dma_wait3A_60 = tpu.memref_squeeze %dma_wait3A_59 : memref<1x16x128xi32, #tpu.memory_space<hbm>> -> memref<16x128xi32, #tpu.memory_space<hbm>>
          tpu.wait_dma2 semaphore(%run_scoped3A : memref<!tpu.dma_semaphore, #tpu.memory_space<semaphore_mem>>) src(%dma_wait3A_60 : memref<16x128xi32, #tpu.memory_space<hbm>>) dst(%arg5 : memref<16x128xi32, #tpu.memory_space<vmem>>)
          tpu.yield
        }) : () -> ()
        %scan3A_43 = arith.constant 0 : i32
        %scan3A_44 = arith.constant 0 : i32
        %scan3A_45 = arith.constant 16 : i32
        %scan3A_46 = arith.addi %scan3A_44, %scan3A_45 : i32
        %scan3A_47 = arith.constant 1 : i32
        %scan3A_48 = scf.for %scan3A_51 = %scan3A_44 to %scan3A_46 step %scan3A_47 iter_args(%scan3A_52 = %scan3A_43) -> (i32)  : i32 {
          "tpu.region"() ({
            %run_scoped3A = tpu.sem_alloc : memref<!tpu.dma_semaphore, #tpu.memory_space<semaphore_mem>>
            %dma_start3A = arith.constant 0 : i32
            %dma_start3A_54 = tpu.memref_slice %arg5[%scan3A_51, %dma_start3A] : memref<16x128xi32, #tpu.memory_space<vmem>> -> memref<1x128xi32, #tpu.memory_space<vmem>>
            %dma_start3A_55 = tpu.memref_squeeze %dma_start3A_54 : memref<1x128xi32, #tpu.memory_space<vmem>> -> memref<128xi32, #tpu.memory_space<vmem>>
            %dma_start3A_56 = arith.constant 0 : i32
            %dma_start3A_57 = tpu.memref_slice %arg8[%dma_start3A_56] : memref<10240xf32, #tpu.memory_space<vmem_shared>> -> memref<10240xf32, #tpu.memory_space<vmem_shared>>
            tpu.enqueue_indirect_dma source(%arg6 : memref<128xf32, #tpu.memory_space<vmem>>) target(%dma_start3A_57 : memref<10240xf32, #tpu.memory_space<vmem_shared>>) offsets(%dma_start3A_55 : memref<128xi32, #tpu.memory_space<vmem>>) semaphore(%run_scoped3A : memref<!tpu.dma_semaphore, #tpu.memory_space<semaphore_mem>>) {add = true}
            %dma_wait3A = arith.constant 0 : i32
            %dma_wait3A_58 = tpu.memref_slice %arg5[%scan3A_51, %dma_wait3A] : memref<16x128xi32, #tpu.memory_space<vmem>> -> memref<1x128xi32, #tpu.memory_space<vmem>>
            %dma_wait3A_59 = tpu.memref_squeeze %dma_wait3A_58 : memref<1x128xi32, #tpu.memory_space<vmem>> -> memref<128xi32, #tpu.memory_space<vmem>>
            %dma_wait3A_60 = arith.constant 0 : i32
            %dma_wait3A_61 = tpu.memref_slice %arg8[%dma_wait3A_60] : memref<10240xf32, #tpu.memory_space<vmem_shared>> -> memref<10240xf32, #tpu.memory_space<vmem_shared>>
            tpu.wait_indirect_dma semaphore(%run_scoped3A : memref<!tpu.dma_semaphore, #tpu.memory_space<semaphore_mem>>) src(%arg6 : memref<128xf32, #tpu.memory_space<vmem>>) dst(%dma_wait3A_61 : memref<10240xf32, #tpu.memory_space<vmem_shared>>)
            tpu.yield
          }) : () -> ()
          %scan3A_53 = arith.constant 0 : i32
          scf.yield %scan3A_53 : i32
        }
        %scan3A_49 = arith.constant 16 : i32
        %scan3A_50 = arith.constant 0 : i32
        scf.yield %scan3A_50 : i32
      }
      %scan3A_31 = arith.constant 9 : i32
      "tpu.region"() ({
        %run_scoped3A = tpu.sem_alloc : memref<!tpu.dma_semaphore, #tpu.memory_space<semaphore_mem>>
        %dma_start3A = arith.constant 0 : i32
        %dma_start3A_39 = arith.constant 0 : i32
        %dma_start3A_40 = tpu.memref_slice %arg5[%dma_start3A, %dma_start3A_39] : memref<16x128xi32, #tpu.memory_space<vmem>> -> memref<8x128xi32, #tpu.memory_space<vmem>>
        %dma_start3A_41 = arith.constant 144 : i32
        %dma_start3A_42 = arith.constant 0 : i32
        %dma_start3A_43 = tpu.memref_slice %arg2[%arg1, %dma_start3A_41, %dma_start3A_42] : memref<16x152x128xi32, #tpu.memory_space<hbm>> -> memref<1x8x128xi32, #tpu.memory_space<hbm>>
        %dma_start3A_44 = tpu.memref_squeeze %dma_start3A_43 : memref<1x8x128xi32, #tpu.memory_space<hbm>> -> memref<8x128xi32, #tpu.memory_space<hbm>>
        %dma_start3A_45 = arith.constant 0 : i32
        %dma_start3A_46 = arith.constant 0 : i32
        %dma_start3A_47 = tpu.memref_slice %arg5[%dma_start3A_45, %dma_start3A_46] : memref<16x128xi32, #tpu.memory_space<vmem>> -> memref<8x128xi32, #tpu.memory_space<vmem>>
        %dma_start3A_48 = arith.constant 144 : i32
        %dma_start3A_49 = arith.constant 0 : i32
        %dma_start3A_50 = tpu.memref_slice %arg2[%arg1, %dma_start3A_48, %dma_start3A_49] : memref<16x152x128xi32, #tpu.memory_space<hbm>> -> memref<1x8x128xi32, #tpu.memory_space<hbm>>
        %dma_start3A_51 = tpu.memref_squeeze %dma_start3A_50 : memref<1x8x128xi32, #tpu.memory_space<hbm>> -> memref<8x128xi32, #tpu.memory_space<hbm>>
        tpu.enqueue_dma source(%dma_start3A_51 : memref<8x128xi32, #tpu.memory_space<hbm>>) target(%dma_start3A_47 : memref<8x128xi32, #tpu.memory_space<vmem>>) target_semaphore(%run_scoped3A : memref<!tpu.dma_semaphore, #tpu.memory_space<semaphore_mem>>)
        %dma_wait3A = arith.constant 0 : i32
        %dma_wait3A_52 = arith.constant 0 : i32
        %dma_wait3A_53 = tpu.memref_slice %arg5[%dma_wait3A, %dma_wait3A_52] : memref<16x128xi32, #tpu.memory_space<vmem>> -> memref<8x128xi32, #tpu.memory_space<vmem>>
        %dma_wait3A_54 = arith.constant 144 : i32
        %dma_wait3A_55 = arith.constant 0 : i32
        %dma_wait3A_56 = tpu.memref_slice %arg2[%arg1, %dma_wait3A_54, %dma_wait3A_55] : memref<16x152x128xi32, #tpu.memory_space<hbm>> -> memref<1x8x128xi32, #tpu.memory_space<hbm>>
        %dma_wait3A_57 = tpu.memref_squeeze %dma_wait3A_56 : memref<1x8x128xi32, #tpu.memory_space<hbm>> -> memref<8x128xi32, #tpu.memory_space<hbm>>
        %dma_wait3A_58 = arith.constant 0 : i32
        %dma_wait3A_59 = arith.constant 0 : i32
        %dma_wait3A_60 = tpu.memref_slice %arg5[%dma_wait3A_58, %dma_wait3A_59] : memref<16x128xi32, #tpu.memory_space<vmem>> -> memref<8x128xi32, #tpu.memory_space<vmem>>
        %dma_wait3A_61 = arith.constant 144 : i32
        %dma_wait3A_62 = arith.constant 0 : i32
        %dma_wait3A_63 = tpu.memref_slice %arg2[%arg1, %dma_wait3A_61, %dma_wait3A_62] : memref<16x152x128xi32, #tpu.memory_space<hbm>> -> memref<1x8x128xi32, #tpu.memory_space<hbm>>
        %dma_wait3A_64 = tpu.memref_squeeze %dma_wait3A_63 : memref<1x8x128xi32, #tpu.memory_space<hbm>> -> memref<8x128xi32, #tpu.memory_space<hbm>>
        tpu.wait_dma2 semaphore(%run_scoped3A : memref<!tpu.dma_semaphore, #tpu.memory_space<semaphore_mem>>) src(%dma_wait3A_64 : memref<8x128xi32, #tpu.memory_space<hbm>>) dst(%dma_wait3A_60 : memref<8x128xi32, #tpu.memory_space<vmem>>)
        tpu.yield
      }) : () -> ()
      %scan3A_32 = arith.constant 0 : i32
      %scan3A_33 = arith.constant 0 : i32
      %scan3A_34 = arith.constant 8 : i32
      %scan3A_35 = arith.addi %scan3A_33, %scan3A_34 : i32
      %scan3A_36 = arith.constant 1 : i32
      %scan3A_37 = scf.for %scan3A_39 = %scan3A_33 to %scan3A_35 step %scan3A_36 iter_args(%scan3A_40 = %scan3A_32) -> (i32)  : i32 {
        "tpu.region"() ({
          %run_scoped3A = tpu.sem_alloc : memref<!tpu.dma_semaphore, #tpu.memory_space<semaphore_mem>>
          %dma_start3A = arith.constant 0 : i32
          %dma_start3A_42 = tpu.memref_slice %arg5[%scan3A_39, %dma_start3A] : memref<16x128xi32, #tpu.memory_space<vmem>> -> memref<1x128xi32, #tpu.memory_space<vmem>>
          %dma_start3A_43 = tpu.memref_squeeze %dma_start3A_42 : memref<1x128xi32, #tpu.memory_space<vmem>> -> memref<128xi32, #tpu.memory_space<vmem>>
          %dma_start3A_44 = arith.constant 0 : i32
          %dma_start3A_45 = tpu.memref_slice %arg8[%dma_start3A_44] : memref<10240xf32, #tpu.memory_space<vmem_shared>> -> memref<10240xf32, #tpu.memory_space<vmem_shared>>
          tpu.enqueue_indirect_dma source(%arg6 : memref<128xf32, #tpu.memory_space<vmem>>) target(%dma_start3A_45 : memref<10240xf32, #tpu.memory_space<vmem_shared>>) offsets(%dma_start3A_43 : memref<128xi32, #tpu.memory_space<vmem>>) semaphore(%run_scoped3A : memref<!tpu.dma_semaphore, #tpu.memory_space<semaphore_mem>>) {add = true}
          %dma_wait3A = arith.constant 0 : i32
          %dma_wait3A_46 = tpu.memref_slice %arg5[%scan3A_39, %dma_wait3A] : memref<16x128xi32, #tpu.memory_space<vmem>> -> memref<1x128xi32, #tpu.memory_space<vmem>>
          %dma_wait3A_47 = tpu.memref_squeeze %dma_wait3A_46 : memref<1x128xi32, #tpu.memory_space<vmem>> -> memref<128xi32, #tpu.memory_space<vmem>>
          %dma_wait3A_48 = arith.constant 0 : i32
          %dma_wait3A_49 = tpu.memref_slice %arg8[%dma_wait3A_48] : memref<10240xf32, #tpu.memory_space<vmem_shared>> -> memref<10240xf32, #tpu.memory_space<vmem_shared>>
          tpu.wait_indirect_dma semaphore(%run_scoped3A : memref<!tpu.dma_semaphore, #tpu.memory_space<semaphore_mem>>) src(%arg6 : memref<128xf32, #tpu.memory_space<vmem>>) dst(%dma_wait3A_49 : memref<10240xf32, #tpu.memory_space<vmem_shared>>)
          tpu.yield
        }) : () -> ()
        %scan3A_41 = arith.constant 0 : i32
        scf.yield %scan3A_41 : i32
      }
      %scan3A_38 = arith.constant 8 : i32
    } else {
    }
    %eq3A_19 = arith.constant 1 : i32
    %eq3A_20 = arith.cmpi eq, %arg0, %eq3A_19 : i32
    %convert_element_type3A_21 = arith.extui %eq3A_20 : i1 to i32
    %cond3A_22 = arith.constant 0 : i32
    %cond3A_23 = arith.cmpi ne, %convert_element_type3A_21, %cond3A_22 : i32
    scf.if %cond3A_23 {
      %scan3A_25 = arith.constant 0 : i32
      %scan3A_26 = arith.constant 0 : i32
      %scan3A_27 = arith.constant 0 : i32
      %scan3A_28 = arith.addi %scan3A_26, %scan3A_27 : i32
      %scan3A_29 = arith.constant 0 : i32
      "tpu.region"() ({
        %run_scoped3A = tpu.sem_alloc : memref<!tpu.dma_semaphore, #tpu.memory_space<semaphore_mem>>
        %dma_start3A = arith.constant 0 : i32
        %dma_start3A_37 = arith.constant 0 : i32
        %dma_start3A_38 = tpu.memref_slice %arg5[%dma_start3A, %dma_start3A_37] : memref<16x128xi32, #tpu.memory_space<vmem>> -> memref<8x128xi32, #tpu.memory_space<vmem>>
        %dma_start3A_39 = arith.constant 0 : i32
        %dma_start3A_40 = arith.constant 0 : i32
        %dma_start3A_41 = tpu.memref_slice %arg3[%arg1, %dma_start3A_39, %dma_start3A_40] : memref<16x8x128xi32, #tpu.memory_space<hbm>> -> memref<1x8x128xi32, #tpu.memory_space<hbm>>
        %dma_start3A_42 = tpu.memref_squeeze %dma_start3A_41 : memref<1x8x128xi32, #tpu.memory_space<hbm>> -> memref<8x128xi32, #tpu.memory_space<hbm>>
        %dma_start3A_43 = arith.constant 0 : i32
        %dma_start3A_44 = arith.constant 0 : i32
        %dma_start3A_45 = tpu.memref_slice %arg5[%dma_start3A_43, %dma_start3A_44] : memref<16x128xi32, #tpu.memory_space<vmem>> -> memref<8x128xi32, #tpu.memory_space<vmem>>
        %dma_start3A_46 = arith.constant 0 : i32
        %dma_start3A_47 = arith.constant 0 : i32
        %dma_start3A_48 = tpu.memref_slice %arg3[%arg1, %dma_start3A_46, %dma_start3A_47] : memref<16x8x128xi32, #tpu.memory_space<hbm>> -> memref<1x8x128xi32, #tpu.memory_space<hbm>>
        %dma_start3A_49 = tpu.memref_squeeze %dma_start3A_48 : memref<1x8x128xi32, #tpu.memory_space<hbm>> -> memref<8x128xi32, #tpu.memory_space<hbm>>
        tpu.enqueue_dma source(%dma_start3A_49 : memref<8x128xi32, #tpu.memory_space<hbm>>) target(%dma_start3A_45 : memref<8x128xi32, #tpu.memory_space<vmem>>) target_semaphore(%run_scoped3A : memref<!tpu.dma_semaphore, #tpu.memory_space<semaphore_mem>>)
        %dma_wait3A = arith.constant 0 : i32
        %dma_wait3A_50 = arith.constant 0 : i32
        %dma_wait3A_51 = tpu.memref_slice %arg5[%dma_wait3A, %dma_wait3A_50] : memref<16x128xi32, #tpu.memory_space<vmem>> -> memref<8x128xi32, #tpu.memory_space<vmem>>
        %dma_wait3A_52 = arith.constant 0 : i32
        %dma_wait3A_53 = arith.constant 0 : i32
        %dma_wait3A_54 = tpu.memref_slice %arg3[%arg1, %dma_wait3A_52, %dma_wait3A_53] : memref<16x8x128xi32, #tpu.memory_space<hbm>> -> memref<1x8x128xi32, #tpu.memory_space<hbm>>
        %dma_wait3A_55 = tpu.memref_squeeze %dma_wait3A_54 : memref<1x8x128xi32, #tpu.memory_space<hbm>> -> memref<8x128xi32, #tpu.memory_space<hbm>>
        %dma_wait3A_56 = arith.constant 0 : i32
        %dma_wait3A_57 = arith.constant 0 : i32
        %dma_wait3A_58 = tpu.memref_slice %arg5[%dma_wait3A_56, %dma_wait3A_57] : memref<16x128xi32, #tpu.memory_space<vmem>> -> memref<8x128xi32, #tpu.memory_space<vmem>>
        %dma_wait3A_59 = arith.constant 0 : i32
        %dma_wait3A_60 = arith.constant 0 : i32
        %dma_wait3A_61 = tpu.memref_slice %arg3[%arg1, %dma_wait3A_59, %dma_wait3A_60] : memref<16x8x128xi32, #tpu.memory_space<hbm>> -> memref<1x8x128xi32, #tpu.memory_space<hbm>>
        %dma_wait3A_62 = tpu.memref_squeeze %dma_wait3A_61 : memref<1x8x128xi32, #tpu.memory_space<hbm>> -> memref<8x128xi32, #tpu.memory_space<hbm>>
        tpu.wait_dma2 semaphore(%run_scoped3A : memref<!tpu.dma_semaphore, #tpu.memory_space<semaphore_mem>>) src(%dma_wait3A_62 : memref<8x128xi32, #tpu.memory_space<hbm>>) dst(%dma_wait3A_58 : memref<8x128xi32, #tpu.memory_space<vmem>>)
        tpu.yield
      }) : () -> ()
      %scan3A_30 = arith.constant 0 : i32
      %scan3A_31 = arith.constant 0 : i32
      %scan3A_32 = arith.constant 8 : i32
      %scan3A_33 = arith.addi %scan3A_31, %scan3A_32 : i32
      %scan3A_34 = arith.constant 1 : i32
      %scan3A_35 = scf.for %scan3A_37 = %scan3A_31 to %scan3A_33 step %scan3A_34 iter_args(%scan3A_38 = %scan3A_30) -> (i32)  : i32 {
        "tpu.region"() ({
          %run_scoped3A = tpu.sem_alloc : memref<!tpu.dma_semaphore, #tpu.memory_space<semaphore_mem>>
          %dma_start3A = arith.constant 0 : i32
          %dma_start3A_40 = tpu.memref_slice %arg5[%scan3A_37, %dma_start3A] : memref<16x128xi32, #tpu.memory_space<vmem>> -> memref<1x128xi32, #tpu.memory_space<vmem>>
          %dma_start3A_41 = tpu.memref_squeeze %dma_start3A_40 : memref<1x128xi32, #tpu.memory_space<vmem>> -> memref<128xi32, #tpu.memory_space<vmem>>
          %dma_start3A_42 = arith.constant 0 : i32
          %dma_start3A_43 = tpu.memref_slice %arg8[%dma_start3A_42] : memref<10240xf32, #tpu.memory_space<vmem_shared>> -> memref<10240xf32, #tpu.memory_space<vmem_shared>>
          tpu.enqueue_indirect_dma source(%arg6 : memref<128xf32, #tpu.memory_space<vmem>>) target(%dma_start3A_43 : memref<10240xf32, #tpu.memory_space<vmem_shared>>) offsets(%dma_start3A_41 : memref<128xi32, #tpu.memory_space<vmem>>) semaphore(%run_scoped3A : memref<!tpu.dma_semaphore, #tpu.memory_space<semaphore_mem>>) {add = true}
          %dma_wait3A = arith.constant 0 : i32
          %dma_wait3A_44 = tpu.memref_slice %arg5[%scan3A_37, %dma_wait3A] : memref<16x128xi32, #tpu.memory_space<vmem>> -> memref<1x128xi32, #tpu.memory_space<vmem>>
          %dma_wait3A_45 = tpu.memref_squeeze %dma_wait3A_44 : memref<1x128xi32, #tpu.memory_space<vmem>> -> memref<128xi32, #tpu.memory_space<vmem>>
          %dma_wait3A_46 = arith.constant 0 : i32
          %dma_wait3A_47 = tpu.memref_slice %arg8[%dma_wait3A_46] : memref<10240xf32, #tpu.memory_space<vmem_shared>> -> memref<10240xf32, #tpu.memory_space<vmem_shared>>
          tpu.wait_indirect_dma semaphore(%run_scoped3A : memref<!tpu.dma_semaphore, #tpu.memory_space<semaphore_mem>>) src(%arg6 : memref<128xf32, #tpu.memory_space<vmem>>) dst(%dma_wait3A_47 : memref<10240xf32, #tpu.memory_space<vmem_shared>>)
          tpu.yield
        }) : () -> ()
        %scan3A_39 = arith.constant 0 : i32
        scf.yield %scan3A_39 : i32
      }
      %scan3A_36 = arith.constant 8 : i32
    } else {
    }
    %barrier3A_24 = arith.constant 0 : index
    tpu.barrier barrier_id(%barrier3A_24)
    "tpu.region"() ({
      %run_scoped3A = tpu.sem_alloc : memref<!tpu.dma_semaphore, #tpu.memory_space<semaphore_mem>>
      %dma_start3A = tpu.memref_slice %arg4[%arg0, %mul3A_16] : memref<2x10240xf32, #tpu.memory_space<hbm>> -> memref<1x640xf32, #tpu.memory_space<hbm>>
      %dma_start3A_25 = tpu.memref_squeeze %dma_start3A : memref<1x640xf32, #tpu.memory_space<hbm>> -> memref<640xf32, #tpu.memory_space<hbm>>
      %dma_start3A_26 = tpu.memref_slice %arg8[%mul3A_16] : memref<10240xf32, #tpu.memory_space<vmem_shared>> -> memref<640xf32, #tpu.memory_space<vmem_shared>>
      tpu.enqueue_dma source(%dma_start3A_26 : memref<640xf32, #tpu.memory_space<vmem_shared>>) target(%dma_start3A_25 : memref<640xf32, #tpu.memory_space<hbm>>) target_semaphore(%run_scoped3A : memref<!tpu.dma_semaphore, #tpu.memory_space<semaphore_mem>>)
      %dma_wait3A = tpu.memref_slice %arg4[%arg0, %mul3A_16] : memref<2x10240xf32, #tpu.memory_space<hbm>> -> memref<1x640xf32, #tpu.memory_space<hbm>>
      %dma_wait3A_27 = tpu.memref_squeeze %dma_wait3A : memref<1x640xf32, #tpu.memory_space<hbm>> -> memref<640xf32, #tpu.memory_space<hbm>>
      %dma_wait3A_28 = tpu.memref_slice %arg8[%mul3A_16] : memref<10240xf32, #tpu.memory_space<vmem_shared>> -> memref<640xf32, #tpu.memory_space<vmem_shared>>
      tpu.wait_dma2 semaphore(%run_scoped3A : memref<!tpu.dma_semaphore, #tpu.memory_space<semaphore_mem>>) src(%dma_wait3A_28 : memref<640xf32, #tpu.memory_space<vmem_shared>>) dst(%dma_wait3A_27 : memref<640xf32, #tpu.memory_space<hbm>>)
      tpu.yield
    }) : () -> ()
    return
  }
}

#map = affine_map<(d0, d1) -> (0, 0)>
#map1 = affine_map<(d0, d1) -> (0, 0, 0)>
module attributes {stable_mosaic.version = 14 : i64} {
  func.func @_agg_kernel(%arg0: i32, %arg1: i32, %arg2: memref<10008x128xf32, #tpu.memory_space<hbm>>, %arg3: memref<16x152x128xi32, #tpu.memory_space<hbm>>, %arg4: memref<16x152x128xi32, #tpu.memory_space<hbm>>, %arg5: memref<16x8x128xi32, #tpu.memory_space<hbm>>, %arg6: memref<16x8x128xi32, #tpu.memory_space<hbm>>, %arg7: memref<2x10112x128xf32, #tpu.memory_space<hbm>>, %arg8: memref<16x128xi32, #tpu.memory_space<vmem>>, %arg9: memref<16x128xi32, #tpu.memory_space<vmem>>, %arg10: memref<128x128xf32, #tpu.memory_space<vmem>>, %arg11: memref<128x128xf32, #tpu.memory_space<vmem>>, %arg12: memref<10112x128xf32, #tpu.memory_space<vmem_shared>>, %arg13: memref<!tpu.dma_semaphore, #tpu.memory_space<semaphore_mem>>, %arg14: memref<!tpu.dma_semaphore, #tpu.memory_space<semaphore_mem>>) attributes {dimension_semantics = [#tpu.dimension_semantics<core_parallel>, #tpu.dimension_semantics<subcore_parallel>], iteration_bounds = array<i64: 2, 16>, scalar_prefetch = 0 : i64, scratch_operands = 7 : i64, tpu.core_type = #tpu.core_type<sc_vector_subcore>, window_params = [{transform_indices = #map}, {transform_indices = #map1}, {transform_indices = #map1}, {transform_indices = #map1}, {transform_indices = #map1}, {transform_indices = #map1}]} {
    %broadcast_in_dim3A = arith.constant 0.000000e+00 : f32
    %broadcast_in_dim3A_0 = vector.broadcast %broadcast_in_dim3A : f32 to vector<16xf32>
    %scan3A = arith.constant 0 : i32
    %scan3A_1 = arith.constant 0 : i32
    %scan3A_2 = arith.constant 1024 : i32
    %scan3A_3 = arith.addi %scan3A_1, %scan3A_2 : i32
    %scan3A_4 = arith.constant 1 : i32
    %scan3A_5 = scf.for %scan3A_25 = %scan3A_1 to %scan3A_3 step %scan3A_4 iter_args(%scan3A_26 = %scan3A) -> (i32)  : i32 {
      %jit3A = arith.constant 8 : i32
      %div3A = arith.divsi %scan3A_25, %jit3A : i32
      %sign3A = arith.constant 0 : i32
      %sign3A_27 = arith.cmpi sgt, %scan3A_25, %sign3A : i32
      %sign3A_28 = arith.extui %sign3A_27 : i1 to i32
      %sign3A_29 = arith.constant 0 : i32
      %sign3A_30 = arith.cmpi slt, %scan3A_25, %sign3A_29 : i32
      %sign3A_31 = arith.extui %sign3A_30 : i1 to i32
      %sign3A_32 = arith.subi %sign3A_28, %sign3A_31 : i32
      %sign3A_33 = arith.constant 0 : i32
      %sign3A_34 = arith.cmpi sgt, %jit3A, %sign3A_33 : i32
      %sign3A_35 = arith.extui %sign3A_34 : i1 to i32
      %sign3A_36 = arith.constant 0 : i32
      %sign3A_37 = arith.cmpi slt, %jit3A, %sign3A_36 : i32
      %sign3A_38 = arith.extui %sign3A_37 : i1 to i32
      %sign3A_39 = arith.subi %sign3A_35, %sign3A_38 : i32
      %ne3A = arith.cmpi ne, %sign3A_32, %sign3A_39 : i32
      %rem3A = arith.remsi %scan3A_25, %jit3A : i32
      %ne3A_40 = arith.constant 0 : i32
      %ne3A_41 = arith.cmpi ne, %rem3A, %ne3A_40 : i32
      %and3A = arith.andi %ne3A, %ne3A_41 : i1
      %sub3A = arith.constant 1 : i32
      %sub3A_42 = arith.subi %div3A, %sub3A : i32
      %select_n3A = arith.select %and3A, %sub3A_42, %div3A : i32
      %jit3A_43 = arith.constant 8 : i32
      %eq3A_44 = arith.constant 0 : i32
      %eq3A_45 = arith.cmpi eq, %jit3A_43, %eq3A_44 : i32
      %jit3A_46 = arith.constant 1 : i32
      %select_n3A_47 = arith.select %eq3A_45, %jit3A_46, %jit3A_43 : i32
      %rem3A_48 = arith.remsi %scan3A_25, %select_n3A_47 : i32
      %ne3A_49 = arith.constant 0 : i32
      %ne3A_50 = arith.cmpi ne, %rem3A_48, %ne3A_49 : i32
      %lt3A = arith.constant 0 : i32
      %lt3A_51 = arith.cmpi slt, %rem3A_48, %lt3A : i32
      %lt3A_52 = arith.constant 0 : i32
      %lt3A_53 = arith.cmpi slt, %select_n3A_47, %lt3A_52 : i32
      %ne3A_54 = arith.xori %lt3A_51, %lt3A_53 : i1
      %and3A_55 = arith.andi %ne3A_54, %ne3A_50 : i1
      %add3A_56 = arith.addi %rem3A_48, %select_n3A_47 : i32
      %select_n3A_57 = arith.select %and3A_55, %add3A_56, %rem3A_48 : i32
      %mul3A_58 = arith.constant 16 : i32
      %mul3A_59 = arith.muli %select_n3A_57, %mul3A_58 : i32
      %swap3A = arith.index_cast %select_n3A : i32 to index
      %swap3A_60 = arith.index_cast %mul3A_59 : i32 to index
      %swap3A_61 = tpu.vector_load %arg10[%swap3A, %swap3A_60] {strides = array<i32>} : memref<128x128xf32, #tpu.memory_space<vmem>>, vector<1x16xf32>,
      %swap3A_62 = vector.shape_cast %swap3A_61 : vector<1x16xf32> to vector<16xf32>
      %swap3A_63 = vector.shape_cast %broadcast_in_dim3A_0 : vector<16xf32> to vector<1x16xf32>
      tpu.vector_store %arg10[%swap3A, %swap3A_60], %swap3A_63 {strides = array<i32>} : memref<128x128xf32, #tpu.memory_space<vmem>>, vector<1x16xf32>,
      %scan3A_64 = arith.constant 0 : i32
      scf.yield %scan3A_64 : i32
    }
    %scan3A_6 = arith.constant 1024 : i32
    %mul3A = arith.constant 632 : i32
    %mul3A_7 = arith.muli %arg1, %mul3A : i32
    %add3A = arith.constant 0 : i32
    %add3A_8 = arith.addi %mul3A_7, %add3A : i32
    "tpu.region"() ({
      %run_scoped3A = tpu.sem_alloc : memref<!tpu.dma_semaphore, #tpu.memory_space<semaphore_mem>>
      %dma_start3A = arith.constant 0 : i32
      %dma_start3A_25 = tpu.memref_slice %arg12[%add3A_8, %dma_start3A] : memref<10112x128xf32, #tpu.memory_space<vmem_shared>> -> memref<128x128xf32, #tpu.memory_space<vmem_shared>>
      %dma_start3A_26 = arith.constant 0 : i32
      %dma_start3A_27 = tpu.memref_slice %arg12[%add3A_8, %dma_start3A_26] : memref<10112x128xf32, #tpu.memory_space<vmem_shared>> -> memref<128x128xf32, #tpu.memory_space<vmem_shared>>
      tpu.enqueue_dma source(%arg10 : memref<128x128xf32, #tpu.memory_space<vmem>>) target(%dma_start3A_27 : memref<128x128xf32, #tpu.memory_space<vmem_shared>>) target_semaphore(%run_scoped3A : memref<!tpu.dma_semaphore, #tpu.memory_space<semaphore_mem>>)
      %dma_wait3A = arith.constant 0 : i32
      %dma_wait3A_28 = tpu.memref_slice %arg12[%add3A_8, %dma_wait3A] : memref<10112x128xf32, #tpu.memory_space<vmem_shared>> -> memref<128x128xf32, #tpu.memory_space<vmem_shared>>
      %dma_wait3A_29 = arith.constant 0 : i32
      %dma_wait3A_30 = tpu.memref_slice %arg12[%add3A_8, %dma_wait3A_29] : memref<10112x128xf32, #tpu.memory_space<vmem_shared>> -> memref<128x128xf32, #tpu.memory_space<vmem_shared>>
      tpu.wait_dma2 semaphore(%run_scoped3A : memref<!tpu.dma_semaphore, #tpu.memory_space<semaphore_mem>>) src(%arg10 : memref<128x128xf32, #tpu.memory_space<vmem>>) dst(%dma_wait3A_30 : memref<128x128xf32, #tpu.memory_space<vmem_shared>>)
      tpu.yield
    }) : () -> ()
    %add3A_9 = arith.constant 128 : i32
    %add3A_10 = arith.addi %mul3A_7, %add3A_9 : i32
    "tpu.region"() ({
      %run_scoped3A = tpu.sem_alloc : memref<!tpu.dma_semaphore, #tpu.memory_space<semaphore_mem>>
      %dma_start3A = arith.constant 0 : i32
      %dma_start3A_25 = tpu.memref_slice %arg12[%add3A_10, %dma_start3A] : memref<10112x128xf32, #tpu.memory_space<vmem_shared>> -> memref<128x128xf32, #tpu.memory_space<vmem_shared>>
      %dma_start3A_26 = arith.constant 0 : i32
      %dma_start3A_27 = tpu.memref_slice %arg12[%add3A_10, %dma_start3A_26] : memref<10112x128xf32, #tpu.memory_space<vmem_shared>> -> memref<128x128xf32, #tpu.memory_space<vmem_shared>>
      tpu.enqueue_dma source(%arg10 : memref<128x128xf32, #tpu.memory_space<vmem>>) target(%dma_start3A_27 : memref<128x128xf32, #tpu.memory_space<vmem_shared>>) target_semaphore(%run_scoped3A : memref<!tpu.dma_semaphore, #tpu.memory_space<semaphore_mem>>)
      %dma_wait3A = arith.constant 0 : i32
      %dma_wait3A_28 = tpu.memref_slice %arg12[%add3A_10, %dma_wait3A] : memref<10112x128xf32, #tpu.memory_space<vmem_shared>> -> memref<128x128xf32, #tpu.memory_space<vmem_shared>>
      %dma_wait3A_29 = arith.constant 0 : i32
      %dma_wait3A_30 = tpu.memref_slice %arg12[%add3A_10, %dma_wait3A_29] : memref<10112x128xf32, #tpu.memory_space<vmem_shared>> -> memref<128x128xf32, #tpu.memory_space<vmem_shared>>
      tpu.wait_dma2 semaphore(%run_scoped3A : memref<!tpu.dma_semaphore, #tpu.memory_space<semaphore_mem>>) src(%arg10 : memref<128x128xf32, #tpu.memory_space<vmem>>) dst(%dma_wait3A_30 : memref<128x128xf32, #tpu.memory_space<vmem_shared>>)
      tpu.yield
    }) : () -> ()
    %add3A_11 = arith.constant 256 : i32
    %add3A_12 = arith.addi %mul3A_7, %add3A_11 : i32
    "tpu.region"() ({
      %run_scoped3A = tpu.sem_alloc : memref<!tpu.dma_semaphore, #tpu.memory_space<semaphore_mem>>
      %dma_start3A = arith.constant 0 : i32
      %dma_start3A_25 = tpu.memref_slice %arg12[%add3A_12, %dma_start3A] : memref<10112x128xf32, #tpu.memory_space<vmem_shared>> -> memref<128x128xf32, #tpu.memory_space<vmem_shared>>
      %dma_start3A_26 = arith.constant 0 : i32
      %dma_start3A_27 = tpu.memref_slice %arg12[%add3A_12, %dma_start3A_26] : memref<10112x128xf32, #tpu.memory_space<vmem_shared>> -> memref<128x128xf32, #tpu.memory_space<vmem_shared>>
      tpu.enqueue_dma source(%arg10 : memref<128x128xf32, #tpu.memory_space<vmem>>) target(%dma_start3A_27 : memref<128x128xf32, #tpu.memory_space<vmem_shared>>) target_semaphore(%run_scoped3A : memref<!tpu.dma_semaphore, #tpu.memory_space<semaphore_mem>>)
      %dma_wait3A = arith.constant 0 : i32
      %dma_wait3A_28 = tpu.memref_slice %arg12[%add3A_12, %dma_wait3A] : memref<10112x128xf32, #tpu.memory_space<vmem_shared>> -> memref<128x128xf32, #tpu.memory_space<vmem_shared>>
      %dma_wait3A_29 = arith.constant 0 : i32
      %dma_wait3A_30 = tpu.memref_slice %arg12[%add3A_12, %dma_wait3A_29] : memref<10112x128xf32, #tpu.memory_space<vmem_shared>> -> memref<128x128xf32, #tpu.memory_space<vmem_shared>>
      tpu.wait_dma2 semaphore(%run_scoped3A : memref<!tpu.dma_semaphore, #tpu.memory_space<semaphore_mem>>) src(%arg10 : memref<128x128xf32, #tpu.memory_space<vmem>>) dst(%dma_wait3A_30 : memref<128x128xf32, #tpu.memory_space<vmem_shared>>)
      tpu.yield
    }) : () -> ()
    %add3A_13 = arith.constant 384 : i32
    %add3A_14 = arith.addi %mul3A_7, %add3A_13 : i32
    "tpu.region"() ({
      %run_scoped3A = tpu.sem_alloc : memref<!tpu.dma_semaphore, #tpu.memory_space<semaphore_mem>>
      %dma_start3A = arith.constant 0 : i32
      %dma_start3A_25 = tpu.memref_slice %arg12[%add3A_14, %dma_start3A] : memref<10112x128xf32, #tpu.memory_space<vmem_shared>> -> memref<128x128xf32, #tpu.memory_space<vmem_shared>>
      %dma_start3A_26 = arith.constant 0 : i32
      %dma_start3A_27 = tpu.memref_slice %arg12[%add3A_14, %dma_start3A_26] : memref<10112x128xf32, #tpu.memory_space<vmem_shared>> -> memref<128x128xf32, #tpu.memory_space<vmem_shared>>
      tpu.enqueue_dma source(%arg10 : memref<128x128xf32, #tpu.memory_space<vmem>>) target(%dma_start3A_27 : memref<128x128xf32, #tpu.memory_space<vmem_shared>>) target_semaphore(%run_scoped3A : memref<!tpu.dma_semaphore, #tpu.memory_space<semaphore_mem>>)
      %dma_wait3A = arith.constant 0 : i32
      %dma_wait3A_28 = tpu.memref_slice %arg12[%add3A_14, %dma_wait3A] : memref<10112x128xf32, #tpu.memory_space<vmem_shared>> -> memref<128x128xf32, #tpu.memory_space<vmem_shared>>
      %dma_wait3A_29 = arith.constant 0 : i32
      %dma_wait3A_30 = tpu.memref_slice %arg12[%add3A_14, %dma_wait3A_29] : memref<10112x128xf32, #tpu.memory_space<vmem_shared>> -> memref<128x128xf32, #tpu.memory_space<vmem_shared>>
      tpu.wait_dma2 semaphore(%run_scoped3A : memref<!tpu.dma_semaphore, #tpu.memory_space<semaphore_mem>>) src(%arg10 : memref<128x128xf32, #tpu.memory_space<vmem>>) dst(%dma_wait3A_30 : memref<128x128xf32, #tpu.memory_space<vmem_shared>>)
      tpu.yield
    }) : () -> ()
    %add3A_15 = arith.constant 512 : i32
    %add3A_16 = arith.addi %mul3A_7, %add3A_15 : i32
    "tpu.region"() ({
      %run_scoped3A = tpu.sem_alloc : memref<!tpu.dma_semaphore, #tpu.memory_space<semaphore_mem>>
      %dma_start3A = arith.constant 0 : i32
      %dma_start3A_25 = arith.constant 0 : i32
      %dma_start3A_26 = tpu.memref_slice %arg10[%dma_start3A, %dma_start3A_25] : memref<128x128xf32, #tpu.memory_space<vmem>> -> memref<120x128xf32, #tpu.memory_space<vmem>>
      %dma_start3A_27 = arith.constant 0 : i32
      %dma_start3A_28 = tpu.memref_slice %arg12[%add3A_16, %dma_start3A_27] : memref<10112x128xf32, #tpu.memory_space<vmem_shared>> -> memref<120x128xf32, #tpu.memory_space<vmem_shared>>
      %dma_start3A_29 = arith.constant 0 : i32
      %dma_start3A_30 = tpu.memref_slice %arg12[%add3A_16, %dma_start3A_29] : memref<10112x128xf32, #tpu.memory_space<vmem_shared>> -> memref<120x128xf32, #tpu.memory_space<vmem_shared>>
      %dma_start3A_31 = arith.constant 0 : i32
      %dma_start3A_32 = arith.constant 0 : i32
      %dma_start3A_33 = tpu.memref_slice %arg10[%dma_start3A_31, %dma_start3A_32] : memref<128x128xf32, #tpu.memory_space<vmem>> -> memref<120x128xf32, #tpu.memory_space<vmem>>
      tpu.enqueue_dma source(%dma_start3A_33 : memref<120x128xf32, #tpu.memory_space<vmem>>) target(%dma_start3A_30 : memref<120x128xf32, #tpu.memory_space<vmem_shared>>) target_semaphore(%run_scoped3A : memref<!tpu.dma_semaphore, #tpu.memory_space<semaphore_mem>>)
      %dma_wait3A = arith.constant 0 : i32
      %dma_wait3A_34 = arith.constant 0 : i32
      %dma_wait3A_35 = tpu.memref_slice %arg10[%dma_wait3A, %dma_wait3A_34] : memref<128x128xf32, #tpu.memory_space<vmem>> -> memref<120x128xf32, #tpu.memory_space<vmem>>
      %dma_wait3A_36 = arith.constant 0 : i32
      %dma_wait3A_37 = tpu.memref_slice %arg12[%add3A_16, %dma_wait3A_36] : memref<10112x128xf32, #tpu.memory_space<vmem_shared>> -> memref<120x128xf32, #tpu.memory_space<vmem_shared>>
      %dma_wait3A_38 = arith.constant 0 : i32
      %dma_wait3A_39 = tpu.memref_slice %arg12[%add3A_16, %dma_wait3A_38] : memref<10112x128xf32, #tpu.memory_space<vmem_shared>> -> memref<120x128xf32, #tpu.memory_space<vmem_shared>>
      %dma_wait3A_40 = arith.constant 0 : i32
      %dma_wait3A_41 = arith.constant 0 : i32
      %dma_wait3A_42 = tpu.memref_slice %arg10[%dma_wait3A_40, %dma_wait3A_41] : memref<128x128xf32, #tpu.memory_space<vmem>> -> memref<120x128xf32, #tpu.memory_space<vmem>>
      tpu.wait_dma2 semaphore(%run_scoped3A : memref<!tpu.dma_semaphore, #tpu.memory_space<semaphore_mem>>) src(%dma_wait3A_42 : memref<120x128xf32, #tpu.memory_space<vmem>>) dst(%dma_wait3A_39 : memref<120x128xf32, #tpu.memory_space<vmem_shared>>)
      tpu.yield
    }) : () -> ()
    %barrier3A = arith.constant 0 : index
    tpu.barrier barrier_id(%barrier3A)
    %eq3A = arith.constant 0 : i32
    %eq3A_17 = arith.cmpi eq, %arg0, %eq3A : i32
    %convert_element_type3A = arith.extui %eq3A_17 : i1 to i32
    %cond3A = arith.constant 0 : i32
    %cond3A_18 = arith.cmpi ne, %convert_element_type3A, %cond3A : i32
    scf.if %cond3A_18 {
      %scan3A_25 = arith.constant 0 : i32
      %scan3A_26 = arith.constant 0 : i32
      %scan3A_27 = arith.constant 9 : i32
      %scan3A_28 = arith.addi %scan3A_26, %scan3A_27 : i32
      %scan3A_29 = arith.constant 1 : i32
      %scan3A_30 = scf.for %scan3A_39 = %scan3A_26 to %scan3A_28 step %scan3A_29 iter_args(%scan3A_40 = %scan3A_25) -> (i32)  : i32 {
        %mul3A_41 = arith.constant 16 : i32
        %mul3A_42 = arith.muli %scan3A_39, %mul3A_41 : i32
        "tpu.region"() ({
          %run_scoped3A = tpu.sem_alloc : memref<!tpu.dma_semaphore, #tpu.memory_space<semaphore_mem>>
          %dma_start3A = arith.constant 0 : i32
          %dma_start3A_51 = tpu.memref_slice %arg3[%arg1, %mul3A_42, %dma_start3A] : memref<16x152x128xi32, #tpu.memory_space<hbm>> -> memref<1x16x128xi32, #tpu.memory_space<hbm>>
          %dma_start3A_52 = tpu.memref_squeeze %dma_start3A_51 : memref<1x16x128xi32, #tpu.memory_space<hbm>> -> memref<16x128xi32, #tpu.memory_space<hbm>>
          %dma_start3A_53 = arith.constant 0 : i32
          %dma_start3A_54 = tpu.memref_slice %arg3[%arg1, %mul3A_42, %dma_start3A_53] : memref<16x152x128xi32, #tpu.memory_space<hbm>> -> memref<1x16x128xi32, #tpu.memory_space<hbm>>
          %dma_start3A_55 = tpu.memref_squeeze %dma_start3A_54 : memref<1x16x128xi32, #tpu.memory_space<hbm>> -> memref<16x128xi32, #tpu.memory_space<hbm>>
          tpu.enqueue_dma source(%dma_start3A_55 : memref<16x128xi32, #tpu.memory_space<hbm>>) target(%arg8 : memref<16x128xi32, #tpu.memory_space<vmem>>) target_semaphore(%run_scoped3A : memref<!tpu.dma_semaphore, #tpu.memory_space<semaphore_mem>>)
          %dma_wait3A = arith.constant 0 : i32
          %dma_wait3A_56 = tpu.memref_slice %arg3[%arg1, %mul3A_42, %dma_wait3A] : memref<16x152x128xi32, #tpu.memory_space<hbm>> -> memref<1x16x128xi32, #tpu.memory_space<hbm>>
          %dma_wait3A_57 = tpu.memref_squeeze %dma_wait3A_56 : memref<1x16x128xi32, #tpu.memory_space<hbm>> -> memref<16x128xi32, #tpu.memory_space<hbm>>
          %dma_wait3A_58 = arith.constant 0 : i32
          %dma_wait3A_59 = tpu.memref_slice %arg3[%arg1, %mul3A_42, %dma_wait3A_58] : memref<16x152x128xi32, #tpu.memory_space<hbm>> -> memref<1x16x128xi32, #tpu.memory_space<hbm>>
          %dma_wait3A_60 = tpu.memref_squeeze %dma_wait3A_59 : memref<1x16x128xi32, #tpu.memory_space<hbm>> -> memref<16x128xi32, #tpu.memory_space<hbm>>
          tpu.wait_dma2 semaphore(%run_scoped3A : memref<!tpu.dma_semaphore, #tpu.memory_space<semaphore_mem>>) src(%dma_wait3A_60 : memref<16x128xi32, #tpu.memory_space<hbm>>) dst(%arg8 : memref<16x128xi32, #tpu.memory_space<vmem>>)
          tpu.yield
        }) : () -> ()
        "tpu.region"() ({
          %run_scoped3A = tpu.sem_alloc : memref<!tpu.dma_semaphore, #tpu.memory_space<semaphore_mem>>
          %dma_start3A = arith.constant 0 : i32
          %dma_start3A_51 = tpu.memref_slice %arg4[%arg1, %mul3A_42, %dma_start3A] : memref<16x152x128xi32, #tpu.memory_space<hbm>> -> memref<1x16x128xi32, #tpu.memory_space<hbm>>
          %dma_start3A_52 = tpu.memref_squeeze %dma_start3A_51 : memref<1x16x128xi32, #tpu.memory_space<hbm>> -> memref<16x128xi32, #tpu.memory_space<hbm>>
          %dma_start3A_53 = arith.constant 0 : i32
          %dma_start3A_54 = tpu.memref_slice %arg4[%arg1, %mul3A_42, %dma_start3A_53] : memref<16x152x128xi32, #tpu.memory_space<hbm>> -> memref<1x16x128xi32, #tpu.memory_space<hbm>>
          %dma_start3A_55 = tpu.memref_squeeze %dma_start3A_54 : memref<1x16x128xi32, #tpu.memory_space<hbm>> -> memref<16x128xi32, #tpu.memory_space<hbm>>
          tpu.enqueue_dma source(%dma_start3A_55 : memref<16x128xi32, #tpu.memory_space<hbm>>) target(%arg9 : memref<16x128xi32, #tpu.memory_space<vmem>>) target_semaphore(%run_scoped3A : memref<!tpu.dma_semaphore, #tpu.memory_space<semaphore_mem>>)
          %dma_wait3A = arith.constant 0 : i32
          %dma_wait3A_56 = tpu.memref_slice %arg4[%arg1, %mul3A_42, %dma_wait3A] : memref<16x152x128xi32, #tpu.memory_space<hbm>> -> memref<1x16x128xi32, #tpu.memory_space<hbm>>
          %dma_wait3A_57 = tpu.memref_squeeze %dma_wait3A_56 : memref<1x16x128xi32, #tpu.memory_space<hbm>> -> memref<16x128xi32, #tpu.memory_space<hbm>>
          %dma_wait3A_58 = arith.constant 0 : i32
          %dma_wait3A_59 = tpu.memref_slice %arg4[%arg1, %mul3A_42, %dma_wait3A_58] : memref<16x152x128xi32, #tpu.memory_space<hbm>> -> memref<1x16x128xi32, #tpu.memory_space<hbm>>
          %dma_wait3A_60 = tpu.memref_squeeze %dma_wait3A_59 : memref<1x16x128xi32, #tpu.memory_space<hbm>> -> memref<16x128xi32, #tpu.memory_space<hbm>>
          tpu.wait_dma2 semaphore(%run_scoped3A : memref<!tpu.dma_semaphore, #tpu.memory_space<semaphore_mem>>) src(%dma_wait3A_60 : memref<16x128xi32, #tpu.memory_space<hbm>>) dst(%arg9 : memref<16x128xi32, #tpu.memory_space<vmem>>)
          tpu.yield
        }) : () -> ()
        %scan3A_43 = arith.constant 0 : i32
        %scan3A_44 = arith.constant 0 : i32
        %scan3A_45 = arith.constant 8 : i32
        %scan3A_46 = arith.addi %scan3A_44, %scan3A_45 : i32
        %scan3A_47 = arith.constant 1 : i32
        %scan3A_48 = scf.for %scan3A_51 = %scan3A_44 to %scan3A_46 step %scan3A_47 iter_args(%scan3A_52 = %scan3A_43) -> (i32)  : i32 {
          %mul3A_53 = arith.constant 2 : i32
          %mul3A_54 = arith.muli %mul3A_53, %scan3A_51 : i32
          %mul3A_55 = arith.constant 2 : i32
          %mul3A_56 = arith.muli %mul3A_55, %scan3A_51 : i32
          %add3A_57 = arith.constant 1 : i32
          %add3A_58 = arith.addi %mul3A_56, %add3A_57 : i32
          %dma_start3A = arith.constant 0 : i32
          %dma_start3A_59 = tpu.memref_slice %arg8[%mul3A_54, %dma_start3A] : memref<16x128xi32, #tpu.memory_space<vmem>> -> memref<1x128xi32, #tpu.memory_space<vmem>>
          %dma_start3A_60 = tpu.memref_squeeze %dma_start3A_59 : memref<1x128xi32, #tpu.memory_space<vmem>> -> memref<128xi32, #tpu.memory_space<vmem>>
          %dma_start3A_61 = arith.constant 0 : i32
          %dma_start3A_62 = arith.constant 0 : i32
          %dma_start3A_63 = tpu.memref_slice %arg2[%dma_start3A_61, %dma_start3A_62] : memref<10008x128xf32, #tpu.memory_space<hbm>> -> memref<10008x128xf32, #tpu.memory_space<hbm>>
          tpu.enqueue_indirect_dma source(%dma_start3A_63 : memref<10008x128xf32, #tpu.memory_space<hbm>>) target(%arg10 : memref<128x128xf32, #tpu.memory_space<vmem>>) offsets(%dma_start3A_60 : memref<128xi32, #tpu.memory_space<vmem>>) semaphore(%arg13 : memref<!tpu.dma_semaphore, #tpu.memory_space<semaphore_mem>>)
          %dma_start3A_64 = arith.constant 0 : i32
          %dma_start3A_65 = tpu.memref_slice %arg8[%add3A_58, %dma_start3A_64] : memref<16x128xi32, #tpu.memory_space<vmem>> -> memref<1x128xi32, #tpu.memory_space<vmem>>
          %dma_start3A_66 = tpu.memref_squeeze %dma_start3A_65 : memref<1x128xi32, #tpu.memory_space<vmem>> -> memref<128xi32, #tpu.memory_space<vmem>>
          %dma_start3A_67 = arith.constant 0 : i32
          %dma_start3A_68 = arith.constant 0 : i32
          %dma_start3A_69 = tpu.memref_slice %arg2[%dma_start3A_67, %dma_start3A_68] : memref<10008x128xf32, #tpu.memory_space<hbm>> -> memref<10008x128xf32, #tpu.memory_space<hbm>>
          tpu.enqueue_indirect_dma source(%dma_start3A_69 : memref<10008x128xf32, #tpu.memory_space<hbm>>) target(%arg11 : memref<128x128xf32, #tpu.memory_space<vmem>>) offsets(%dma_start3A_66 : memref<128xi32, #tpu.memory_space<vmem>>) semaphore(%arg14 : memref<!tpu.dma_semaphore, #tpu.memory_space<semaphore_mem>>)
          %dma_wait3A = arith.constant 0 : i32
          %dma_wait3A_70 = tpu.memref_slice %arg8[%mul3A_54, %dma_wait3A] : memref<16x128xi32, #tpu.memory_space<vmem>> -> memref<1x128xi32, #tpu.memory_space<vmem>>
          %dma_wait3A_71 = tpu.memref_squeeze %dma_wait3A_70 : memref<1x128xi32, #tpu.memory_space<vmem>> -> memref<128xi32, #tpu.memory_space<vmem>>
          %dma_wait3A_72 = arith.constant 0 : i32
          %dma_wait3A_73 = arith.constant 0 : i32
          %dma_wait3A_74 = tpu.memref_slice %arg2[%dma_wait3A_72, %dma_wait3A_73] : memref<10008x128xf32, #tpu.memory_space<hbm>> -> memref<10008x128xf32, #tpu.memory_space<hbm>>
          tpu.wait_indirect_dma semaphore(%arg13 : memref<!tpu.dma_semaphore, #tpu.memory_space<semaphore_mem>>) src(%dma_wait3A_74 : memref<10008x128xf32, #tpu.memory_space<hbm>>) dst(%arg10 : memref<128x128xf32, #tpu.memory_space<vmem>>)
          "tpu.region"() ({
            %run_scoped3A = tpu.sem_alloc : memref<!tpu.dma_semaphore, #tpu.memory_space<semaphore_mem>>
            %dma_start3A_82 = arith.constant 0 : i32
            %dma_start3A_83 = tpu.memref_slice %arg9[%mul3A_54, %dma_start3A_82] : memref<16x128xi32, #tpu.memory_space<vmem>> -> memref<1x128xi32, #tpu.memory_space<vmem>>
            %dma_start3A_84 = tpu.memref_squeeze %dma_start3A_83 : memref<1x128xi32, #tpu.memory_space<vmem>> -> memref<128xi32, #tpu.memory_space<vmem>>
            %dma_start3A_85 = arith.constant 0 : i32
            %dma_start3A_86 = arith.constant 0 : i32
            %dma_start3A_87 = tpu.memref_slice %arg12[%dma_start3A_85, %dma_start3A_86] : memref<10112x128xf32, #tpu.memory_space<vmem_shared>> -> memref<10112x128xf32, #tpu.memory_space<vmem_shared>>
            tpu.enqueue_indirect_dma source(%arg10 : memref<128x128xf32, #tpu.memory_space<vmem>>) target(%dma_start3A_87 : memref<10112x128xf32, #tpu.memory_space<vmem_shared>>) offsets(%dma_start3A_84 : memref<128xi32, #tpu.memory_space<vmem>>) semaphore(%run_scoped3A : memref<!tpu.dma_semaphore, #tpu.memory_space<semaphore_mem>>) {add = true}
            %dma_wait3A_88 = arith.constant 0 : i32
            %dma_wait3A_89 = tpu.memref_slice %arg9[%mul3A_54, %dma_wait3A_88] : memref<16x128xi32, #tpu.memory_space<vmem>> -> memref<1x128xi32, #tpu.memory_space<vmem>>
            %dma_wait3A_90 = tpu.memref_squeeze %dma_wait3A_89 : memref<1x128xi32, #tpu.memory_space<vmem>> -> memref<128xi32, #tpu.memory_space<vmem>>
            %dma_wait3A_91 = arith.constant 0 : i32
            %dma_wait3A_92 = arith.constant 0 : i32
            %dma_wait3A_93 = tpu.memref_slice %arg12[%dma_wait3A_91, %dma_wait3A_92] : memref<10112x128xf32, #tpu.memory_space<vmem_shared>> -> memref<10112x128xf32, #tpu.memory_space<vmem_shared>>
            tpu.wait_indirect_dma semaphore(%run_scoped3A : memref<!tpu.dma_semaphore, #tpu.memory_space<semaphore_mem>>) src(%arg10 : memref<128x128xf32, #tpu.memory_space<vmem>>) dst(%dma_wait3A_93 : memref<10112x128xf32, #tpu.memory_space<vmem_shared>>)
            tpu.yield
          }) : () -> ()
          %dma_wait3A_75 = arith.constant 0 : i32
          %dma_wait3A_76 = tpu.memref_slice %arg8[%add3A_58, %dma_wait3A_75] : memref<16x128xi32, #tpu.memory_space<vmem>> -> memref<1x128xi32, #tpu.memory_space<vmem>>
          %dma_wait3A_77 = tpu.memref_squeeze %dma_wait3A_76 : memref<1x128xi32, #tpu.memory_space<vmem>> -> memref<128xi32, #tpu.memory_space<vmem>>
          %dma_wait3A_78 = arith.constant 0 : i32
          %dma_wait3A_79 = arith.constant 0 : i32
          %dma_wait3A_80 = tpu.memref_slice %arg2[%dma_wait3A_78, %dma_wait3A_79] : memref<10008x128xf32, #tpu.memory_space<hbm>> -> memref<10008x128xf32, #tpu.memory_space<hbm>>
          tpu.wait_indirect_dma semaphore(%arg14 : memref<!tpu.dma_semaphore, #tpu.memory_space<semaphore_mem>>) src(%dma_wait3A_80 : memref<10008x128xf32, #tpu.memory_space<hbm>>) dst(%arg11 : memref<128x128xf32, #tpu.memory_space<vmem>>)
          "tpu.region"() ({
            %run_scoped3A = tpu.sem_alloc : memref<!tpu.dma_semaphore, #tpu.memory_space<semaphore_mem>>
            %dma_start3A_82 = arith.constant 0 : i32
            %dma_start3A_83 = tpu.memref_slice %arg9[%add3A_58, %dma_start3A_82] : memref<16x128xi32, #tpu.memory_space<vmem>> -> memref<1x128xi32, #tpu.memory_space<vmem>>
            %dma_start3A_84 = tpu.memref_squeeze %dma_start3A_83 : memref<1x128xi32, #tpu.memory_space<vmem>> -> memref<128xi32, #tpu.memory_space<vmem>>
            %dma_start3A_85 = arith.constant 0 : i32
            %dma_start3A_86 = arith.constant 0 : i32
            %dma_start3A_87 = tpu.memref_slice %arg12[%dma_start3A_85, %dma_start3A_86] : memref<10112x128xf32, #tpu.memory_space<vmem_shared>> -> memref<10112x128xf32, #tpu.memory_space<vmem_shared>>
            tpu.enqueue_indirect_dma source(%arg11 : memref<128x128xf32, #tpu.memory_space<vmem>>) target(%dma_start3A_87 : memref<10112x128xf32, #tpu.memory_space<vmem_shared>>) offsets(%dma_start3A_84 : memref<128xi32, #tpu.memory_space<vmem>>) semaphore(%run_scoped3A : memref<!tpu.dma_semaphore, #tpu.memory_space<semaphore_mem>>) {add = true}
            %dma_wait3A_88 = arith.constant 0 : i32
            %dma_wait3A_89 = tpu.memref_slice %arg9[%add3A_58, %dma_wait3A_88] : memref<16x128xi32, #tpu.memory_space<vmem>> -> memref<1x128xi32, #tpu.memory_space<vmem>>
            %dma_wait3A_90 = tpu.memref_squeeze %dma_wait3A_89 : memref<1x128xi32, #tpu.memory_space<vmem>> -> memref<128xi32, #tpu.memory_space<vmem>>
            %dma_wait3A_91 = arith.constant 0 : i32
            %dma_wait3A_92 = arith.constant 0 : i32
            %dma_wait3A_93 = tpu.memref_slice %arg12[%dma_wait3A_91, %dma_wait3A_92] : memref<10112x128xf32, #tpu.memory_space<vmem_shared>> -> memref<10112x128xf32, #tpu.memory_space<vmem_shared>>
            tpu.wait_indirect_dma semaphore(%run_scoped3A : memref<!tpu.dma_semaphore, #tpu.memory_space<semaphore_mem>>) src(%arg11 : memref<128x128xf32, #tpu.memory_space<vmem>>) dst(%dma_wait3A_93 : memref<10112x128xf32, #tpu.memory_space<vmem_shared>>)
            tpu.yield
          }) : () -> ()
          %scan3A_81 = arith.constant 0 : i32
          scf.yield %scan3A_81 : i32
        }
        %scan3A_49 = arith.constant 8 : i32
        %scan3A_50 = arith.constant 0 : i32
        scf.yield %scan3A_50 : i32
      }
      %scan3A_31 = arith.constant 9 : i32
      "tpu.region"() ({
        %run_scoped3A = tpu.sem_alloc : memref<!tpu.dma_semaphore, #tpu.memory_space<semaphore_mem>>
        %dma_start3A = arith.constant 0 : i32
        %dma_start3A_39 = arith.constant 0 : i32
        %dma_start3A_40 = tpu.memref_slice %arg8[%dma_start3A, %dma_start3A_39] : memref<16x128xi32, #tpu.memory_space<vmem>> -> memref<8x128xi32, #tpu.memory_space<vmem>>
        %dma_start3A_41 = arith.constant 144 : i32
        %dma_start3A_42 = arith.constant 0 : i32
        %dma_start3A_43 = tpu.memref_slice %arg3[%arg1, %dma_start3A_41, %dma_start3A_42] : memref<16x152x128xi32, #tpu.memory_space<hbm>> -> memref<1x8x128xi32, #tpu.memory_space<hbm>>
        %dma_start3A_44 = tpu.memref_squeeze %dma_start3A_43 : memref<1x8x128xi32, #tpu.memory_space<hbm>> -> memref<8x128xi32, #tpu.memory_space<hbm>>
        %dma_start3A_45 = arith.constant 0 : i32
        %dma_start3A_46 = arith.constant 0 : i32
        %dma_start3A_47 = tpu.memref_slice %arg8[%dma_start3A_45, %dma_start3A_46] : memref<16x128xi32, #tpu.memory_space<vmem>> -> memref<8x128xi32, #tpu.memory_space<vmem>>
        %dma_start3A_48 = arith.constant 144 : i32
        %dma_start3A_49 = arith.constant 0 : i32
        %dma_start3A_50 = tpu.memref_slice %arg3[%arg1, %dma_start3A_48, %dma_start3A_49] : memref<16x152x128xi32, #tpu.memory_space<hbm>> -> memref<1x8x128xi32, #tpu.memory_space<hbm>>
        %dma_start3A_51 = tpu.memref_squeeze %dma_start3A_50 : memref<1x8x128xi32, #tpu.memory_space<hbm>> -> memref<8x128xi32, #tpu.memory_space<hbm>>
        tpu.enqueue_dma source(%dma_start3A_51 : memref<8x128xi32, #tpu.memory_space<hbm>>) target(%dma_start3A_47 : memref<8x128xi32, #tpu.memory_space<vmem>>) target_semaphore(%run_scoped3A : memref<!tpu.dma_semaphore, #tpu.memory_space<semaphore_mem>>)
        %dma_wait3A = arith.constant 0 : i32
        %dma_wait3A_52 = arith.constant 0 : i32
        %dma_wait3A_53 = tpu.memref_slice %arg8[%dma_wait3A, %dma_wait3A_52] : memref<16x128xi32, #tpu.memory_space<vmem>> -> memref<8x128xi32, #tpu.memory_space<vmem>>
        %dma_wait3A_54 = arith.constant 144 : i32
        %dma_wait3A_55 = arith.constant 0 : i32
        %dma_wait3A_56 = tpu.memref_slice %arg3[%arg1, %dma_wait3A_54, %dma_wait3A_55] : memref<16x152x128xi32, #tpu.memory_space<hbm>> -> memref<1x8x128xi32, #tpu.memory_space<hbm>>
        %dma_wait3A_57 = tpu.memref_squeeze %dma_wait3A_56 : memref<1x8x128xi32, #tpu.memory_space<hbm>> -> memref<8x128xi32, #tpu.memory_space<hbm>>
        %dma_wait3A_58 = arith.constant 0 : i32
        %dma_wait3A_59 = arith.constant 0 : i32
        %dma_wait3A_60 = tpu.memref_slice %arg8[%dma_wait3A_58, %dma_wait3A_59] : memref<16x128xi32, #tpu.memory_space<vmem>> -> memref<8x128xi32, #tpu.memory_space<vmem>>
        %dma_wait3A_61 = arith.constant 144 : i32
        %dma_wait3A_62 = arith.constant 0 : i32
        %dma_wait3A_63 = tpu.memref_slice %arg3[%arg1, %dma_wait3A_61, %dma_wait3A_62] : memref<16x152x128xi32, #tpu.memory_space<hbm>> -> memref<1x8x128xi32, #tpu.memory_space<hbm>>
        %dma_wait3A_64 = tpu.memref_squeeze %dma_wait3A_63 : memref<1x8x128xi32, #tpu.memory_space<hbm>> -> memref<8x128xi32, #tpu.memory_space<hbm>>
        tpu.wait_dma2 semaphore(%run_scoped3A : memref<!tpu.dma_semaphore, #tpu.memory_space<semaphore_mem>>) src(%dma_wait3A_64 : memref<8x128xi32, #tpu.memory_space<hbm>>) dst(%dma_wait3A_60 : memref<8x128xi32, #tpu.memory_space<vmem>>)
        tpu.yield
      }) : () -> ()
      "tpu.region"() ({
        %run_scoped3A = tpu.sem_alloc : memref<!tpu.dma_semaphore, #tpu.memory_space<semaphore_mem>>
        %dma_start3A = arith.constant 0 : i32
        %dma_start3A_39 = arith.constant 0 : i32
        %dma_start3A_40 = tpu.memref_slice %arg9[%dma_start3A, %dma_start3A_39] : memref<16x128xi32, #tpu.memory_space<vmem>> -> memref<8x128xi32, #tpu.memory_space<vmem>>
        %dma_start3A_41 = arith.constant 144 : i32
        %dma_start3A_42 = arith.constant 0 : i32
        %dma_start3A_43 = tpu.memref_slice %arg4[%arg1, %dma_start3A_41, %dma_start3A_42] : memref<16x152x128xi32, #tpu.memory_space<hbm>> -> memref<1x8x128xi32, #tpu.memory_space<hbm>>
        %dma_start3A_44 = tpu.memref_squeeze %dma_start3A_43 : memref<1x8x128xi32, #tpu.memory_space<hbm>> -> memref<8x128xi32, #tpu.memory_space<hbm>>
        %dma_start3A_45 = arith.constant 0 : i32
        %dma_start3A_46 = arith.constant 0 : i32
        %dma_start3A_47 = tpu.memref_slice %arg9[%dma_start3A_45, %dma_start3A_46] : memref<16x128xi32, #tpu.memory_space<vmem>> -> memref<8x128xi32, #tpu.memory_space<vmem>>
        %dma_start3A_48 = arith.constant 144 : i32
        %dma_start3A_49 = arith.constant 0 : i32
        %dma_start3A_50 = tpu.memref_slice %arg4[%arg1, %dma_start3A_48, %dma_start3A_49] : memref<16x152x128xi32, #tpu.memory_space<hbm>> -> memref<1x8x128xi32, #tpu.memory_space<hbm>>
        %dma_start3A_51 = tpu.memref_squeeze %dma_start3A_50 : memref<1x8x128xi32, #tpu.memory_space<hbm>> -> memref<8x128xi32, #tpu.memory_space<hbm>>
        tpu.enqueue_dma source(%dma_start3A_51 : memref<8x128xi32, #tpu.memory_space<hbm>>) target(%dma_start3A_47 : memref<8x128xi32, #tpu.memory_space<vmem>>) target_semaphore(%run_scoped3A : memref<!tpu.dma_semaphore, #tpu.memory_space<semaphore_mem>>)
        %dma_wait3A = arith.constant 0 : i32
        %dma_wait3A_52 = arith.constant 0 : i32
        %dma_wait3A_53 = tpu.memref_slice %arg9[%dma_wait3A, %dma_wait3A_52] : memref<16x128xi32, #tpu.memory_space<vmem>> -> memref<8x128xi32, #tpu.memory_space<vmem>>
        %dma_wait3A_54 = arith.constant 144 : i32
        %dma_wait3A_55 = arith.constant 0 : i32
        %dma_wait3A_56 = tpu.memref_slice %arg4[%arg1, %dma_wait3A_54, %dma_wait3A_55] : memref<16x152x128xi32, #tpu.memory_space<hbm>> -> memref<1x8x128xi32, #tpu.memory_space<hbm>>
        %dma_wait3A_57 = tpu.memref_squeeze %dma_wait3A_56 : memref<1x8x128xi32, #tpu.memory_space<hbm>> -> memref<8x128xi32, #tpu.memory_space<hbm>>
        %dma_wait3A_58 = arith.constant 0 : i32
        %dma_wait3A_59 = arith.constant 0 : i32
        %dma_wait3A_60 = tpu.memref_slice %arg9[%dma_wait3A_58, %dma_wait3A_59] : memref<16x128xi32, #tpu.memory_space<vmem>> -> memref<8x128xi32, #tpu.memory_space<vmem>>
        %dma_wait3A_61 = arith.constant 144 : i32
        %dma_wait3A_62 = arith.constant 0 : i32
        %dma_wait3A_63 = tpu.memref_slice %arg4[%arg1, %dma_wait3A_61, %dma_wait3A_62] : memref<16x152x128xi32, #tpu.memory_space<hbm>> -> memref<1x8x128xi32, #tpu.memory_space<hbm>>
        %dma_wait3A_64 = tpu.memref_squeeze %dma_wait3A_63 : memref<1x8x128xi32, #tpu.memory_space<hbm>> -> memref<8x128xi32, #tpu.memory_space<hbm>>
        tpu.wait_dma2 semaphore(%run_scoped3A : memref<!tpu.dma_semaphore, #tpu.memory_space<semaphore_mem>>) src(%dma_wait3A_64 : memref<8x128xi32, #tpu.memory_space<hbm>>) dst(%dma_wait3A_60 : memref<8x128xi32, #tpu.memory_space<vmem>>)
        tpu.yield
      }) : () -> ()
      %scan3A_32 = arith.constant 0 : i32
      %scan3A_33 = arith.constant 0 : i32
      %scan3A_34 = arith.constant 4 : i32
      %scan3A_35 = arith.addi %scan3A_33, %scan3A_34 : i32
      %scan3A_36 = arith.constant 1 : i32
      %scan3A_37 = scf.for %scan3A_39 = %scan3A_33 to %scan3A_35 step %scan3A_36 iter_args(%scan3A_40 = %scan3A_32) -> (i32)  : i32 {
        %mul3A_41 = arith.constant 2 : i32
        %mul3A_42 = arith.muli %mul3A_41, %scan3A_39 : i32
        %mul3A_43 = arith.constant 2 : i32
        %mul3A_44 = arith.muli %mul3A_43, %scan3A_39 : i32
        %add3A_45 = arith.constant 1 : i32
        %add3A_46 = arith.addi %mul3A_44, %add3A_45 : i32
        %dma_start3A = arith.constant 0 : i32
        %dma_start3A_47 = tpu.memref_slice %arg8[%mul3A_42, %dma_start3A] : memref<16x128xi32, #tpu.memory_space<vmem>> -> memref<1x128xi32, #tpu.memory_space<vmem>>
        %dma_start3A_48 = tpu.memref_squeeze %dma_start3A_47 : memref<1x128xi32, #tpu.memory_space<vmem>> -> memref<128xi32, #tpu.memory_space<vmem>>
        %dma_start3A_49 = arith.constant 0 : i32
        %dma_start3A_50 = arith.constant 0 : i32
        %dma_start3A_51 = tpu.memref_slice %arg2[%dma_start3A_49, %dma_start3A_50] : memref<10008x128xf32, #tpu.memory_space<hbm>> -> memref<10008x128xf32, #tpu.memory_space<hbm>>
        tpu.enqueue_indirect_dma source(%dma_start3A_51 : memref<10008x128xf32, #tpu.memory_space<hbm>>) target(%arg10 : memref<128x128xf32, #tpu.memory_space<vmem>>) offsets(%dma_start3A_48 : memref<128xi32, #tpu.memory_space<vmem>>) semaphore(%arg13 : memref<!tpu.dma_semaphore, #tpu.memory_space<semaphore_mem>>)
        %dma_start3A_52 = arith.constant 0 : i32
        %dma_start3A_53 = tpu.memref_slice %arg8[%add3A_46, %dma_start3A_52] : memref<16x128xi32, #tpu.memory_space<vmem>> -> memref<1x128xi32, #tpu.memory_space<vmem>>
        %dma_start3A_54 = tpu.memref_squeeze %dma_start3A_53 : memref<1x128xi32, #tpu.memory_space<vmem>> -> memref<128xi32, #tpu.memory_space<vmem>>
        %dma_start3A_55 = arith.constant 0 : i32
        %dma_start3A_56 = arith.constant 0 : i32
        %dma_start3A_57 = tpu.memref_slice %arg2[%dma_start3A_55, %dma_start3A_56] : memref<10008x128xf32, #tpu.memory_space<hbm>> -> memref<10008x128xf32, #tpu.memory_space<hbm>>
        tpu.enqueue_indirect_dma source(%dma_start3A_57 : memref<10008x128xf32, #tpu.memory_space<hbm>>) target(%arg11 : memref<128x128xf32, #tpu.memory_space<vmem>>) offsets(%dma_start3A_54 : memref<128xi32, #tpu.memory_space<vmem>>) semaphore(%arg14 : memref<!tpu.dma_semaphore, #tpu.memory_space<semaphore_mem>>)
        %dma_wait3A = arith.constant 0 : i32
        %dma_wait3A_58 = tpu.memref_slice %arg8[%mul3A_42, %dma_wait3A] : memref<16x128xi32, #tpu.memory_space<vmem>> -> memref<1x128xi32, #tpu.memory_space<vmem>>
        %dma_wait3A_59 = tpu.memref_squeeze %dma_wait3A_58 : memref<1x128xi32, #tpu.memory_space<vmem>> -> memref<128xi32, #tpu.memory_space<vmem>>
        %dma_wait3A_60 = arith.constant 0 : i32
        %dma_wait3A_61 = arith.constant 0 : i32
        %dma_wait3A_62 = tpu.memref_slice %arg2[%dma_wait3A_60, %dma_wait3A_61] : memref<10008x128xf32, #tpu.memory_space<hbm>> -> memref<10008x128xf32, #tpu.memory_space<hbm>>
        tpu.wait_indirect_dma semaphore(%arg13 : memref<!tpu.dma_semaphore, #tpu.memory_space<semaphore_mem>>) src(%dma_wait3A_62 : memref<10008x128xf32, #tpu.memory_space<hbm>>) dst(%arg10 : memref<128x128xf32, #tpu.memory_space<vmem>>)
        "tpu.region"() ({
          %run_scoped3A = tpu.sem_alloc : memref<!tpu.dma_semaphore, #tpu.memory_space<semaphore_mem>>
          %dma_start3A_70 = arith.constant 0 : i32
          %dma_start3A_71 = tpu.memref_slice %arg9[%mul3A_42, %dma_start3A_70] : memref<16x128xi32, #tpu.memory_space<vmem>> -> memref<1x128xi32, #tpu.memory_space<vmem>>
          %dma_start3A_72 = tpu.memref_squeeze %dma_start3A_71 : memref<1x128xi32, #tpu.memory_space<vmem>> -> memref<128xi32, #tpu.memory_space<vmem>>
          %dma_start3A_73 = arith.constant 0 : i32
          %dma_start3A_74 = arith.constant 0 : i32
          %dma_start3A_75 = tpu.memref_slice %arg12[%dma_start3A_73, %dma_start3A_74] : memref<10112x128xf32, #tpu.memory_space<vmem_shared>> -> memref<10112x128xf32, #tpu.memory_space<vmem_shared>>
          tpu.enqueue_indirect_dma source(%arg10 : memref<128x128xf32, #tpu.memory_space<vmem>>) target(%dma_start3A_75 : memref<10112x128xf32, #tpu.memory_space<vmem_shared>>) offsets(%dma_start3A_72 : memref<128xi32, #tpu.memory_space<vmem>>) semaphore(%run_scoped3A : memref<!tpu.dma_semaphore, #tpu.memory_space<semaphore_mem>>) {add = true}
          %dma_wait3A_76 = arith.constant 0 : i32
          %dma_wait3A_77 = tpu.memref_slice %arg9[%mul3A_42, %dma_wait3A_76] : memref<16x128xi32, #tpu.memory_space<vmem>> -> memref<1x128xi32, #tpu.memory_space<vmem>>
          %dma_wait3A_78 = tpu.memref_squeeze %dma_wait3A_77 : memref<1x128xi32, #tpu.memory_space<vmem>> -> memref<128xi32, #tpu.memory_space<vmem>>
          %dma_wait3A_79 = arith.constant 0 : i32
          %dma_wait3A_80 = arith.constant 0 : i32
          %dma_wait3A_81 = tpu.memref_slice %arg12[%dma_wait3A_79, %dma_wait3A_80] : memref<10112x128xf32, #tpu.memory_space<vmem_shared>> -> memref<10112x128xf32, #tpu.memory_space<vmem_shared>>
          tpu.wait_indirect_dma semaphore(%run_scoped3A : memref<!tpu.dma_semaphore, #tpu.memory_space<semaphore_mem>>) src(%arg10 : memref<128x128xf32, #tpu.memory_space<vmem>>) dst(%dma_wait3A_81 : memref<10112x128xf32, #tpu.memory_space<vmem_shared>>)
          tpu.yield
        }) : () -> ()
        %dma_wait3A_63 = arith.constant 0 : i32
        %dma_wait3A_64 = tpu.memref_slice %arg8[%add3A_46, %dma_wait3A_63] : memref<16x128xi32, #tpu.memory_space<vmem>> -> memref<1x128xi32, #tpu.memory_space<vmem>>
        %dma_wait3A_65 = tpu.memref_squeeze %dma_wait3A_64 : memref<1x128xi32, #tpu.memory_space<vmem>> -> memref<128xi32, #tpu.memory_space<vmem>>
        %dma_wait3A_66 = arith.constant 0 : i32
        %dma_wait3A_67 = arith.constant 0 : i32
        %dma_wait3A_68 = tpu.memref_slice %arg2[%dma_wait3A_66, %dma_wait3A_67] : memref<10008x128xf32, #tpu.memory_space<hbm>> -> memref<10008x128xf32, #tpu.memory_space<hbm>>
        tpu.wait_indirect_dma semaphore(%arg14 : memref<!tpu.dma_semaphore, #tpu.memory_space<semaphore_mem>>) src(%dma_wait3A_68 : memref<10008x128xf32, #tpu.memory_space<hbm>>) dst(%arg11 : memref<128x128xf32, #tpu.memory_space<vmem>>)
        "tpu.region"() ({
          %run_scoped3A = tpu.sem_alloc : memref<!tpu.dma_semaphore, #tpu.memory_space<semaphore_mem>>
          %dma_start3A_70 = arith.constant 0 : i32
          %dma_start3A_71 = tpu.memref_slice %arg9[%add3A_46, %dma_start3A_70] : memref<16x128xi32, #tpu.memory_space<vmem>> -> memref<1x128xi32, #tpu.memory_space<vmem>>
          %dma_start3A_72 = tpu.memref_squeeze %dma_start3A_71 : memref<1x128xi32, #tpu.memory_space<vmem>> -> memref<128xi32, #tpu.memory_space<vmem>>
          %dma_start3A_73 = arith.constant 0 : i32
          %dma_start3A_74 = arith.constant 0 : i32
          %dma_start3A_75 = tpu.memref_slice %arg12[%dma_start3A_73, %dma_start3A_74] : memref<10112x128xf32, #tpu.memory_space<vmem_shared>> -> memref<10112x128xf32, #tpu.memory_space<vmem_shared>>
          tpu.enqueue_indirect_dma source(%arg11 : memref<128x128xf32, #tpu.memory_space<vmem>>) target(%dma_start3A_75 : memref<10112x128xf32, #tpu.memory_space<vmem_shared>>) offsets(%dma_start3A_72 : memref<128xi32, #tpu.memory_space<vmem>>) semaphore(%run_scoped3A : memref<!tpu.dma_semaphore, #tpu.memory_space<semaphore_mem>>) {add = true}
          %dma_wait3A_76 = arith.constant 0 : i32
          %dma_wait3A_77 = tpu.memref_slice %arg9[%add3A_46, %dma_wait3A_76] : memref<16x128xi32, #tpu.memory_space<vmem>> -> memref<1x128xi32, #tpu.memory_space<vmem>>
          %dma_wait3A_78 = tpu.memref_squeeze %dma_wait3A_77 : memref<1x128xi32, #tpu.memory_space<vmem>> -> memref<128xi32, #tpu.memory_space<vmem>>
          %dma_wait3A_79 = arith.constant 0 : i32
          %dma_wait3A_80 = arith.constant 0 : i32
          %dma_wait3A_81 = tpu.memref_slice %arg12[%dma_wait3A_79, %dma_wait3A_80] : memref<10112x128xf32, #tpu.memory_space<vmem_shared>> -> memref<10112x128xf32, #tpu.memory_space<vmem_shared>>
          tpu.wait_indirect_dma semaphore(%run_scoped3A : memref<!tpu.dma_semaphore, #tpu.memory_space<semaphore_mem>>) src(%arg11 : memref<128x128xf32, #tpu.memory_space<vmem>>) dst(%dma_wait3A_81 : memref<10112x128xf32, #tpu.memory_space<vmem_shared>>)
          tpu.yield
        }) : () -> ()
        %scan3A_69 = arith.constant 0 : i32
        scf.yield %scan3A_69 : i32
      }
      %scan3A_38 = arith.constant 4 : i32
    } else {
    }
    %eq3A_19 = arith.constant 1 : i32
    %eq3A_20 = arith.cmpi eq, %arg0, %eq3A_19 : i32
    %convert_element_type3A_21 = arith.extui %eq3A_20 : i1 to i32
    %cond3A_22 = arith.constant 0 : i32
    %cond3A_23 = arith.cmpi ne, %convert_element_type3A_21, %cond3A_22 : i32
    scf.if %cond3A_23 {
      %scan3A_25 = arith.constant 0 : i32
      %scan3A_26 = arith.constant 0 : i32
      %scan3A_27 = arith.constant 0 : i32
      %scan3A_28 = arith.addi %scan3A_26, %scan3A_27 : i32
      %scan3A_29 = arith.constant 0 : i32
      "tpu.region"() ({
        %run_scoped3A = tpu.sem_alloc : memref<!tpu.dma_semaphore, #tpu.memory_space<semaphore_mem>>
        %dma_start3A = arith.constant 0 : i32
        %dma_start3A_37 = arith.constant 0 : i32
        %dma_start3A_38 = tpu.memref_slice %arg8[%dma_start3A, %dma_start3A_37] : memref<16x128xi32, #tpu.memory_space<vmem>> -> memref<8x128xi32, #tpu.memory_space<vmem>>
        %dma_start3A_39 = arith.constant 0 : i32
        %dma_start3A_40 = arith.constant 0 : i32
        %dma_start3A_41 = tpu.memref_slice %arg5[%arg1, %dma_start3A_39, %dma_start3A_40] : memref<16x8x128xi32, #tpu.memory_space<hbm>> -> memref<1x8x128xi32, #tpu.memory_space<hbm>>
        %dma_start3A_42 = tpu.memref_squeeze %dma_start3A_41 : memref<1x8x128xi32, #tpu.memory_space<hbm>> -> memref<8x128xi32, #tpu.memory_space<hbm>>
        %dma_start3A_43 = arith.constant 0 : i32
        %dma_start3A_44 = arith.constant 0 : i32
        %dma_start3A_45 = tpu.memref_slice %arg8[%dma_start3A_43, %dma_start3A_44] : memref<16x128xi32, #tpu.memory_space<vmem>> -> memref<8x128xi32, #tpu.memory_space<vmem>>
        %dma_start3A_46 = arith.constant 0 : i32
        %dma_start3A_47 = arith.constant 0 : i32
        %dma_start3A_48 = tpu.memref_slice %arg5[%arg1, %dma_start3A_46, %dma_start3A_47] : memref<16x8x128xi32, #tpu.memory_space<hbm>> -> memref<1x8x128xi32, #tpu.memory_space<hbm>>
        %dma_start3A_49 = tpu.memref_squeeze %dma_start3A_48 : memref<1x8x128xi32, #tpu.memory_space<hbm>> -> memref<8x128xi32, #tpu.memory_space<hbm>>
        tpu.enqueue_dma source(%dma_start3A_49 : memref<8x128xi32, #tpu.memory_space<hbm>>) target(%dma_start3A_45 : memref<8x128xi32, #tpu.memory_space<vmem>>) target_semaphore(%run_scoped3A : memref<!tpu.dma_semaphore, #tpu.memory_space<semaphore_mem>>)
        %dma_wait3A = arith.constant 0 : i32
        %dma_wait3A_50 = arith.constant 0 : i32
        %dma_wait3A_51 = tpu.memref_slice %arg8[%dma_wait3A, %dma_wait3A_50] : memref<16x128xi32, #tpu.memory_space<vmem>> -> memref<8x128xi32, #tpu.memory_space<vmem>>
        %dma_wait3A_52 = arith.constant 0 : i32
        %dma_wait3A_53 = arith.constant 0 : i32
        %dma_wait3A_54 = tpu.memref_slice %arg5[%arg1, %dma_wait3A_52, %dma_wait3A_53] : memref<16x8x128xi32, #tpu.memory_space<hbm>> -> memref<1x8x128xi32, #tpu.memory_space<hbm>>
        %dma_wait3A_55 = tpu.memref_squeeze %dma_wait3A_54 : memref<1x8x128xi32, #tpu.memory_space<hbm>> -> memref<8x128xi32, #tpu.memory_space<hbm>>
        %dma_wait3A_56 = arith.constant 0 : i32
        %dma_wait3A_57 = arith.constant 0 : i32
        %dma_wait3A_58 = tpu.memref_slice %arg8[%dma_wait3A_56, %dma_wait3A_57] : memref<16x128xi32, #tpu.memory_space<vmem>> -> memref<8x128xi32, #tpu.memory_space<vmem>>
        %dma_wait3A_59 = arith.constant 0 : i32
        %dma_wait3A_60 = arith.constant 0 : i32
        %dma_wait3A_61 = tpu.memref_slice %arg5[%arg1, %dma_wait3A_59, %dma_wait3A_60] : memref<16x8x128xi32, #tpu.memory_space<hbm>> -> memref<1x8x128xi32, #tpu.memory_space<hbm>>
        %dma_wait3A_62 = tpu.memref_squeeze %dma_wait3A_61 : memref<1x8x128xi32, #tpu.memory_space<hbm>> -> memref<8x128xi32, #tpu.memory_space<hbm>>
        tpu.wait_dma2 semaphore(%run_scoped3A : memref<!tpu.dma_semaphore, #tpu.memory_space<semaphore_mem>>) src(%dma_wait3A_62 : memref<8x128xi32, #tpu.memory_space<hbm>>) dst(%dma_wait3A_58 : memref<8x128xi32, #tpu.memory_space<vmem>>)
        tpu.yield
      }) : () -> ()
      "tpu.region"() ({
        %run_scoped3A = tpu.sem_alloc : memref<!tpu.dma_semaphore, #tpu.memory_space<semaphore_mem>>
        %dma_start3A = arith.constant 0 : i32
        %dma_start3A_37 = arith.constant 0 : i32
        %dma_start3A_38 = tpu.memref_slice %arg9[%dma_start3A, %dma_start3A_37] : memref<16x128xi32, #tpu.memory_space<vmem>> -> memref<8x128xi32, #tpu.memory_space<vmem>>
        %dma_start3A_39 = arith.constant 0 : i32
        %dma_start3A_40 = arith.constant 0 : i32
        %dma_start3A_41 = tpu.memref_slice %arg6[%arg1, %dma_start3A_39, %dma_start3A_40] : memref<16x8x128xi32, #tpu.memory_space<hbm>> -> memref<1x8x128xi32, #tpu.memory_space<hbm>>
        %dma_start3A_42 = tpu.memref_squeeze %dma_start3A_41 : memref<1x8x128xi32, #tpu.memory_space<hbm>> -> memref<8x128xi32, #tpu.memory_space<hbm>>
        %dma_start3A_43 = arith.constant 0 : i32
        %dma_start3A_44 = arith.constant 0 : i32
        %dma_start3A_45 = tpu.memref_slice %arg9[%dma_start3A_43, %dma_start3A_44] : memref<16x128xi32, #tpu.memory_space<vmem>> -> memref<8x128xi32, #tpu.memory_space<vmem>>
        %dma_start3A_46 = arith.constant 0 : i32
        %dma_start3A_47 = arith.constant 0 : i32
        %dma_start3A_48 = tpu.memref_slice %arg6[%arg1, %dma_start3A_46, %dma_start3A_47] : memref<16x8x128xi32, #tpu.memory_space<hbm>> -> memref<1x8x128xi32, #tpu.memory_space<hbm>>
        %dma_start3A_49 = tpu.memref_squeeze %dma_start3A_48 : memref<1x8x128xi32, #tpu.memory_space<hbm>> -> memref<8x128xi32, #tpu.memory_space<hbm>>
        tpu.enqueue_dma source(%dma_start3A_49 : memref<8x128xi32, #tpu.memory_space<hbm>>) target(%dma_start3A_45 : memref<8x128xi32, #tpu.memory_space<vmem>>) target_semaphore(%run_scoped3A : memref<!tpu.dma_semaphore, #tpu.memory_space<semaphore_mem>>)
        %dma_wait3A = arith.constant 0 : i32
        %dma_wait3A_50 = arith.constant 0 : i32
        %dma_wait3A_51 = tpu.memref_slice %arg9[%dma_wait3A, %dma_wait3A_50] : memref<16x128xi32, #tpu.memory_space<vmem>> -> memref<8x128xi32, #tpu.memory_space<vmem>>
        %dma_wait3A_52 = arith.constant 0 : i32
        %dma_wait3A_53 = arith.constant 0 : i32
        %dma_wait3A_54 = tpu.memref_slice %arg6[%arg1, %dma_wait3A_52, %dma_wait3A_53] : memref<16x8x128xi32, #tpu.memory_space<hbm>> -> memref<1x8x128xi32, #tpu.memory_space<hbm>>
        %dma_wait3A_55 = tpu.memref_squeeze %dma_wait3A_54 : memref<1x8x128xi32, #tpu.memory_space<hbm>> -> memref<8x128xi32, #tpu.memory_space<hbm>>
        %dma_wait3A_56 = arith.constant 0 : i32
        %dma_wait3A_57 = arith.constant 0 : i32
        %dma_wait3A_58 = tpu.memref_slice %arg9[%dma_wait3A_56, %dma_wait3A_57] : memref<16x128xi32, #tpu.memory_space<vmem>> -> memref<8x128xi32, #tpu.memory_space<vmem>>
        %dma_wait3A_59 = arith.constant 0 : i32
        %dma_wait3A_60 = arith.constant 0 : i32
        %dma_wait3A_61 = tpu.memref_slice %arg6[%arg1, %dma_wait3A_59, %dma_wait3A_60] : memref<16x8x128xi32, #tpu.memory_space<hbm>> -> memref<1x8x128xi32, #tpu.memory_space<hbm>>
        %dma_wait3A_62 = tpu.memref_squeeze %dma_wait3A_61 : memref<1x8x128xi32, #tpu.memory_space<hbm>> -> memref<8x128xi32, #tpu.memory_space<hbm>>
        tpu.wait_dma2 semaphore(%run_scoped3A : memref<!tpu.dma_semaphore, #tpu.memory_space<semaphore_mem>>) src(%dma_wait3A_62 : memref<8x128xi32, #tpu.memory_space<hbm>>) dst(%dma_wait3A_58 : memref<8x128xi32, #tpu.memory_space<vmem>>)
        tpu.yield
      }) : () -> ()
      %scan3A_30 = arith.constant 0 : i32
      %scan3A_31 = arith.constant 0 : i32
      %scan3A_32 = arith.constant 4 : i32
      %scan3A_33 = arith.addi %scan3A_31, %scan3A_32 : i32
      %scan3A_34 = arith.constant 1 : i32
      %scan3A_35 = scf.for %scan3A_37 = %scan3A_31 to %scan3A_33 step %scan3A_34 iter_args(%scan3A_38 = %scan3A_30) -> (i32)  : i32 {
        %mul3A_39 = arith.constant 2 : i32
        %mul3A_40 = arith.muli %mul3A_39, %scan3A_37 : i32
        %mul3A_41 = arith.constant 2 : i32
        %mul3A_42 = arith.muli %mul3A_41, %scan3A_37 : i32
        %add3A_43 = arith.constant 1 : i32
        %add3A_44 = arith.addi %mul3A_42, %add3A_43 : i32
        %dma_start3A = arith.constant 0 : i32
        %dma_start3A_45 = tpu.memref_slice %arg8[%mul3A_40, %dma_start3A] : memref<16x128xi32, #tpu.memory_space<vmem>> -> memref<1x128xi32, #tpu.memory_space<vmem>>
        %dma_start3A_46 = tpu.memref_squeeze %dma_start3A_45 : memref<1x128xi32, #tpu.memory_space<vmem>> -> memref<128xi32, #tpu.memory_space<vmem>>
        %dma_start3A_47 = arith.constant 0 : i32
        %dma_start3A_48 = arith.constant 0 : i32
        %dma_start3A_49 = tpu.memref_slice %arg2[%dma_start3A_47, %dma_start3A_48] : memref<10008x128xf32, #tpu.memory_space<hbm>> -> memref<10008x128xf32, #tpu.memory_space<hbm>>
        tpu.enqueue_indirect_dma source(%dma_start3A_49 : memref<10008x128xf32, #tpu.memory_space<hbm>>) target(%arg10 : memref<128x128xf32, #tpu.memory_space<vmem>>) offsets(%dma_start3A_46 : memref<128xi32, #tpu.memory_space<vmem>>) semaphore(%arg13 : memref<!tpu.dma_semaphore, #tpu.memory_space<semaphore_mem>>)
        %dma_start3A_50 = arith.constant 0 : i32
        %dma_start3A_51 = tpu.memref_slice %arg8[%add3A_44, %dma_start3A_50] : memref<16x128xi32, #tpu.memory_space<vmem>> -> memref<1x128xi32, #tpu.memory_space<vmem>>
        %dma_start3A_52 = tpu.memref_squeeze %dma_start3A_51 : memref<1x128xi32, #tpu.memory_space<vmem>> -> memref<128xi32, #tpu.memory_space<vmem>>
        %dma_start3A_53 = arith.constant 0 : i32
        %dma_start3A_54 = arith.constant 0 : i32
        %dma_start3A_55 = tpu.memref_slice %arg2[%dma_start3A_53, %dma_start3A_54] : memref<10008x128xf32, #tpu.memory_space<hbm>> -> memref<10008x128xf32, #tpu.memory_space<hbm>>
        tpu.enqueue_indirect_dma source(%dma_start3A_55 : memref<10008x128xf32, #tpu.memory_space<hbm>>) target(%arg11 : memref<128x128xf32, #tpu.memory_space<vmem>>) offsets(%dma_start3A_52 : memref<128xi32, #tpu.memory_space<vmem>>) semaphore(%arg14 : memref<!tpu.dma_semaphore, #tpu.memory_space<semaphore_mem>>)
        %dma_wait3A = arith.constant 0 : i32
        %dma_wait3A_56 = tpu.memref_slice %arg8[%mul3A_40, %dma_wait3A] : memref<16x128xi32, #tpu.memory_space<vmem>> -> memref<1x128xi32, #tpu.memory_space<vmem>>
        %dma_wait3A_57 = tpu.memref_squeeze %dma_wait3A_56 : memref<1x128xi32, #tpu.memory_space<vmem>> -> memref<128xi32, #tpu.memory_space<vmem>>
        %dma_wait3A_58 = arith.constant 0 : i32
        %dma_wait3A_59 = arith.constant 0 : i32
        %dma_wait3A_60 = tpu.memref_slice %arg2[%dma_wait3A_58, %dma_wait3A_59] : memref<10008x128xf32, #tpu.memory_space<hbm>> -> memref<10008x128xf32, #tpu.memory_space<hbm>>
        tpu.wait_indirect_dma semaphore(%arg13 : memref<!tpu.dma_semaphore, #tpu.memory_space<semaphore_mem>>) src(%dma_wait3A_60 : memref<10008x128xf32, #tpu.memory_space<hbm>>) dst(%arg10 : memref<128x128xf32, #tpu.memory_space<vmem>>)
        "tpu.region"() ({
          %run_scoped3A = tpu.sem_alloc : memref<!tpu.dma_semaphore, #tpu.memory_space<semaphore_mem>>
          %dma_start3A_68 = arith.constant 0 : i32
          %dma_start3A_69 = tpu.memref_slice %arg9[%mul3A_40, %dma_start3A_68] : memref<16x128xi32, #tpu.memory_space<vmem>> -> memref<1x128xi32, #tpu.memory_space<vmem>>
          %dma_start3A_70 = tpu.memref_squeeze %dma_start3A_69 : memref<1x128xi32, #tpu.memory_space<vmem>> -> memref<128xi32, #tpu.memory_space<vmem>>
          %dma_start3A_71 = arith.constant 0 : i32
          %dma_start3A_72 = arith.constant 0 : i32
          %dma_start3A_73 = tpu.memref_slice %arg12[%dma_start3A_71, %dma_start3A_72] : memref<10112x128xf32, #tpu.memory_space<vmem_shared>> -> memref<10112x128xf32, #tpu.memory_space<vmem_shared>>
          tpu.enqueue_indirect_dma source(%arg10 : memref<128x128xf32, #tpu.memory_space<vmem>>) target(%dma_start3A_73 : memref<10112x128xf32, #tpu.memory_space<vmem_shared>>) offsets(%dma_start3A_70 : memref<128xi32, #tpu.memory_space<vmem>>) semaphore(%run_scoped3A : memref<!tpu.dma_semaphore, #tpu.memory_space<semaphore_mem>>) {add = true}
          %dma_wait3A_74 = arith.constant 0 : i32
          %dma_wait3A_75 = tpu.memref_slice %arg9[%mul3A_40, %dma_wait3A_74] : memref<16x128xi32, #tpu.memory_space<vmem>> -> memref<1x128xi32, #tpu.memory_space<vmem>>
          %dma_wait3A_76 = tpu.memref_squeeze %dma_wait3A_75 : memref<1x128xi32, #tpu.memory_space<vmem>> -> memref<128xi32, #tpu.memory_space<vmem>>
          %dma_wait3A_77 = arith.constant 0 : i32
          %dma_wait3A_78 = arith.constant 0 : i32
          %dma_wait3A_79 = tpu.memref_slice %arg12[%dma_wait3A_77, %dma_wait3A_78] : memref<10112x128xf32, #tpu.memory_space<vmem_shared>> -> memref<10112x128xf32, #tpu.memory_space<vmem_shared>>
          tpu.wait_indirect_dma semaphore(%run_scoped3A : memref<!tpu.dma_semaphore, #tpu.memory_space<semaphore_mem>>) src(%arg10 : memref<128x128xf32, #tpu.memory_space<vmem>>) dst(%dma_wait3A_79 : memref<10112x128xf32, #tpu.memory_space<vmem_shared>>)
          tpu.yield
        }) : () -> ()
        %dma_wait3A_61 = arith.constant 0 : i32
        %dma_wait3A_62 = tpu.memref_slice %arg8[%add3A_44, %dma_wait3A_61] : memref<16x128xi32, #tpu.memory_space<vmem>> -> memref<1x128xi32, #tpu.memory_space<vmem>>
        %dma_wait3A_63 = tpu.memref_squeeze %dma_wait3A_62 : memref<1x128xi32, #tpu.memory_space<vmem>> -> memref<128xi32, #tpu.memory_space<vmem>>
        %dma_wait3A_64 = arith.constant 0 : i32
        %dma_wait3A_65 = arith.constant 0 : i32
        %dma_wait3A_66 = tpu.memref_slice %arg2[%dma_wait3A_64, %dma_wait3A_65] : memref<10008x128xf32, #tpu.memory_space<hbm>> -> memref<10008x128xf32, #tpu.memory_space<hbm>>
        tpu.wait_indirect_dma semaphore(%arg14 : memref<!tpu.dma_semaphore, #tpu.memory_space<semaphore_mem>>) src(%dma_wait3A_66 : memref<10008x128xf32, #tpu.memory_space<hbm>>) dst(%arg11 : memref<128x128xf32, #tpu.memory_space<vmem>>)
        "tpu.region"() ({
          %run_scoped3A = tpu.sem_alloc : memref<!tpu.dma_semaphore, #tpu.memory_space<semaphore_mem>>
          %dma_start3A_68 = arith.constant 0 : i32
          %dma_start3A_69 = tpu.memref_slice %arg9[%add3A_44, %dma_start3A_68] : memref<16x128xi32, #tpu.memory_space<vmem>> -> memref<1x128xi32, #tpu.memory_space<vmem>>
          %dma_start3A_70 = tpu.memref_squeeze %dma_start3A_69 : memref<1x128xi32, #tpu.memory_space<vmem>> -> memref<128xi32, #tpu.memory_space<vmem>>
          %dma_start3A_71 = arith.constant 0 : i32
          %dma_start3A_72 = arith.constant 0 : i32
          %dma_start3A_73 = tpu.memref_slice %arg12[%dma_start3A_71, %dma_start3A_72] : memref<10112x128xf32, #tpu.memory_space<vmem_shared>> -> memref<10112x128xf32, #tpu.memory_space<vmem_shared>>
          tpu.enqueue_indirect_dma source(%arg11 : memref<128x128xf32, #tpu.memory_space<vmem>>) target(%dma_start3A_73 : memref<10112x128xf32, #tpu.memory_space<vmem_shared>>) offsets(%dma_start3A_70 : memref<128xi32, #tpu.memory_space<vmem>>) semaphore(%run_scoped3A : memref<!tpu.dma_semaphore, #tpu.memory_space<semaphore_mem>>) {add = true}
          %dma_wait3A_74 = arith.constant 0 : i32
          %dma_wait3A_75 = tpu.memref_slice %arg9[%add3A_44, %dma_wait3A_74] : memref<16x128xi32, #tpu.memory_space<vmem>> -> memref<1x128xi32, #tpu.memory_space<vmem>>
          %dma_wait3A_76 = tpu.memref_squeeze %dma_wait3A_75 : memref<1x128xi32, #tpu.memory_space<vmem>> -> memref<128xi32, #tpu.memory_space<vmem>>
          %dma_wait3A_77 = arith.constant 0 : i32
          %dma_wait3A_78 = arith.constant 0 : i32
          %dma_wait3A_79 = tpu.memref_slice %arg12[%dma_wait3A_77, %dma_wait3A_78] : memref<10112x128xf32, #tpu.memory_space<vmem_shared>> -> memref<10112x128xf32, #tpu.memory_space<vmem_shared>>
          tpu.wait_indirect_dma semaphore(%run_scoped3A : memref<!tpu.dma_semaphore, #tpu.memory_space<semaphore_mem>>) src(%arg11 : memref<128x128xf32, #tpu.memory_space<vmem>>) dst(%dma_wait3A_79 : memref<10112x128xf32, #tpu.memory_space<vmem_shared>>)
          tpu.yield
        }) : () -> ()
        %scan3A_67 = arith.constant 0 : i32
        scf.yield %scan3A_67 : i32
      }
      %scan3A_36 = arith.constant 4 : i32
    } else {
    }
    %barrier3A_24 = arith.constant 0 : index
    tpu.barrier barrier_id(%barrier3A_24)
    "tpu.region"() ({
      %run_scoped3A = tpu.sem_alloc : memref<!tpu.dma_semaphore, #tpu.memory_space<semaphore_mem>>
      %dma_start3A = arith.constant 0 : i32
      %dma_start3A_25 = tpu.memref_slice %arg7[%arg0, %mul3A_7, %dma_start3A] : memref<2x10112x128xf32, #tpu.memory_space<hbm>> -> memref<1x632x128xf32, #tpu.memory_space<hbm>>
      %dma_start3A_26 = tpu.memref_squeeze %dma_start3A_25 : memref<1x632x128xf32, #tpu.memory_space<hbm>> -> memref<632x128xf32, #tpu.memory_space<hbm>>
      %dma_start3A_27 = arith.constant 0 : i32
      %dma_start3A_28 = tpu.memref_slice %arg12[%mul3A_7, %dma_start3A_27] : memref<10112x128xf32, #tpu.memory_space<vmem_shared>> -> memref<632x128xf32, #tpu.memory_space<vmem_shared>>
      tpu.enqueue_dma source(%dma_start3A_28 : memref<632x128xf32, #tpu.memory_space<vmem_shared>>) target(%dma_start3A_26 : memref<632x128xf32, #tpu.memory_space<hbm>>) target_semaphore(%run_scoped3A : memref<!tpu.dma_semaphore, #tpu.memory_space<semaphore_mem>>)
      %dma_wait3A = arith.constant 0 : i32
      %dma_wait3A_29 = tpu.memref_slice %arg7[%arg0, %mul3A_7, %dma_wait3A] : memref<2x10112x128xf32, #tpu.memory_space<hbm>> -> memref<1x632x128xf32, #tpu.memory_space<hbm>>
      %dma_wait3A_30 = tpu.memref_squeeze %dma_wait3A_29 : memref<1x632x128xf32, #tpu.memory_space<hbm>> -> memref<632x128xf32, #tpu.memory_space<hbm>>
      %dma_wait3A_31 = arith.constant 0 : i32
      %dma_wait3A_32 = tpu.memref_slice %arg12[%mul3A_7, %dma_wait3A_31] : memref<10112x128xf32, #tpu.memory_space<vmem_shared>> -> memref<632x128xf32, #tpu.memory_space<vmem_shared>>
      tpu.wait_dma2 semaphore(%run_scoped3A : memref<!tpu.dma_semaphore, #tpu.memory_space<semaphore_mem>>) src(%dma_wait3A_32 : memref<632x128xf32, #tpu.memory_space<vmem_shared>>) dst(%dma_wait3A_30 : memref<632x128xf32, #tpu.memory_space<hbm>>)
      tpu.yield
    }) : () -> ()
    return
  }
}

#map = affine_map<(d0, d1) -> (0, 0)>
#map1 = affine_map<(d0, d1) -> (0, 0, 0)>
module attributes {stable_mosaic.version = 14 : i64} {
  func.func @_agg_kernel(%arg0: i32, %arg1: i32, %arg2: memref<10008x128xf32, #tpu.memory_space<hbm>>, %arg3: memref<16x152x128xi32, #tpu.memory_space<hbm>>, %arg4: memref<16x152x128xi32, #tpu.memory_space<hbm>>, %arg5: memref<16x8x128xi32, #tpu.memory_space<hbm>>, %arg6: memref<16x8x128xi32, #tpu.memory_space<hbm>>, %arg7: memref<2x10112x128xf32, #tpu.memory_space<hbm>>, %arg8: memref<16x128xi32, #tpu.memory_space<vmem>>, %arg9: memref<16x128xi32, #tpu.memory_space<vmem>>, %arg10: memref<128x128xf32, #tpu.memory_space<vmem>>, %arg11: memref<128x128xf32, #tpu.memory_space<vmem>>, %arg12: memref<10112x128xf32, #tpu.memory_space<vmem_shared>>, %arg13: memref<!tpu.dma_semaphore, #tpu.memory_space<semaphore_mem>>, %arg14: memref<!tpu.dma_semaphore, #tpu.memory_space<semaphore_mem>>) attributes {dimension_semantics = [#tpu.dimension_semantics<core_parallel>, #tpu.dimension_semantics<subcore_parallel>], iteration_bounds = array<i64: 2, 16>, scalar_prefetch = 0 : i64, scratch_operands = 7 : i64, tpu.core_type = #tpu.core_type<sc_vector_subcore>, window_params = [{transform_indices = #map}, {transform_indices = #map1}, {transform_indices = #map1}, {transform_indices = #map1}, {transform_indices = #map1}, {transform_indices = #map1}]} {
    %broadcast_in_dim3A = arith.constant 0.000000e+00 : f32
    %broadcast_in_dim3A_0 = vector.broadcast %broadcast_in_dim3A : f32 to vector<16xf32>
    %scan3A = arith.constant 0 : i32
    %scan3A_1 = arith.constant 0 : i32
    %scan3A_2 = arith.constant 1024 : i32
    %scan3A_3 = arith.addi %scan3A_1, %scan3A_2 : i32
    %scan3A_4 = arith.constant 1 : i32
    %scan3A_5 = scf.for %scan3A_25 = %scan3A_1 to %scan3A_3 step %scan3A_4 iter_args(%scan3A_26 = %scan3A) -> (i32)  : i32 {
      %jit3A = arith.constant 8 : i32
      %div3A = arith.divsi %scan3A_25, %jit3A : i32
      %sign3A = arith.constant 0 : i32
      %sign3A_27 = arith.cmpi sgt, %scan3A_25, %sign3A : i32
      %sign3A_28 = arith.extui %sign3A_27 : i1 to i32
      %sign3A_29 = arith.constant 0 : i32
      %sign3A_30 = arith.cmpi slt, %scan3A_25, %sign3A_29 : i32
      %sign3A_31 = arith.extui %sign3A_30 : i1 to i32
      %sign3A_32 = arith.subi %sign3A_28, %sign3A_31 : i32
      %sign3A_33 = arith.constant 0 : i32
      %sign3A_34 = arith.cmpi sgt, %jit3A, %sign3A_33 : i32
      %sign3A_35 = arith.extui %sign3A_34 : i1 to i32
      %sign3A_36 = arith.constant 0 : i32
      %sign3A_37 = arith.cmpi slt, %jit3A, %sign3A_36 : i32
      %sign3A_38 = arith.extui %sign3A_37 : i1 to i32
      %sign3A_39 = arith.subi %sign3A_35, %sign3A_38 : i32
      %ne3A = arith.cmpi ne, %sign3A_32, %sign3A_39 : i32
      %rem3A = arith.remsi %scan3A_25, %jit3A : i32
      %ne3A_40 = arith.constant 0 : i32
      %ne3A_41 = arith.cmpi ne, %rem3A, %ne3A_40 : i32
      %and3A = arith.andi %ne3A, %ne3A_41 : i1
      %sub3A = arith.constant 1 : i32
      %sub3A_42 = arith.subi %div3A, %sub3A : i32
      %select_n3A = arith.select %and3A, %sub3A_42, %div3A : i32
      %jit3A_43 = arith.constant 8 : i32
      %eq3A_44 = arith.constant 0 : i32
      %eq3A_45 = arith.cmpi eq, %jit3A_43, %eq3A_44 : i32
      %jit3A_46 = arith.constant 1 : i32
      %select_n3A_47 = arith.select %eq3A_45, %jit3A_46, %jit3A_43 : i32
      %rem3A_48 = arith.remsi %scan3A_25, %select_n3A_47 : i32
      %ne3A_49 = arith.constant 0 : i32
      %ne3A_50 = arith.cmpi ne, %rem3A_48, %ne3A_49 : i32
      %lt3A = arith.constant 0 : i32
      %lt3A_51 = arith.cmpi slt, %rem3A_48, %lt3A : i32
      %lt3A_52 = arith.constant 0 : i32
      %lt3A_53 = arith.cmpi slt, %select_n3A_47, %lt3A_52 : i32
      %ne3A_54 = arith.xori %lt3A_51, %lt3A_53 : i1
      %and3A_55 = arith.andi %ne3A_54, %ne3A_50 : i1
      %add3A_56 = arith.addi %rem3A_48, %select_n3A_47 : i32
      %select_n3A_57 = arith.select %and3A_55, %add3A_56, %rem3A_48 : i32
      %mul3A_58 = arith.constant 16 : i32
      %mul3A_59 = arith.muli %select_n3A_57, %mul3A_58 : i32
      %swap3A = arith.index_cast %select_n3A : i32 to index
      %swap3A_60 = arith.index_cast %mul3A_59 : i32 to index
      %swap3A_61 = tpu.vector_load %arg10[%swap3A, %swap3A_60] {strides = array<i32>} : memref<128x128xf32, #tpu.memory_space<vmem>>, vector<1x16xf32>,
      %swap3A_62 = vector.shape_cast %swap3A_61 : vector<1x16xf32> to vector<16xf32>
      %swap3A_63 = vector.shape_cast %broadcast_in_dim3A_0 : vector<16xf32> to vector<1x16xf32>
      tpu.vector_store %arg10[%swap3A, %swap3A_60], %swap3A_63 {strides = array<i32>} : memref<128x128xf32, #tpu.memory_space<vmem>>, vector<1x16xf32>,
      %scan3A_64 = arith.constant 0 : i32
      scf.yield %scan3A_64 : i32
    }
    %scan3A_6 = arith.constant 1024 : i32
    %mul3A = arith.constant 632 : i32
    %mul3A_7 = arith.muli %arg1, %mul3A : i32
    %add3A = arith.constant 0 : i32
    %add3A_8 = arith.addi %mul3A_7, %add3A : i32
    "tpu.region"() ({
      %run_scoped3A = tpu.sem_alloc : memref<!tpu.dma_semaphore, #tpu.memory_space<semaphore_mem>>
      %dma_start3A = arith.constant 0 : i32
      %dma_start3A_25 = tpu.memref_slice %arg12[%add3A_8, %dma_start3A] : memref<10112x128xf32, #tpu.memory_space<vmem_shared>> -> memref<128x128xf32, #tpu.memory_space<vmem_shared>>
      %dma_start3A_26 = arith.constant 0 : i32
      %dma_start3A_27 = tpu.memref_slice %arg12[%add3A_8, %dma_start3A_26] : memref<10112x128xf32, #tpu.memory_space<vmem_shared>> -> memref<128x128xf32, #tpu.memory_space<vmem_shared>>
      tpu.enqueue_dma source(%arg10 : memref<128x128xf32, #tpu.memory_space<vmem>>) target(%dma_start3A_27 : memref<128x128xf32, #tpu.memory_space<vmem_shared>>) target_semaphore(%run_scoped3A : memref<!tpu.dma_semaphore, #tpu.memory_space<semaphore_mem>>)
      %dma_wait3A = arith.constant 0 : i32
      %dma_wait3A_28 = tpu.memref_slice %arg12[%add3A_8, %dma_wait3A] : memref<10112x128xf32, #tpu.memory_space<vmem_shared>> -> memref<128x128xf32, #tpu.memory_space<vmem_shared>>
      %dma_wait3A_29 = arith.constant 0 : i32
      %dma_wait3A_30 = tpu.memref_slice %arg12[%add3A_8, %dma_wait3A_29] : memref<10112x128xf32, #tpu.memory_space<vmem_shared>> -> memref<128x128xf32, #tpu.memory_space<vmem_shared>>
      tpu.wait_dma2 semaphore(%run_scoped3A : memref<!tpu.dma_semaphore, #tpu.memory_space<semaphore_mem>>) src(%arg10 : memref<128x128xf32, #tpu.memory_space<vmem>>) dst(%dma_wait3A_30 : memref<128x128xf32, #tpu.memory_space<vmem_shared>>)
      tpu.yield
    }) : () -> ()
    %add3A_9 = arith.constant 128 : i32
    %add3A_10 = arith.addi %mul3A_7, %add3A_9 : i32
    "tpu.region"() ({
      %run_scoped3A = tpu.sem_alloc : memref<!tpu.dma_semaphore, #tpu.memory_space<semaphore_mem>>
      %dma_start3A = arith.constant 0 : i32
      %dma_start3A_25 = tpu.memref_slice %arg12[%add3A_10, %dma_start3A] : memref<10112x128xf32, #tpu.memory_space<vmem_shared>> -> memref<128x128xf32, #tpu.memory_space<vmem_shared>>
      %dma_start3A_26 = arith.constant 0 : i32
      %dma_start3A_27 = tpu.memref_slice %arg12[%add3A_10, %dma_start3A_26] : memref<10112x128xf32, #tpu.memory_space<vmem_shared>> -> memref<128x128xf32, #tpu.memory_space<vmem_shared>>
      tpu.enqueue_dma source(%arg10 : memref<128x128xf32, #tpu.memory_space<vmem>>) target(%dma_start3A_27 : memref<128x128xf32, #tpu.memory_space<vmem_shared>>) target_semaphore(%run_scoped3A : memref<!tpu.dma_semaphore, #tpu.memory_space<semaphore_mem>>)
      %dma_wait3A = arith.constant 0 : i32
      %dma_wait3A_28 = tpu.memref_slice %arg12[%add3A_10, %dma_wait3A] : memref<10112x128xf32, #tpu.memory_space<vmem_shared>> -> memref<128x128xf32, #tpu.memory_space<vmem_shared>>
      %dma_wait3A_29 = arith.constant 0 : i32
      %dma_wait3A_30 = tpu.memref_slice %arg12[%add3A_10, %dma_wait3A_29] : memref<10112x128xf32, #tpu.memory_space<vmem_shared>> -> memref<128x128xf32, #tpu.memory_space<vmem_shared>>
      tpu.wait_dma2 semaphore(%run_scoped3A : memref<!tpu.dma_semaphore, #tpu.memory_space<semaphore_mem>>) src(%arg10 : memref<128x128xf32, #tpu.memory_space<vmem>>) dst(%dma_wait3A_30 : memref<128x128xf32, #tpu.memory_space<vmem_shared>>)
      tpu.yield
    }) : () -> ()
    %add3A_11 = arith.constant 256 : i32
    %add3A_12 = arith.addi %mul3A_7, %add3A_11 : i32
    "tpu.region"() ({
      %run_scoped3A = tpu.sem_alloc : memref<!tpu.dma_semaphore, #tpu.memory_space<semaphore_mem>>
      %dma_start3A = arith.constant 0 : i32
      %dma_start3A_25 = tpu.memref_slice %arg12[%add3A_12, %dma_start3A] : memref<10112x128xf32, #tpu.memory_space<vmem_shared>> -> memref<128x128xf32, #tpu.memory_space<vmem_shared>>
      %dma_start3A_26 = arith.constant 0 : i32
      %dma_start3A_27 = tpu.memref_slice %arg12[%add3A_12, %dma_start3A_26] : memref<10112x128xf32, #tpu.memory_space<vmem_shared>> -> memref<128x128xf32, #tpu.memory_space<vmem_shared>>
      tpu.enqueue_dma source(%arg10 : memref<128x128xf32, #tpu.memory_space<vmem>>) target(%dma_start3A_27 : memref<128x128xf32, #tpu.memory_space<vmem_shared>>) target_semaphore(%run_scoped3A : memref<!tpu.dma_semaphore, #tpu.memory_space<semaphore_mem>>)
      %dma_wait3A = arith.constant 0 : i32
      %dma_wait3A_28 = tpu.memref_slice %arg12[%add3A_12, %dma_wait3A] : memref<10112x128xf32, #tpu.memory_space<vmem_shared>> -> memref<128x128xf32, #tpu.memory_space<vmem_shared>>
      %dma_wait3A_29 = arith.constant 0 : i32
      %dma_wait3A_30 = tpu.memref_slice %arg12[%add3A_12, %dma_wait3A_29] : memref<10112x128xf32, #tpu.memory_space<vmem_shared>> -> memref<128x128xf32, #tpu.memory_space<vmem_shared>>
      tpu.wait_dma2 semaphore(%run_scoped3A : memref<!tpu.dma_semaphore, #tpu.memory_space<semaphore_mem>>) src(%arg10 : memref<128x128xf32, #tpu.memory_space<vmem>>) dst(%dma_wait3A_30 : memref<128x128xf32, #tpu.memory_space<vmem_shared>>)
      tpu.yield
    }) : () -> ()
    %add3A_13 = arith.constant 384 : i32
    %add3A_14 = arith.addi %mul3A_7, %add3A_13 : i32
    "tpu.region"() ({
      %run_scoped3A = tpu.sem_alloc : memref<!tpu.dma_semaphore, #tpu.memory_space<semaphore_mem>>
      %dma_start3A = arith.constant 0 : i32
      %dma_start3A_25 = tpu.memref_slice %arg12[%add3A_14, %dma_start3A] : memref<10112x128xf32, #tpu.memory_space<vmem_shared>> -> memref<128x128xf32, #tpu.memory_space<vmem_shared>>
      %dma_start3A_26 = arith.constant 0 : i32
      %dma_start3A_27 = tpu.memref_slice %arg12[%add3A_14, %dma_start3A_26] : memref<10112x128xf32, #tpu.memory_space<vmem_shared>> -> memref<128x128xf32, #tpu.memory_space<vmem_shared>>
      tpu.enqueue_dma source(%arg10 : memref<128x128xf32, #tpu.memory_space<vmem>>) target(%dma_start3A_27 : memref<128x128xf32, #tpu.memory_space<vmem_shared>>) target_semaphore(%run_scoped3A : memref<!tpu.dma_semaphore, #tpu.memory_space<semaphore_mem>>)
      %dma_wait3A = arith.constant 0 : i32
      %dma_wait3A_28 = tpu.memref_slice %arg12[%add3A_14, %dma_wait3A] : memref<10112x128xf32, #tpu.memory_space<vmem_shared>> -> memref<128x128xf32, #tpu.memory_space<vmem_shared>>
      %dma_wait3A_29 = arith.constant 0 : i32
      %dma_wait3A_30 = tpu.memref_slice %arg12[%add3A_14, %dma_wait3A_29] : memref<10112x128xf32, #tpu.memory_space<vmem_shared>> -> memref<128x128xf32, #tpu.memory_space<vmem_shared>>
      tpu.wait_dma2 semaphore(%run_scoped3A : memref<!tpu.dma_semaphore, #tpu.memory_space<semaphore_mem>>) src(%arg10 : memref<128x128xf32, #tpu.memory_space<vmem>>) dst(%dma_wait3A_30 : memref<128x128xf32, #tpu.memory_space<vmem_shared>>)
      tpu.yield
    }) : () -> ()
    %add3A_15 = arith.constant 512 : i32
    %add3A_16 = arith.addi %mul3A_7, %add3A_15 : i32
    "tpu.region"() ({
      %run_scoped3A = tpu.sem_alloc : memref<!tpu.dma_semaphore, #tpu.memory_space<semaphore_mem>>
      %dma_start3A = arith.constant 0 : i32
      %dma_start3A_25 = arith.constant 0 : i32
      %dma_start3A_26 = tpu.memref_slice %arg10[%dma_start3A, %dma_start3A_25] : memref<128x128xf32, #tpu.memory_space<vmem>> -> memref<120x128xf32, #tpu.memory_space<vmem>>
      %dma_start3A_27 = arith.constant 0 : i32
      %dma_start3A_28 = tpu.memref_slice %arg12[%add3A_16, %dma_start3A_27] : memref<10112x128xf32, #tpu.memory_space<vmem_shared>> -> memref<120x128xf32, #tpu.memory_space<vmem_shared>>
      %dma_start3A_29 = arith.constant 0 : i32
      %dma_start3A_30 = tpu.memref_slice %arg12[%add3A_16, %dma_start3A_29] : memref<10112x128xf32, #tpu.memory_space<vmem_shared>> -> memref<120x128xf32, #tpu.memory_space<vmem_shared>>
      %dma_start3A_31 = arith.constant 0 : i32
      %dma_start3A_32 = arith.constant 0 : i32
      %dma_start3A_33 = tpu.memref_slice %arg10[%dma_start3A_31, %dma_start3A_32] : memref<128x128xf32, #tpu.memory_space<vmem>> -> memref<120x128xf32, #tpu.memory_space<vmem>>
      tpu.enqueue_dma source(%dma_start3A_33 : memref<120x128xf32, #tpu.memory_space<vmem>>) target(%dma_start3A_30 : memref<120x128xf32, #tpu.memory_space<vmem_shared>>) target_semaphore(%run_scoped3A : memref<!tpu.dma_semaphore, #tpu.memory_space<semaphore_mem>>)
      %dma_wait3A = arith.constant 0 : i32
      %dma_wait3A_34 = arith.constant 0 : i32
      %dma_wait3A_35 = tpu.memref_slice %arg10[%dma_wait3A, %dma_wait3A_34] : memref<128x128xf32, #tpu.memory_space<vmem>> -> memref<120x128xf32, #tpu.memory_space<vmem>>
      %dma_wait3A_36 = arith.constant 0 : i32
      %dma_wait3A_37 = tpu.memref_slice %arg12[%add3A_16, %dma_wait3A_36] : memref<10112x128xf32, #tpu.memory_space<vmem_shared>> -> memref<120x128xf32, #tpu.memory_space<vmem_shared>>
      %dma_wait3A_38 = arith.constant 0 : i32
      %dma_wait3A_39 = tpu.memref_slice %arg12[%add3A_16, %dma_wait3A_38] : memref<10112x128xf32, #tpu.memory_space<vmem_shared>> -> memref<120x128xf32, #tpu.memory_space<vmem_shared>>
      %dma_wait3A_40 = arith.constant 0 : i32
      %dma_wait3A_41 = arith.constant 0 : i32
      %dma_wait3A_42 = tpu.memref_slice %arg10[%dma_wait3A_40, %dma_wait3A_41] : memref<128x128xf32, #tpu.memory_space<vmem>> -> memref<120x128xf32, #tpu.memory_space<vmem>>
      tpu.wait_dma2 semaphore(%run_scoped3A : memref<!tpu.dma_semaphore, #tpu.memory_space<semaphore_mem>>) src(%dma_wait3A_42 : memref<120x128xf32, #tpu.memory_space<vmem>>) dst(%dma_wait3A_39 : memref<120x128xf32, #tpu.memory_space<vmem_shared>>)
      tpu.yield
    }) : () -> ()
    %barrier3A = arith.constant 0 : index
    tpu.barrier barrier_id(%barrier3A)
    %eq3A = arith.constant 0 : i32
    %eq3A_17 = arith.cmpi eq, %arg0, %eq3A : i32
    %convert_element_type3A = arith.extui %eq3A_17 : i1 to i32
    %cond3A = arith.constant 0 : i32
    %cond3A_18 = arith.cmpi ne, %convert_element_type3A, %cond3A : i32
    scf.if %cond3A_18 {
      %scan3A_25 = arith.constant 0 : i32
      %scan3A_26 = arith.constant 0 : i32
      %scan3A_27 = arith.constant 9 : i32
      %scan3A_28 = arith.addi %scan3A_26, %scan3A_27 : i32
      %scan3A_29 = arith.constant 1 : i32
      %scan3A_30 = scf.for %scan3A_39 = %scan3A_26 to %scan3A_28 step %scan3A_29 iter_args(%scan3A_40 = %scan3A_25) -> (i32)  : i32 {
        %mul3A_41 = arith.constant 16 : i32
        %mul3A_42 = arith.muli %scan3A_39, %mul3A_41 : i32
        "tpu.region"() ({
          %run_scoped3A = tpu.sem_alloc : memref<!tpu.dma_semaphore, #tpu.memory_space<semaphore_mem>>
          %dma_start3A = arith.constant 0 : i32
          %dma_start3A_51 = tpu.memref_slice %arg3[%arg1, %mul3A_42, %dma_start3A] : memref<16x152x128xi32, #tpu.memory_space<hbm>> -> memref<1x16x128xi32, #tpu.memory_space<hbm>>
          %dma_start3A_52 = tpu.memref_squeeze %dma_start3A_51 : memref<1x16x128xi32, #tpu.memory_space<hbm>> -> memref<16x128xi32, #tpu.memory_space<hbm>>
          %dma_start3A_53 = arith.constant 0 : i32
          %dma_start3A_54 = tpu.memref_slice %arg3[%arg1, %mul3A_42, %dma_start3A_53] : memref<16x152x128xi32, #tpu.memory_space<hbm>> -> memref<1x16x128xi32, #tpu.memory_space<hbm>>
          %dma_start3A_55 = tpu.memref_squeeze %dma_start3A_54 : memref<1x16x128xi32, #tpu.memory_space<hbm>> -> memref<16x128xi32, #tpu.memory_space<hbm>>
          tpu.enqueue_dma source(%dma_start3A_55 : memref<16x128xi32, #tpu.memory_space<hbm>>) target(%arg8 : memref<16x128xi32, #tpu.memory_space<vmem>>) target_semaphore(%run_scoped3A : memref<!tpu.dma_semaphore, #tpu.memory_space<semaphore_mem>>)
          %dma_wait3A = arith.constant 0 : i32
          %dma_wait3A_56 = tpu.memref_slice %arg3[%arg1, %mul3A_42, %dma_wait3A] : memref<16x152x128xi32, #tpu.memory_space<hbm>> -> memref<1x16x128xi32, #tpu.memory_space<hbm>>
          %dma_wait3A_57 = tpu.memref_squeeze %dma_wait3A_56 : memref<1x16x128xi32, #tpu.memory_space<hbm>> -> memref<16x128xi32, #tpu.memory_space<hbm>>
          %dma_wait3A_58 = arith.constant 0 : i32
          %dma_wait3A_59 = tpu.memref_slice %arg3[%arg1, %mul3A_42, %dma_wait3A_58] : memref<16x152x128xi32, #tpu.memory_space<hbm>> -> memref<1x16x128xi32, #tpu.memory_space<hbm>>
          %dma_wait3A_60 = tpu.memref_squeeze %dma_wait3A_59 : memref<1x16x128xi32, #tpu.memory_space<hbm>> -> memref<16x128xi32, #tpu.memory_space<hbm>>
          tpu.wait_dma2 semaphore(%run_scoped3A : memref<!tpu.dma_semaphore, #tpu.memory_space<semaphore_mem>>) src(%dma_wait3A_60 : memref<16x128xi32, #tpu.memory_space<hbm>>) dst(%arg8 : memref<16x128xi32, #tpu.memory_space<vmem>>)
          tpu.yield
        }) : () -> ()
        "tpu.region"() ({
          %run_scoped3A = tpu.sem_alloc : memref<!tpu.dma_semaphore, #tpu.memory_space<semaphore_mem>>
          %dma_start3A = arith.constant 0 : i32
          %dma_start3A_51 = tpu.memref_slice %arg4[%arg1, %mul3A_42, %dma_start3A] : memref<16x152x128xi32, #tpu.memory_space<hbm>> -> memref<1x16x128xi32, #tpu.memory_space<hbm>>
          %dma_start3A_52 = tpu.memref_squeeze %dma_start3A_51 : memref<1x16x128xi32, #tpu.memory_space<hbm>> -> memref<16x128xi32, #tpu.memory_space<hbm>>
          %dma_start3A_53 = arith.constant 0 : i32
          %dma_start3A_54 = tpu.memref_slice %arg4[%arg1, %mul3A_42, %dma_start3A_53] : memref<16x152x128xi32, #tpu.memory_space<hbm>> -> memref<1x16x128xi32, #tpu.memory_space<hbm>>
          %dma_start3A_55 = tpu.memref_squeeze %dma_start3A_54 : memref<1x16x128xi32, #tpu.memory_space<hbm>> -> memref<16x128xi32, #tpu.memory_space<hbm>>
          tpu.enqueue_dma source(%dma_start3A_55 : memref<16x128xi32, #tpu.memory_space<hbm>>) target(%arg9 : memref<16x128xi32, #tpu.memory_space<vmem>>) target_semaphore(%run_scoped3A : memref<!tpu.dma_semaphore, #tpu.memory_space<semaphore_mem>>)
          %dma_wait3A = arith.constant 0 : i32
          %dma_wait3A_56 = tpu.memref_slice %arg4[%arg1, %mul3A_42, %dma_wait3A] : memref<16x152x128xi32, #tpu.memory_space<hbm>> -> memref<1x16x128xi32, #tpu.memory_space<hbm>>
          %dma_wait3A_57 = tpu.memref_squeeze %dma_wait3A_56 : memref<1x16x128xi32, #tpu.memory_space<hbm>> -> memref<16x128xi32, #tpu.memory_space<hbm>>
          %dma_wait3A_58 = arith.constant 0 : i32
          %dma_wait3A_59 = tpu.memref_slice %arg4[%arg1, %mul3A_42, %dma_wait3A_58] : memref<16x152x128xi32, #tpu.memory_space<hbm>> -> memref<1x16x128xi32, #tpu.memory_space<hbm>>
          %dma_wait3A_60 = tpu.memref_squeeze %dma_wait3A_59 : memref<1x16x128xi32, #tpu.memory_space<hbm>> -> memref<16x128xi32, #tpu.memory_space<hbm>>
          tpu.wait_dma2 semaphore(%run_scoped3A : memref<!tpu.dma_semaphore, #tpu.memory_space<semaphore_mem>>) src(%dma_wait3A_60 : memref<16x128xi32, #tpu.memory_space<hbm>>) dst(%arg9 : memref<16x128xi32, #tpu.memory_space<vmem>>)
          tpu.yield
        }) : () -> ()
        %scan3A_43 = arith.constant 0 : i32
        %scan3A_44 = arith.constant 0 : i32
        %scan3A_45 = arith.constant 8 : i32
        %scan3A_46 = arith.addi %scan3A_44, %scan3A_45 : i32
        %scan3A_47 = arith.constant 1 : i32
        %scan3A_48 = scf.for %scan3A_51 = %scan3A_44 to %scan3A_46 step %scan3A_47 iter_args(%scan3A_52 = %scan3A_43) -> (i32)  : i32 {
          %mul3A_53 = arith.constant 2 : i32
          %mul3A_54 = arith.muli %mul3A_53, %scan3A_51 : i32
          %mul3A_55 = arith.constant 2 : i32
          %mul3A_56 = arith.muli %mul3A_55, %scan3A_51 : i32
          %add3A_57 = arith.constant 1 : i32
          %add3A_58 = arith.addi %mul3A_56, %add3A_57 : i32
          %dma_start3A = arith.constant 0 : i32
          %dma_start3A_59 = tpu.memref_slice %arg8[%mul3A_54, %dma_start3A] : memref<16x128xi32, #tpu.memory_space<vmem>> -> memref<1x128xi32, #tpu.memory_space<vmem>>
          %dma_start3A_60 = tpu.memref_squeeze %dma_start3A_59 : memref<1x128xi32, #tpu.memory_space<vmem>> -> memref<128xi32, #tpu.memory_space<vmem>>
          %dma_start3A_61 = arith.constant 0 : i32
          %dma_start3A_62 = arith.constant 0 : i32
          %dma_start3A_63 = tpu.memref_slice %arg2[%dma_start3A_61, %dma_start3A_62] : memref<10008x128xf32, #tpu.memory_space<hbm>> -> memref<10008x128xf32, #tpu.memory_space<hbm>>
          tpu.enqueue_indirect_dma source(%dma_start3A_63 : memref<10008x128xf32, #tpu.memory_space<hbm>>) target(%arg10 : memref<128x128xf32, #tpu.memory_space<vmem>>) offsets(%dma_start3A_60 : memref<128xi32, #tpu.memory_space<vmem>>) semaphore(%arg13 : memref<!tpu.dma_semaphore, #tpu.memory_space<semaphore_mem>>)
          %dma_start3A_64 = arith.constant 0 : i32
          %dma_start3A_65 = tpu.memref_slice %arg8[%add3A_58, %dma_start3A_64] : memref<16x128xi32, #tpu.memory_space<vmem>> -> memref<1x128xi32, #tpu.memory_space<vmem>>
          %dma_start3A_66 = tpu.memref_squeeze %dma_start3A_65 : memref<1x128xi32, #tpu.memory_space<vmem>> -> memref<128xi32, #tpu.memory_space<vmem>>
          %dma_start3A_67 = arith.constant 0 : i32
          %dma_start3A_68 = arith.constant 0 : i32
          %dma_start3A_69 = tpu.memref_slice %arg2[%dma_start3A_67, %dma_start3A_68] : memref<10008x128xf32, #tpu.memory_space<hbm>> -> memref<10008x128xf32, #tpu.memory_space<hbm>>
          tpu.enqueue_indirect_dma source(%dma_start3A_69 : memref<10008x128xf32, #tpu.memory_space<hbm>>) target(%arg11 : memref<128x128xf32, #tpu.memory_space<vmem>>) offsets(%dma_start3A_66 : memref<128xi32, #tpu.memory_space<vmem>>) semaphore(%arg14 : memref<!tpu.dma_semaphore, #tpu.memory_space<semaphore_mem>>)
          %dma_wait3A = arith.constant 0 : i32
          %dma_wait3A_70 = tpu.memref_slice %arg8[%mul3A_54, %dma_wait3A] : memref<16x128xi32, #tpu.memory_space<vmem>> -> memref<1x128xi32, #tpu.memory_space<vmem>>
          %dma_wait3A_71 = tpu.memref_squeeze %dma_wait3A_70 : memref<1x128xi32, #tpu.memory_space<vmem>> -> memref<128xi32, #tpu.memory_space<vmem>>
          %dma_wait3A_72 = arith.constant 0 : i32
          %dma_wait3A_73 = arith.constant 0 : i32
          %dma_wait3A_74 = tpu.memref_slice %arg2[%dma_wait3A_72, %dma_wait3A_73] : memref<10008x128xf32, #tpu.memory_space<hbm>> -> memref<10008x128xf32, #tpu.memory_space<hbm>>
          tpu.wait_indirect_dma semaphore(%arg13 : memref<!tpu.dma_semaphore, #tpu.memory_space<semaphore_mem>>) src(%dma_wait3A_74 : memref<10008x128xf32, #tpu.memory_space<hbm>>) dst(%arg10 : memref<128x128xf32, #tpu.memory_space<vmem>>)
          "tpu.region"() ({
            %run_scoped3A = tpu.sem_alloc : memref<!tpu.dma_semaphore, #tpu.memory_space<semaphore_mem>>
            %dma_start3A_82 = arith.constant 0 : i32
            %dma_start3A_83 = tpu.memref_slice %arg9[%mul3A_54, %dma_start3A_82] : memref<16x128xi32, #tpu.memory_space<vmem>> -> memref<1x128xi32, #tpu.memory_space<vmem>>
            %dma_start3A_84 = tpu.memref_squeeze %dma_start3A_83 : memref<1x128xi32, #tpu.memory_space<vmem>> -> memref<128xi32, #tpu.memory_space<vmem>>
            %dma_start3A_85 = arith.constant 0 : i32
            %dma_start3A_86 = arith.constant 0 : i32
            %dma_start3A_87 = tpu.memref_slice %arg12[%dma_start3A_85, %dma_start3A_86] : memref<10112x128xf32, #tpu.memory_space<vmem_shared>> -> memref<10112x128xf32, #tpu.memory_space<vmem_shared>>
            tpu.enqueue_indirect_dma source(%arg10 : memref<128x128xf32, #tpu.memory_space<vmem>>) target(%dma_start3A_87 : memref<10112x128xf32, #tpu.memory_space<vmem_shared>>) offsets(%dma_start3A_84 : memref<128xi32, #tpu.memory_space<vmem>>) semaphore(%run_scoped3A : memref<!tpu.dma_semaphore, #tpu.memory_space<semaphore_mem>>) {add = true}
            %dma_wait3A_88 = arith.constant 0 : i32
            %dma_wait3A_89 = tpu.memref_slice %arg9[%mul3A_54, %dma_wait3A_88] : memref<16x128xi32, #tpu.memory_space<vmem>> -> memref<1x128xi32, #tpu.memory_space<vmem>>
            %dma_wait3A_90 = tpu.memref_squeeze %dma_wait3A_89 : memref<1x128xi32, #tpu.memory_space<vmem>> -> memref<128xi32, #tpu.memory_space<vmem>>
            %dma_wait3A_91 = arith.constant 0 : i32
            %dma_wait3A_92 = arith.constant 0 : i32
            %dma_wait3A_93 = tpu.memref_slice %arg12[%dma_wait3A_91, %dma_wait3A_92] : memref<10112x128xf32, #tpu.memory_space<vmem_shared>> -> memref<10112x128xf32, #tpu.memory_space<vmem_shared>>
            tpu.wait_indirect_dma semaphore(%run_scoped3A : memref<!tpu.dma_semaphore, #tpu.memory_space<semaphore_mem>>) src(%arg10 : memref<128x128xf32, #tpu.memory_space<vmem>>) dst(%dma_wait3A_93 : memref<10112x128xf32, #tpu.memory_space<vmem_shared>>)
            tpu.yield
          }) : () -> ()
          %dma_wait3A_75 = arith.constant 0 : i32
          %dma_wait3A_76 = tpu.memref_slice %arg8[%add3A_58, %dma_wait3A_75] : memref<16x128xi32, #tpu.memory_space<vmem>> -> memref<1x128xi32, #tpu.memory_space<vmem>>
          %dma_wait3A_77 = tpu.memref_squeeze %dma_wait3A_76 : memref<1x128xi32, #tpu.memory_space<vmem>> -> memref<128xi32, #tpu.memory_space<vmem>>
          %dma_wait3A_78 = arith.constant 0 : i32
          %dma_wait3A_79 = arith.constant 0 : i32
          %dma_wait3A_80 = tpu.memref_slice %arg2[%dma_wait3A_78, %dma_wait3A_79] : memref<10008x128xf32, #tpu.memory_space<hbm>> -> memref<10008x128xf32, #tpu.memory_space<hbm>>
          tpu.wait_indirect_dma semaphore(%arg14 : memref<!tpu.dma_semaphore, #tpu.memory_space<semaphore_mem>>) src(%dma_wait3A_80 : memref<10008x128xf32, #tpu.memory_space<hbm>>) dst(%arg11 : memref<128x128xf32, #tpu.memory_space<vmem>>)
          "tpu.region"() ({
            %run_scoped3A = tpu.sem_alloc : memref<!tpu.dma_semaphore, #tpu.memory_space<semaphore_mem>>
            %dma_start3A_82 = arith.constant 0 : i32
            %dma_start3A_83 = tpu.memref_slice %arg9[%add3A_58, %dma_start3A_82] : memref<16x128xi32, #tpu.memory_space<vmem>> -> memref<1x128xi32, #tpu.memory_space<vmem>>
            %dma_start3A_84 = tpu.memref_squeeze %dma_start3A_83 : memref<1x128xi32, #tpu.memory_space<vmem>> -> memref<128xi32, #tpu.memory_space<vmem>>
            %dma_start3A_85 = arith.constant 0 : i32
            %dma_start3A_86 = arith.constant 0 : i32
            %dma_start3A_87 = tpu.memref_slice %arg12[%dma_start3A_85, %dma_start3A_86] : memref<10112x128xf32, #tpu.memory_space<vmem_shared>> -> memref<10112x128xf32, #tpu.memory_space<vmem_shared>>
            tpu.enqueue_indirect_dma source(%arg11 : memref<128x128xf32, #tpu.memory_space<vmem>>) target(%dma_start3A_87 : memref<10112x128xf32, #tpu.memory_space<vmem_shared>>) offsets(%dma_start3A_84 : memref<128xi32, #tpu.memory_space<vmem>>) semaphore(%run_scoped3A : memref<!tpu.dma_semaphore, #tpu.memory_space<semaphore_mem>>) {add = true}
            %dma_wait3A_88 = arith.constant 0 : i32
            %dma_wait3A_89 = tpu.memref_slice %arg9[%add3A_58, %dma_wait3A_88] : memref<16x128xi32, #tpu.memory_space<vmem>> -> memref<1x128xi32, #tpu.memory_space<vmem>>
            %dma_wait3A_90 = tpu.memref_squeeze %dma_wait3A_89 : memref<1x128xi32, #tpu.memory_space<vmem>> -> memref<128xi32, #tpu.memory_space<vmem>>
            %dma_wait3A_91 = arith.constant 0 : i32
            %dma_wait3A_92 = arith.constant 0 : i32
            %dma_wait3A_93 = tpu.memref_slice %arg12[%dma_wait3A_91, %dma_wait3A_92] : memref<10112x128xf32, #tpu.memory_space<vmem_shared>> -> memref<10112x128xf32, #tpu.memory_space<vmem_shared>>
            tpu.wait_indirect_dma semaphore(%run_scoped3A : memref<!tpu.dma_semaphore, #tpu.memory_space<semaphore_mem>>) src(%arg11 : memref<128x128xf32, #tpu.memory_space<vmem>>) dst(%dma_wait3A_93 : memref<10112x128xf32, #tpu.memory_space<vmem_shared>>)
            tpu.yield
          }) : () -> ()
          %scan3A_81 = arith.constant 0 : i32
          scf.yield %scan3A_81 : i32
        }
        %scan3A_49 = arith.constant 8 : i32
        %scan3A_50 = arith.constant 0 : i32
        scf.yield %scan3A_50 : i32
      }
      %scan3A_31 = arith.constant 9 : i32
      "tpu.region"() ({
        %run_scoped3A = tpu.sem_alloc : memref<!tpu.dma_semaphore, #tpu.memory_space<semaphore_mem>>
        %dma_start3A = arith.constant 0 : i32
        %dma_start3A_39 = arith.constant 0 : i32
        %dma_start3A_40 = tpu.memref_slice %arg8[%dma_start3A, %dma_start3A_39] : memref<16x128xi32, #tpu.memory_space<vmem>> -> memref<8x128xi32, #tpu.memory_space<vmem>>
        %dma_start3A_41 = arith.constant 144 : i32
        %dma_start3A_42 = arith.constant 0 : i32
        %dma_start3A_43 = tpu.memref_slice %arg3[%arg1, %dma_start3A_41, %dma_start3A_42] : memref<16x152x128xi32, #tpu.memory_space<hbm>> -> memref<1x8x128xi32, #tpu.memory_space<hbm>>
        %dma_start3A_44 = tpu.memref_squeeze %dma_start3A_43 : memref<1x8x128xi32, #tpu.memory_space<hbm>> -> memref<8x128xi32, #tpu.memory_space<hbm>>
        %dma_start3A_45 = arith.constant 0 : i32
        %dma_start3A_46 = arith.constant 0 : i32
        %dma_start3A_47 = tpu.memref_slice %arg8[%dma_start3A_45, %dma_start3A_46] : memref<16x128xi32, #tpu.memory_space<vmem>> -> memref<8x128xi32, #tpu.memory_space<vmem>>
        %dma_start3A_48 = arith.constant 144 : i32
        %dma_start3A_49 = arith.constant 0 : i32
        %dma_start3A_50 = tpu.memref_slice %arg3[%arg1, %dma_start3A_48, %dma_start3A_49] : memref<16x152x128xi32, #tpu.memory_space<hbm>> -> memref<1x8x128xi32, #tpu.memory_space<hbm>>
        %dma_start3A_51 = tpu.memref_squeeze %dma_start3A_50 : memref<1x8x128xi32, #tpu.memory_space<hbm>> -> memref<8x128xi32, #tpu.memory_space<hbm>>
        tpu.enqueue_dma source(%dma_start3A_51 : memref<8x128xi32, #tpu.memory_space<hbm>>) target(%dma_start3A_47 : memref<8x128xi32, #tpu.memory_space<vmem>>) target_semaphore(%run_scoped3A : memref<!tpu.dma_semaphore, #tpu.memory_space<semaphore_mem>>)
        %dma_wait3A = arith.constant 0 : i32
        %dma_wait3A_52 = arith.constant 0 : i32
        %dma_wait3A_53 = tpu.memref_slice %arg8[%dma_wait3A, %dma_wait3A_52] : memref<16x128xi32, #tpu.memory_space<vmem>> -> memref<8x128xi32, #tpu.memory_space<vmem>>
        %dma_wait3A_54 = arith.constant 144 : i32
        %dma_wait3A_55 = arith.constant 0 : i32
        %dma_wait3A_56 = tpu.memref_slice %arg3[%arg1, %dma_wait3A_54, %dma_wait3A_55] : memref<16x152x128xi32, #tpu.memory_space<hbm>> -> memref<1x8x128xi32, #tpu.memory_space<hbm>>
        %dma_wait3A_57 = tpu.memref_squeeze %dma_wait3A_56 : memref<1x8x128xi32, #tpu.memory_space<hbm>> -> memref<8x128xi32, #tpu.memory_space<hbm>>
        %dma_wait3A_58 = arith.constant 0 : i32
        %dma_wait3A_59 = arith.constant 0 : i32
        %dma_wait3A_60 = tpu.memref_slice %arg8[%dma_wait3A_58, %dma_wait3A_59] : memref<16x128xi32, #tpu.memory_space<vmem>> -> memref<8x128xi32, #tpu.memory_space<vmem>>
        %dma_wait3A_61 = arith.constant 144 : i32
        %dma_wait3A_62 = arith.constant 0 : i32
        %dma_wait3A_63 = tpu.memref_slice %arg3[%arg1, %dma_wait3A_61, %dma_wait3A_62] : memref<16x152x128xi32, #tpu.memory_space<hbm>> -> memref<1x8x128xi32, #tpu.memory_space<hbm>>
        %dma_wait3A_64 = tpu.memref_squeeze %dma_wait3A_63 : memref<1x8x128xi32, #tpu.memory_space<hbm>> -> memref<8x128xi32, #tpu.memory_space<hbm>>
        tpu.wait_dma2 semaphore(%run_scoped3A : memref<!tpu.dma_semaphore, #tpu.memory_space<semaphore_mem>>) src(%dma_wait3A_64 : memref<8x128xi32, #tpu.memory_space<hbm>>) dst(%dma_wait3A_60 : memref<8x128xi32, #tpu.memory_space<vmem>>)
        tpu.yield
      }) : () -> ()
      "tpu.region"() ({
        %run_scoped3A = tpu.sem_alloc : memref<!tpu.dma_semaphore, #tpu.memory_space<semaphore_mem>>
        %dma_start3A = arith.constant 0 : i32
        %dma_start3A_39 = arith.constant 0 : i32
        %dma_start3A_40 = tpu.memref_slice %arg9[%dma_start3A, %dma_start3A_39] : memref<16x128xi32, #tpu.memory_space<vmem>> -> memref<8x128xi32, #tpu.memory_space<vmem>>
        %dma_start3A_41 = arith.constant 144 : i32
        %dma_start3A_42 = arith.constant 0 : i32
        %dma_start3A_43 = tpu.memref_slice %arg4[%arg1, %dma_start3A_41, %dma_start3A_42] : memref<16x152x128xi32, #tpu.memory_space<hbm>> -> memref<1x8x128xi32, #tpu.memory_space<hbm>>
        %dma_start3A_44 = tpu.memref_squeeze %dma_start3A_43 : memref<1x8x128xi32, #tpu.memory_space<hbm>> -> memref<8x128xi32, #tpu.memory_space<hbm>>
        %dma_start3A_45 = arith.constant 0 : i32
        %dma_start3A_46 = arith.constant 0 : i32
        %dma_start3A_47 = tpu.memref_slice %arg9[%dma_start3A_45, %dma_start3A_46] : memref<16x128xi32, #tpu.memory_space<vmem>> -> memref<8x128xi32, #tpu.memory_space<vmem>>
        %dma_start3A_48 = arith.constant 144 : i32
        %dma_start3A_49 = arith.constant 0 : i32
        %dma_start3A_50 = tpu.memref_slice %arg4[%arg1, %dma_start3A_48, %dma_start3A_49] : memref<16x152x128xi32, #tpu.memory_space<hbm>> -> memref<1x8x128xi32, #tpu.memory_space<hbm>>
        %dma_start3A_51 = tpu.memref_squeeze %dma_start3A_50 : memref<1x8x128xi32, #tpu.memory_space<hbm>> -> memref<8x128xi32, #tpu.memory_space<hbm>>
        tpu.enqueue_dma source(%dma_start3A_51 : memref<8x128xi32, #tpu.memory_space<hbm>>) target(%dma_start3A_47 : memref<8x128xi32, #tpu.memory_space<vmem>>) target_semaphore(%run_scoped3A : memref<!tpu.dma_semaphore, #tpu.memory_space<semaphore_mem>>)
        %dma_wait3A = arith.constant 0 : i32
        %dma_wait3A_52 = arith.constant 0 : i32
        %dma_wait3A_53 = tpu.memref_slice %arg9[%dma_wait3A, %dma_wait3A_52] : memref<16x128xi32, #tpu.memory_space<vmem>> -> memref<8x128xi32, #tpu.memory_space<vmem>>
        %dma_wait3A_54 = arith.constant 144 : i32
        %dma_wait3A_55 = arith.constant 0 : i32
        %dma_wait3A_56 = tpu.memref_slice %arg4[%arg1, %dma_wait3A_54, %dma_wait3A_55] : memref<16x152x128xi32, #tpu.memory_space<hbm>> -> memref<1x8x128xi32, #tpu.memory_space<hbm>>
        %dma_wait3A_57 = tpu.memref_squeeze %dma_wait3A_56 : memref<1x8x128xi32, #tpu.memory_space<hbm>> -> memref<8x128xi32, #tpu.memory_space<hbm>>
        %dma_wait3A_58 = arith.constant 0 : i32
        %dma_wait3A_59 = arith.constant 0 : i32
        %dma_wait3A_60 = tpu.memref_slice %arg9[%dma_wait3A_58, %dma_wait3A_59] : memref<16x128xi32, #tpu.memory_space<vmem>> -> memref<8x128xi32, #tpu.memory_space<vmem>>
        %dma_wait3A_61 = arith.constant 144 : i32
        %dma_wait3A_62 = arith.constant 0 : i32
        %dma_wait3A_63 = tpu.memref_slice %arg4[%arg1, %dma_wait3A_61, %dma_wait3A_62] : memref<16x152x128xi32, #tpu.memory_space<hbm>> -> memref<1x8x128xi32, #tpu.memory_space<hbm>>
        %dma_wait3A_64 = tpu.memref_squeeze %dma_wait3A_63 : memref<1x8x128xi32, #tpu.memory_space<hbm>> -> memref<8x128xi32, #tpu.memory_space<hbm>>
        tpu.wait_dma2 semaphore(%run_scoped3A : memref<!tpu.dma_semaphore, #tpu.memory_space<semaphore_mem>>) src(%dma_wait3A_64 : memref<8x128xi32, #tpu.memory_space<hbm>>) dst(%dma_wait3A_60 : memref<8x128xi32, #tpu.memory_space<vmem>>)
        tpu.yield
      }) : () -> ()
      %scan3A_32 = arith.constant 0 : i32
      %scan3A_33 = arith.constant 0 : i32
      %scan3A_34 = arith.constant 4 : i32
      %scan3A_35 = arith.addi %scan3A_33, %scan3A_34 : i32
      %scan3A_36 = arith.constant 1 : i32
      %scan3A_37 = scf.for %scan3A_39 = %scan3A_33 to %scan3A_35 step %scan3A_36 iter_args(%scan3A_40 = %scan3A_32) -> (i32)  : i32 {
        %mul3A_41 = arith.constant 2 : i32
        %mul3A_42 = arith.muli %mul3A_41, %scan3A_39 : i32
        %mul3A_43 = arith.constant 2 : i32
        %mul3A_44 = arith.muli %mul3A_43, %scan3A_39 : i32
        %add3A_45 = arith.constant 1 : i32
        %add3A_46 = arith.addi %mul3A_44, %add3A_45 : i32
        %dma_start3A = arith.constant 0 : i32
        %dma_start3A_47 = tpu.memref_slice %arg8[%mul3A_42, %dma_start3A] : memref<16x128xi32, #tpu.memory_space<vmem>> -> memref<1x128xi32, #tpu.memory_space<vmem>>
        %dma_start3A_48 = tpu.memref_squeeze %dma_start3A_47 : memref<1x128xi32, #tpu.memory_space<vmem>> -> memref<128xi32, #tpu.memory_space<vmem>>
        %dma_start3A_49 = arith.constant 0 : i32
        %dma_start3A_50 = arith.constant 0 : i32
        %dma_start3A_51 = tpu.memref_slice %arg2[%dma_start3A_49, %dma_start3A_50] : memref<10008x128xf32, #tpu.memory_space<hbm>> -> memref<10008x128xf32, #tpu.memory_space<hbm>>
        tpu.enqueue_indirect_dma source(%dma_start3A_51 : memref<10008x128xf32, #tpu.memory_space<hbm>>) target(%arg10 : memref<128x128xf32, #tpu.memory_space<vmem>>) offsets(%dma_start3A_48 : memref<128xi32, #tpu.memory_space<vmem>>) semaphore(%arg13 : memref<!tpu.dma_semaphore, #tpu.memory_space<semaphore_mem>>)
        %dma_start3A_52 = arith.constant 0 : i32
        %dma_start3A_53 = tpu.memref_slice %arg8[%add3A_46, %dma_start3A_52] : memref<16x128xi32, #tpu.memory_space<vmem>> -> memref<1x128xi32, #tpu.memory_space<vmem>>
        %dma_start3A_54 = tpu.memref_squeeze %dma_start3A_53 : memref<1x128xi32, #tpu.memory_space<vmem>> -> memref<128xi32, #tpu.memory_space<vmem>>
        %dma_start3A_55 = arith.constant 0 : i32
        %dma_start3A_56 = arith.constant 0 : i32
        %dma_start3A_57 = tpu.memref_slice %arg2[%dma_start3A_55, %dma_start3A_56] : memref<10008x128xf32, #tpu.memory_space<hbm>> -> memref<10008x128xf32, #tpu.memory_space<hbm>>
        tpu.enqueue_indirect_dma source(%dma_start3A_57 : memref<10008x128xf32, #tpu.memory_space<hbm>>) target(%arg11 : memref<128x128xf32, #tpu.memory_space<vmem>>) offsets(%dma_start3A_54 : memref<128xi32, #tpu.memory_space<vmem>>) semaphore(%arg14 : memref<!tpu.dma_semaphore, #tpu.memory_space<semaphore_mem>>)
        %dma_wait3A = arith.constant 0 : i32
        %dma_wait3A_58 = tpu.memref_slice %arg8[%mul3A_42, %dma_wait3A] : memref<16x128xi32, #tpu.memory_space<vmem>> -> memref<1x128xi32, #tpu.memory_space<vmem>>
        %dma_wait3A_59 = tpu.memref_squeeze %dma_wait3A_58 : memref<1x128xi32, #tpu.memory_space<vmem>> -> memref<128xi32, #tpu.memory_space<vmem>>
        %dma_wait3A_60 = arith.constant 0 : i32
        %dma_wait3A_61 = arith.constant 0 : i32
        %dma_wait3A_62 = tpu.memref_slice %arg2[%dma_wait3A_60, %dma_wait3A_61] : memref<10008x128xf32, #tpu.memory_space<hbm>> -> memref<10008x128xf32, #tpu.memory_space<hbm>>
        tpu.wait_indirect_dma semaphore(%arg13 : memref<!tpu.dma_semaphore, #tpu.memory_space<semaphore_mem>>) src(%dma_wait3A_62 : memref<10008x128xf32, #tpu.memory_space<hbm>>) dst(%arg10 : memref<128x128xf32, #tpu.memory_space<vmem>>)
        "tpu.region"() ({
          %run_scoped3A = tpu.sem_alloc : memref<!tpu.dma_semaphore, #tpu.memory_space<semaphore_mem>>
          %dma_start3A_70 = arith.constant 0 : i32
          %dma_start3A_71 = tpu.memref_slice %arg9[%mul3A_42, %dma_start3A_70] : memref<16x128xi32, #tpu.memory_space<vmem>> -> memref<1x128xi32, #tpu.memory_space<vmem>>
          %dma_start3A_72 = tpu.memref_squeeze %dma_start3A_71 : memref<1x128xi32, #tpu.memory_space<vmem>> -> memref<128xi32, #tpu.memory_space<vmem>>
          %dma_start3A_73 = arith.constant 0 : i32
          %dma_start3A_74 = arith.constant 0 : i32
          %dma_start3A_75 = tpu.memref_slice %arg12[%dma_start3A_73, %dma_start3A_74] : memref<10112x128xf32, #tpu.memory_space<vmem_shared>> -> memref<10112x128xf32, #tpu.memory_space<vmem_shared>>
          tpu.enqueue_indirect_dma source(%arg10 : memref<128x128xf32, #tpu.memory_space<vmem>>) target(%dma_start3A_75 : memref<10112x128xf32, #tpu.memory_space<vmem_shared>>) offsets(%dma_start3A_72 : memref<128xi32, #tpu.memory_space<vmem>>) semaphore(%run_scoped3A : memref<!tpu.dma_semaphore, #tpu.memory_space<semaphore_mem>>) {add = true}
          %dma_wait3A_76 = arith.constant 0 : i32
          %dma_wait3A_77 = tpu.memref_slice %arg9[%mul3A_42, %dma_wait3A_76] : memref<16x128xi32, #tpu.memory_space<vmem>> -> memref<1x128xi32, #tpu.memory_space<vmem>>
          %dma_wait3A_78 = tpu.memref_squeeze %dma_wait3A_77 : memref<1x128xi32, #tpu.memory_space<vmem>> -> memref<128xi32, #tpu.memory_space<vmem>>
          %dma_wait3A_79 = arith.constant 0 : i32
          %dma_wait3A_80 = arith.constant 0 : i32
          %dma_wait3A_81 = tpu.memref_slice %arg12[%dma_wait3A_79, %dma_wait3A_80] : memref<10112x128xf32, #tpu.memory_space<vmem_shared>> -> memref<10112x128xf32, #tpu.memory_space<vmem_shared>>
          tpu.wait_indirect_dma semaphore(%run_scoped3A : memref<!tpu.dma_semaphore, #tpu.memory_space<semaphore_mem>>) src(%arg10 : memref<128x128xf32, #tpu.memory_space<vmem>>) dst(%dma_wait3A_81 : memref<10112x128xf32, #tpu.memory_space<vmem_shared>>)
          tpu.yield
        }) : () -> ()
        %dma_wait3A_63 = arith.constant 0 : i32
        %dma_wait3A_64 = tpu.memref_slice %arg8[%add3A_46, %dma_wait3A_63] : memref<16x128xi32, #tpu.memory_space<vmem>> -> memref<1x128xi32, #tpu.memory_space<vmem>>
        %dma_wait3A_65 = tpu.memref_squeeze %dma_wait3A_64 : memref<1x128xi32, #tpu.memory_space<vmem>> -> memref<128xi32, #tpu.memory_space<vmem>>
        %dma_wait3A_66 = arith.constant 0 : i32
        %dma_wait3A_67 = arith.constant 0 : i32
        %dma_wait3A_68 = tpu.memref_slice %arg2[%dma_wait3A_66, %dma_wait3A_67] : memref<10008x128xf32, #tpu.memory_space<hbm>> -> memref<10008x128xf32, #tpu.memory_space<hbm>>
        tpu.wait_indirect_dma semaphore(%arg14 : memref<!tpu.dma_semaphore, #tpu.memory_space<semaphore_mem>>) src(%dma_wait3A_68 : memref<10008x128xf32, #tpu.memory_space<hbm>>) dst(%arg11 : memref<128x128xf32, #tpu.memory_space<vmem>>)
        "tpu.region"() ({
          %run_scoped3A = tpu.sem_alloc : memref<!tpu.dma_semaphore, #tpu.memory_space<semaphore_mem>>
          %dma_start3A_70 = arith.constant 0 : i32
          %dma_start3A_71 = tpu.memref_slice %arg9[%add3A_46, %dma_start3A_70] : memref<16x128xi32, #tpu.memory_space<vmem>> -> memref<1x128xi32, #tpu.memory_space<vmem>>
          %dma_start3A_72 = tpu.memref_squeeze %dma_start3A_71 : memref<1x128xi32, #tpu.memory_space<vmem>> -> memref<128xi32, #tpu.memory_space<vmem>>
          %dma_start3A_73 = arith.constant 0 : i32
          %dma_start3A_74 = arith.constant 0 : i32
          %dma_start3A_75 = tpu.memref_slice %arg12[%dma_start3A_73, %dma_start3A_74] : memref<10112x128xf32, #tpu.memory_space<vmem_shared>> -> memref<10112x128xf32, #tpu.memory_space<vmem_shared>>
          tpu.enqueue_indirect_dma source(%arg11 : memref<128x128xf32, #tpu.memory_space<vmem>>) target(%dma_start3A_75 : memref<10112x128xf32, #tpu.memory_space<vmem_shared>>) offsets(%dma_start3A_72 : memref<128xi32, #tpu.memory_space<vmem>>) semaphore(%run_scoped3A : memref<!tpu.dma_semaphore, #tpu.memory_space<semaphore_mem>>) {add = true}
          %dma_wait3A_76 = arith.constant 0 : i32
          %dma_wait3A_77 = tpu.memref_slice %arg9[%add3A_46, %dma_wait3A_76] : memref<16x128xi32, #tpu.memory_space<vmem>> -> memref<1x128xi32, #tpu.memory_space<vmem>>
          %dma_wait3A_78 = tpu.memref_squeeze %dma_wait3A_77 : memref<1x128xi32, #tpu.memory_space<vmem>> -> memref<128xi32, #tpu.memory_space<vmem>>
          %dma_wait3A_79 = arith.constant 0 : i32
          %dma_wait3A_80 = arith.constant 0 : i32
          %dma_wait3A_81 = tpu.memref_slice %arg12[%dma_wait3A_79, %dma_wait3A_80] : memref<10112x128xf32, #tpu.memory_space<vmem_shared>> -> memref<10112x128xf32, #tpu.memory_space<vmem_shared>>
          tpu.wait_indirect_dma semaphore(%run_scoped3A : memref<!tpu.dma_semaphore, #tpu.memory_space<semaphore_mem>>) src(%arg11 : memref<128x128xf32, #tpu.memory_space<vmem>>) dst(%dma_wait3A_81 : memref<10112x128xf32, #tpu.memory_space<vmem_shared>>)
          tpu.yield
        }) : () -> ()
        %scan3A_69 = arith.constant 0 : i32
        scf.yield %scan3A_69 : i32
      }
      %scan3A_38 = arith.constant 4 : i32
    } else {
    }
    %eq3A_19 = arith.constant 1 : i32
    %eq3A_20 = arith.cmpi eq, %arg0, %eq3A_19 : i32
    %convert_element_type3A_21 = arith.extui %eq3A_20 : i1 to i32
    %cond3A_22 = arith.constant 0 : i32
    %cond3A_23 = arith.cmpi ne, %convert_element_type3A_21, %cond3A_22 : i32
    scf.if %cond3A_23 {
      %scan3A_25 = arith.constant 0 : i32
      %scan3A_26 = arith.constant 0 : i32
      %scan3A_27 = arith.constant 0 : i32
      %scan3A_28 = arith.addi %scan3A_26, %scan3A_27 : i32
      %scan3A_29 = arith.constant 0 : i32
      "tpu.region"() ({
        %run_scoped3A = tpu.sem_alloc : memref<!tpu.dma_semaphore, #tpu.memory_space<semaphore_mem>>
        %dma_start3A = arith.constant 0 : i32
        %dma_start3A_37 = arith.constant 0 : i32
        %dma_start3A_38 = tpu.memref_slice %arg8[%dma_start3A, %dma_start3A_37] : memref<16x128xi32, #tpu.memory_space<vmem>> -> memref<8x128xi32, #tpu.memory_space<vmem>>
        %dma_start3A_39 = arith.constant 0 : i32
        %dma_start3A_40 = arith.constant 0 : i32
        %dma_start3A_41 = tpu.memref_slice %arg5[%arg1, %dma_start3A_39, %dma_start3A_40] : memref<16x8x128xi32, #tpu.memory_space<hbm>> -> memref<1x8x128xi32, #tpu.memory_space<hbm>>
        %dma_start3A_42 = tpu.memref_squeeze %dma_start3A_41 : memref<1x8x128xi32, #tpu.memory_space<hbm>> -> memref<8x128xi32, #tpu.memory_space<hbm>>
        %dma_start3A_43 = arith.constant 0 : i32
        %dma_start3A_44 = arith.constant 0 : i32
        %dma_start3A_45 = tpu.memref_slice %arg8[%dma_start3A_43, %dma_start3A_44] : memref<16x128xi32, #tpu.memory_space<vmem>> -> memref<8x128xi32, #tpu.memory_space<vmem>>
        %dma_start3A_46 = arith.constant 0 : i32
        %dma_start3A_47 = arith.constant 0 : i32
        %dma_start3A_48 = tpu.memref_slice %arg5[%arg1, %dma_start3A_46, %dma_start3A_47] : memref<16x8x128xi32, #tpu.memory_space<hbm>> -> memref<1x8x128xi32, #tpu.memory_space<hbm>>
        %dma_start3A_49 = tpu.memref_squeeze %dma_start3A_48 : memref<1x8x128xi32, #tpu.memory_space<hbm>> -> memref<8x128xi32, #tpu.memory_space<hbm>>
        tpu.enqueue_dma source(%dma_start3A_49 : memref<8x128xi32, #tpu.memory_space<hbm>>) target(%dma_start3A_45 : memref<8x128xi32, #tpu.memory_space<vmem>>) target_semaphore(%run_scoped3A : memref<!tpu.dma_semaphore, #tpu.memory_space<semaphore_mem>>)
        %dma_wait3A = arith.constant 0 : i32
        %dma_wait3A_50 = arith.constant 0 : i32
        %dma_wait3A_51 = tpu.memref_slice %arg8[%dma_wait3A, %dma_wait3A_50] : memref<16x128xi32, #tpu.memory_space<vmem>> -> memref<8x128xi32, #tpu.memory_space<vmem>>
        %dma_wait3A_52 = arith.constant 0 : i32
        %dma_wait3A_53 = arith.constant 0 : i32
        %dma_wait3A_54 = tpu.memref_slice %arg5[%arg1, %dma_wait3A_52, %dma_wait3A_53] : memref<16x8x128xi32, #tpu.memory_space<hbm>> -> memref<1x8x128xi32, #tpu.memory_space<hbm>>
        %dma_wait3A_55 = tpu.memref_squeeze %dma_wait3A_54 : memref<1x8x128xi32, #tpu.memory_space<hbm>> -> memref<8x128xi32, #tpu.memory_space<hbm>>
        %dma_wait3A_56 = arith.constant 0 : i32
        %dma_wait3A_57 = arith.constant 0 : i32
        %dma_wait3A_58 = tpu.memref_slice %arg8[%dma_wait3A_56, %dma_wait3A_57] : memref<16x128xi32, #tpu.memory_space<vmem>> -> memref<8x128xi32, #tpu.memory_space<vmem>>
        %dma_wait3A_59 = arith.constant 0 : i32
        %dma_wait3A_60 = arith.constant 0 : i32
        %dma_wait3A_61 = tpu.memref_slice %arg5[%arg1, %dma_wait3A_59, %dma_wait3A_60] : memref<16x8x128xi32, #tpu.memory_space<hbm>> -> memref<1x8x128xi32, #tpu.memory_space<hbm>>
        %dma_wait3A_62 = tpu.memref_squeeze %dma_wait3A_61 : memref<1x8x128xi32, #tpu.memory_space<hbm>> -> memref<8x128xi32, #tpu.memory_space<hbm>>
        tpu.wait_dma2 semaphore(%run_scoped3A : memref<!tpu.dma_semaphore, #tpu.memory_space<semaphore_mem>>) src(%dma_wait3A_62 : memref<8x128xi32, #tpu.memory_space<hbm>>) dst(%dma_wait3A_58 : memref<8x128xi32, #tpu.memory_space<vmem>>)
        tpu.yield
      }) : () -> ()
      "tpu.region"() ({
        %run_scoped3A = tpu.sem_alloc : memref<!tpu.dma_semaphore, #tpu.memory_space<semaphore_mem>>
        %dma_start3A = arith.constant 0 : i32
        %dma_start3A_37 = arith.constant 0 : i32
        %dma_start3A_38 = tpu.memref_slice %arg9[%dma_start3A, %dma_start3A_37] : memref<16x128xi32, #tpu.memory_space<vmem>> -> memref<8x128xi32, #tpu.memory_space<vmem>>
        %dma_start3A_39 = arith.constant 0 : i32
        %dma_start3A_40 = arith.constant 0 : i32
        %dma_start3A_41 = tpu.memref_slice %arg6[%arg1, %dma_start3A_39, %dma_start3A_40] : memref<16x8x128xi32, #tpu.memory_space<hbm>> -> memref<1x8x128xi32, #tpu.memory_space<hbm>>
        %dma_start3A_42 = tpu.memref_squeeze %dma_start3A_41 : memref<1x8x128xi32, #tpu.memory_space<hbm>> -> memref<8x128xi32, #tpu.memory_space<hbm>>
        %dma_start3A_43 = arith.constant 0 : i32
        %dma_start3A_44 = arith.constant 0 : i32
        %dma_start3A_45 = tpu.memref_slice %arg9[%dma_start3A_43, %dma_start3A_44] : memref<16x128xi32, #tpu.memory_space<vmem>> -> memref<8x128xi32, #tpu.memory_space<vmem>>
        %dma_start3A_46 = arith.constant 0 : i32
        %dma_start3A_47 = arith.constant 0 : i32
        %dma_start3A_48 = tpu.memref_slice %arg6[%arg1, %dma_start3A_46, %dma_start3A_47] : memref<16x8x128xi32, #tpu.memory_space<hbm>> -> memref<1x8x128xi32, #tpu.memory_space<hbm>>
        %dma_start3A_49 = tpu.memref_squeeze %dma_start3A_48 : memref<1x8x128xi32, #tpu.memory_space<hbm>> -> memref<8x128xi32, #tpu.memory_space<hbm>>
        tpu.enqueue_dma source(%dma_start3A_49 : memref<8x128xi32, #tpu.memory_space<hbm>>) target(%dma_start3A_45 : memref<8x128xi32, #tpu.memory_space<vmem>>) target_semaphore(%run_scoped3A : memref<!tpu.dma_semaphore, #tpu.memory_space<semaphore_mem>>)
        %dma_wait3A = arith.constant 0 : i32
        %dma_wait3A_50 = arith.constant 0 : i32
        %dma_wait3A_51 = tpu.memref_slice %arg9[%dma_wait3A, %dma_wait3A_50] : memref<16x128xi32, #tpu.memory_space<vmem>> -> memref<8x128xi32, #tpu.memory_space<vmem>>
        %dma_wait3A_52 = arith.constant 0 : i32
        %dma_wait3A_53 = arith.constant 0 : i32
        %dma_wait3A_54 = tpu.memref_slice %arg6[%arg1, %dma_wait3A_52, %dma_wait3A_53] : memref<16x8x128xi32, #tpu.memory_space<hbm>> -> memref<1x8x128xi32, #tpu.memory_space<hbm>>
        %dma_wait3A_55 = tpu.memref_squeeze %dma_wait3A_54 : memref<1x8x128xi32, #tpu.memory_space<hbm>> -> memref<8x128xi32, #tpu.memory_space<hbm>>
        %dma_wait3A_56 = arith.constant 0 : i32
        %dma_wait3A_57 = arith.constant 0 : i32
        %dma_wait3A_58 = tpu.memref_slice %arg9[%dma_wait3A_56, %dma_wait3A_57] : memref<16x128xi32, #tpu.memory_space<vmem>> -> memref<8x128xi32, #tpu.memory_space<vmem>>
        %dma_wait3A_59 = arith.constant 0 : i32
        %dma_wait3A_60 = arith.constant 0 : i32
        %dma_wait3A_61 = tpu.memref_slice %arg6[%arg1, %dma_wait3A_59, %dma_wait3A_60] : memref<16x8x128xi32, #tpu.memory_space<hbm>> -> memref<1x8x128xi32, #tpu.memory_space<hbm>>
        %dma_wait3A_62 = tpu.memref_squeeze %dma_wait3A_61 : memref<1x8x128xi32, #tpu.memory_space<hbm>> -> memref<8x128xi32, #tpu.memory_space<hbm>>
        tpu.wait_dma2 semaphore(%run_scoped3A : memref<!tpu.dma_semaphore, #tpu.memory_space<semaphore_mem>>) src(%dma_wait3A_62 : memref<8x128xi32, #tpu.memory_space<hbm>>) dst(%dma_wait3A_58 : memref<8x128xi32, #tpu.memory_space<vmem>>)
        tpu.yield
      }) : () -> ()
      %scan3A_30 = arith.constant 0 : i32
      %scan3A_31 = arith.constant 0 : i32
      %scan3A_32 = arith.constant 4 : i32
      %scan3A_33 = arith.addi %scan3A_31, %scan3A_32 : i32
      %scan3A_34 = arith.constant 1 : i32
      %scan3A_35 = scf.for %scan3A_37 = %scan3A_31 to %scan3A_33 step %scan3A_34 iter_args(%scan3A_38 = %scan3A_30) -> (i32)  : i32 {
        %mul3A_39 = arith.constant 2 : i32
        %mul3A_40 = arith.muli %mul3A_39, %scan3A_37 : i32
        %mul3A_41 = arith.constant 2 : i32
        %mul3A_42 = arith.muli %mul3A_41, %scan3A_37 : i32
        %add3A_43 = arith.constant 1 : i32
        %add3A_44 = arith.addi %mul3A_42, %add3A_43 : i32
        %dma_start3A = arith.constant 0 : i32
        %dma_start3A_45 = tpu.memref_slice %arg8[%mul3A_40, %dma_start3A] : memref<16x128xi32, #tpu.memory_space<vmem>> -> memref<1x128xi32, #tpu.memory_space<vmem>>
        %dma_start3A_46 = tpu.memref_squeeze %dma_start3A_45 : memref<1x128xi32, #tpu.memory_space<vmem>> -> memref<128xi32, #tpu.memory_space<vmem>>
        %dma_start3A_47 = arith.constant 0 : i32
        %dma_start3A_48 = arith.constant 0 : i32
        %dma_start3A_49 = tpu.memref_slice %arg2[%dma_start3A_47, %dma_start3A_48] : memref<10008x128xf32, #tpu.memory_space<hbm>> -> memref<10008x128xf32, #tpu.memory_space<hbm>>
        tpu.enqueue_indirect_dma source(%dma_start3A_49 : memref<10008x128xf32, #tpu.memory_space<hbm>>) target(%arg10 : memref<128x128xf32, #tpu.memory_space<vmem>>) offsets(%dma_start3A_46 : memref<128xi32, #tpu.memory_space<vmem>>) semaphore(%arg13 : memref<!tpu.dma_semaphore, #tpu.memory_space<semaphore_mem>>)
        %dma_start3A_50 = arith.constant 0 : i32
        %dma_start3A_51 = tpu.memref_slice %arg8[%add3A_44, %dma_start3A_50] : memref<16x128xi32, #tpu.memory_space<vmem>> -> memref<1x128xi32, #tpu.memory_space<vmem>>
        %dma_start3A_52 = tpu.memref_squeeze %dma_start3A_51 : memref<1x128xi32, #tpu.memory_space<vmem>> -> memref<128xi32, #tpu.memory_space<vmem>>
        %dma_start3A_53 = arith.constant 0 : i32
        %dma_start3A_54 = arith.constant 0 : i32
        %dma_start3A_55 = tpu.memref_slice %arg2[%dma_start3A_53, %dma_start3A_54] : memref<10008x128xf32, #tpu.memory_space<hbm>> -> memref<10008x128xf32, #tpu.memory_space<hbm>>
        tpu.enqueue_indirect_dma source(%dma_start3A_55 : memref<10008x128xf32, #tpu.memory_space<hbm>>) target(%arg11 : memref<128x128xf32, #tpu.memory_space<vmem>>) offsets(%dma_start3A_52 : memref<128xi32, #tpu.memory_space<vmem>>) semaphore(%arg14 : memref<!tpu.dma_semaphore, #tpu.memory_space<semaphore_mem>>)
        %dma_wait3A = arith.constant 0 : i32
        %dma_wait3A_56 = tpu.memref_slice %arg8[%mul3A_40, %dma_wait3A] : memref<16x128xi32, #tpu.memory_space<vmem>> -> memref<1x128xi32, #tpu.memory_space<vmem>>
        %dma_wait3A_57 = tpu.memref_squeeze %dma_wait3A_56 : memref<1x128xi32, #tpu.memory_space<vmem>> -> memref<128xi32, #tpu.memory_space<vmem>>
        %dma_wait3A_58 = arith.constant 0 : i32
        %dma_wait3A_59 = arith.constant 0 : i32
        %dma_wait3A_60 = tpu.memref_slice %arg2[%dma_wait3A_58, %dma_wait3A_59] : memref<10008x128xf32, #tpu.memory_space<hbm>> -> memref<10008x128xf32, #tpu.memory_space<hbm>>
        tpu.wait_indirect_dma semaphore(%arg13 : memref<!tpu.dma_semaphore, #tpu.memory_space<semaphore_mem>>) src(%dma_wait3A_60 : memref<10008x128xf32, #tpu.memory_space<hbm>>) dst(%arg10 : memref<128x128xf32, #tpu.memory_space<vmem>>)
        "tpu.region"() ({
          %run_scoped3A = tpu.sem_alloc : memref<!tpu.dma_semaphore, #tpu.memory_space<semaphore_mem>>
          %dma_start3A_68 = arith.constant 0 : i32
          %dma_start3A_69 = tpu.memref_slice %arg9[%mul3A_40, %dma_start3A_68] : memref<16x128xi32, #tpu.memory_space<vmem>> -> memref<1x128xi32, #tpu.memory_space<vmem>>
          %dma_start3A_70 = tpu.memref_squeeze %dma_start3A_69 : memref<1x128xi32, #tpu.memory_space<vmem>> -> memref<128xi32, #tpu.memory_space<vmem>>
          %dma_start3A_71 = arith.constant 0 : i32
          %dma_start3A_72 = arith.constant 0 : i32
          %dma_start3A_73 = tpu.memref_slice %arg12[%dma_start3A_71, %dma_start3A_72] : memref<10112x128xf32, #tpu.memory_space<vmem_shared>> -> memref<10112x128xf32, #tpu.memory_space<vmem_shared>>
          tpu.enqueue_indirect_dma source(%arg10 : memref<128x128xf32, #tpu.memory_space<vmem>>) target(%dma_start3A_73 : memref<10112x128xf32, #tpu.memory_space<vmem_shared>>) offsets(%dma_start3A_70 : memref<128xi32, #tpu.memory_space<vmem>>) semaphore(%run_scoped3A : memref<!tpu.dma_semaphore, #tpu.memory_space<semaphore_mem>>) {add = true}
          %dma_wait3A_74 = arith.constant 0 : i32
          %dma_wait3A_75 = tpu.memref_slice %arg9[%mul3A_40, %dma_wait3A_74] : memref<16x128xi32, #tpu.memory_space<vmem>> -> memref<1x128xi32, #tpu.memory_space<vmem>>
          %dma_wait3A_76 = tpu.memref_squeeze %dma_wait3A_75 : memref<1x128xi32, #tpu.memory_space<vmem>> -> memref<128xi32, #tpu.memory_space<vmem>>
          %dma_wait3A_77 = arith.constant 0 : i32
          %dma_wait3A_78 = arith.constant 0 : i32
          %dma_wait3A_79 = tpu.memref_slice %arg12[%dma_wait3A_77, %dma_wait3A_78] : memref<10112x128xf32, #tpu.memory_space<vmem_shared>> -> memref<10112x128xf32, #tpu.memory_space<vmem_shared>>
          tpu.wait_indirect_dma semaphore(%run_scoped3A : memref<!tpu.dma_semaphore, #tpu.memory_space<semaphore_mem>>) src(%arg10 : memref<128x128xf32, #tpu.memory_space<vmem>>) dst(%dma_wait3A_79 : memref<10112x128xf32, #tpu.memory_space<vmem_shared>>)
          tpu.yield
        }) : () -> ()
        %dma_wait3A_61 = arith.constant 0 : i32
        %dma_wait3A_62 = tpu.memref_slice %arg8[%add3A_44, %dma_wait3A_61] : memref<16x128xi32, #tpu.memory_space<vmem>> -> memref<1x128xi32, #tpu.memory_space<vmem>>
        %dma_wait3A_63 = tpu.memref_squeeze %dma_wait3A_62 : memref<1x128xi32, #tpu.memory_space<vmem>> -> memref<128xi32, #tpu.memory_space<vmem>>
        %dma_wait3A_64 = arith.constant 0 : i32
        %dma_wait3A_65 = arith.constant 0 : i32
        %dma_wait3A_66 = tpu.memref_slice %arg2[%dma_wait3A_64, %dma_wait3A_65] : memref<10008x128xf32, #tpu.memory_space<hbm>> -> memref<10008x128xf32, #tpu.memory_space<hbm>>
        tpu.wait_indirect_dma semaphore(%arg14 : memref<!tpu.dma_semaphore, #tpu.memory_space<semaphore_mem>>) src(%dma_wait3A_66 : memref<10008x128xf32, #tpu.memory_space<hbm>>) dst(%arg11 : memref<128x128xf32, #tpu.memory_space<vmem>>)
        "tpu.region"() ({
          %run_scoped3A = tpu.sem_alloc : memref<!tpu.dma_semaphore, #tpu.memory_space<semaphore_mem>>
          %dma_start3A_68 = arith.constant 0 : i32
          %dma_start3A_69 = tpu.memref_slice %arg9[%add3A_44, %dma_start3A_68] : memref<16x128xi32, #tpu.memory_space<vmem>> -> memref<1x128xi32, #tpu.memory_space<vmem>>
          %dma_start3A_70 = tpu.memref_squeeze %dma_start3A_69 : memref<1x128xi32, #tpu.memory_space<vmem>> -> memref<128xi32, #tpu.memory_space<vmem>>
          %dma_start3A_71 = arith.constant 0 : i32
          %dma_start3A_72 = arith.constant 0 : i32
          %dma_start3A_73 = tpu.memref_slice %arg12[%dma_start3A_71, %dma_start3A_72] : memref<10112x128xf32, #tpu.memory_space<vmem_shared>> -> memref<10112x128xf32, #tpu.memory_space<vmem_shared>>
          tpu.enqueue_indirect_dma source(%arg11 : memref<128x128xf32, #tpu.memory_space<vmem>>) target(%dma_start3A_73 : memref<10112x128xf32, #tpu.memory_space<vmem_shared>>) offsets(%dma_start3A_70 : memref<128xi32, #tpu.memory_space<vmem>>) semaphore(%run_scoped3A : memref<!tpu.dma_semaphore, #tpu.memory_space<semaphore_mem>>) {add = true}
          %dma_wait3A_74 = arith.constant 0 : i32
          %dma_wait3A_75 = tpu.memref_slice %arg9[%add3A_44, %dma_wait3A_74] : memref<16x128xi32, #tpu.memory_space<vmem>> -> memref<1x128xi32, #tpu.memory_space<vmem>>
          %dma_wait3A_76 = tpu.memref_squeeze %dma_wait3A_75 : memref<1x128xi32, #tpu.memory_space<vmem>> -> memref<128xi32, #tpu.memory_space<vmem>>
          %dma_wait3A_77 = arith.constant 0 : i32
          %dma_wait3A_78 = arith.constant 0 : i32
          %dma_wait3A_79 = tpu.memref_slice %arg12[%dma_wait3A_77, %dma_wait3A_78] : memref<10112x128xf32, #tpu.memory_space<vmem_shared>> -> memref<10112x128xf32, #tpu.memory_space<vmem_shared>>
          tpu.wait_indirect_dma semaphore(%run_scoped3A : memref<!tpu.dma_semaphore, #tpu.memory_space<semaphore_mem>>) src(%arg11 : memref<128x128xf32, #tpu.memory_space<vmem>>) dst(%dma_wait3A_79 : memref<10112x128xf32, #tpu.memory_space<vmem_shared>>)
          tpu.yield
        }) : () -> ()
        %scan3A_67 = arith.constant 0 : i32
        scf.yield %scan3A_67 : i32
      }
      %scan3A_36 = arith.constant 4 : i32
    } else {
    }
    %barrier3A_24 = arith.constant 0 : index
    tpu.barrier barrier_id(%barrier3A_24)
    "tpu.region"() ({
      %run_scoped3A = tpu.sem_alloc : memref<!tpu.dma_semaphore, #tpu.memory_space<semaphore_mem>>
      %dma_start3A = arith.constant 0 : i32
      %dma_start3A_25 = tpu.memref_slice %arg7[%arg0, %mul3A_7, %dma_start3A] : memref<2x10112x128xf32, #tpu.memory_space<hbm>> -> memref<1x632x128xf32, #tpu.memory_space<hbm>>
      %dma_start3A_26 = tpu.memref_squeeze %dma_start3A_25 : memref<1x632x128xf32, #tpu.memory_space<hbm>> -> memref<632x128xf32, #tpu.memory_space<hbm>>
      %dma_start3A_27 = arith.constant 0 : i32
      %dma_start3A_28 = tpu.memref_slice %arg12[%mul3A_7, %dma_start3A_27] : memref<10112x128xf32, #tpu.memory_space<vmem_shared>> -> memref<632x128xf32, #tpu.memory_space<vmem_shared>>
      tpu.enqueue_dma source(%dma_start3A_28 : memref<632x128xf32, #tpu.memory_space<vmem_shared>>) target(%dma_start3A_26 : memref<632x128xf32, #tpu.memory_space<hbm>>) target_semaphore(%run_scoped3A : memref<!tpu.dma_semaphore, #tpu.memory_space<semaphore_mem>>)
      %dma_wait3A = arith.constant 0 : i32
      %dma_wait3A_29 = tpu.memref_slice %arg7[%arg0, %mul3A_7, %dma_wait3A] : memref<2x10112x128xf32, #tpu.memory_space<hbm>> -> memref<1x632x128xf32, #tpu.memory_space<hbm>>
      %dma_wait3A_30 = tpu.memref_squeeze %dma_wait3A_29 : memref<1x632x128xf32, #tpu.memory_space<hbm>> -> memref<632x128xf32, #tpu.memory_space<hbm>>
      %dma_wait3A_31 = arith.constant 0 : i32
      %dma_wait3A_32 = tpu.memref_slice %arg12[%mul3A_7, %dma_wait3A_31] : memref<10112x128xf32, #tpu.memory_space<vmem_shared>> -> memref<632x128xf32, #tpu.memory_space<vmem_shared>>
      tpu.wait_dma2 semaphore(%run_scoped3A : memref<!tpu.dma_semaphore, #tpu.memory_space<semaphore_mem>>) src(%dma_wait3A_32 : memref<632x128xf32, #tpu.memory_space<vmem_shared>>) dst(%dma_wait3A_30 : memref<632x128xf32, #tpu.memory_space<hbm>>)
      tpu.yield
    }) : () -> ()
    return
  }
}

module attributes {stable_mosaic.version = 14 : i64} {
  func.func @_tc_a_body(%arg0: i32, %arg1: memref<1000x1xf32, #tpu.memory_space<vmem>>, %arg2: memref<1000x1xf32, #tpu.memory_space<vmem>>, %arg3: memref<1000x128xf32, #tpu.memory_space<vmem>>, %arg4: memref<128x128xf32, #tpu.memory_space<vmem>>, %arg5: memref<1000x1xf32, #tpu.memory_space<vmem>>, %arg6: memref<1000x128xf32, #tpu.memory_space<vmem>>) attributes {dimension_semantics = [#tpu.dimension_semantics<arbitrary>], iteration_bounds = array<i64: 10>, scalar_prefetch = 0 : i64, scratch_operands = 0 : i64, tpu.core_type = #tpu.core_type<tc>, window_params = [{transform_indices = @transform_0, window_bounds = array<i64: 1000, 1>}, {transform_indices = @transform_1, window_bounds = array<i64: 1000, 1>}, {transform_indices = @transform_2, window_bounds = array<i64: 1000, 128>}, {pipeline_mode = #tpu.pipeline_mode<synchronous>, transform_indices = @transform_3, window_bounds = array<i64: 128, 128>}, {transform_indices = @transform_4, window_bounds = array<i64: 1000, 1>}, {transform_indices = @transform_5, window_bounds = array<i64: 1000, 128>}]} {
    %get3A = arith.constant 0 : index
    %get3A_0 = arith.constant 0 : index
    %get3A_1 = vector.load %arg1[%get3A, %get3A_0] : memref<1000x1xf32, #tpu.memory_space<vmem>>, vector<1000x1xf32>
    %get3A_2 = arith.constant 0 : index
    %get3A_3 = arith.constant 0 : index
    %get3A_4 = vector.load %arg2[%get3A_2, %get3A_3] : memref<1000x1xf32, #tpu.memory_space<vmem>>, vector<1000x1xf32>
    %add3A = arith.addf %get3A_1, %get3A_4 : vector<1000x1xf32>
    %add3A_5 = arith.constant 1.000000e+00 : f32
    %add3A_6 = vector.broadcast %add3A_5 : f32 to vector<1000x1xf32>
    %add3A_7 = arith.addf %add3A, %add3A_6 : vector<1000x1xf32>
    %rsqrt3A = math.rsqrt %add3A_7 : vector<1000x1xf32>
    %get3A_8 = arith.constant 0 : index
    %get3A_9 = arith.constant 0 : index
    %get3A_10 = vector.load %arg3[%get3A_8, %get3A_9] : memref<1000x128xf32, #tpu.memory_space<vmem>>, vector<1000x128xf32>
    %get3A_11 = arith.constant 0 : index
    %get3A_12 = arith.constant 0 : index
    %get3A_13 = vector.load %arg4[%get3A_11, %get3A_12] : memref<128x128xf32, #tpu.memory_space<vmem>>, vector<128x128xf32>
    %dot_general3A = arith.constant dense<0.000000e+00> : vector<1000x128xf32>
    %dot_general3A_14 = tpu.matmul %get3A_10, %get3A_13, %dot_general3A {dimension_numbers = #tpu.dot_dimension_numbers<[1], [0], [0], [1], [0, 0, 1, 1], [], []>, transpose_lhs_hint = false} : vector<1000x128xf32>, vector<128x128xf32>, vector<1000x128xf32> -> vector<1000x128xf32>
    %swap3A = arith.constant 0 : index
    %swap3A_15 = arith.constant 0 : index
    %swap3A_16 = vector.load %arg5[%swap3A, %swap3A_15] : memref<1000x1xf32, #tpu.memory_space<vmem>>, vector<1000x1xf32>
    tpu.vector_store %arg5[%swap3A, %swap3A_15], %rsqrt3A {strides = array<i32>} : memref<1000x1xf32, #tpu.memory_space<vmem>>, vector<1000x1xf32>,
    %mul3A = vector.broadcast %rsqrt3A : vector<1000x1xf32> to vector<1000x128xf32>
    %mul3A_17 = arith.mulf %mul3A, %dot_general3A_14 : vector<1000x128xf32>
    %swap3A_18 = arith.constant 0 : index
    %swap3A_19 = arith.constant 0 : index
    %swap3A_20 = vector.load %arg6[%swap3A_18, %swap3A_19] : memref<1000x128xf32, #tpu.memory_space<vmem>>, vector<1000x128xf32>
    tpu.vector_store %arg6[%swap3A_18, %swap3A_19], %mul3A_17 {strides = array<i32>} : memref<1000x128xf32, #tpu.memory_space<vmem>>, vector<1000x128xf32>,
    return
  }
  func.func @transform_0(%arg0: i32) -> (i32, i32) {
    %c0_i32 = arith.constant 0 : i32
    %c0_i32_0 = arith.constant 0 : i32
    return %arg0, %c0_i32 : i32, i32
  }
  func.func @transform_1(%arg0: i32) -> (i32, i32) {
    %c0_i32 = arith.constant 0 : i32
    %c0_i32_0 = arith.constant 0 : i32
    return %arg0, %c0_i32 : i32, i32
  }
  func.func @transform_2(%arg0: i32) -> (i32, i32) {
    %c0_i32 = arith.constant 0 : i32
    %c0_i32_0 = arith.constant 0 : i32
    return %arg0, %c0_i32 : i32, i32
  }
  func.func @transform_3(%arg0: i32) -> (i32, i32) {
    %c0_i32 = arith.constant 0 : i32
    %c0_i32_0 = arith.constant 0 : i32
    %c0_i32_1 = arith.constant 0 : i32
    return %c0_i32, %c0_i32_0 : i32, i32
  }
  func.func @transform_4(%arg0: i32) -> (i32, i32) {
    %c0_i32 = arith.constant 0 : i32
    %c0_i32_0 = arith.constant 0 : i32
    return %arg0, %c0_i32 : i32, i32
  }
  func.func @transform_5(%arg0: i32) -> (i32, i32) {
    %c0_i32 = arith.constant 0 : i32
    %c0_i32_0 = arith.constant 0 : i32
    return %arg0, %c0_i32 : i32, i32
  }
}

module attributes {stable_mosaic.version = 14 : i64} {
  func.func @_tc_b_body(%arg0: i32, %arg1: memref<1x1000x128xf32, #tpu.memory_space<vmem>>, %arg2: memref<1x1000x128xf32, #tpu.memory_space<vmem>>, %arg3: memref<1000x128xf32, #tpu.memory_space<vmem>>, %arg4: memref<1000x1xf32, #tpu.memory_space<vmem>>, %arg5: memref<1x128xf32, #tpu.memory_space<vmem>>, %arg6: memref<128x128xf32, #tpu.memory_space<vmem>>, %arg7: memref<1000x128xf32, #tpu.memory_space<vmem>>) attributes {dimension_semantics = [#tpu.dimension_semantics<arbitrary>], iteration_bounds = array<i64: 10>, scalar_prefetch = 0 : i64, scratch_operands = 0 : i64, tpu.core_type = #tpu.core_type<tc>, window_params = [{transform_indices = @transform_0, window_bounds = array<i64: 1, 1000, 128>}, {transform_indices = @transform_1, window_bounds = array<i64: 1, 1000, 128>}, {transform_indices = @transform_2, window_bounds = array<i64: 1000, 128>}, {transform_indices = @transform_3, window_bounds = array<i64: 1000, 1>}, {pipeline_mode = #tpu.pipeline_mode<synchronous>, transform_indices = @transform_4, window_bounds = array<i64: 1, 128>}, {pipeline_mode = #tpu.pipeline_mode<synchronous>, transform_indices = @transform_5, window_bounds = array<i64: 128, 128>}, {transform_indices = @transform_6, window_bounds = array<i64: 1000, 128>}]} {
    %get3A = arith.constant 0 : index
    %get3A_0 = arith.constant 0 : index
    %get3A_1 = vector.load %arg4[%get3A, %get3A_0] : memref<1000x1xf32, #tpu.memory_space<vmem>>, vector<1000x1xf32>
    %get3A_2 = arith.constant 0 : index
    %get3A_3 = arith.constant 0 : index
    %get3A_4 = arith.constant 0 : index
    %get3A_5 = vector.load %arg1[%get3A_2, %get3A_3, %get3A_4] : memref<1x1000x128xf32, #tpu.memory_space<vmem>>, vector<1x1000x128xf32>
    %get3A_6 = arith.constant 0 : index
    %get3A_7 = arith.constant 0 : index
    %get3A_8 = arith.constant 0 : index
    %get3A_9 = vector.load %arg2[%get3A_6, %get3A_7, %get3A_8] : memref<1x1000x128xf32, #tpu.memory_space<vmem>>, vector<1x1000x128xf32>
    %add3A = arith.addf %get3A_5, %get3A_9 : vector<1x1000x128xf32>
    %reshape3A = vector.shape_cast %add3A : vector<1x1000x128xf32> to vector<1000x128xf32>
    %get3A_10 = arith.constant 0 : index
    %get3A_11 = arith.constant 0 : index
    %get3A_12 = vector.load %arg3[%get3A_10, %get3A_11] : memref<1000x128xf32, #tpu.memory_space<vmem>>, vector<1000x128xf32>
    %add3A_13 = arith.addf %reshape3A, %get3A_12 : vector<1000x128xf32>
    %mul3A = vector.broadcast %get3A_1 : vector<1000x1xf32> to vector<1000x128xf32>
    %mul3A_14 = arith.mulf %mul3A, %add3A_13 : vector<1000x128xf32>
    %get3A_15 = arith.constant 0 : index
    %get3A_16 = arith.constant 0 : index
    %get3A_17 = vector.load %arg5[%get3A_15, %get3A_16] : memref<1x128xf32, #tpu.memory_space<vmem>>, vector<1x128xf32>
    %add3A_18 = vector.broadcast %get3A_17 : vector<1x128xf32> to vector<1000x128xf32>
    %add3A_19 = arith.addf %mul3A_14, %add3A_18 : vector<1000x128xf32>
    %max3A = arith.constant 0.000000e+00 : f32
    %max3A_20 = vector.broadcast %max3A : f32 to vector<1000x128xf32>
    %max3A_21 = arith.maximumf %add3A_19, %max3A_20 : vector<1000x128xf32>
    %get3A_22 = arith.constant 0 : index
    %get3A_23 = arith.constant 0 : index
    %get3A_24 = vector.load %arg6[%get3A_22, %get3A_23] : memref<128x128xf32, #tpu.memory_space<vmem>>, vector<128x128xf32>
    %dot_general3A = arith.constant dense<0.000000e+00> : vector<1000x128xf32>
    %dot_general3A_25 = tpu.matmul %max3A_21, %get3A_24, %dot_general3A {dimension_numbers = #tpu.dot_dimension_numbers<[1], [0], [0], [1], [0, 0, 1, 1], [], []>, transpose_lhs_hint = false} : vector<1000x128xf32>, vector<128x128xf32>, vector<1000x128xf32> -> vector<1000x128xf32>
    %mul3A_26 = vector.broadcast %get3A_1 : vector<1000x1xf32> to vector<1000x128xf32>
    %mul3A_27 = arith.mulf %mul3A_26, %dot_general3A_25 : vector<1000x128xf32>
    %swap3A = arith.constant 0 : index
    %swap3A_28 = arith.constant 0 : index
    %swap3A_29 = vector.load %arg7[%swap3A, %swap3A_28] : memref<1000x128xf32, #tpu.memory_space<vmem>>, vector<1000x128xf32>
    tpu.vector_store %arg7[%swap3A, %swap3A_28], %mul3A_27 {strides = array<i32>} : memref<1000x128xf32, #tpu.memory_space<vmem>>, vector<1000x128xf32>,
    return
  }
  func.func @transform_0(%arg0: i32) -> (i32, i32, i32) {
    %c0_i32 = arith.constant 0 : i32
    %c0_i32_0 = arith.constant 0 : i32
    %c0_i32_1 = arith.constant 0 : i32
    return %c0_i32, %arg0, %c0_i32_0 : i32, i32, i32
  }
  func.func @transform_1(%arg0: i32) -> (i32, i32, i32) {
    %c1_i32 = arith.constant 1 : i32
    %c0_i32 = arith.constant 0 : i32
    %c0_i32_0 = arith.constant 0 : i32
    return %c1_i32, %arg0, %c0_i32 : i32, i32, i32
  }
  func.func @transform_2(%arg0: i32) -> (i32, i32) {
    %c0_i32 = arith.constant 0 : i32
    %c0_i32_0 = arith.constant 0 : i32
    return %arg0, %c0_i32 : i32, i32
  }
  func.func @transform_3(%arg0: i32) -> (i32, i32) {
    %c0_i32 = arith.constant 0 : i32
    %c0_i32_0 = arith.constant 0 : i32
    return %arg0, %c0_i32 : i32, i32
  }
  func.func @transform_4(%arg0: i32) -> (i32, i32) {
    %c0_i32 = arith.constant 0 : i32
    %c0_i32_0 = arith.constant 0 : i32
    %c0_i32_1 = arith.constant 0 : i32
    return %c0_i32, %c0_i32_0 : i32, i32
  }
  func.func @transform_5(%arg0: i32) -> (i32, i32) {
    %c0_i32 = arith.constant 0 : i32
    %c0_i32_0 = arith.constant 0 : i32
    %c0_i32_1 = arith.constant 0 : i32
    return %c0_i32, %c0_i32_0 : i32, i32
  }
  func.func @transform_6(%arg0: i32) -> (i32, i32) {
    %c0_i32 = arith.constant 0 : i32
    %c0_i32_0 = arith.constant 0 : i32
    return %arg0, %c0_i32 : i32, i32
  }
}

module attributes {stable_mosaic.version = 14 : i64} {
  func.func @_tc_c_body(%arg0: i32, %arg1: memref<1x1000x128xf32, #tpu.memory_space<vmem>>, %arg2: memref<1x1000x128xf32, #tpu.memory_space<vmem>>, %arg3: memref<1000x128xf32, #tpu.memory_space<vmem>>, %arg4: memref<1000x1xf32, #tpu.memory_space<vmem>>, %arg5: memref<1x128xf32, #tpu.memory_space<vmem>>, %arg6: memref<1000x128xf32, #tpu.memory_space<vmem>>) attributes {dimension_semantics = [#tpu.dimension_semantics<arbitrary>], iteration_bounds = array<i64: 10>, scalar_prefetch = 0 : i64, scratch_operands = 0 : i64, tpu.core_type = #tpu.core_type<tc>, window_params = [{transform_indices = @transform_0, window_bounds = array<i64: 1, 1000, 128>}, {transform_indices = @transform_1, window_bounds = array<i64: 1, 1000, 128>}, {transform_indices = @transform_2, window_bounds = array<i64: 1000, 128>}, {transform_indices = @transform_3, window_bounds = array<i64: 1000, 1>}, {pipeline_mode = #tpu.pipeline_mode<synchronous>, transform_indices = @transform_4, window_bounds = array<i64: 1, 128>}, {transform_indices = @transform_5, window_bounds = array<i64: 1000, 128>}]} {
    %get3A = arith.constant 0 : index
    %get3A_0 = arith.constant 0 : index
    %get3A_1 = arith.constant 0 : index
    %get3A_2 = vector.load %arg1[%get3A, %get3A_0, %get3A_1] : memref<1x1000x128xf32, #tpu.memory_space<vmem>>, vector<1x1000x128xf32>
    %get3A_3 = arith.constant 0 : index
    %get3A_4 = arith.constant 0 : index
    %get3A_5 = arith.constant 0 : index
    %get3A_6 = vector.load %arg2[%get3A_3, %get3A_4, %get3A_5] : memref<1x1000x128xf32, #tpu.memory_space<vmem>>, vector<1x1000x128xf32>
    %add3A = arith.addf %get3A_2, %get3A_6 : vector<1x1000x128xf32>
    %reshape3A = vector.shape_cast %add3A : vector<1x1000x128xf32> to vector<1000x128xf32>
    %get3A_7 = arith.constant 0 : index
    %get3A_8 = arith.constant 0 : index
    %get3A_9 = vector.load %arg4[%get3A_7, %get3A_8] : memref<1000x1xf32, #tpu.memory_space<vmem>>, vector<1000x1xf32>
    %get3A_10 = arith.constant 0 : index
    %get3A_11 = arith.constant 0 : index
    %get3A_12 = vector.load %arg3[%get3A_10, %get3A_11] : memref<1000x128xf32, #tpu.memory_space<vmem>>, vector<1000x128xf32>
    %add3A_13 = arith.addf %reshape3A, %get3A_12 : vector<1000x128xf32>
    %mul3A = vector.broadcast %get3A_9 : vector<1000x1xf32> to vector<1000x128xf32>
    %mul3A_14 = arith.mulf %mul3A, %add3A_13 : vector<1000x128xf32>
    %get3A_15 = arith.constant 0 : index
    %get3A_16 = arith.constant 0 : index
    %get3A_17 = vector.load %arg5[%get3A_15, %get3A_16] : memref<1x128xf32, #tpu.memory_space<vmem>>, vector<1x128xf32>
    %add3A_18 = vector.broadcast %get3A_17 : vector<1x128xf32> to vector<1000x128xf32>
    %add3A_19 = arith.addf %mul3A_14, %add3A_18 : vector<1000x128xf32>
    %max3A = arith.constant 0.000000e+00 : f32
    %max3A_20 = vector.broadcast %max3A : f32 to vector<1000x128xf32>
    %max3A_21 = arith.maximumf %add3A_19, %max3A_20 : vector<1000x128xf32>
    %swap3A = arith.constant 0 : index
    %swap3A_22 = arith.constant 0 : index
    %swap3A_23 = vector.load %arg6[%swap3A, %swap3A_22] : memref<1000x128xf32, #tpu.memory_space<vmem>>, vector<1000x128xf32>
    tpu.vector_store %arg6[%swap3A, %swap3A_22], %max3A_21 {strides = array<i32>} : memref<1000x128xf32, #tpu.memory_space<vmem>>, vector<1000x128xf32>,
    return
  }
  func.func @transform_0(%arg0: i32) -> (i32, i32, i32) {
    %c0_i32 = arith.constant 0 : i32
    %c0_i32_0 = arith.constant 0 : i32
    %c0_i32_1 = arith.constant 0 : i32
    return %c0_i32, %arg0, %c0_i32_0 : i32, i32, i32
  }
  func.func @transform_1(%arg0: i32) -> (i32, i32, i32) {
    %c1_i32 = arith.constant 1 : i32
    %c0_i32 = arith.constant 0 : i32
    %c0_i32_0 = arith.constant 0 : i32
    return %c1_i32, %arg0, %c0_i32 : i32, i32, i32
  }
  func.func @transform_2(%arg0: i32) -> (i32, i32) {
    %c0_i32 = arith.constant 0 : i32
    %c0_i32_0 = arith.constant 0 : i32
    return %arg0, %c0_i32 : i32, i32
  }
  func.func @transform_3(%arg0: i32) -> (i32, i32) {
    %c0_i32 = arith.constant 0 : i32
    %c0_i32_0 = arith.constant 0 : i32
    return %arg0, %c0_i32 : i32, i32
  }
  func.func @transform_4(%arg0: i32) -> (i32, i32) {
    %c0_i32 = arith.constant 0 : i32
    %c0_i32_0 = arith.constant 0 : i32
    %c0_i32_1 = arith.constant 0 : i32
    return %c0_i32, %c0_i32_0 : i32, i32
  }
  func.func @transform_5(%arg0: i32) -> (i32, i32) {
    %c0_i32 = arith.constant 0 : i32
    %c0_i32_0 = arith.constant 0 : i32
    return %arg0, %c0_i32 : i32, i32
  }
}

</mosaic_0001>

<sc_bundles>
// kernel: kernel.11.cloned.1.call-start
scs
__scs_entry_jumppad:
0x0: {  	(pc) =	sbr.rel $0x88, $3  }
0x1: {  	(tag) =	ssettag $0x0;
	lr =	simm.s32 $0x1  }
0x2: {  	[smem:$0x3F9B] =	sst lr;
	_ =	strace $0xD0000000  }
0x3: {  	_ = 	snop  }
0x4: {  	_ = 	snop  }
0x5: {  	_ = 	snop  }
0x6: {  	_ = 	snop  }
0x7: {  	_ = 	snop  }
__scs_overlays_trampoline_lowered:
0x8: {  	[smem:$0x3FAA] =	sst s0  }
0x9: {  	[smem:$0x3FAB] =	sst s1  }
0xa: {  	[smem:$0x3FAC] =	sst s2  }
0xb: {  	[smem:$0x3FAD] =	sst s3  }
0xc: {  	[smem:$0x3FAE] =	sst s4  }
0xd: {  	[smem:$0x3FAF] =	sst s5  }
0xe: {  	[smem:$0x3FB0] =	sst s6  }
0xf: {  	[smem:$0x3FB1] =	sst s7  }
0x10: {  	[smem:$0x3FB2] =	sst s8  }
0x11: {  	[smem:$0x3FB3] =	sst s9;
	s0 =	simm.s32 @!p0 $0x0  }
0x12: {  	s1 =	sld [smem:$0x3F99];
	s0 =	simm.s32 @p0 $0x1  }
0x13: {  	[smem:$0x3FB4] =	sst s0;
	s0 =	simm.s32 @!p1 $0x0  }
0x14: {  	s2 =	sld [smem:$0x3F98];
	s0 =	simm.s32 @p1 $0x1  }
0x15: {  	[smem:$0x3FB5] =	sst s0;
	s0 =	simm.s32 @!p2 $0x0  }
0x16: {  	s3 =	sld [smem:$0x3FDB];
	s0 =	simm.s32 @p2 $0x1  }
0x17: {  	s4 =	simm.s32 $0x1BF5;
	[smem:$0x3FB7] =	sst s0  }
0x18: {  	s0 =	sld [smem:$0x3F9A];
	_ =	swait.ge [sflag:s4], $0x0  }
0x19: {  	s7 =	sld [smem:$0x3F9B]  }
0x1a: {  	s8 =	sadd.s32 $0xFFFFE003, lr  }
0x1b: {  	s9 =	sadd.s32 $0xFFFFFEF7, lr;
	s5 =	simm.s32 $0xFFFFFFFF;
	p2 =	slt.u32 s8, $0xFFFFF086  }
0x1c: {  	p1 =	slt.u32 s9, $0xF7A;
	s5 =	simm.s32 @!p2 $0x0  }
0x1d: {  	s5 =	simm.s32 @p1 $0x1;
	p0 =	seq.s32 s7, s2  }
0x1e: {  	s7 =	smul.u32 @!p0 $0xF7A, s2;
	p2 =	seq.s32 @!p0 s5, $0x0  }
0x1f: {  	s9 =	smul.u32 $0xF7A, s1;
	s8 =	simm.s32 @!p0 $0x1BF5;
	p2 =	por !p2, p0  }
0x20: {  	[sflag:s8] =	ssyncset.s32 @!p0 $0xFFFFF086;
	s6 =	sadd.s32 @!p0 s3, s7;
	s7 =	simm.s32 @!p0 $0x108  }
0x21: {  	s3 =	sadd.s32 s3, s9;
	s6 =	sadd.s32 @!p0 $0x88, s6;
	s7 =	simm.s32 @p2 $0x1082  }
0x22: {  	[simem:s7], [sflag:s8] =	dma.local @!p0 [hbm:s6], $0xF7A  }
0x23: {  	s9 =	sor.u32 $0xD0000000, s2;
	s6 =	simm.s32 $0x108;
	_ =	swait.ge @!p0 [sflag:s8], $0x0  }
0x24: {  	s3 =	sadd.s32 $0x88, s3;
	s6 =	simm.s32 @!p1 $0x1082;
	[sflag:s4] =	ssyncset.s32 $0xFFFFF086  }
0x25: {  	[simem:s6], [sflag:s4] =	dma.local [hbm:s3], $0xF7A  }
0x26: {  	[smem:$0x3F9B] =	sst s1;
	(tag) =	ssettag s2;
	_ =	strace s9  }
0x27: {  	s1 =	sld [smem:$0x3FAB]  }
0x28: {  	s2 =	sld [smem:$0x3FAC]  }
0x29: {  	s4 =	sld [smem:$0x3FAE]  }
0x2a: {  	p0 =	seq.s32 s5, $0x0;
	s5 =	sld [smem:$0x3FAF]  }
0x2b: {  	s6 =	sld [smem:$0x3FB0]  }
0x2c: {  	s7 =	sld [smem:$0x3FB1]  }
0x2d: {  	s3 =	simm.s32 $0x108;
	s8 =	sld [smem:$0x3FB2]  }
0x2e: {  	s3 =	simm.s32 @!p0 $0x1082;
	s9 =	sld [smem:$0x3FB3]  }
0x2f: {  	lr =	sadd.s32 s0, s3;
	s0 =	sld [smem:$0x3FAA]  }
0x30: {  	s3 =	sld [smem:$0x3FAD]  }
0x31: {  	[smem:$0x3FB6] =	sst s10  }
0x32: {  	s10 =	sld [smem:$0x3FB4];
	_ =	sdelay $0x3  }
0x33: {  	p0 =	seq.s32 s10, $0x1;
	s10 =	sld [smem:$0x3FB6];
	_ =	sdelay $0x3  }
0x34: {  	[smem:$0x3FB6] =	sst s10  }
0x35: {  	s10 =	sld [smem:$0x3FB5];
	_ =	sdelay $0x3  }
0x36: {  	p1 =	seq.s32 s10, $0x1;
	s10 =	sld [smem:$0x3FB6];
	_ =	sdelay $0x3  }
0x37: {  	[smem:$0x3FB6] =	sst s10  }
0x38: {  	s10 =	sld [smem:$0x3FB7]  }
0x39: {  	_ = 	snop;
	(pc) =	sbr.ind lr, $3  }
0x3a: {  	_ = 	snop  }
0x3b: {  	_ = 	snop  }
0x3c: {  	p2 =	seq.s32 s10, $0x1;
	s10 =	sld [smem:$0x3FB6]  }
0x3d: {  	_ =	shalt  }
0x3e: {  	_ =	shalt  }
0x3f: {  	_ =	shalt  }
0x40: {  	_ =	shalt  }
0x41: {  	_ =	shalt  }
0x42: {  	_ =	shalt  }
0x43: {  	_ =	shalt  }
0x44: {  	_ =	shalt  }
0x45: {  	_ =	shalt  }
0x46: {  	_ =	shalt  }
0x47: {  	_ =	shalt  }
0x48: {  	_ =	shalt  }
0x49: {  	_ =	shalt  }
0x4a: {  	_ =	shalt  }
0x4b: {  	_ =	shalt  }
0x4c: {  	_ =	shalt  }
0x4d: {  	_ =	shalt  }
0x4e: {  	_ =	shalt  }
0x4f: {  	_ =	shalt  }
0x50: {  	_ =	shalt  }
0x51: {  	_ =	shalt  }
0x52: {  	_ =	shalt  }
0x53: {  	_ =	shalt  }
0x54: {  	_ =	shalt  }
0x55: {  	_ =	shalt  }
0x56: {  	_ =	shalt  }
0x57: {  	_ =	shalt  }
0x58: {  	_ =	shalt  }
0x59: {  	_ =	shalt  }
0x5a: {  	_ =	shalt  }
0x5b: {  	_ =	shalt  }
0x5c: {  	_ =	shalt  }
0x5d: {  	_ =	shalt  }
0x5e: {  	_ =	shalt  }
0x5f: {  	_ =	shalt  }
0x60: {  	_ =	shalt  }
0x61: {  	_ =	shalt  }
0x62: {  	_ =	shalt  }
0x63: {  	_ =	shalt  }
0x64: {  	_ =	shalt  }
0x65: {  	_ =	shalt  }
0x66: {  	_ =	shalt  }
0x67: {  	_ =	shalt  }
0x68: {  	_ =	shalt  }
0x69: {  	_ =	shalt  }
0x6a: {  	_ =	shalt  }
0x6b: {  	_ =	shalt  }
0x6c: {  	_ =	shalt  }
0x6d: {  	_ =	shalt  }
0x6e: {  	_ =	shalt  }
0x6f: {  	_ =	shalt  }
0x70: {  	_ =	shalt  }
0x71: {  	_ =	shalt  }
0x72: {  	_ =	shalt  }
0x73: {  	_ =	shalt  }
0x74: {  	_ =	shalt  }
0x75: {  	_ =	shalt  }
0x76: {  	_ =	shalt  }
0x77: {  	_ =	shalt  }
0x78: {  	_ =	shalt  }
0x79: {  	_ =	shalt  }
0x7a: {  	_ =	shalt  }
0x7b: {  	_ =	shalt  }
0x7c: {  	_ =	shalt  }
0x7d: {  	_ =	shalt  }
0x7e: {  	_ =	shalt  }
0x7f: {  	_ =	shalt  }
0x80: {  	_ =	shalt  }
0x81: {  	_ =	shalt  }
0x82: {  	_ =	shalt  }
0x83: {  	_ =	shalt  }
0x84: {  	_ =	shalt  }
0x85: {  	_ =	shalt  }
0x86: {  	_ =	shalt  }
0x87: {  	_ =	shalt  }
.Lfunc_end0:
.L_simem_size_0:
called_computation.1_lowered:
.L_overlay_start_0:
0x88: {  	s2 =	sld [smem:$0x3FD9]  }
0x89: {  	s3 =	sld [smem:$0x3FFE];
	_ =	sdelay $0x1  }
0x8a: {  	s1 =	srdreg.scid  }
0x8b: {  	s0 =	sand.u32 $0x1, s1  }
0x8c: {  	s17 =	sshll.u32 s0, $0xA;
	s2 =	sadd.s32 s3, s2  }
0x8d: {  	s2 =	sadd.s32 s2, s17  }
0x8e: {  	[smem:$0x3FC2] =	sst s2  }
0x8f: {  	_ = 	snop  }
0x90: {  	s2 =	sld [smem:$0x3FD0];
	(tm) =	ssettm $0x1  }
0x91: {  	s18 =	sld [smem:$0x3FFB];
	_ =	sdelay $0x3  }
0x92: {  	_ =	strace s18  }
0x93: {  	s3 =	sld [smem:$0x3FFC];
	_ =	sdelay $0x3  }
0x94: {  	_ =	strace s3  }
0x95: {  	s3 =	sld [smem:$0x3FFD];
	_ =	sdelay $0x3  }
0x96: {  	_ =	strace s3  }
0x97: {  	_ =	strace $0x8FFFFFFF  }
0x98: {  	s19 =	sld [smem:$0x3FDB];
	_ =	sdelay $0x1  }
0x99: {  	s4 =	simm.s32 $_scs_section_size  }
0x9a: {  	s5 =	simm.s32 $_size__tile_overlayer_lowered;
	s6 =	simm.s32 $_tile_overlayer_lowered  }
0x9b: {  	s22 =	simm.s32 $0x1BFF;
	s21 =	sshll.u32 s6, $0x1;
	s3 =	sadd.s32 s4, s19  }
0x9c: {  	s7 =	simm.s32 $0x0;
	s20 =	sshll.u32 s5, $0x1;
	s5 =	sadd.s32 s21, s3  }
0x9d: {  	[timem:s7], [sflag:s22] =	dma.local [hbm:s5], s20  }
0x9e: {  	_ =	swait.ge [sflag:s22], s20  }
0x9f: {  	s4 =	ssub.s32 $0x0, s20;
	[sflag:s22] =	ssyncset.done $0x0  }
0xa0: {  	[sflag:s22] =	ssyncadd.s32 s4;
	_ =	sdelay $0x1  }
0xa1: {  	s23 =	simm.s32 $0x1B8B  }
0xa2: {  	_ =	swait.ge [sflag:s23], $0x1  }
0xa3: {  	[sflag:s23] =	ssyncset.done $0x0  }
0xa4: {  	s25 =	simm.s32 $0x1B8E;
	s24 =	sld [smem:$0x3FFE];
	[sflag:s23] =	ssyncadd.s32 $0xFFFFFFFF  }
0xa5: {  	s26 =	simm.s32 $execute0_lowered;
	[smem:$0x3FD2] =	sst s25  }
0xa6: {  	s5 =	sshll.u32 s26, $0x1;
	_ =	strace $0x80000049;
	[dreg:$0x1] =	wrdreg $0xFFFFFFFF  }
0xa7: {  	s28 =	simm.s32 $_size_execute0_lowered;
	s3 =	sadd.s32 s3, s5;
	[dreg:$0x0] =	wrdreg $0x0  }
0xa8: {  	s5 =	sshll.u32 s28, $0x1;
	[dreg:$0x2] =	wrdreg s3  }
0xa9: {  	[dreg:$0x3] =	wrdreg s5  }
0xaa: {  	[dreg:$0x4] =	wrdreg $0xC0  }
0xab: {  	_ =	task [dreg:s7], $0x5FFFF  }
0xac: {  	[dreg:$0x1] =	wrdreg $0xFFFFFFFF  }
0xad: {  	[dreg:$0x0] =	wrdreg $0x60  }
0xae: {  	[dreg:$0x2] =	wrdreg s24  }
0xaf: {  	[dreg:$0x3] =	wrdreg s2  }
0xb0: {  	[dreg:$0x4] =	wrdreg $0x90000  }
0xb1: {  	[dreg:$0x5] =	wrdreg $0x9  }
0xb2: {  	_ =	task.clear_ibuf [dreg:s7], $0x6FFFF;
	_ =	strace $0x90000049  }
0xb3: {  	s29 =	simm.s32 $0x9;
	_ =	strace $0x8000004B  }
0xb4: {  	_ =	swait.ge [sflag:s29], $0x1  }
0xb5: {  	[sflag:s29] =	ssyncadd.s32 $0xFFFFFFFF  }
0xb6: {  	_ =	strace $0x9000004B  }
0xb7: {  	_ =	sfence  }
0xb8: {  	s30 =	sld [smem:$0x0];
	_ =	sdelay $0x2  }
0xb9: {  	s31 =	sshll.u32 s1, $0xD;
	s1 =	sshrl.u32 s1, $0x2  }
0xba: {  	s3 =	sand.u32 $0x4000, s31;
	s1 =	sadd.s32 s1, s30  }
0xbb: {  	s0 =	sor.u32 s3, s0;
	s1 =	sshll.u32 s1, $0x11  }
0xbc: {  	s0 =	sor.u32 s1, s0  }
0xbd: {  	s0 =	sadd.s32 $0x8F2B, s0  }
0xbe: {  	[sflag:s0] =	ssyncadd.remote.s32 $0x1  }
0xbf: {  	_ =	sfence.sel $0xFFFF  }
0xc0: {  	[dreg:$0x0] =	wrdreg $0xFFFFFFFF;
	(pc) =	sbr.abs _section_cstart, $3  }
0xc1: {  	[dreg:$0x1] =	wrdreg $0xFFFFFFFF  }
0xc2: {  	_ =	task.clear_ibuf [dreg:s7], $0x2FFFF;
	_ =	strace $0x9FFFFFFF  }
0xc3: {  	(tm) =	ssettm $0x7FFFFFFF  }
tec
execute0_lowered:
.L_overlay_start_1:
0x0: {  	(tag) =	ssettag $0x1  }
0x1: {  	s0 =	rddreg [dreg:$0x0]  }
0x2: {  	s2 =	rddreg [dreg:$0x1]  }
0x3: {  	s1 =	rddreg [dreg:$0x2];
	s3 =	simm.s32 $0x0;
	s4 =	srdreg.scid  }
0x4: {  	s12 =	stileid.u32;
	s15 =	simm.s32 $0x480;
	s16 =	simm.s32 $0xC00  }
0x5: {  	s28 =	simm.s32 $0x980;
	s29 =	simm.s32 $0x200;
	s7 =	smul.u32 $0x13C00, s12  }
0x6: {  	s30 =	simm.s32 $0x280;
	s31 =	simm.s32 $0xA00;
	s9 =	smul.u32 $0x4F000, s12  }
0x7: {  	[smem:$0x7FF] =	sst s3;
	s5 =	sand.u32 $0x1, s4;
	s18 =	smul.u32 $0x4C00, s12  }
0x8: {  	s4 =	sadd.s32 $0xD200, s0;
	s8 =	sshll.u32 s12, $0x7;
	s23 =	smul.u32 $0x980, s12  }
0x9: {  	s10 =	sadd.s32 $0x1800, s0;
	s6 =	smul.u32 $0x13C000, s5;
	_ =	strace $0x8000004A  }
0xa: {  	s8 =	sadd.s32 s8, s0;
	s17 =	ssub.s32 $0x2, s5;
	[dreg:$0x7] =	wrdreg s15  }
0xb: {  	p0 =	seq.s32 s5, $0x1;
	[dreg:$0x8] =	wrdreg s16;
	s16 =	simm.s32 $0x1000  }
0xc: {  	s15 =	simm.s32 $0x0;
	s9 =	sshrl.u32 s9, $0x2;
	s12 =	sadd.s32 $0xCA00, s8  }
0xd: {  	s11 =	sshrl.u32 s17, $0x1;
	s14 =	sadd.s32 $0xC200, s8;
	[dreg:$0x19] =	wrdreg s12  }
0xe: {  	s22 =	sshrl.u32 s18, $0x3;
	s18 =	simm.s32 $0xC80;
	[dreg:$0x1a] =	wrdreg s14  }
0xf: {  	s6 =	sadd.s32 s7, s6;
	s13 =	sadd.s32 s9, s1;
	[dreg:$0x9] =	wrdreg s18  }
0x10: {  	s19 =	ssub.s32 s17, s11;
	s11 =	sadd.s32 s23, s10;
	[dreg:$0x12] =	wrdreg s13  }
0x11: {  	s7 =	sadd.s32 $0x900, s22;
	s22 =	simm.s32 $0xD80;
	[dreg:$0x4] =	wrdreg s11  }
0x12: {  	s8 =	simm.s32 $0x780;
	s20 =	sadd.s32 $0x4000, s13;
	[dreg:$0xd] =	wrdreg s22  }
0x13: {  	s18 =	simm.s32 $0x800;
	s21 =	sadd.s32 $0x8000, s13;
	[dreg:$0x13] =	wrdreg s20  }
0x14: {  	s9 =	simm.s32 $0xF00;
	s24 =	sadd.s32 $0xC000, s13;
	[dreg:$0x14] =	wrdreg s21  }
0x15: {  	s14 =	simm.s32 $0xF80;
	s25 =	sadd.s32 $0x10000, s13;
	[dreg:$0x15] =	wrdreg s24  }
0x16: {  	s6 =	sshrl.u32 s6, $0x3;
	s26 =	sadd.s32 s2, s7;
	[dreg:$0x16] =	wrdreg s25  }
0x17: {  	s7 =	sadd.s32 s10, s7;
	s2 =	sadd.s32 s23, s2;
	[dreg:$0x17] =	wrdreg s26  }
0x18: {  	s13 =	simm.s32 $0x400;
	s17 =	smax.u32 s19, $0x1;
	[dreg:$0x18] =	wrdreg s7  }
0x19: {  	s19 =	simm.s32 $0x500;
	s23 =	simm.s32 $0x600;
	[dreg:$0x5] =	wrdreg s2  }
0x1a: {  	s22 =	simm.s32 $0x2;
	s10 =	simm.s32 $0x300;
	[dreg:$0x6] =	wrdreg s13  }
0x1b: {  	s11 =	simm.s32 $0x380;
	s0 =	sadd.s32 s6, s0;
	[dreg:$0x1c] =	wrdreg s17  }
0x1c: {  	s17 =	simm.s32 $0x3;
	[dreg:$0xa] =	wrdreg s19;
	s20 =	simm.s32 $0x580  }
0x1d: {  	s21 =	simm.s32 $0xD00;
	s19 =	simm.s32 $0x80;
	[dreg:$0xe] =	wrdreg s23  }
0x1e: {  	s24 =	simm.s32 $0x680;
	s25 =	simm.s32 $0xE00;
	s23 =	simm.s32 $0x880  }
0x1f: {  	s26 =	simm.s32 $0xE80;
	s2 =	simm.s32 $0xB00;
	[dreg:$0xb] =	wrdreg s20  }
.Ltmp0:
0x20: {  	s6 =	simm.s32 $0xB80;
	[dreg:$0xc] =	wrdreg s21;
	(pc) =	sbr.rel .LBB2_1-.Ltmp0, $4  }
0x21: {  	s7 =	simm.s32 $0x700;
	s0 =	sadd.s32 $0x34400, s0;
	[dreg:$0xf] =	wrdreg s24  }
0x22: {  	s20 =	simm.s32 $0x5000;
	s21 =	simm.s32 $0x1;
	[dreg:$0x10] =	wrdreg s25  }
0x23: {  	s24 =	simm.s32 $0x100;
	[dreg:$0x11] =	wrdreg s26;
	s25 =	simm.s32 $0x180  }
0x24: {  	v0 =	vimm.f32 $0.0e+00;
	s26 =	simm.s32 $0x900;
	[dreg:$0x1b] =	wrdreg s0;
	s0 =	simm.s32 $0xA80  }
.LBB2_6:
0x25: {  	[sflag:s17] =	ssyncadd.s32 $0xFFFFC000;
	s5 =	sadd.s32 s15, s5  }
0x26: {  	[tilespmem:s3], [sflag:$0x3] =	stream.linear.gather [hbm4b:s5+s3], $0x800, $0x38;
	[tilespmem:$0x1CC00] =	vst v63  }
0x27: {  	_ =	swait.ge [sflag:s17], $0x800  }
0x28: {  	s13 =	rddreg [dreg:$0x4];
	[sflag:s17] =	ssyncset.done $0x0  }
0x29: {  	[sflag:s17] =	ssyncadd.s32 $0xFFFFF800;
	s5 =	sadd.s32 s15, s13  }
0x2a: {  	[tilespmem:s18], [sflag:$0x3] =	stream.linear.gather [hbm4b:s5+s3], $0x800, $0x38;
	[tilespmem:$0x1CC00] =	vst v63  }
0x2b: {  	_ =	swait.ge [sflag:s17], $0x800  }
0x2c: {  	[sflag:s17] =	ssyncset.done $0x0  }
0x2d: {  	[sflag:s17] =	ssyncadd.s32 $0xFFFFF800  }
0x2e: {  	[tilespmem:s16], [sflag:$0x1] =	stream.indirect.gather [hbm4b:s4+s19], $0x80, s3, s19, $0xb8;
	[tilespmem:$0x1CC00] =	vst v63  }
0x2f: {  	_ = 	snop  }
0x30: {  	[tilespmem:s20], [sflag:$0x2] =	stream.indirect.gather [hbm4b:s4+s19], $0x80, s19, s19, $0xb8;
	[tilespmem:$0x1CC00] =	vst v63  }
0x31: {  	_ =	swait.ge [sflag:s21], $0x4000  }
0x32: {  	[sflag:s21] =	ssyncset.done $0x0  }
0x33: {  	[sflag:s21] =	ssyncadd.s32 $0xFFFFC000  }
0x34: {  	[spmem:s1] =	stream.indirect.scatter.add.f32 [tilespmem:s16], [sflag:$0x3], $0x80, s18, s19, $0xb8;
	[tilespmem:$0x1CC00] =	vst v63  }
0x35: {  	_ =	swait.ge [sflag:s17], $0x4000  }
0x36: {  	[sflag:s17] =	ssyncset.done $0x0  }
0x37: {  	[sflag:s17] =	ssyncadd.s32 $0xFFFFC000  }
0x38: {  	_ =	swait.ge [sflag:s22], $0x4000  }
0x39: {  	[sflag:s22] =	ssyncset.done $0x0  }
0x3a: {  	[sflag:s22] =	ssyncadd.s32 $0xFFFFC000  }
0x3b: {  	[spmem:s1] =	stream.indirect.scatter.add.f32 [tilespmem:s20], [sflag:$0x3], $0x80, s23, s19, $0xb8;
	[tilespmem:$0x1CC00] =	vst v63  }
0x3c: {  	_ =	swait.ge [sflag:s17], $0x4000  }
0x3d: {  	[sflag:s17] =	ssyncset.done $0x0  }
0x3e: {  	[sflag:s17] =	ssyncadd.s32 $0xFFFFC000  }
0x3f: {  	[tilespmem:s16], [sflag:$0x1] =	stream.indirect.gather [hbm4b:s4+s19], $0x80, s24, s19, $0xb8;
	[tilespmem:$0x1CC00] =	vst v63  }
0x40: {  	_ = 	snop  }
0x41: {  	[tilespmem:s20], [sflag:$0x2] =	stream.indirect.gather [hbm4b:s4+s19], $0x80, s25, s19, $0xb8;
	[tilespmem:$0x1CC00] =	vst v63  }
0x42: {  	_ =	swait.ge [sflag:s21], $0x4000  }
0x43: {  	[sflag:s21] =	ssyncset.done $0x0  }
0x44: {  	[sflag:s21] =	ssyncadd.s32 $0xFFFFC000  }
0x45: {  	[spmem:s1] =	stream.indirect.scatter.add.f32 [tilespmem:s16], [sflag:$0x3], $0x80, s26, s19, $0xb8;
	[tilespmem:$0x1CC00] =	vst v63  }
0x46: {  	_ =	swait.ge [sflag:s17], $0x4000  }
0x47: {  	[sflag:s17] =	ssyncset.done $0x0  }
0x48: {  	[sflag:s17] =	ssyncadd.s32 $0xFFFFC000  }
0x49: {  	_ =	swait.ge [sflag:s22], $0x4000  }
0x4a: {  	[sflag:s22] =	ssyncset.done $0x0  }
0x4b: {  	[sflag:s22] =	ssyncadd.s32 $0xFFFFC000  }
0x4c: {  	[spmem:s1] =	stream.indirect.scatter.add.f32 [tilespmem:s20], [sflag:$0x3], $0x80, s28, s19, $0xb8;
	[tilespmem:$0x1CC00] =	vst v63  }
0x4d: {  	_ =	swait.ge [sflag:s17], $0x4000  }
0x4e: {  	[sflag:s17] =	ssyncset.done $0x0  }
0x4f: {  	[sflag:s17] =	ssyncadd.s32 $0xFFFFC000  }
0x50: {  	[tilespmem:s16], [sflag:$0x1] =	stream.indirect.gather [hbm4b:s4+s19], $0x80, s29, s19, $0xb8;
	[tilespmem:$0x1CC00] =	vst v63  }
0x51: {  	_ = 	snop  }
0x52: {  	[tilespmem:s20], [sflag:$0x2] =	stream.indirect.gather [hbm4b:s4+s19], $0x80, s30, s19, $0xb8;
	[tilespmem:$0x1CC00] =	vst v63  }
0x53: {  	_ =	swait.ge [sflag:s21], $0x4000  }
0x54: {  	[sflag:s21] =	ssyncset.done $0x0  }
0x55: {  	[sflag:s21] =	ssyncadd.s32 $0xFFFFC000  }
0x56: {  	[spmem:s1] =	stream.indirect.scatter.add.f32 [tilespmem:s16], [sflag:$0x3], $0x80, s31, s19, $0xb8;
	[tilespmem:$0x1CC00] =	vst v63  }
0x57: {  	_ =	swait.ge [sflag:s17], $0x4000  }
0x58: {  	[sflag:s17] =	ssyncset.done $0x0  }
0x59: {  	[sflag:s17] =	ssyncadd.s32 $0xFFFFC000  }
0x5a: {  	_ =	swait.ge [sflag:s22], $0x4000  }
0x5b: {  	[sflag:s22] =	ssyncset.done $0x0  }
0x5c: {  	[sflag:s22] =	ssyncadd.s32 $0xFFFFC000  }
0x5d: {  	[spmem:s1] =	stream.indirect.scatter.add.f32 [tilespmem:s20], [sflag:$0x3], $0x80, s0, s19, $0xb8;
	[tilespmem:$0x1CC00] =	vst v63  }
0x5e: {  	_ =	swait.ge [sflag:s17], $0x4000  }
0x5f: {  	[sflag:s17] =	ssyncset.done $0x0  }
0x60: {  	[sflag:s17] =	ssyncadd.s32 $0xFFFFC000  }
0x61: {  	[tilespmem:s16], [sflag:$0x1] =	stream.indirect.gather [hbm4b:s4+s19], $0x80, s10, s19, $0xb8;
	[tilespmem:$0x1CC00] =	vst v63  }
0x62: {  	_ = 	snop  }
0x63: {  	[tilespmem:s20], [sflag:$0x2] =	stream.indirect.gather [hbm4b:s4+s19], $0x80, s11, s19, $0xb8;
	[tilespmem:$0x1CC00] =	vst v63  }
0x64: {  	_ =	swait.ge [sflag:s21], $0x4000  }
0x65: {  	[sflag:s21] =	ssyncset.done $0x0  }
0x66: {  	[sflag:s21] =	ssyncadd.s32 $0xFFFFC000  }
0x67: {  	[spmem:s1] =	stream.indirect.scatter.add.f32 [tilespmem:s16], [sflag:$0x3], $0x80, s2, s19, $0xb8;
	[tilespmem:$0x1CC00] =	vst v63  }
0x68: {  	_ =	swait.ge [sflag:s17], $0x4000  }
0x69: {  	[sflag:s17] =	ssyncset.done $0x0  }
0x6a: {  	[sflag:s17] =	ssyncadd.s32 $0xFFFFC000  }
0x6b: {  	_ =	swait.ge [sflag:s22], $0x4000  }
0x6c: {  	[sflag:s22] =	ssyncset.done $0x0  }
0x6d: {  	[sflag:s22] =	ssyncadd.s32 $0xFFFFC000  }
0x6e: {  	[spmem:s1] =	stream.indirect.scatter.add.f32 [tilespmem:s20], [sflag:$0x3], $0x80, s6, s19, $0xb8;
	[tilespmem:$0x1CC00] =	vst v63  }
0x6f: {  	_ =	swait.ge [sflag:s17], $0x4000  }
0x70: {  	[sflag:s17] =	ssyncset.done $0x0  }
0x71: {  	s15 =	rddreg [dreg:$0x6];
	[sflag:s17] =	ssyncadd.s32 $0xFFFFC000  }
0x72: {  	[tilespmem:s16], [sflag:$0x1] =	stream.indirect.gather [hbm4b:s4+s19], $0x80, s15, s19, $0xb8;
	[tilespmem:$0x1CC00] =	vst v63  }
0x73: {  	s12 =	rddreg [dreg:$0x7]  }
0x74: {  	[tilespmem:s20], [sflag:$0x2] =	stream.indirect.gather [hbm4b:s4+s19], $0x80, s12, s19, $0xb8;
	[tilespmem:$0x1CC00] =	vst v63  }
0x75: {  	_ =	swait.ge [sflag:s21], $0x4000  }
0x76: {  	[sflag:s21] =	ssyncset.done $0x0  }
0x77: {  	s13 =	rddreg [dreg:$0x8];
	[sflag:s21] =	ssyncadd.s32 $0xFFFFC000  }
0x78: {  	[spmem:s1] =	stream.indirect.scatter.add.f32 [tilespmem:s16], [sflag:$0x3], $0x80, s13, s19, $0xb8;
	[tilespmem:$0x1CC00] =	vst v63  }
0x79: {  	_ =	swait.ge [sflag:s17], $0x4000  }
0x7a: {  	[sflag:s17] =	ssyncset.done $0x0  }
0x7b: {  	[sflag:s17] =	ssyncadd.s32 $0xFFFFC000  }
0x7c: {  	_ =	swait.ge [sflag:s22], $0x4000  }
0x7d: {  	[sflag:s22] =	ssyncset.done $0x0  }
0x7e: {  	s15 =	rddreg [dreg:$0x9];
	[sflag:s22] =	ssyncadd.s32 $0xFFFFC000  }
0x7f: {  	[spmem:s1] =	stream.indirect.scatter.add.f32 [tilespmem:s20], [sflag:$0x3], $0x80, s15, s19, $0xb8;
	[tilespmem:$0x1CC00] =	vst v63  }
0x80: {  	_ =	swait.ge [sflag:s17], $0x4000  }
0x81: {  	[sflag:s17] =	ssyncset.done $0x0  }
0x82: {  	s12 =	rddreg [dreg:$0xa];
	[sflag:s17] =	ssyncadd.s32 $0xFFFFC000  }
0x83: {  	[tilespmem:s16], [sflag:$0x1] =	stream.indirect.gather [hbm4b:s4+s19], $0x80, s12, s19, $0xb8;
	[tilespmem:$0x1CC00] =	vst v63  }
0x84: {  	s13 =	rddreg [dreg:$0xb]  }
0x85: {  	[tilespmem:s20], [sflag:$0x2] =	stream.indirect.gather [hbm4b:s4+s19], $0x80, s13, s19, $0xb8;
	[tilespmem:$0x1CC00] =	vst v63  }
0x86: {  	_ =	swait.ge [sflag:s21], $0x4000  }
0x87: {  	[sflag:s21] =	ssyncset.done $0x0  }
0x88: {  	s15 =	rddreg [dreg:$0xc];
	[sflag:s21] =	ssyncadd.s32 $0xFFFFC000  }
0x89: {  	[spmem:s1] =	stream.indirect.scatter.add.f32 [tilespmem:s16], [sflag:$0x3], $0x80, s15, s19, $0xb8;
	[tilespmem:$0x1CC00] =	vst v63  }
0x8a: {  	_ =	swait.ge [sflag:s17], $0x4000  }
0x8b: {  	[sflag:s17] =	ssyncset.done $0x0  }
0x8c: {  	[sflag:s17] =	ssyncadd.s32 $0xFFFFC000  }
0x8d: {  	_ =	swait.ge [sflag:s22], $0x4000  }
0x8e: {  	[sflag:s22] =	ssyncset.done $0x0  }
0x8f: {  	s12 =	rddreg [dreg:$0xd];
	[sflag:s22] =	ssyncadd.s32 $0xFFFFC000  }
0x90: {  	[spmem:s1] =	stream.indirect.scatter.add.f32 [tilespmem:s20], [sflag:$0x3], $0x80, s12, s19, $0xb8;
	[tilespmem:$0x1CC00] =	vst v63  }
0x91: {  	_ =	swait.ge [sflag:s17], $0x4000  }
0x92: {  	[sflag:s17] =	ssyncset.done $0x0  }
0x93: {  	s13 =	rddreg [dreg:$0xe];
	[sflag:s17] =	ssyncadd.s32 $0xFFFFC000  }
0x94: {  	[tilespmem:s16], [sflag:$0x1] =	stream.indirect.gather [hbm4b:s4+s19], $0x80, s13, s19, $0xb8;
	[tilespmem:$0x1CC00] =	vst v63  }
0x95: {  	s15 =	rddreg [dreg:$0xf]  }
0x96: {  	[tilespmem:s20], [sflag:$0x2] =	stream.indirect.gather [hbm4b:s4+s19], $0x80, s15, s19, $0xb8;
	[tilespmem:$0x1CC00] =	vst v63  }
0x97: {  	_ =	swait.ge [sflag:s21], $0x4000  }
0x98: {  	[sflag:s21] =	ssyncset.done $0x0  }
0x99: {  	s13 =	rddreg [dreg:$0x10];
	[sflag:s21] =	ssyncadd.s32 $0xFFFFC000  }
0x9a: {  	[spmem:s1] =	stream.indirect.scatter.add.f32 [tilespmem:s16], [sflag:$0x3], $0x80, s13, s19, $0xb8;
	[tilespmem:$0x1CC00] =	vst v63  }
0x9b: {  	_ =	swait.ge [sflag:s17], $0x4000  }
0x9c: {  	[sflag:s17] =	ssyncset.done $0x0  }
0x9d: {  	[sflag:s17] =	ssyncadd.s32 $0xFFFFC000  }
0x9e: {  	_ =	swait.ge [sflag:s22], $0x4000  }
0x9f: {  	[sflag:s22] =	ssyncset.done $0x0  }
0xa0: {  	s15 =	rddreg [dreg:$0x11];
	[sflag:s22] =	ssyncadd.s32 $0xFFFFC000  }
0xa1: {  	[spmem:s1] =	stream.indirect.scatter.add.f32 [tilespmem:s20], [sflag:$0x3], $0x80, s15, s19, $0xb8;
	[tilespmem:$0x1CC00] =	vst v63  }
0xa2: {  	_ =	swait.ge [sflag:s17], $0x4000  }
0xa3: {  	[sflag:s17] =	ssyncset.done $0x0  }
0xa4: {  	[sflag:s17] =	ssyncadd.s32 $0xFFFFC000  }
0xa5: {  	[tilespmem:s16], [sflag:$0x1] =	stream.indirect.gather [hbm4b:s4+s19], $0x80, s7, s19, $0xb8;
	[tilespmem:$0x1CC00] =	vst v63  }
0xa6: {  	_ = 	snop  }
0xa7: {  	[tilespmem:s20], [sflag:$0x2] =	stream.indirect.gather [hbm4b:s4+s19], $0x80, s8, s19, $0xb8;
	[tilespmem:$0x1CC00] =	vst v63  }
0xa8: {  	_ =	swait.ge [sflag:s21], $0x4000  }
0xa9: {  	[sflag:s21] =	ssyncset.done $0x0  }
0xaa: {  	[sflag:s21] =	ssyncadd.s32 $0xFFFFC000  }
0xab: {  	[spmem:s1] =	stream.indirect.scatter.add.f32 [tilespmem:s16], [sflag:$0x3], $0x80, s9, s19, $0xb8;
	[tilespmem:$0x1CC00] =	vst v63  }
0xac: {  	_ =	swait.ge [sflag:s17], $0x4000  }
0xad: {  	[sflag:s17] =	ssyncset.done $0x0  }
0xae: {  	[sflag:s17] =	ssyncadd.s32 $0xFFFFC000  }
0xaf: {  	_ =	swait.ge [sflag:s22], $0x4000  }
0xb0: {  	[sflag:s22] =	ssyncset.done $0x0  }
0xb1: {  	[sflag:s22] =	ssyncadd.s32 $0xFFFFC000  }
0xb2: {  	[spmem:s1] =	stream.indirect.scatter.add.f32 [tilespmem:s20], [sflag:$0x3], $0x80, s14, s19, $0xb8;
	[tilespmem:$0x1CC00] =	vst v63  }
0xb3: {  	_ =	swait.ge [sflag:s17], $0x4000  }
0xb4: {  	s13 =	rddreg [dreg:$0x17]  }
0xb5: {  	[sflag:s17] =	ssyncset.done $0x0;
	s5 =	rddreg [dreg:$0x18]  }
0xb6: {  	s15 =	rddreg [dreg:$0x1d];
	[sflag:s17] =	ssyncadd.s32 $0xFFFFC000  }
.LBB2_7:
0xb7: {  	[tilespmem:s3], [sflag:$0x3] =	stream.linear.gather [hbm4b:s13+s3], $0x400, $0x38;
	[tilespmem:$0x1CC00] =	vst v63  }
0xb8: {  	_ =	swait.ge [sflag:s17], $0x400  }
0xb9: {  	[sflag:s17] =	ssyncset.done $0x0  }
0xba: {  	[sflag:s17] =	ssyncadd.s32 $0xFFFFFC00  }
0xbb: {  	[tilespmem:s18], [sflag:$0x3] =	stream.linear.gather [hbm4b:s5+s3], $0x400, $0x38;
	[tilespmem:$0x1CC00] =	vst v63  }
0xbc: {  	_ =	swait.ge [sflag:s17], $0x400  }
0xbd: {  	[sflag:s17] =	ssyncset.done $0x0  }
0xbe: {  	[sflag:s17] =	ssyncadd.s32 $0xFFFFFC00  }
0xbf: {  	[tilespmem:s16], [sflag:$0x1] =	stream.indirect.gather [hbm4b:s4+s19], $0x80, s3, s19, $0xb8;
	[tilespmem:$0x1CC00] =	vst v63  }
0xc0: {  	_ = 	snop  }
0xc1: {  	[tilespmem:s20], [sflag:$0x2] =	stream.indirect.gather [hbm4b:s4+s19], $0x80, s19, s19, $0xb8;
	[tilespmem:$0x1CC00] =	vst v63  }
0xc2: {  	_ =	swait.ge [sflag:s21], $0x4000  }
0xc3: {  	[sflag:s21] =	ssyncset.done $0x0  }
0xc4: {  	[sflag:s21] =	ssyncadd.s32 $0xFFFFC000  }
0xc5: {  	[spmem:s1] =	stream.indirect.scatter.add.f32 [tilespmem:s16], [sflag:$0x3], $0x80, s18, s19, $0xb8;
	[tilespmem:$0x1CC00] =	vst v63  }
0xc6: {  	_ =	swait.ge [sflag:s17], $0x4000  }
0xc7: {  	[sflag:s17] =	ssyncset.done $0x0  }
0xc8: {  	[sflag:s17] =	ssyncadd.s32 $0xFFFFC000  }
0xc9: {  	_ =	swait.ge [sflag:s22], $0x4000  }
0xca: {  	[sflag:s22] =	ssyncset.done $0x0  }
0xcb: {  	[sflag:s22] =	ssyncadd.s32 $0xFFFFC000  }
0xcc: {  	[spmem:s1] =	stream.indirect.scatter.add.f32 [tilespmem:s20], [sflag:$0x3], $0x80, s23, s19, $0xb8;
	[tilespmem:$0x1CC00] =	vst v63  }
0xcd: {  	_ =	swait.ge [sflag:s17], $0x4000  }
0xce: {  	[sflag:s17] =	ssyncset.done $0x0  }
0xcf: {  	[sflag:s17] =	ssyncadd.s32 $0xFFFFC000  }
0xd0: {  	[tilespmem:s16], [sflag:$0x1] =	stream.indirect.gather [hbm4b:s4+s19], $0x80, s24, s19, $0xb8;
	[tilespmem:$0x1CC00] =	vst v63  }
0xd1: {  	_ = 	snop  }
0xd2: {  	[tilespmem:s20], [sflag:$0x2] =	stream.indirect.gather [hbm4b:s4+s19], $0x80, s25, s19, $0xb8;
	[tilespmem:$0x1CC00] =	vst v63  }
0xd3: {  	_ =	swait.ge [sflag:s21], $0x4000  }
0xd4: {  	[sflag:s21] =	ssyncset.done $0x0  }
0xd5: {  	[sflag:s21] =	ssyncadd.s32 $0xFFFFC000  }
0xd6: {  	[spmem:s1] =	stream.indirect.scatter.add.f32 [tilespmem:s16], [sflag:$0x3], $0x80, s26, s19, $0xb8;
	[tilespmem:$0x1CC00] =	vst v63  }
0xd7: {  	_ =	swait.ge [sflag:s17], $0x4000  }
0xd8: {  	[sflag:s17] =	ssyncset.done $0x0  }
0xd9: {  	[sflag:s17] =	ssyncadd.s32 $0xFFFFC000  }
0xda: {  	_ =	swait.ge [sflag:s22], $0x4000  }
0xdb: {  	[sflag:s22] =	ssyncset.done $0x0  }
0xdc: {  	[sflag:s22] =	ssyncadd.s32 $0xFFFFC000  }
0xdd: {  	[spmem:s1] =	stream.indirect.scatter.add.f32 [tilespmem:s20], [sflag:$0x3], $0x80, s28, s19, $0xb8;
	[tilespmem:$0x1CC00] =	vst v63  }
0xde: {  	_ =	swait.ge [sflag:s17], $0x4000  }
0xdf: {  	[sflag:s17] =	ssyncset.done $0x0  }
0xe0: {  	[sflag:s17] =	ssyncadd.s32 $0xFFFFC000  }
0xe1: {  	[tilespmem:s16], [sflag:$0x1] =	stream.indirect.gather [hbm4b:s4+s19], $0x80, s29, s19, $0xb8;
	[tilespmem:$0x1CC00] =	vst v63  }
0xe2: {  	_ = 	snop  }
0xe3: {  	[tilespmem:s20], [sflag:$0x2] =	stream.indirect.gather [hbm4b:s4+s19], $0x80, s30, s19, $0xb8;
	[tilespmem:$0x1CC00] =	vst v63  }
0xe4: {  	_ =	swait.ge [sflag:s21], $0x4000  }
0xe5: {  	[sflag:s21] =	ssyncset.done $0x0  }
0xe6: {  	[sflag:s21] =	ssyncadd.s32 $0xFFFFC000  }
0xe7: {  	[spmem:s1] =	stream.indirect.scatter.add.f32 [tilespmem:s16], [sflag:$0x3], $0x80, s31, s19, $0xb8;
	[tilespmem:$0x1CC00] =	vst v63  }
0xe8: {  	_ =	swait.ge [sflag:s17], $0x4000  }
0xe9: {  	[sflag:s17] =	ssyncset.done $0x0  }
0xea: {  	[sflag:s17] =	ssyncadd.s32 $0xFFFFC000  }
0xeb: {  	_ =	swait.ge [sflag:s22], $0x4000  }
0xec: {  	[sflag:s22] =	ssyncset.done $0x0  }
0xed: {  	[sflag:s22] =	ssyncadd.s32 $0xFFFFC000  }
0xee: {  	[spmem:s1] =	stream.indirect.scatter.add.f32 [tilespmem:s20], [sflag:$0x3], $0x80, s0, s19, $0xb8;
	[tilespmem:$0x1CC00] =	vst v63  }
0xef: {  	_ =	swait.ge [sflag:s17], $0x4000  }
0xf0: {  	[sflag:s17] =	ssyncset.done $0x0  }
0xf1: {  	[sflag:s17] =	ssyncadd.s32 $0xFFFFC000  }
0xf2: {  	[tilespmem:s16], [sflag:$0x1] =	stream.indirect.gather [hbm4b:s4+s19], $0x80, s10, s19, $0xb8;
	[tilespmem:$0x1CC00] =	vst v63  }
0xf3: {  	_ = 	snop  }
0xf4: {  	[tilespmem:s20], [sflag:$0x2] =	stream.indirect.gather [hbm4b:s4+s19], $0x80, s11, s19, $0xb8;
	[tilespmem:$0x1CC00] =	vst v63  }
0xf5: {  	_ =	swait.ge [sflag:s21], $0x4000  }
0xf6: {  	[sflag:s21] =	ssyncset.done $0x0  }
0xf7: {  	[sflag:s21] =	ssyncadd.s32 $0xFFFFC000  }
0xf8: {  	[spmem:s1] =	stream.indirect.scatter.add.f32 [tilespmem:s16], [sflag:$0x3], $0x80, s2, s19, $0xb8;
	[tilespmem:$0x1CC00] =	vst v63  }
0xf9: {  	_ =	swait.ge [sflag:s17], $0x4000  }
0xfa: {  	[sflag:s17] =	ssyncset.done $0x0  }
0xfb: {  	[sflag:s17] =	ssyncadd.s32 $0xFFFFC000  }
0xfc: {  	_ =	swait.ge [sflag:s22], $0x4000  }
0xfd: {  	[sflag:s22] =	ssyncset.done $0x0  }
0xfe: {  	[sflag:s22] =	ssyncadd.s32 $0xFFFFC000  }
0xff: {  	[spmem:s1] =	stream.indirect.scatter.add.f32 [tilespmem:s20], [sflag:$0x3], $0x80, s6, s19, $0xb8;
	[tilespmem:$0x1CC00] =	vst v63  }
0x100: {  	_ =	swait.ge [sflag:s17], $0x4000  }
0x101: {  	[sflag:s17] =	ssyncset.done $0x0  }
0x102: {  	[sflag:s17] =	ssyncadd.s32 $0xFFFFC000  }
0x103: {  	s12 =	stileid.u32;
	[bflag:$0x0] =	sbarrier.arrive $0xFFFF  }
0x104: {  	s5 =	sshll.u32 s12, $0x6;
	s12 =	rddreg [dreg:$0x12]  }
0x105: {  	s5 =	sor.u32 $0x1C03, s5;
	s13 =	rddreg [dreg:$0x1b];
	s12 =	sshrl.u32 s12, $0x3  }
0x106: {  	[hbm:s13], [sflag:s5] =	dma.local [spmem:s12], $0x2780  }
0x107: {  	_ =	swait.ge [sflag:s17], $0x2780  }
0x108: {  	s15 =	sadd.s32 $0x1, s15;
	s13 =	rddreg [dreg:$0x1c]  }
0x109: {  	p1 =	sne.s32 s15, s13  }
.Ltmp1:
0x10a: {  	_ = 	snop;
	(pc) =	sbr.rel @!p1 .LBB2_8-.Ltmp1, $3  }
0x10b: {  	_ =	sdelay $0x1  }
0x10c: {  	[sflag:s17] =	ssyncset.done $0x0  }
0x10d: {  	[sflag:s17] =	ssyncadd.s32 $0xFFFFD880  }
.LBB2_1:
0x10e: {  	s5 =	sand.u32 $0xFE00, s3  }
0x10f: {  	[dreg:$0x1d] =	wrdreg s15;
	s12 =	sand.u32 $0x70, s3;
	s5 =	sshrl.u32 s5, $0x2  }
0x110: {  	s13 =	simm.s32 $0x40;
	s15 =	simm.s32 $0x0;
	s5 =	sor.u32 s12, s5  }
.LBB2_2:
0x111: {  	p1 =	sne.s32 s13, $0xFFC0  }
0x112: {  	[tilespmem:s5+$0x1000] =	vst v0;
	s15 =	sadd.s32 $0x10, s15;
	s5 =	smov.u32 s13;
	s13 =	sadd.s32 $0x40, s13  }
.Ltmp2:
0x113: {  	(pc) =	sbr.rel @p1 .LBB2_2-.Ltmp2, $4  }
0x114: {  	_ = 	snop  }
0x115: {  	s5 =	sand.u32 $0xFE00, s5  }
0x116: {  	s12 =	sand.u32 $0x70, s15;
	s5 =	sshrl.u32 s5, $0x2  }
0x117: {  	s5 =	sor.u32 s12, s5  }
0x118: {  	[tilespmem:s5+$0x1000] =	vst v0;
	s13 =	rddreg [dreg:$0x12]  }
0x119: {  	[spmem:s13] =	stream.linear.scatter [tilespmem:s16], [sflag:$0x3], $0x4000, $0x38;
	[tilespmem:$0x1CC00] =	vst v63  }
0x11a: {  	_ =	swait.ge [sflag:s17], $0x4000  }
0x11b: {  	[sflag:s17] =	ssyncset.done $0x0  }
0x11c: {  	s15 =	rddreg [dreg:$0x13];
	[sflag:s17] =	ssyncadd.s32 $0xFFFFC000  }
0x11d: {  	[spmem:s15] =	stream.linear.scatter [tilespmem:s16], [sflag:$0x3], $0x4000, $0x38;
	[tilespmem:$0x1CC00] =	vst v63  }
0x11e: {  	_ =	swait.ge [sflag:s17], $0x4000  }
0x11f: {  	[sflag:s17] =	ssyncset.done $0x0  }
0x120: {  	s12 =	rddreg [dreg:$0x14];
	[sflag:s17] =	ssyncadd.s32 $0xFFFFC000  }
0x121: {  	[spmem:s12] =	stream.linear.scatter [tilespmem:s16], [sflag:$0x3], $0x4000, $0x38;
	[tilespmem:$0x1CC00] =	vst v63  }
0x122: {  	_ =	swait.ge [sflag:s17], $0x4000  }
0x123: {  	[sflag:s17] =	ssyncset.done $0x0  }
0x124: {  	s13 =	rddreg [dreg:$0x15];
	[sflag:s17] =	ssyncadd.s32 $0xFFFFC000  }
0x125: {  	[spmem:s13] =	stream.linear.scatter [tilespmem:s16], [sflag:$0x3], $0x4000, $0x38;
	[tilespmem:$0x1CC00] =	vst v63  }
0x126: {  	_ =	swait.ge [sflag:s17], $0x4000  }
0x127: {  	[sflag:s17] =	ssyncset.done $0x0  }
0x128: {  	s15 =	rddreg [dreg:$0x16];
	[sflag:s17] =	ssyncadd.s32 $0xFFFFC000  }
0x129: {  	[spmem:s15] =	stream.linear.scatter [tilespmem:s16], [sflag:$0x3], $0x3C00, $0x38;
	[tilespmem:$0x1CC00] =	vst v63  }
0x12a: {  	_ =	swait.ge [sflag:s17], $0x3C00  }
0x12b: {  	[sflag:s17] =	ssyncset.done $0x0  }
.Ltmp3:
0x12c: {  	[sflag:s17] =	ssyncadd.s32 $0xFFFFC400;
	(pc) =	sbr.rel @p0 .LBB2_7-.Ltmp3, $4  }
0x12d: {  	[bflag:$0x0] =	sbarrier.arrive $0xFFFF  }
0x12e: {  	s13 =	rddreg [dreg:$0x19]  }
0x12f: {  	s5 =	rddreg [dreg:$0x1a]  }
0x130: {  	s15 =	rddreg [dreg:$0x1d]  }
0x131: {  	s5 =	rddreg [dreg:$0x5]  }
0x132: {  	s5 =	sadd.s32 $0x0, s5  }
0x133: {  	[tilespmem:s3], [sflag:$0x3] =	stream.linear.gather [hbm4b:s5+s3], $0x800, $0x38;
	[tilespmem:$0x1CC00] =	vst v63  }
0x134: {  	_ =	swait.ge [sflag:s17], $0x800  }
0x135: {  	s13 =	rddreg [dreg:$0x4];
	[sflag:s17] =	ssyncset.done $0x0  }
0x136: {  	[sflag:s17] =	ssyncadd.s32 $0xFFFFF800;
	s5 =	sadd.s32 $0x0, s13  }
0x137: {  	[tilespmem:s18], [sflag:$0x3] =	stream.linear.gather [hbm4b:s5+s3], $0x800, $0x38;
	[tilespmem:$0x1CC00] =	vst v63  }
0x138: {  	_ =	swait.ge [sflag:s17], $0x800  }
0x139: {  	[sflag:s17] =	ssyncset.done $0x0  }
0x13a: {  	[sflag:s17] =	ssyncadd.s32 $0xFFFFF800  }
0x13b: {  	[tilespmem:s16], [sflag:$0x1] =	stream.indirect.gather [hbm4b:s4+s19], $0x80, s3, s19, $0xb8;
	[tilespmem:$0x1CC00] =	vst v63  }
0x13c: {  	_ = 	snop  }
0x13d: {  	[tilespmem:s20], [sflag:$0x2] =	stream.indirect.gather [hbm4b:s4+s19], $0x80, s19, s19, $0xb8;
	[tilespmem:$0x1CC00] =	vst v63  }
0x13e: {  	_ =	swait.ge [sflag:s21], $0x4000  }
0x13f: {  	[sflag:s21] =	ssyncset.done $0x0  }
0x140: {  	[sflag:s21] =	ssyncadd.s32 $0xFFFFC000  }
0x141: {  	[spmem:s1] =	stream.indirect.scatter.add.f32 [tilespmem:s16], [sflag:$0x3], $0x80, s18, s19, $0xb8;
	[tilespmem:$0x1CC00] =	vst v63  }
0x142: {  	_ =	swait.ge [sflag:s17], $0x4000  }
0x143: {  	[sflag:s17] =	ssyncset.done $0x0  }
0x144: {  	[sflag:s17] =	ssyncadd.s32 $0xFFFFC000  }
0x145: {  	_ =	swait.ge [sflag:s22], $0x4000  }
0x146: {  	[sflag:s22] =	ssyncset.done $0x0  }
0x147: {  	[sflag:s22] =	ssyncadd.s32 $0xFFFFC000  }
0x148: {  	[spmem:s1] =	stream.indirect.scatter.add.f32 [tilespmem:s20], [sflag:$0x3], $0x80, s23, s19, $0xb8;
	[tilespmem:$0x1CC00] =	vst v63  }
0x149: {  	_ =	swait.ge [sflag:s17], $0x4000  }
0x14a: {  	[sflag:s17] =	ssyncset.done $0x0  }
0x14b: {  	[sflag:s17] =	ssyncadd.s32 $0xFFFFC000  }
0x14c: {  	[tilespmem:s16], [sflag:$0x1] =	stream.indirect.gather [hbm4b:s4+s19], $0x80, s24, s19, $0xb8;
	[tilespmem:$0x1CC00] =	vst v63  }
0x14d: {  	_ = 	snop  }
0x14e: {  	[tilespmem:s20], [sflag:$0x2] =	stream.indirect.gather [hbm4b:s4+s19], $0x80, s25, s19, $0xb8;
	[tilespmem:$0x1CC00] =	vst v63  }
0x14f: {  	_ =	swait.ge [sflag:s21], $0x4000  }
0x150: {  	[sflag:s21] =	ssyncset.done $0x0  }
0x151: {  	[sflag:s21] =	ssyncadd.s32 $0xFFFFC000  }
0x152: {  	[spmem:s1] =	stream.indirect.scatter.add.f32 [tilespmem:s16], [sflag:$0x3], $0x80, s26, s19, $0xb8;
	[tilespmem:$0x1CC00] =	vst v63  }
0x153: {  	_ =	swait.ge [sflag:s17], $0x4000  }
0x154: {  	[sflag:s17] =	ssyncset.done $0x0  }
0x155: {  	[sflag:s17] =	ssyncadd.s32 $0xFFFFC000  }
0x156: {  	_ =	swait.ge [sflag:s22], $0x4000  }
0x157: {  	[sflag:s22] =	ssyncset.done $0x0  }
0x158: {  	[sflag:s22] =	ssyncadd.s32 $0xFFFFC000  }
0x159: {  	[spmem:s1] =	stream.indirect.scatter.add.f32 [tilespmem:s20], [sflag:$0x3], $0x80, s28, s19, $0xb8;
	[tilespmem:$0x1CC00] =	vst v63  }
0x15a: {  	_ =	swait.ge [sflag:s17], $0x4000  }
0x15b: {  	[sflag:s17] =	ssyncset.done $0x0  }
0x15c: {  	[sflag:s17] =	ssyncadd.s32 $0xFFFFC000  }
0x15d: {  	[tilespmem:s16], [sflag:$0x1] =	stream.indirect.gather [hbm4b:s4+s19], $0x80, s29, s19, $0xb8;
	[tilespmem:$0x1CC00] =	vst v63  }
0x15e: {  	_ = 	snop  }
0x15f: {  	[tilespmem:s20], [sflag:$0x2] =	stream.indirect.gather [hbm4b:s4+s19], $0x80, s30, s19, $0xb8;
	[tilespmem:$0x1CC00] =	vst v63  }
0x160: {  	_ =	swait.ge [sflag:s21], $0x4000  }
0x161: {  	[sflag:s21] =	ssyncset.done $0x0  }
0x162: {  	[sflag:s21] =	ssyncadd.s32 $0xFFFFC000  }
0x163: {  	[spmem:s1] =	stream.indirect.scatter.add.f32 [tilespmem:s16], [sflag:$0x3], $0x80, s31, s19, $0xb8;
	[tilespmem:$0x1CC00] =	vst v63  }
0x164: {  	_ =	swait.ge [sflag:s17], $0x4000  }
0x165: {  	[sflag:s17] =	ssyncset.done $0x0  }
0x166: {  	[sflag:s17] =	ssyncadd.s32 $0xFFFFC000  }
0x167: {  	_ =	swait.ge [sflag:s22], $0x4000  }
0x168: {  	[sflag:s22] =	ssyncset.done $0x0  }
0x169: {  	[sflag:s22] =	ssyncadd.s32 $0xFFFFC000  }
0x16a: {  	[spmem:s1] =	stream.indirect.scatter.add.f32 [tilespmem:s20], [sflag:$0x3], $0x80, s0, s19, $0xb8;
	[tilespmem:$0x1CC00] =	vst v63  }
0x16b: {  	_ =	swait.ge [sflag:s17], $0x4000  }
0x16c: {  	[sflag:s17] =	ssyncset.done $0x0  }
0x16d: {  	[sflag:s17] =	ssyncadd.s32 $0xFFFFC000  }
0x16e: {  	[tilespmem:s16], [sflag:$0x1] =	stream.indirect.gather [hbm4b:s4+s19], $0x80, s10, s19, $0xb8;
	[tilespmem:$0x1CC00] =	vst v63  }
0x16f: {  	_ = 	snop  }
0x170: {  	[tilespmem:s20], [sflag:$0x2] =	stream.indirect.gather [hbm4b:s4+s19], $0x80, s11, s19, $0xb8;
	[tilespmem:$0x1CC00] =	vst v63  }
0x171: {  	_ =	swait.ge [sflag:s21], $0x4000  }
0x172: {  	[sflag:s21] =	ssyncset.done $0x0  }
0x173: {  	[sflag:s21] =	ssyncadd.s32 $0xFFFFC000  }
0x174: {  	[spmem:s1] =	stream.indirect.scatter.add.f32 [tilespmem:s16], [sflag:$0x3], $0x80, s2, s19, $0xb8;
	[tilespmem:$0x1CC00] =	vst v63  }
0x175: {  	_ =	swait.ge [sflag:s17], $0x4000  }
0x176: {  	[sflag:s17] =	ssyncset.done $0x0  }
0x177: {  	[sflag:s17] =	ssyncadd.s32 $0xFFFFC000  }
0x178: {  	_ =	swait.ge [sflag:s22], $0x4000  }
0x179: {  	[sflag:s22] =	ssyncset.done $0x0  }
0x17a: {  	[sflag:s22] =	ssyncadd.s32 $0xFFFFC000  }
0x17b: {  	[spmem:s1] =	stream.indirect.scatter.add.f32 [tilespmem:s20], [sflag:$0x3], $0x80, s6, s19, $0xb8;
	[tilespmem:$0x1CC00] =	vst v63  }
0x17c: {  	_ =	swait.ge [sflag:s17], $0x4000  }
0x17d: {  	[sflag:s17] =	ssyncset.done $0x0  }
0x17e: {  	s15 =	rddreg [dreg:$0x6];
	[sflag:s17] =	ssyncadd.s32 $0xFFFFC000  }
0x17f: {  	[tilespmem:s16], [sflag:$0x1] =	stream.indirect.gather [hbm4b:s4+s19], $0x80, s15, s19, $0xb8;
	[tilespmem:$0x1CC00] =	vst v63  }
0x180: {  	s12 =	rddreg [dreg:$0x7]  }
0x181: {  	[tilespmem:s20], [sflag:$0x2] =	stream.indirect.gather [hbm4b:s4+s19], $0x80, s12, s19, $0xb8;
	[tilespmem:$0x1CC00] =	vst v63  }
0x182: {  	_ =	swait.ge [sflag:s21], $0x4000  }
0x183: {  	[sflag:s21] =	ssyncset.done $0x0  }
0x184: {  	s13 =	rddreg [dreg:$0x8];
	[sflag:s21] =	ssyncadd.s32 $0xFFFFC000  }
0x185: {  	[spmem:s1] =	stream.indirect.scatter.add.f32 [tilespmem:s16], [sflag:$0x3], $0x80, s13, s19, $0xb8;
	[tilespmem:$0x1CC00] =	vst v63  }
0x186: {  	_ =	swait.ge [sflag:s17], $0x4000  }
0x187: {  	[sflag:s17] =	ssyncset.done $0x0  }
0x188: {  	[sflag:s17] =	ssyncadd.s32 $0xFFFFC000  }
0x189: {  	_ =	swait.ge [sflag:s22], $0x4000  }
0x18a: {  	[sflag:s22] =	ssyncset.done $0x0  }
0x18b: {  	s15 =	rddreg [dreg:$0x9];
	[sflag:s22] =	ssyncadd.s32 $0xFFFFC000  }
0x18c: {  	[spmem:s1] =	stream.indirect.scatter.add.f32 [tilespmem:s20], [sflag:$0x3], $0x80, s15, s19, $0xb8;
	[tilespmem:$0x1CC00] =	vst v63  }
0x18d: {  	_ =	swait.ge [sflag:s17], $0x4000  }
0x18e: {  	[sflag:s17] =	ssyncset.done $0x0  }
0x18f: {  	s12 =	rddreg [dreg:$0xa];
	[sflag:s17] =	ssyncadd.s32 $0xFFFFC000  }
0x190: {  	[tilespmem:s16], [sflag:$0x1] =	stream.indirect.gather [hbm4b:s4+s19], $0x80, s12, s19, $0xb8;
	[tilespmem:$0x1CC00] =	vst v63  }
0x191: {  	s13 =	rddreg [dreg:$0xb]  }
0x192: {  	[tilespmem:s20], [sflag:$0x2] =	stream.indirect.gather [hbm4b:s4+s19], $0x80, s13, s19, $0xb8;
	[tilespmem:$0x1CC00] =	vst v63  }
0x193: {  	_ =	swait.ge [sflag:s21], $0x4000  }
0x194: {  	[sflag:s21] =	ssyncset.done $0x0  }
0x195: {  	s15 =	rddreg [dreg:$0xc];
	[sflag:s21] =	ssyncadd.s32 $0xFFFFC000  }
0x196: {  	[spmem:s1] =	stream.indirect.scatter.add.f32 [tilespmem:s16], [sflag:$0x3], $0x80, s15, s19, $0xb8;
	[tilespmem:$0x1CC00] =	vst v63  }
0x197: {  	_ =	swait.ge [sflag:s17], $0x4000  }
0x198: {  	[sflag:s17] =	ssyncset.done $0x0  }
0x199: {  	[sflag:s17] =	ssyncadd.s32 $0xFFFFC000  }
0x19a: {  	_ =	swait.ge [sflag:s22], $0x4000  }
0x19b: {  	[sflag:s22] =	ssyncset.done $0x0  }
0x19c: {  	s12 =	rddreg [dreg:$0xd];
	[sflag:s22] =	ssyncadd.s32 $0xFFFFC000  }
0x19d: {  	[spmem:s1] =	stream.indirect.scatter.add.f32 [tilespmem:s20], [sflag:$0x3], $0x80, s12, s19, $0xb8;
	[tilespmem:$0x1CC00] =	vst v63  }
0x19e: {  	_ =	swait.ge [sflag:s17], $0x4000  }
0x19f: {  	[sflag:s17] =	ssyncset.done $0x0  }
0x1a0: {  	s13 =	rddreg [dreg:$0xe];
	[sflag:s17] =	ssyncadd.s32 $0xFFFFC000  }
0x1a1: {  	[tilespmem:s16], [sflag:$0x1] =	stream.indirect.gather [hbm4b:s4+s19], $0x80, s13, s19, $0xb8;
	[tilespmem:$0x1CC00] =	vst v63  }
0x1a2: {  	s15 =	rddreg [dreg:$0xf]  }
0x1a3: {  	[tilespmem:s20], [sflag:$0x2] =	stream.indirect.gather [hbm4b:s4+s19], $0x80, s15, s19, $0xb8;
	[tilespmem:$0x1CC00] =	vst v63  }
0x1a4: {  	_ =	swait.ge [sflag:s21], $0x4000  }
0x1a5: {  	[sflag:s21] =	ssyncset.done $0x0  }
0x1a6: {  	s13 =	rddreg [dreg:$0x10];
	[sflag:s21] =	ssyncadd.s32 $0xFFFFC000  }
0x1a7: {  	[spmem:s1] =	stream.indirect.scatter.add.f32 [tilespmem:s16], [sflag:$0x3], $0x80, s13, s19, $0xb8;
	[tilespmem:$0x1CC00] =	vst v63  }
0x1a8: {  	_ =	swait.ge [sflag:s17], $0x4000  }
0x1a9: {  	[sflag:s17] =	ssyncset.done $0x0  }
0x1aa: {  	[sflag:s17] =	ssyncadd.s32 $0xFFFFC000  }
0x1ab: {  	_ =	swait.ge [sflag:s22], $0x4000  }
0x1ac: {  	[sflag:s22] =	ssyncset.done $0x0  }
0x1ad: {  	s15 =	rddreg [dreg:$0x11];
	[sflag:s22] =	ssyncadd.s32 $0xFFFFC000  }
0x1ae: {  	[spmem:s1] =	stream.indirect.scatter.add.f32 [tilespmem:s20], [sflag:$0x3], $0x80, s15, s19, $0xb8;
	[tilespmem:$0x1CC00] =	vst v63  }
0x1af: {  	_ =	swait.ge [sflag:s17], $0x4000  }
0x1b0: {  	[sflag:s17] =	ssyncset.done $0x0  }
0x1b1: {  	[sflag:s17] =	ssyncadd.s32 $0xFFFFC000  }
0x1b2: {  	[tilespmem:s16], [sflag:$0x1] =	stream.indirect.gather [hbm4b:s4+s19], $0x80, s7, s19, $0xb8;
	[tilespmem:$0x1CC00] =	vst v63  }
0x1b3: {  	_ = 	snop  }
0x1b4: {  	[tilespmem:s20], [sflag:$0x2] =	stream.indirect.gather [hbm4b:s4+s19], $0x80, s8, s19, $0xb8;
	[tilespmem:$0x1CC00] =	vst v63  }
0x1b5: {  	_ =	swait.ge [sflag:s21], $0x4000  }
0x1b6: {  	[sflag:s21] =	ssyncset.done $0x0  }
0x1b7: {  	[sflag:s21] =	ssyncadd.s32 $0xFFFFC000  }
0x1b8: {  	[spmem:s1] =	stream.indirect.scatter.add.f32 [tilespmem:s16], [sflag:$0x3], $0x80, s9, s19, $0xb8;
	[tilespmem:$0x1CC00] =	vst v63  }
0x1b9: {  	_ =	swait.ge [sflag:s17], $0x4000  }
0x1ba: {  	[sflag:s17] =	ssyncset.done $0x0  }
0x1bb: {  	[sflag:s17] =	ssyncadd.s32 $0xFFFFC000  }
0x1bc: {  	_ =	swait.ge [sflag:s22], $0x4000  }
0x1bd: {  	[sflag:s22] =	ssyncset.done $0x0  }
0x1be: {  	[sflag:s22] =	ssyncadd.s32 $0xFFFFC000  }
0x1bf: {  	[spmem:s1] =	stream.indirect.scatter.add.f32 [tilespmem:s20], [sflag:$0x3], $0x80, s14, s19, $0xb8;
	[tilespmem:$0x1CC00] =	vst v63  }
0x1c0: {  	s13 =	simm.s32 $0x200;
	_ =	swait.ge [sflag:s17], $0x4000  }
0x1c1: {  	s15 =	simm.s32 $0x100;
	s5 =	rddreg [dreg:$0x5];
	[sflag:s17] =	ssyncset.done $0x0  }
.LBB2_5:
0x1c2: {  	[sflag:s17] =	ssyncadd.s32 $0xFFFFC000;
	s5 =	sadd.s32 s15, s5  }
0x1c3: {  	[tilespmem:s3], [sflag:$0x3] =	stream.linear.gather [hbm4b:s5+s3], $0x800, $0x38;
	[tilespmem:$0x1CC00] =	vst v63  }
0x1c4: {  	_ =	swait.ge [sflag:s17], $0x800  }
0x1c5: {  	s5 =	rddreg [dreg:$0x4];
	[sflag:s17] =	ssyncset.done $0x0  }
0x1c6: {  	[sflag:s17] =	ssyncadd.s32 $0xFFFFF800;
	s5 =	sadd.s32 s15, s5  }
0x1c7: {  	[tilespmem:s18], [sflag:$0x3] =	stream.linear.gather [hbm4b:s5+s3], $0x800, $0x38;
	[tilespmem:$0x1CC00] =	vst v63  }
0x1c8: {  	_ =	swait.ge [sflag:s17], $0x800  }
0x1c9: {  	[sflag:s17] =	ssyncset.done $0x0  }
0x1ca: {  	[sflag:s17] =	ssyncadd.s32 $0xFFFFF800  }
0x1cb: {  	[tilespmem:s16], [sflag:$0x1] =	stream.indirect.gather [hbm4b:s4+s19], $0x80, s3, s19, $0xb8;
	[tilespmem:$0x1CC00] =	vst v63  }
0x1cc: {  	_ = 	snop  }
0x1cd: {  	[tilespmem:s20], [sflag:$0x2] =	stream.indirect.gather [hbm4b:s4+s19], $0x80, s19, s19, $0xb8;
	[tilespmem:$0x1CC00] =	vst v63  }
0x1ce: {  	_ =	swait.ge [sflag:s21], $0x4000  }
0x1cf: {  	[sflag:s21] =	ssyncset.done $0x0  }
0x1d0: {  	[sflag:s21] =	ssyncadd.s32 $0xFFFFC000  }
0x1d1: {  	[spmem:s1] =	stream.indirect.scatter.add.f32 [tilespmem:s16], [sflag:$0x3], $0x80, s18, s19, $0xb8;
	[tilespmem:$0x1CC00] =	vst v63  }
0x1d2: {  	_ =	swait.ge [sflag:s17], $0x4000  }
0x1d3: {  	[sflag:s17] =	ssyncset.done $0x0  }
0x1d4: {  	[sflag:s17] =	ssyncadd.s32 $0xFFFFC000  }
0x1d5: {  	_ =	swait.ge [sflag:s22], $0x4000  }
0x1d6: {  	[sflag:s22] =	ssyncset.done $0x0  }
0x1d7: {  	[sflag:s22] =	ssyncadd.s32 $0xFFFFC000  }
0x1d8: {  	[spmem:s1] =	stream.indirect.scatter.add.f32 [tilespmem:s20], [sflag:$0x3], $0x80, s23, s19, $0xb8;
	[tilespmem:$0x1CC00] =	vst v63  }
0x1d9: {  	_ =	swait.ge [sflag:s17], $0x4000  }
0x1da: {  	[sflag:s17] =	ssyncset.done $0x0  }
0x1db: {  	[sflag:s17] =	ssyncadd.s32 $0xFFFFC000  }
0x1dc: {  	[tilespmem:s16], [sflag:$0x1] =	stream.indirect.gather [hbm4b:s4+s19], $0x80, s24, s19, $0xb8;
	[tilespmem:$0x1CC00] =	vst v63  }
0x1dd: {  	_ = 	snop  }
0x1de: {  	[tilespmem:s20], [sflag:$0x2] =	stream.indirect.gather [hbm4b:s4+s19], $0x80, s25, s19, $0xb8;
	[tilespmem:$0x1CC00] =	vst v63  }
0x1df: {  	_ =	swait.ge [sflag:s21], $0x4000  }
0x1e0: {  	[sflag:s21] =	ssyncset.done $0x0  }
0x1e1: {  	[sflag:s21] =	ssyncadd.s32 $0xFFFFC000  }
0x1e2: {  	[spmem:s1] =	stream.indirect.scatter.add.f32 [tilespmem:s16], [sflag:$0x3], $0x80, s26, s19, $0xb8;
	[tilespmem:$0x1CC00] =	vst v63  }
0x1e3: {  	_ =	swait.ge [sflag:s17], $0x4000  }
0x1e4: {  	[sflag:s17] =	ssyncset.done $0x0  }
0x1e5: {  	[sflag:s17] =	ssyncadd.s32 $0xFFFFC000  }
0x1e6: {  	_ =	swait.ge [sflag:s22], $0x4000  }
0x1e7: {  	[sflag:s22] =	ssyncset.done $0x0  }
0x1e8: {  	[sflag:s22] =	ssyncadd.s32 $0xFFFFC000  }
0x1e9: {  	[spmem:s1] =	stream.indirect.scatter.add.f32 [tilespmem:s20], [sflag:$0x3], $0x80, s28, s19, $0xb8;
	[tilespmem:$0x1CC00] =	vst v63  }
0x1ea: {  	_ =	swait.ge [sflag:s17], $0x4000  }
0x1eb: {  	[sflag:s17] =	ssyncset.done $0x0  }
0x1ec: {  	[sflag:s17] =	ssyncadd.s32 $0xFFFFC000  }
0x1ed: {  	[tilespmem:s16], [sflag:$0x1] =	stream.indirect.gather [hbm4b:s4+s19], $0x80, s29, s19, $0xb8;
	[tilespmem:$0x1CC00] =	vst v63  }
0x1ee: {  	_ = 	snop  }
0x1ef: {  	[tilespmem:s20], [sflag:$0x2] =	stream.indirect.gather [hbm4b:s4+s19], $0x80, s30, s19, $0xb8;
	[tilespmem:$0x1CC00] =	vst v63  }
0x1f0: {  	_ =	swait.ge [sflag:s21], $0x4000  }
0x1f1: {  	[sflag:s21] =	ssyncset.done $0x0  }
0x1f2: {  	[sflag:s21] =	ssyncadd.s32 $0xFFFFC000  }
0x1f3: {  	[spmem:s1] =	stream.indirect.scatter.add.f32 [tilespmem:s16], [sflag:$0x3], $0x80, s31, s19, $0xb8;
	[tilespmem:$0x1CC00] =	vst v63  }
0x1f4: {  	_ =	swait.ge [sflag:s17], $0x4000  }
0x1f5: {  	[sflag:s17] =	ssyncset.done $0x0  }
0x1f6: {  	[sflag:s17] =	ssyncadd.s32 $0xFFFFC000  }
0x1f7: {  	_ =	swait.ge [sflag:s22], $0x4000  }
0x1f8: {  	[sflag:s22] =	ssyncset.done $0x0  }
0x1f9: {  	[sflag:s22] =	ssyncadd.s32 $0xFFFFC000  }
0x1fa: {  	[spmem:s1] =	stream.indirect.scatter.add.f32 [tilespmem:s20], [sflag:$0x3], $0x80, s0, s19, $0xb8;
	[tilespmem:$0x1CC00] =	vst v63  }
0x1fb: {  	_ =	swait.ge [sflag:s17], $0x4000  }
0x1fc: {  	[sflag:s17] =	ssyncset.done $0x0  }
0x1fd: {  	[sflag:s17] =	ssyncadd.s32 $0xFFFFC000  }
0x1fe: {  	[tilespmem:s16], [sflag:$0x1] =	stream.indirect.gather [hbm4b:s4+s19], $0x80, s10, s19, $0xb8;
	[tilespmem:$0x1CC00] =	vst v63  }
0x1ff: {  	_ = 	snop  }
0x200: {  	[tilespmem:s20], [sflag:$0x2] =	stream.indirect.gather [hbm4b:s4+s19], $0x80, s11, s19, $0xb8;
	[tilespmem:$0x1CC00] =	vst v63  }
0x201: {  	_ =	swait.ge [sflag:s21], $0x4000  }
0x202: {  	[sflag:s21] =	ssyncset.done $0x0  }
0x203: {  	[sflag:s21] =	ssyncadd.s32 $0xFFFFC000  }
0x204: {  	[spmem:s1] =	stream.indirect.scatter.add.f32 [tilespmem:s16], [sflag:$0x3], $0x80, s2, s19, $0xb8;
	[tilespmem:$0x1CC00] =	vst v63  }
0x205: {  	_ =	swait.ge [sflag:s17], $0x4000  }
0x206: {  	[sflag:s17] =	ssyncset.done $0x0  }
0x207: {  	[sflag:s17] =	ssyncadd.s32 $0xFFFFC000  }
0x208: {  	_ =	swait.ge [sflag:s22], $0x4000  }
0x209: {  	[sflag:s22] =	ssyncset.done $0x0  }
0x20a: {  	[sflag:s22] =	ssyncadd.s32 $0xFFFFC000  }
0x20b: {  	[spmem:s1] =	stream.indirect.scatter.add.f32 [tilespmem:s20], [sflag:$0x3], $0x80, s6, s19, $0xb8;
	[tilespmem:$0x1CC00] =	vst v63  }
0x20c: {  	_ =	swait.ge [sflag:s17], $0x4000  }
0x20d: {  	[sflag:s17] =	ssyncset.done $0x0  }
0x20e: {  	s12 =	smov.u32 s13;
	s5 =	rddreg [dreg:$0x6];
	[sflag:s17] =	ssyncadd.s32 $0xFFFFC000  }
0x20f: {  	[tilespmem:s16], [sflag:$0x1] =	stream.indirect.gather [hbm4b:s4+s19], $0x80, s5, s19, $0xb8;
	[tilespmem:$0x1CC00] =	vst v63  }
0x210: {  	s15 =	smov.u32 s12;
	s12 =	rddreg [dreg:$0x7]  }
0x211: {  	[tilespmem:s20], [sflag:$0x2] =	stream.indirect.gather [hbm4b:s4+s19], $0x80, s12, s19, $0xb8;
	[tilespmem:$0x1CC00] =	vst v63  }
0x212: {  	_ =	swait.ge [sflag:s21], $0x4000  }
0x213: {  	[sflag:s21] =	ssyncset.done $0x0  }
0x214: {  	s12 =	rddreg [dreg:$0x8];
	[sflag:s21] =	ssyncadd.s32 $0xFFFFC000  }
0x215: {  	[spmem:s1] =	stream.indirect.scatter.add.f32 [tilespmem:s16], [sflag:$0x3], $0x80, s12, s19, $0xb8;
	[tilespmem:$0x1CC00] =	vst v63  }
0x216: {  	_ =	swait.ge [sflag:s17], $0x4000  }
0x217: {  	[sflag:s17] =	ssyncset.done $0x0  }
0x218: {  	[sflag:s17] =	ssyncadd.s32 $0xFFFFC000  }
0x219: {  	_ =	swait.ge [sflag:s22], $0x4000  }
0x21a: {  	[sflag:s22] =	ssyncset.done $0x0  }
0x21b: {  	s12 =	rddreg [dreg:$0x9];
	[sflag:s22] =	ssyncadd.s32 $0xFFFFC000  }
0x21c: {  	[spmem:s1] =	stream.indirect.scatter.add.f32 [tilespmem:s20], [sflag:$0x3], $0x80, s12, s19, $0xb8;
	[tilespmem:$0x1CC00] =	vst v63  }
0x21d: {  	_ =	swait.ge [sflag:s17], $0x4000  }
0x21e: {  	[sflag:s17] =	ssyncset.done $0x0  }
0x21f: {  	s5 =	rddreg [dreg:$0xa];
	[sflag:s17] =	ssyncadd.s32 $0xFFFFC000  }
0x220: {  	[tilespmem:s16], [sflag:$0x1] =	stream.indirect.gather [hbm4b:s4+s19], $0x80, s5, s19, $0xb8;
	[tilespmem:$0x1CC00] =	vst v63  }
0x221: {  	s12 =	rddreg [dreg:$0xb]  }
0x222: {  	[tilespmem:s20], [sflag:$0x2] =	stream.indirect.gather [hbm4b:s4+s19], $0x80, s12, s19, $0xb8;
	[tilespmem:$0x1CC00] =	vst v63  }
0x223: {  	_ =	swait.ge [sflag:s21], $0x4000  }
0x224: {  	[sflag:s21] =	ssyncset.done $0x0  }
0x225: {  	s12 =	rddreg [dreg:$0xc];
	[sflag:s21] =	ssyncadd.s32 $0xFFFFC000  }
0x226: {  	[spmem:s1] =	stream.indirect.scatter.add.f32 [tilespmem:s16], [sflag:$0x3], $0x80, s12, s19, $0xb8;
	[tilespmem:$0x1CC00] =	vst v63  }
0x227: {  	_ =	swait.ge [sflag:s17], $0x4000  }
0x228: {  	[sflag:s17] =	ssyncset.done $0x0  }
0x229: {  	[sflag:s17] =	ssyncadd.s32 $0xFFFFC000  }
0x22a: {  	_ =	swait.ge [sflag:s22], $0x4000  }
0x22b: {  	[sflag:s22] =	ssyncset.done $0x0  }
0x22c: {  	s12 =	rddreg [dreg:$0xd];
	[sflag:s22] =	ssyncadd.s32 $0xFFFFC000  }
0x22d: {  	[spmem:s1] =	stream.indirect.scatter.add.f32 [tilespmem:s20], [sflag:$0x3], $0x80, s12, s19, $0xb8;
	[tilespmem:$0x1CC00] =	vst v63  }
0x22e: {  	_ =	swait.ge [sflag:s17], $0x4000  }
0x22f: {  	[sflag:s17] =	ssyncset.done $0x0  }
0x230: {  	s5 =	rddreg [dreg:$0xe];
	[sflag:s17] =	ssyncadd.s32 $0xFFFFC000  }
0x231: {  	[tilespmem:s16], [sflag:$0x1] =	stream.indirect.gather [hbm4b:s4+s19], $0x80, s5, s19, $0xb8;
	[tilespmem:$0x1CC00] =	vst v63  }
0x232: {  	s12 =	rddreg [dreg:$0xf]  }
0x233: {  	[tilespmem:s20], [sflag:$0x2] =	stream.indirect.gather [hbm4b:s4+s19], $0x80, s12, s19, $0xb8;
	[tilespmem:$0x1CC00] =	vst v63  }
0x234: {  	_ =	swait.ge [sflag:s21], $0x4000  }
0x235: {  	[sflag:s21] =	ssyncset.done $0x0  }
0x236: {  	s12 =	rddreg [dreg:$0x10];
	[sflag:s21] =	ssyncadd.s32 $0xFFFFC000  }
0x237: {  	[spmem:s1] =	stream.indirect.scatter.add.f32 [tilespmem:s16], [sflag:$0x3], $0x80, s12, s19, $0xb8;
	[tilespmem:$0x1CC00] =	vst v63  }
0x238: {  	_ =	swait.ge [sflag:s17], $0x4000  }
0x239: {  	[sflag:s17] =	ssyncset.done $0x0  }
0x23a: {  	[sflag:s17] =	ssyncadd.s32 $0xFFFFC000  }
0x23b: {  	_ =	swait.ge [sflag:s22], $0x4000  }
0x23c: {  	[sflag:s22] =	ssyncset.done $0x0  }
0x23d: {  	s12 =	rddreg [dreg:$0x11];
	[sflag:s22] =	ssyncadd.s32 $0xFFFFC000  }
0x23e: {  	[spmem:s1] =	stream.indirect.scatter.add.f32 [tilespmem:s20], [sflag:$0x3], $0x80, s12, s19, $0xb8;
	[tilespmem:$0x1CC00] =	vst v63  }
0x23f: {  	_ =	swait.ge [sflag:s17], $0x4000  }
0x240: {  	[sflag:s17] =	ssyncset.done $0x0  }
0x241: {  	[sflag:s17] =	ssyncadd.s32 $0xFFFFC000  }
0x242: {  	[tilespmem:s16], [sflag:$0x1] =	stream.indirect.gather [hbm4b:s4+s19], $0x80, s7, s19, $0xb8;
	[tilespmem:$0x1CC00] =	vst v63  }
0x243: {  	_ = 	snop  }
0x244: {  	[tilespmem:s20], [sflag:$0x2] =	stream.indirect.gather [hbm4b:s4+s19], $0x80, s8, s19, $0xb8;
	[tilespmem:$0x1CC00] =	vst v63  }
0x245: {  	_ =	swait.ge [sflag:s21], $0x4000  }
0x246: {  	[sflag:s21] =	ssyncset.done $0x0  }
0x247: {  	[sflag:s21] =	ssyncadd.s32 $0xFFFFC000  }
0x248: {  	[spmem:s1] =	stream.indirect.scatter.add.f32 [tilespmem:s16], [sflag:$0x3], $0x80, s9, s19, $0xb8;
	[tilespmem:$0x1CC00] =	vst v63  }
0x249: {  	_ =	swait.ge [sflag:s17], $0x4000  }
0x24a: {  	[sflag:s17] =	ssyncset.done $0x0  }
0x24b: {  	[sflag:s17] =	ssyncadd.s32 $0xFFFFC000  }
0x24c: {  	p1 =	sne.s32 s13, $0x800;
	_ =	swait.ge [sflag:s22], $0x4000  }
.Ltmp4:
0x24d: {  	[sflag:s22] =	ssyncset.done $0x0;
	(pc) =	sbr.rel @p1 .LBB2_5-.Ltmp4, $4  }
0x24e: {  	[sflag:s22] =	ssyncadd.s32 $0xFFFFC000  }
0x24f: {  	[spmem:s1] =	stream.indirect.scatter.add.f32 [tilespmem:s20], [sflag:$0x3], $0x80, s14, s19, $0xb8;
	[tilespmem:$0x1CC00] =	vst v63  }
0x250: {  	_ =	swait.ge [sflag:s17], $0x4000  }
0x251: {  	s13 =	sadd.s32 $0x100, s13;
	s5 =	rddreg [dreg:$0x5];
	[sflag:s17] =	ssyncset.done $0x0  }
.Ltmp5:
0x252: {  	_ = 	snop;
	(pc) =	sbr.rel .LBB2_6-.Ltmp5, $1  }
0x253: {  	_ =	sdelay $0x3  }
.LBB2_8:
0x254: {  	_ =	sfence.sel $0x180000  }
0x255: {  	[bflag:$0x0] =	sbarrier.arrive $0xFFFF  }
0x256: {  	_ =	strace $0x9000004A  }
0x257: {  	s0 =	stileid.u32;
	[bflag:$0x2] =	sbarrier.arrive $0xFFFF  }
0x258: {  	p0 =	sne.s32 s0, $0x0;
	s0 =	rddreg [dreg:$0x3]  }
0x259: {  	s0 =	sadd.s32 @!p0 $0x100000, s0  }
0x25a: {  	[sflag:s0] =	ssyncadd.tile.s32 @!p0 $0x1;
	_ =	shalt  }
.Lfunc_end2:
_tile_overlayer_lowered:
.L_overlay_start_2:
0x25b: {  	(tag) =	ssettag $0x2  }
0x25c: {  	s0 =	rddreg [dreg:$0x0];
	s2 =	stileid.u32  }
0x25d: {  	s1 =	rddreg [dreg:$0x1];
	p0 =	sne.s32 s2, $0x0  }
0x25e: {  	s3 =	rddreg [dreg:$0x2];
	[bflag:$0x3] =	sbarrier.arrive $0xFFFF;
	s2 =	simm.s32 @!p0 $0x1C03  }
0x25f: {  	[timem:s3], [sflag:s2] =	dma.local @!p0 [hbm:s0], s1  }
0x260: {  	s0 =	simm.s32 @!p0 $0x3  }
0x261: {  	_ =	swait.ge @!p0 [sflag:s0], s1  }
0x262: {  	s1 =	ssub.s32 @!p0 $0x0, s1;
	[sflag:s0] =	ssyncset.done @!p0 $0x0  }
0x263: {  	[sflag:s0] =	ssyncadd.s32 @!p0 s1  }
0x264: {  	[bflag:$0x3] =	sbarrier.arrive $0xFFFF  }
0x265: {  	_ =	shalt  }

// kernel: kernel.14.cloned.1.call-start
scs
__scs_entry_jumppad:
0x0: {  	(pc) =	sbr.rel $0x88, $3  }
0x1: {  	(tag) =	ssettag $0x0;
	lr =	simm.s32 $0x1  }
0x2: {  	[smem:$0x3F9B] =	sst lr;
	_ =	strace $0xD0000000  }
0x3: {  	_ = 	snop  }
0x4: {  	_ = 	snop  }
0x5: {  	_ = 	snop  }
0x6: {  	_ = 	snop  }
0x7: {  	_ = 	snop  }
__scs_overlays_trampoline_lowered:
0x8: {  	[smem:$0x3FAA] =	sst s0  }
0x9: {  	[smem:$0x3FAB] =	sst s1  }
0xa: {  	[smem:$0x3FAC] =	sst s2  }
0xb: {  	[smem:$0x3FAD] =	sst s3  }
0xc: {  	[smem:$0x3FAE] =	sst s4  }
0xd: {  	[smem:$0x3FAF] =	sst s5  }
0xe: {  	[smem:$0x3FB0] =	sst s6  }
0xf: {  	[smem:$0x3FB1] =	sst s7  }
0x10: {  	[smem:$0x3FB2] =	sst s8  }
0x11: {  	[smem:$0x3FB3] =	sst s9;
	s0 =	simm.s32 @!p0 $0x0  }
0x12: {  	s1 =	sld [smem:$0x3F99];
	s0 =	simm.s32 @p0 $0x1  }
0x13: {  	[smem:$0x3FB4] =	sst s0;
	s0 =	simm.s32 @!p1 $0x0  }
0x14: {  	s2 =	sld [smem:$0x3F98];
	s0 =	simm.s32 @p1 $0x1  }
0x15: {  	[smem:$0x3FB5] =	sst s0;
	s0 =	simm.s32 @!p2 $0x0  }
0x16: {  	s3 =	sld [smem:$0x3FDB];
	s0 =	simm.s32 @p2 $0x1  }
0x17: {  	s4 =	simm.s32 $0x1BF5;
	[smem:$0x3FB7] =	sst s0  }
0x18: {  	s0 =	sld [smem:$0x3F9A];
	_ =	swait.ge [sflag:s4], $0x0  }
0x19: {  	s7 =	sld [smem:$0x3F9B]  }
0x1a: {  	s8 =	sadd.s32 $0xFFFFE003, lr  }
0x1b: {  	s9 =	sadd.s32 $0xFFFFFEF7, lr;
	s5 =	simm.s32 $0xFFFFFFFF;
	p2 =	slt.u32 s8, $0xFFFFF086  }
0x1c: {  	p1 =	slt.u32 s9, $0xF7A;
	s5 =	simm.s32 @!p2 $0x0  }
0x1d: {  	s5 =	simm.s32 @p1 $0x1;
	p0 =	seq.s32 s7, s2  }
0x1e: {  	s7 =	smul.u32 @!p0 $0xF7A, s2;
	p2 =	seq.s32 @!p0 s5, $0x0  }
0x1f: {  	s9 =	smul.u32 $0xF7A, s1;
	s8 =	simm.s32 @!p0 $0x1BF5;
	p2 =	por !p2, p0  }
0x20: {  	[sflag:s8] =	ssyncset.s32 @!p0 $0xFFFFF086;
	s6 =	sadd.s32 @!p0 s3, s7;
	s7 =	simm.s32 @!p0 $0x108  }
0x21: {  	s3 =	sadd.s32 s3, s9;
	s6 =	sadd.s32 @!p0 $0x88, s6;
	s7 =	simm.s32 @p2 $0x1082  }
0x22: {  	[simem:s7], [sflag:s8] =	dma.local @!p0 [hbm:s6], $0xF7A  }
0x23: {  	s9 =	sor.u32 $0xD0000000, s2;
	s6 =	simm.s32 $0x108;
	_ =	swait.ge @!p0 [sflag:s8], $0x0  }
0x24: {  	s3 =	sadd.s32 $0x88, s3;
	s6 =	simm.s32 @!p1 $0x1082;
	[sflag:s4] =	ssyncset.s32 $0xFFFFF086  }
0x25: {  	[simem:s6], [sflag:s4] =	dma.local [hbm:s3], $0xF7A  }
0x26: {  	[smem:$0x3F9B] =	sst s1;
	(tag) =	ssettag s2;
	_ =	strace s9  }
0x27: {  	s1 =	sld [smem:$0x3FAB]  }
0x28: {  	s2 =	sld [smem:$0x3FAC]  }
0x29: {  	s4 =	sld [smem:$0x3FAE]  }
0x2a: {  	p0 =	seq.s32 s5, $0x0;
	s5 =	sld [smem:$0x3FAF]  }
0x2b: {  	s6 =	sld [smem:$0x3FB0]  }
0x2c: {  	s7 =	sld [smem:$0x3FB1]  }
0x2d: {  	s3 =	simm.s32 $0x108;
	s8 =	sld [smem:$0x3FB2]  }
0x2e: {  	s3 =	simm.s32 @!p0 $0x1082;
	s9 =	sld [smem:$0x3FB3]  }
0x2f: {  	lr =	sadd.s32 s0, s3;
	s0 =	sld [smem:$0x3FAA]  }
0x30: {  	s3 =	sld [smem:$0x3FAD]  }
0x31: {  	[smem:$0x3FB6] =	sst s10  }
0x32: {  	s10 =	sld [smem:$0x3FB4];
	_ =	sdelay $0x3  }
0x33: {  	p0 =	seq.s32 s10, $0x1;
	s10 =	sld [smem:$0x3FB6];
	_ =	sdelay $0x3  }
0x34: {  	[smem:$0x3FB6] =	sst s10  }
0x35: {  	s10 =	sld [smem:$0x3FB5];
	_ =	sdelay $0x3  }
0x36: {  	p1 =	seq.s32 s10, $0x1;
	s10 =	sld [smem:$0x3FB6];
	_ =	sdelay $0x3  }
0x37: {  	[smem:$0x3FB6] =	sst s10  }
0x38: {  	s10 =	sld [smem:$0x3FB7]  }
0x39: {  	_ = 	snop;
	(pc) =	sbr.ind lr, $3  }
0x3a: {  	_ = 	snop  }
0x3b: {  	_ = 	snop  }
0x3c: {  	p2 =	seq.s32 s10, $0x1;
	s10 =	sld [smem:$0x3FB6]  }
0x3d: {  	_ =	shalt  }
0x3e: {  	_ =	shalt  }
0x3f: {  	_ =	shalt  }
0x40: {  	_ =	shalt  }
0x41: {  	_ =	shalt  }
0x42: {  	_ =	shalt  }
0x43: {  	_ =	shalt  }
0x44: {  	_ =	shalt  }
0x45: {  	_ =	shalt  }
0x46: {  	_ =	shalt  }
0x47: {  	_ =	shalt  }
0x48: {  	_ =	shalt  }
0x49: {  	_ =	shalt  }
0x4a: {  	_ =	shalt  }
0x4b: {  	_ =	shalt  }
0x4c: {  	_ =	shalt  }
0x4d: {  	_ =	shalt  }
0x4e: {  	_ =	shalt  }
0x4f: {  	_ =	shalt  }
0x50: {  	_ =	shalt  }
0x51: {  	_ =	shalt  }
0x52: {  	_ =	shalt  }
0x53: {  	_ =	shalt  }
0x54: {  	_ =	shalt  }
0x55: {  	_ =	shalt  }
0x56: {  	_ =	shalt  }
0x57: {  	_ =	shalt  }
0x58: {  	_ =	shalt  }
0x59: {  	_ =	shalt  }
0x5a: {  	_ =	shalt  }
0x5b: {  	_ =	shalt  }
0x5c: {  	_ =	shalt  }
0x5d: {  	_ =	shalt  }
0x5e: {  	_ =	shalt  }
0x5f: {  	_ =	shalt  }
0x60: {  	_ =	shalt  }
0x61: {  	_ =	shalt  }
0x62: {  	_ =	shalt  }
0x63: {  	_ =	shalt  }
0x64: {  	_ =	shalt  }
0x65: {  	_ =	shalt  }
0x66: {  	_ =	shalt  }
0x67: {  	_ =	shalt  }
0x68: {  	_ =	shalt  }
0x69: {  	_ =	shalt  }
0x6a: {  	_ =	shalt  }
0x6b: {  	_ =	shalt  }
0x6c: {  	_ =	shalt  }
0x6d: {  	_ =	shalt  }
0x6e: {  	_ =	shalt  }
0x6f: {  	_ =	shalt  }
0x70: {  	_ =	shalt  }
0x71: {  	_ =	shalt  }
0x72: {  	_ =	shalt  }
0x73: {  	_ =	shalt  }
0x74: {  	_ =	shalt  }
0x75: {  	_ =	shalt  }
0x76: {  	_ =	shalt  }
0x77: {  	_ =	shalt  }
0x78: {  	_ =	shalt  }
0x79: {  	_ =	shalt  }
0x7a: {  	_ =	shalt  }
0x7b: {  	_ =	shalt  }
0x7c: {  	_ =	shalt  }
0x7d: {  	_ =	shalt  }
0x7e: {  	_ =	shalt  }
0x7f: {  	_ =	shalt  }
0x80: {  	_ =	shalt  }
0x81: {  	_ =	shalt  }
0x82: {  	_ =	shalt  }
0x83: {  	_ =	shalt  }
0x84: {  	_ =	shalt  }
0x85: {  	_ =	shalt  }
0x86: {  	_ =	shalt  }
0x87: {  	_ =	shalt  }
.Lfunc_end0:
.L_simem_size_0:
called_computation.2_lowered:
.L_overlay_start_0:
0x88: {  	s2 =	sld [smem:$0x3FD9]  }
0x89: {  	s3 =	sld [smem:$0x3FFE];
	_ =	sdelay $0x1  }
0x8a: {  	s1 =	srdreg.scid  }
0x8b: {  	s0 =	sand.u32 $0x1, s1  }
0x8c: {  	s17 =	sshll.u32 s0, $0xA;
	s2 =	sadd.s32 s3, s2  }
0x8d: {  	s2 =	sadd.s32 s2, s17  }
0x8e: {  	[smem:$0x3FC2] =	sst s2  }
0x8f: {  	_ = 	snop  }
0x90: {  	s2 =	sld [smem:$0x3FD0];
	(tm) =	ssettm $0x1  }
0x91: {  	s18 =	sld [smem:$0x3FFB];
	_ =	sdelay $0x3  }
0x92: {  	_ =	strace s18  }
0x93: {  	s3 =	sld [smem:$0x3FFC];
	_ =	sdelay $0x3  }
0x94: {  	_ =	strace s3  }
0x95: {  	s3 =	sld [smem:$0x3FFD];
	_ =	sdelay $0x3  }
0x96: {  	_ =	strace s3  }
0x97: {  	_ =	strace $0x8FFFFFFF  }
0x98: {  	s19 =	sld [smem:$0x3FDB];
	_ =	sdelay $0x1  }
0x99: {  	s4 =	simm.s32 $_scs_section_size  }
0x9a: {  	s5 =	simm.s32 $_size__tile_overlayer_lowered;
	s6 =	simm.s32 $_tile_overlayer_lowered  }
0x9b: {  	s22 =	simm.s32 $0x1BFF;
	s21 =	sshll.u32 s6, $0x1;
	s3 =	sadd.s32 s4, s19  }
0x9c: {  	s7 =	simm.s32 $0x0;
	s20 =	sshll.u32 s5, $0x1;
	s5 =	sadd.s32 s21, s3  }
0x9d: {  	[timem:s7], [sflag:s22] =	dma.local [hbm:s5], s20  }
0x9e: {  	_ =	swait.ge [sflag:s22], s20  }
0x9f: {  	s4 =	ssub.s32 $0x0, s20;
	[sflag:s22] =	ssyncset.done $0x0  }
0xa0: {  	[sflag:s22] =	ssyncadd.s32 s4;
	_ =	sdelay $0x1  }
0xa1: {  	s23 =	simm.s32 $0x1B8B  }
0xa2: {  	_ =	swait.ge [sflag:s23], $0x1  }
0xa3: {  	[sflag:s23] =	ssyncset.done $0x0  }
0xa4: {  	s25 =	simm.s32 $0x1B8E;
	s24 =	sld [smem:$0x3FFE];
	[sflag:s23] =	ssyncadd.s32 $0xFFFFFFFF  }
0xa5: {  	s26 =	simm.s32 $execute0_lowered;
	[smem:$0x3FD2] =	sst s25  }
0xa6: {  	s5 =	sshll.u32 s26, $0x1;
	_ =	strace $0x8000004C;
	[dreg:$0x1] =	wrdreg $0xFFFFFFFF  }
0xa7: {  	s28 =	simm.s32 $_size_execute0_lowered;
	s3 =	sadd.s32 s3, s5;
	[dreg:$0x0] =	wrdreg $0x0  }
0xa8: {  	s5 =	sshll.u32 s28, $0x1;
	[dreg:$0x2] =	wrdreg s3  }
0xa9: {  	[dreg:$0x3] =	wrdreg s5  }
0xaa: {  	[dreg:$0x4] =	wrdreg $0xC0  }
0xab: {  	_ =	task [dreg:s7], $0x5FFFF  }
0xac: {  	[dreg:$0x1] =	wrdreg $0xFFFFFFFF  }
0xad: {  	[dreg:$0x0] =	wrdreg $0x60  }
0xae: {  	[dreg:$0x2] =	wrdreg s24  }
0xaf: {  	[dreg:$0x3] =	wrdreg s2  }
0xb0: {  	[dreg:$0x4] =	wrdreg $0x90000  }
0xb1: {  	[dreg:$0x5] =	wrdreg $0x9  }
0xb2: {  	_ =	task.clear_ibuf [dreg:s7], $0x6FFFF;
	_ =	strace $0x9000004C  }
0xb3: {  	s29 =	simm.s32 $0x9;
	_ =	strace $0x8000004E  }
0xb4: {  	_ =	swait.ge [sflag:s29], $0x1  }
0xb5: {  	[sflag:s29] =	ssyncadd.s32 $0xFFFFFFFF  }
0xb6: {  	_ =	strace $0x9000004E  }
0xb7: {  	_ =	sfence  }
0xb8: {  	s30 =	sld [smem:$0x0];
	_ =	sdelay $0x2  }
0xb9: {  	s31 =	sshll.u32 s1, $0xD;
	s1 =	sshrl.u32 s1, $0x2  }
0xba: {  	s3 =	sand.u32 $0x4000, s31;
	s1 =	sadd.s32 s1, s30  }
0xbb: {  	s0 =	sor.u32 s3, s0;
	s1 =	sshll.u32 s1, $0x11  }
0xbc: {  	s0 =	sor.u32 s1, s0  }
0xbd: {  	s0 =	sadd.s32 $0x8F2B, s0  }
0xbe: {  	[sflag:s0] =	ssyncadd.remote.s32 $0x1  }
0xbf: {  	_ =	sfence.sel $0xFFFF  }
0xc0: {  	[dreg:$0x0] =	wrdreg $0xFFFFFFFF;
	(pc) =	sbr.abs _section_cstart, $3  }
0xc1: {  	[dreg:$0x1] =	wrdreg $0xFFFFFFFF  }
0xc2: {  	_ =	task.clear_ibuf [dreg:s7], $0x2FFFF;
	_ =	strace $0x9FFFFFFF  }
0xc3: {  	(tm) =	ssettm $0x7FFFFFFF  }
tec
execute0_lowered:
.L_overlay_start_1:
0x0: {  	(tag) =	ssettag $0x1  }
0x1: {  	s0 =	rddreg [dreg:$0x0]  }
0x2: {  	s2 =	rddreg [dreg:$0x1]  }
0x3: {  	s1 =	rddreg [dreg:$0x2];
	s3 =	simm.s32 $0x0;
	s4 =	srdreg.scid  }
0x4: {  	s12 =	stileid.u32;
	s15 =	simm.s32 $0x480;
	s16 =	simm.s32 $0xC00  }
0x5: {  	s28 =	simm.s32 $0x980;
	s29 =	simm.s32 $0x200;
	s7 =	smul.u32 $0x13C00, s12  }
0x6: {  	s30 =	simm.s32 $0x280;
	s31 =	simm.s32 $0xA00;
	s9 =	smul.u32 $0x4F000, s12  }
0x7: {  	[smem:$0x7FF] =	sst s3;
	s5 =	sand.u32 $0x1, s4;
	s18 =	smul.u32 $0x4C00, s12  }
0x8: {  	s4 =	sadd.s32 $0xD200, s0;
	s8 =	sshll.u32 s12, $0x7;
	s23 =	smul.u32 $0x980, s12  }
0x9: {  	s10 =	sadd.s32 $0x1800, s0;
	s6 =	smul.u32 $0x13C000, s5;
	_ =	strace $0x8000004D  }
0xa: {  	s8 =	sadd.s32 s8, s0;
	s17 =	ssub.s32 $0x2, s5;
	[dreg:$0x7] =	wrdreg s15  }
0xb: {  	p0 =	seq.s32 s5, $0x1;
	[dreg:$0x8] =	wrdreg s16;
	s16 =	simm.s32 $0x1000  }
0xc: {  	s15 =	simm.s32 $0x0;
	s9 =	sshrl.u32 s9, $0x2;
	s12 =	sadd.s32 $0xCA00, s8  }
0xd: {  	s11 =	sshrl.u32 s17, $0x1;
	s14 =	sadd.s32 $0xC200, s8;
	[dreg:$0x19] =	wrdreg s12  }
0xe: {  	s22 =	sshrl.u32 s18, $0x3;
	s18 =	simm.s32 $0xC80;
	[dreg:$0x1a] =	wrdreg s14  }
0xf: {  	s6 =	sadd.s32 s7, s6;
	s13 =	sadd.s32 s9, s1;
	[dreg:$0x9] =	wrdreg s18  }
0x10: {  	s19 =	ssub.s32 s17, s11;
	s11 =	sadd.s32 s23, s10;
	[dreg:$0x12] =	wrdreg s13  }
0x11: {  	s7 =	sadd.s32 $0x900, s22;
	s22 =	simm.s32 $0xD80;
	[dreg:$0x4] =	wrdreg s11  }
0x12: {  	s8 =	simm.s32 $0x780;
	s20 =	sadd.s32 $0x4000, s13;
	[dreg:$0xd] =	wrdreg s22  }
0x13: {  	s18 =	simm.s32 $0x800;
	s21 =	sadd.s32 $0x8000, s13;
	[dreg:$0x13] =	wrdreg s20  }
0x14: {  	s9 =	simm.s32 $0xF00;
	s24 =	sadd.s32 $0xC000, s13;
	[dreg:$0x14] =	wrdreg s21  }
0x15: {  	s14 =	simm.s32 $0xF80;
	s25 =	sadd.s32 $0x10000, s13;
	[dreg:$0x15] =	wrdreg s24  }
0x16: {  	s6 =	sshrl.u32 s6, $0x3;
	s26 =	sadd.s32 s2, s7;
	[dreg:$0x16] =	wrdreg s25  }
0x17: {  	s7 =	sadd.s32 s10, s7;
	s2 =	sadd.s32 s23, s2;
	[dreg:$0x17] =	wrdreg s26  }
0x18: {  	s13 =	simm.s32 $0x400;
	s17 =	smax.u32 s19, $0x1;
	[dreg:$0x18] =	wrdreg s7  }
0x19: {  	s19 =	simm.s32 $0x500;
	s23 =	simm.s32 $0x600;
	[dreg:$0x5] =	wrdreg s2  }
0x1a: {  	s22 =	simm.s32 $0x2;
	s10 =	simm.s32 $0x300;
	[dreg:$0x6] =	wrdreg s13  }
0x1b: {  	s11 =	simm.s32 $0x380;
	s0 =	sadd.s32 s6, s0;
	[dreg:$0x1c] =	wrdreg s17  }
0x1c: {  	s17 =	simm.s32 $0x3;
	[dreg:$0xa] =	wrdreg s19;
	s20 =	simm.s32 $0x580  }
0x1d: {  	s21 =	simm.s32 $0xD00;
	s19 =	simm.s32 $0x80;
	[dreg:$0xe] =	wrdreg s23  }
0x1e: {  	s24 =	simm.s32 $0x680;
	s25 =	simm.s32 $0xE00;
	s23 =	simm.s32 $0x880  }
0x1f: {  	s26 =	simm.s32 $0xE80;
	s2 =	simm.s32 $0xB00;
	[dreg:$0xb] =	wrdreg s20  }
.Ltmp0:
0x20: {  	s6 =	simm.s32 $0xB80;
	[dreg:$0xc] =	wrdreg s21;
	(pc) =	sbr.rel .LBB2_1-.Ltmp0, $4  }
0x21: {  	s7 =	simm.s32 $0x700;
	s0 =	sadd.s32 $0x34400, s0;
	[dreg:$0xf] =	wrdreg s24  }
0x22: {  	s20 =	simm.s32 $0x5000;
	s21 =	simm.s32 $0x1;
	[dreg:$0x10] =	wrdreg s25  }
0x23: {  	s24 =	simm.s32 $0x100;
	[dreg:$0x11] =	wrdreg s26;
	s25 =	simm.s32 $0x180  }
0x24: {  	v0 =	vimm.f32 $0.0e+00;
	s26 =	simm.s32 $0x900;
	[dreg:$0x1b] =	wrdreg s0;
	s0 =	simm.s32 $0xA80  }
.LBB2_6:
0x25: {  	[sflag:s17] =	ssyncadd.s32 $0xFFFFC000;
	s5 =	sadd.s32 s15, s5  }
0x26: {  	[tilespmem:s3], [sflag:$0x3] =	stream.linear.gather [hbm4b:s5+s3], $0x800, $0x38;
	[tilespmem:$0x1CC00] =	vst v63  }
0x27: {  	_ =	swait.ge [sflag:s17], $0x800  }
0x28: {  	s13 =	rddreg [dreg:$0x4];
	[sflag:s17] =	ssyncset.done $0x0  }
0x29: {  	[sflag:s17] =	ssyncadd.s32 $0xFFFFF800;
	s5 =	sadd.s32 s15, s13  }
0x2a: {  	[tilespmem:s18], [sflag:$0x3] =	stream.linear.gather [hbm4b:s5+s3], $0x800, $0x38;
	[tilespmem:$0x1CC00] =	vst v63  }
0x2b: {  	_ =	swait.ge [sflag:s17], $0x800  }
0x2c: {  	[sflag:s17] =	ssyncset.done $0x0  }
0x2d: {  	[sflag:s17] =	ssyncadd.s32 $0xFFFFF800  }
0x2e: {  	[tilespmem:s16], [sflag:$0x1] =	stream.indirect.gather [hbm4b:s4+s19], $0x80, s3, s19, $0xb8;
	[tilespmem:$0x1CC00] =	vst v63  }
0x2f: {  	_ = 	snop  }
0x30: {  	[tilespmem:s20], [sflag:$0x2] =	stream.indirect.gather [hbm4b:s4+s19], $0x80, s19, s19, $0xb8;
	[tilespmem:$0x1CC00] =	vst v63  }
0x31: {  	_ =	swait.ge [sflag:s21], $0x4000  }
0x32: {  	[sflag:s21] =	ssyncset.done $0x0  }
0x33: {  	[sflag:s21] =	ssyncadd.s32 $0xFFFFC000  }
0x34: {  	[spmem:s1] =	stream.indirect.scatter.add.f32 [tilespmem:s16], [sflag:$0x3], $0x80, s18, s19, $0xb8;
	[tilespmem:$0x1CC00] =	vst v63  }
0x35: {  	_ =	swait.ge [sflag:s17], $0x4000  }
0x36: {  	[sflag:s17] =	ssyncset.done $0x0  }
0x37: {  	[sflag:s17] =	ssyncadd.s32 $0xFFFFC000  }
0x38: {  	_ =	swait.ge [sflag:s22], $0x4000  }
0x39: {  	[sflag:s22] =	ssyncset.done $0x0  }
0x3a: {  	[sflag:s22] =	ssyncadd.s32 $0xFFFFC000  }
0x3b: {  	[spmem:s1] =	stream.indirect.scatter.add.f32 [tilespmem:s20], [sflag:$0x3], $0x80, s23, s19, $0xb8;
	[tilespmem:$0x1CC00] =	vst v63  }
0x3c: {  	_ =	swait.ge [sflag:s17], $0x4000  }
0x3d: {  	[sflag:s17] =	ssyncset.done $0x0  }
0x3e: {  	[sflag:s17] =	ssyncadd.s32 $0xFFFFC000  }
0x3f: {  	[tilespmem:s16], [sflag:$0x1] =	stream.indirect.gather [hbm4b:s4+s19], $0x80, s24, s19, $0xb8;
	[tilespmem:$0x1CC00] =	vst v63  }
0x40: {  	_ = 	snop  }
0x41: {  	[tilespmem:s20], [sflag:$0x2] =	stream.indirect.gather [hbm4b:s4+s19], $0x80, s25, s19, $0xb8;
	[tilespmem:$0x1CC00] =	vst v63  }
0x42: {  	_ =	swait.ge [sflag:s21], $0x4000  }
0x43: {  	[sflag:s21] =	ssyncset.done $0x0  }
0x44: {  	[sflag:s21] =	ssyncadd.s32 $0xFFFFC000  }
0x45: {  	[spmem:s1] =	stream.indirect.scatter.add.f32 [tilespmem:s16], [sflag:$0x3], $0x80, s26, s19, $0xb8;
	[tilespmem:$0x1CC00] =	vst v63  }
0x46: {  	_ =	swait.ge [sflag:s17], $0x4000  }
0x47: {  	[sflag:s17] =	ssyncset.done $0x0  }
0x48: {  	[sflag:s17] =	ssyncadd.s32 $0xFFFFC000  }
0x49: {  	_ =	swait.ge [sflag:s22], $0x4000  }
0x4a: {  	[sflag:s22] =	ssyncset.done $0x0  }
0x4b: {  	[sflag:s22] =	ssyncadd.s32 $0xFFFFC000  }
0x4c: {  	[spmem:s1] =	stream.indirect.scatter.add.f32 [tilespmem:s20], [sflag:$0x3], $0x80, s28, s19, $0xb8;
	[tilespmem:$0x1CC00] =	vst v63  }
0x4d: {  	_ =	swait.ge [sflag:s17], $0x4000  }
0x4e: {  	[sflag:s17] =	ssyncset.done $0x0  }
0x4f: {  	[sflag:s17] =	ssyncadd.s32 $0xFFFFC000  }
0x50: {  	[tilespmem:s16], [sflag:$0x1] =	stream.indirect.gather [hbm4b:s4+s19], $0x80, s29, s19, $0xb8;
	[tilespmem:$0x1CC00] =	vst v63  }
0x51: {  	_ = 	snop  }
0x52: {  	[tilespmem:s20], [sflag:$0x2] =	stream.indirect.gather [hbm4b:s4+s19], $0x80, s30, s19, $0xb8;
	[tilespmem:$0x1CC00] =	vst v63  }
0x53: {  	_ =	swait.ge [sflag:s21], $0x4000  }
0x54: {  	[sflag:s21] =	ssyncset.done $0x0  }
0x55: {  	[sflag:s21] =	ssyncadd.s32 $0xFFFFC000  }
0x56: {  	[spmem:s1] =	stream.indirect.scatter.add.f32 [tilespmem:s16], [sflag:$0x3], $0x80, s31, s19, $0xb8;
	[tilespmem:$0x1CC00] =	vst v63  }
0x57: {  	_ =	swait.ge [sflag:s17], $0x4000  }
0x58: {  	[sflag:s17] =	ssyncset.done $0x0  }
0x59: {  	[sflag:s17] =	ssyncadd.s32 $0xFFFFC000  }
0x5a: {  	_ =	swait.ge [sflag:s22], $0x4000  }
0x5b: {  	[sflag:s22] =	ssyncset.done $0x0  }
0x5c: {  	[sflag:s22] =	ssyncadd.s32 $0xFFFFC000  }
0x5d: {  	[spmem:s1] =	stream.indirect.scatter.add.f32 [tilespmem:s20], [sflag:$0x3], $0x80, s0, s19, $0xb8;
	[tilespmem:$0x1CC00] =	vst v63  }
0x5e: {  	_ =	swait.ge [sflag:s17], $0x4000  }
0x5f: {  	[sflag:s17] =	ssyncset.done $0x0  }
0x60: {  	[sflag:s17] =	ssyncadd.s32 $0xFFFFC000  }
0x61: {  	[tilespmem:s16], [sflag:$0x1] =	stream.indirect.gather [hbm4b:s4+s19], $0x80, s10, s19, $0xb8;
	[tilespmem:$0x1CC00] =	vst v63  }
0x62: {  	_ = 	snop  }
0x63: {  	[tilespmem:s20], [sflag:$0x2] =	stream.indirect.gather [hbm4b:s4+s19], $0x80, s11, s19, $0xb8;
	[tilespmem:$0x1CC00] =	vst v63  }
0x64: {  	_ =	swait.ge [sflag:s21], $0x4000  }
0x65: {  	[sflag:s21] =	ssyncset.done $0x0  }
0x66: {  	[sflag:s21] =	ssyncadd.s32 $0xFFFFC000  }
0x67: {  	[spmem:s1] =	stream.indirect.scatter.add.f32 [tilespmem:s16], [sflag:$0x3], $0x80, s2, s19, $0xb8;
	[tilespmem:$0x1CC00] =	vst v63  }
0x68: {  	_ =	swait.ge [sflag:s17], $0x4000  }
0x69: {  	[sflag:s17] =	ssyncset.done $0x0  }
0x6a: {  	[sflag:s17] =	ssyncadd.s32 $0xFFFFC000  }
0x6b: {  	_ =	swait.ge [sflag:s22], $0x4000  }
0x6c: {  	[sflag:s22] =	ssyncset.done $0x0  }
0x6d: {  	[sflag:s22] =	ssyncadd.s32 $0xFFFFC000  }
0x6e: {  	[spmem:s1] =	stream.indirect.scatter.add.f32 [tilespmem:s20], [sflag:$0x3], $0x80, s6, s19, $0xb8;
	[tilespmem:$0x1CC00] =	vst v63  }
0x6f: {  	_ =	swait.ge [sflag:s17], $0x4000  }
0x70: {  	[sflag:s17] =	ssyncset.done $0x0  }
0x71: {  	s15 =	rddreg [dreg:$0x6];
	[sflag:s17] =	ssyncadd.s32 $0xFFFFC000  }
0x72: {  	[tilespmem:s16], [sflag:$0x1] =	stream.indirect.gather [hbm4b:s4+s19], $0x80, s15, s19, $0xb8;
	[tilespmem:$0x1CC00] =	vst v63  }
0x73: {  	s12 =	rddreg [dreg:$0x7]  }
0x74: {  	[tilespmem:s20], [sflag:$0x2] =	stream.indirect.gather [hbm4b:s4+s19], $0x80, s12, s19, $0xb8;
	[tilespmem:$0x1CC00] =	vst v63  }
0x75: {  	_ =	swait.ge [sflag:s21], $0x4000  }
0x76: {  	[sflag:s21] =	ssyncset.done $0x0  }
0x77: {  	s13 =	rddreg [dreg:$0x8];
	[sflag:s21] =	ssyncadd.s32 $0xFFFFC000  }
0x78: {  	[spmem:s1] =	stream.indirect.scatter.add.f32 [tilespmem:s16], [sflag:$0x3], $0x80, s13, s19, $0xb8;
	[tilespmem:$0x1CC00] =	vst v63  }
0x79: {  	_ =	swait.ge [sflag:s17], $0x4000  }
0x7a: {  	[sflag:s17] =	ssyncset.done $0x0  }
0x7b: {  	[sflag:s17] =	ssyncadd.s32 $0xFFFFC000  }
0x7c: {  	_ =	swait.ge [sflag:s22], $0x4000  }
0x7d: {  	[sflag:s22] =	ssyncset.done $0x0  }
0x7e: {  	s15 =	rddreg [dreg:$0x9];
	[sflag:s22] =	ssyncadd.s32 $0xFFFFC000  }
0x7f: {  	[spmem:s1] =	stream.indirect.scatter.add.f32 [tilespmem:s20], [sflag:$0x3], $0x80, s15, s19, $0xb8;
	[tilespmem:$0x1CC00] =	vst v63  }
0x80: {  	_ =	swait.ge [sflag:s17], $0x4000  }
0x81: {  	[sflag:s17] =	ssyncset.done $0x0  }
0x82: {  	s12 =	rddreg [dreg:$0xa];
	[sflag:s17] =	ssyncadd.s32 $0xFFFFC000  }
0x83: {  	[tilespmem:s16], [sflag:$0x1] =	stream.indirect.gather [hbm4b:s4+s19], $0x80, s12, s19, $0xb8;
	[tilespmem:$0x1CC00] =	vst v63  }
0x84: {  	s13 =	rddreg [dreg:$0xb]  }
0x85: {  	[tilespmem:s20], [sflag:$0x2] =	stream.indirect.gather [hbm4b:s4+s19], $0x80, s13, s19, $0xb8;
	[tilespmem:$0x1CC00] =	vst v63  }
0x86: {  	_ =	swait.ge [sflag:s21], $0x4000  }
0x87: {  	[sflag:s21] =	ssyncset.done $0x0  }
0x88: {  	s15 =	rddreg [dreg:$0xc];
	[sflag:s21] =	ssyncadd.s32 $0xFFFFC000  }
0x89: {  	[spmem:s1] =	stream.indirect.scatter.add.f32 [tilespmem:s16], [sflag:$0x3], $0x80, s15, s19, $0xb8;
	[tilespmem:$0x1CC00] =	vst v63  }
0x8a: {  	_ =	swait.ge [sflag:s17], $0x4000  }
0x8b: {  	[sflag:s17] =	ssyncset.done $0x0  }
0x8c: {  	[sflag:s17] =	ssyncadd.s32 $0xFFFFC000  }
0x8d: {  	_ =	swait.ge [sflag:s22], $0x4000  }
0x8e: {  	[sflag:s22] =	ssyncset.done $0x0  }
0x8f: {  	s12 =	rddreg [dreg:$0xd];
	[sflag:s22] =	ssyncadd.s32 $0xFFFFC000  }
0x90: {  	[spmem:s1] =	stream.indirect.scatter.add.f32 [tilespmem:s20], [sflag:$0x3], $0x80, s12, s19, $0xb8;
	[tilespmem:$0x1CC00] =	vst v63  }
0x91: {  	_ =	swait.ge [sflag:s17], $0x4000  }
0x92: {  	[sflag:s17] =	ssyncset.done $0x0  }
0x93: {  	s13 =	rddreg [dreg:$0xe];
	[sflag:s17] =	ssyncadd.s32 $0xFFFFC000  }
0x94: {  	[tilespmem:s16], [sflag:$0x1] =	stream.indirect.gather [hbm4b:s4+s19], $0x80, s13, s19, $0xb8;
	[tilespmem:$0x1CC00] =	vst v63  }
0x95: {  	s15 =	rddreg [dreg:$0xf]  }
0x96: {  	[tilespmem:s20], [sflag:$0x2] =	stream.indirect.gather [hbm4b:s4+s19], $0x80, s15, s19, $0xb8;
	[tilespmem:$0x1CC00] =	vst v63  }
0x97: {  	_ =	swait.ge [sflag:s21], $0x4000  }
0x98: {  	[sflag:s21] =	ssyncset.done $0x0  }
0x99: {  	s13 =	rddreg [dreg:$0x10];
	[sflag:s21] =	ssyncadd.s32 $0xFFFFC000  }
0x9a: {  	[spmem:s1] =	stream.indirect.scatter.add.f32 [tilespmem:s16], [sflag:$0x3], $0x80, s13, s19, $0xb8;
	[tilespmem:$0x1CC00] =	vst v63  }
0x9b: {  	_ =	swait.ge [sflag:s17], $0x4000  }
0x9c: {  	[sflag:s17] =	ssyncset.done $0x0  }
0x9d: {  	[sflag:s17] =	ssyncadd.s32 $0xFFFFC000  }
0x9e: {  	_ =	swait.ge [sflag:s22], $0x4000  }
0x9f: {  	[sflag:s22] =	ssyncset.done $0x0  }
0xa0: {  	s15 =	rddreg [dreg:$0x11];
	[sflag:s22] =	ssyncadd.s32 $0xFFFFC000  }
0xa1: {  	[spmem:s1] =	stream.indirect.scatter.add.f32 [tilespmem:s20], [sflag:$0x3], $0x80, s15, s19, $0xb8;
	[tilespmem:$0x1CC00] =	vst v63  }
0xa2: {  	_ =	swait.ge [sflag:s17], $0x4000  }
0xa3: {  	[sflag:s17] =	ssyncset.done $0x0  }
0xa4: {  	[sflag:s17] =	ssyncadd.s32 $0xFFFFC000  }
0xa5: {  	[tilespmem:s16], [sflag:$0x1] =	stream.indirect.gather [hbm4b:s4+s19], $0x80, s7, s19, $0xb8;
	[tilespmem:$0x1CC00] =	vst v63  }
0xa6: {  	_ = 	snop  }
0xa7: {  	[tilespmem:s20], [sflag:$0x2] =	stream.indirect.gather [hbm4b:s4+s19], $0x80, s8, s19, $0xb8;
	[tilespmem:$0x1CC00] =	vst v63  }
0xa8: {  	_ =	swait.ge [sflag:s21], $0x4000  }
0xa9: {  	[sflag:s21] =	ssyncset.done $0x0  }
0xaa: {  	[sflag:s21] =	ssyncadd.s32 $0xFFFFC000  }
0xab: {  	[spmem:s1] =	stream.indirect.scatter.add.f32 [tilespmem:s16], [sflag:$0x3], $0x80, s9, s19, $0xb8;
	[tilespmem:$0x1CC00] =	vst v63  }
0xac: {  	_ =	swait.ge [sflag:s17], $0x4000  }
0xad: {  	[sflag:s17] =	ssyncset.done $0x0  }
0xae: {  	[sflag:s17] =	ssyncadd.s32 $0xFFFFC000  }
0xaf: {  	_ =	swait.ge [sflag:s22], $0x4000  }
0xb0: {  	[sflag:s22] =	ssyncset.done $0x0  }
0xb1: {  	[sflag:s22] =	ssyncadd.s32 $0xFFFFC000  }
0xb2: {  	[spmem:s1] =	stream.indirect.scatter.add.f32 [tilespmem:s20], [sflag:$0x3], $0x80, s14, s19, $0xb8;
	[tilespmem:$0x1CC00] =	vst v63  }
0xb3: {  	_ =	swait.ge [sflag:s17], $0x4000  }
0xb4: {  	s13 =	rddreg [dreg:$0x17]  }
0xb5: {  	[sflag:s17] =	ssyncset.done $0x0;
	s5 =	rddreg [dreg:$0x18]  }
0xb6: {  	s15 =	rddreg [dreg:$0x1d];
	[sflag:s17] =	ssyncadd.s32 $0xFFFFC000  }
.LBB2_7:
0xb7: {  	[tilespmem:s3], [sflag:$0x3] =	stream.linear.gather [hbm4b:s13+s3], $0x400, $0x38;
	[tilespmem:$0x1CC00] =	vst v63  }
0xb8: {  	_ =	swait.ge [sflag:s17], $0x400  }
0xb9: {  	[sflag:s17] =	ssyncset.done $0x0  }
0xba: {  	[sflag:s17] =	ssyncadd.s32 $0xFFFFFC00  }
0xbb: {  	[tilespmem:s18], [sflag:$0x3] =	stream.linear.gather [hbm4b:s5+s3], $0x400, $0x38;
	[tilespmem:$0x1CC00] =	vst v63  }
0xbc: {  	_ =	swait.ge [sflag:s17], $0x400  }
0xbd: {  	[sflag:s17] =	ssyncset.done $0x0  }
0xbe: {  	[sflag:s17] =	ssyncadd.s32 $0xFFFFFC00  }
0xbf: {  	[tilespmem:s16], [sflag:$0x1] =	stream.indirect.gather [hbm4b:s4+s19], $0x80, s3, s19, $0xb8;
	[tilespmem:$0x1CC00] =	vst v63  }
0xc0: {  	_ = 	snop  }
0xc1: {  	[tilespmem:s20], [sflag:$0x2] =	stream.indirect.gather [hbm4b:s4+s19], $0x80, s19, s19, $0xb8;
	[tilespmem:$0x1CC00] =	vst v63  }
0xc2: {  	_ =	swait.ge [sflag:s21], $0x4000  }
0xc3: {  	[sflag:s21] =	ssyncset.done $0x0  }
0xc4: {  	[sflag:s21] =	ssyncadd.s32 $0xFFFFC000  }
0xc5: {  	[spmem:s1] =	stream.indirect.scatter.add.f32 [tilespmem:s16], [sflag:$0x3], $0x80, s18, s19, $0xb8;
	[tilespmem:$0x1CC00] =	vst v63  }
0xc6: {  	_ =	swait.ge [sflag:s17], $0x4000  }
0xc7: {  	[sflag:s17] =	ssyncset.done $0x0  }
0xc8: {  	[sflag:s17] =	ssyncadd.s32 $0xFFFFC000  }
0xc9: {  	_ =	swait.ge [sflag:s22], $0x4000  }
0xca: {  	[sflag:s22] =	ssyncset.done $0x0  }
0xcb: {  	[sflag:s22] =	ssyncadd.s32 $0xFFFFC000  }
0xcc: {  	[spmem:s1] =	stream.indirect.scatter.add.f32 [tilespmem:s20], [sflag:$0x3], $0x80, s23, s19, $0xb8;
	[tilespmem:$0x1CC00] =	vst v63  }
0xcd: {  	_ =	swait.ge [sflag:s17], $0x4000  }
0xce: {  	[sflag:s17] =	ssyncset.done $0x0  }
0xcf: {  	[sflag:s17] =	ssyncadd.s32 $0xFFFFC000  }
0xd0: {  	[tilespmem:s16], [sflag:$0x1] =	stream.indirect.gather [hbm4b:s4+s19], $0x80, s24, s19, $0xb8;
	[tilespmem:$0x1CC00] =	vst v63  }
0xd1: {  	_ = 	snop  }
0xd2: {  	[tilespmem:s20], [sflag:$0x2] =	stream.indirect.gather [hbm4b:s4+s19], $0x80, s25, s19, $0xb8;
	[tilespmem:$0x1CC00] =	vst v63  }
0xd3: {  	_ =	swait.ge [sflag:s21], $0x4000  }
0xd4: {  	[sflag:s21] =	ssyncset.done $0x0  }
0xd5: {  	[sflag:s21] =	ssyncadd.s32 $0xFFFFC000  }
0xd6: {  	[spmem:s1] =	stream.indirect.scatter.add.f32 [tilespmem:s16], [sflag:$0x3], $0x80, s26, s19, $0xb8;
	[tilespmem:$0x1CC00] =	vst v63  }
0xd7: {  	_ =	swait.ge [sflag:s17], $0x4000  }
0xd8: {  	[sflag:s17] =	ssyncset.done $0x0  }
0xd9: {  	[sflag:s17] =	ssyncadd.s32 $0xFFFFC000  }
0xda: {  	_ =	swait.ge [sflag:s22], $0x4000  }
0xdb: {  	[sflag:s22] =	ssyncset.done $0x0  }
0xdc: {  	[sflag:s22] =	ssyncadd.s32 $0xFFFFC000  }
0xdd: {  	[spmem:s1] =	stream.indirect.scatter.add.f32 [tilespmem:s20], [sflag:$0x3], $0x80, s28, s19, $0xb8;
	[tilespmem:$0x1CC00] =	vst v63  }
0xde: {  	_ =	swait.ge [sflag:s17], $0x4000  }
0xdf: {  	[sflag:s17] =	ssyncset.done $0x0  }
0xe0: {  	[sflag:s17] =	ssyncadd.s32 $0xFFFFC000  }
0xe1: {  	[tilespmem:s16], [sflag:$0x1] =	stream.indirect.gather [hbm4b:s4+s19], $0x80, s29, s19, $0xb8;
	[tilespmem:$0x1CC00] =	vst v63  }
0xe2: {  	_ = 	snop  }
0xe3: {  	[tilespmem:s20], [sflag:$0x2] =	stream.indirect.gather [hbm4b:s4+s19], $0x80, s30, s19, $0xb8;
	[tilespmem:$0x1CC00] =	vst v63  }
0xe4: {  	_ =	swait.ge [sflag:s21], $0x4000  }
0xe5: {  	[sflag:s21] =	ssyncset.done $0x0  }
0xe6: {  	[sflag:s21] =	ssyncadd.s32 $0xFFFFC000  }
0xe7: {  	[spmem:s1] =	stream.indirect.scatter.add.f32 [tilespmem:s16], [sflag:$0x3], $0x80, s31, s19, $0xb8;
	[tilespmem:$0x1CC00] =	vst v63  }
0xe8: {  	_ =	swait.ge [sflag:s17], $0x4000  }
0xe9: {  	[sflag:s17] =	ssyncset.done $0x0  }
0xea: {  	[sflag:s17] =	ssyncadd.s32 $0xFFFFC000  }
0xeb: {  	_ =	swait.ge [sflag:s22], $0x4000  }
0xec: {  	[sflag:s22] =	ssyncset.done $0x0  }
0xed: {  	[sflag:s22] =	ssyncadd.s32 $0xFFFFC000  }
0xee: {  	[spmem:s1] =	stream.indirect.scatter.add.f32 [tilespmem:s20], [sflag:$0x3], $0x80, s0, s19, $0xb8;
	[tilespmem:$0x1CC00] =	vst v63  }
0xef: {  	_ =	swait.ge [sflag:s17], $0x4000  }
0xf0: {  	[sflag:s17] =	ssyncset.done $0x0  }
0xf1: {  	[sflag:s17] =	ssyncadd.s32 $0xFFFFC000  }
0xf2: {  	[tilespmem:s16], [sflag:$0x1] =	stream.indirect.gather [hbm4b:s4+s19], $0x80, s10, s19, $0xb8;
	[tilespmem:$0x1CC00] =	vst v63  }
0xf3: {  	_ = 	snop  }
0xf4: {  	[tilespmem:s20], [sflag:$0x2] =	stream.indirect.gather [hbm4b:s4+s19], $0x80, s11, s19, $0xb8;
	[tilespmem:$0x1CC00] =	vst v63  }
0xf5: {  	_ =	swait.ge [sflag:s21], $0x4000  }
0xf6: {  	[sflag:s21] =	ssyncset.done $0x0  }
0xf7: {  	[sflag:s21] =	ssyncadd.s32 $0xFFFFC000  }
0xf8: {  	[spmem:s1] =	stream.indirect.scatter.add.f32 [tilespmem:s16], [sflag:$0x3], $0x80, s2, s19, $0xb8;
	[tilespmem:$0x1CC00] =	vst v63  }
0xf9: {  	_ =	swait.ge [sflag:s17], $0x4000  }
0xfa: {  	[sflag:s17] =	ssyncset.done $0x0  }
0xfb: {  	[sflag:s17] =	ssyncadd.s32 $0xFFFFC000  }
0xfc: {  	_ =	swait.ge [sflag:s22], $0x4000  }
0xfd: {  	[sflag:s22] =	ssyncset.done $0x0  }
0xfe: {  	[sflag:s22] =	ssyncadd.s32 $0xFFFFC000  }
0xff: {  	[spmem:s1] =	stream.indirect.scatter.add.f32 [tilespmem:s20], [sflag:$0x3], $0x80, s6, s19, $0xb8;
	[tilespmem:$0x1CC00] =	vst v63  }
0x100: {  	_ =	swait.ge [sflag:s17], $0x4000  }
0x101: {  	[sflag:s17] =	ssyncset.done $0x0  }
0x102: {  	[sflag:s17] =	ssyncadd.s32 $0xFFFFC000  }
0x103: {  	s12 =	stileid.u32;
	[bflag:$0x0] =	sbarrier.arrive $0xFFFF  }
0x104: {  	s5 =	sshll.u32 s12, $0x6;
	s12 =	rddreg [dreg:$0x12]  }
0x105: {  	s5 =	sor.u32 $0x1C03, s5;
	s13 =	rddreg [dreg:$0x1b];
	s12 =	sshrl.u32 s12, $0x3  }
0x106: {  	[hbm:s13], [sflag:s5] =	dma.local [spmem:s12], $0x2780  }
0x107: {  	_ =	swait.ge [sflag:s17], $0x2780  }
0x108: {  	s15 =	sadd.s32 $0x1, s15;
	s13 =	rddreg [dreg:$0x1c]  }
0x109: {  	p1 =	sne.s32 s15, s13  }
.Ltmp1:
0x10a: {  	_ = 	snop;
	(pc) =	sbr.rel @!p1 .LBB2_8-.Ltmp1, $3  }
0x10b: {  	_ =	sdelay $0x1  }
0x10c: {  	[sflag:s17] =	ssyncset.done $0x0  }
0x10d: {  	[sflag:s17] =	ssyncadd.s32 $0xFFFFD880  }
.LBB2_1:
0x10e: {  	s5 =	sand.u32 $0xFE00, s3  }
0x10f: {  	[dreg:$0x1d] =	wrdreg s15;
	s12 =	sand.u32 $0x70, s3;
	s5 =	sshrl.u32 s5, $0x2  }
0x110: {  	s13 =	simm.s32 $0x40;
	s15 =	simm.s32 $0x0;
	s5 =	sor.u32 s12, s5  }
.LBB2_2:
0x111: {  	p1 =	sne.s32 s13, $0xFFC0  }
0x112: {  	[tilespmem:s5+$0x1000] =	vst v0;
	s15 =	sadd.s32 $0x10, s15;
	s5 =	smov.u32 s13;
	s13 =	sadd.s32 $0x40, s13  }
.Ltmp2:
0x113: {  	(pc) =	sbr.rel @p1 .LBB2_2-.Ltmp2, $4  }
0x114: {  	_ = 	snop  }
0x115: {  	s5 =	sand.u32 $0xFE00, s5  }
0x116: {  	s12 =	sand.u32 $0x70, s15;
	s5 =	sshrl.u32 s5, $0x2  }
0x117: {  	s5 =	sor.u32 s12, s5  }
0x118: {  	[tilespmem:s5+$0x1000] =	vst v0;
	s13 =	rddreg [dreg:$0x12]  }
0x119: {  	[spmem:s13] =	stream.linear.scatter [tilespmem:s16], [sflag:$0x3], $0x4000, $0x38;
	[tilespmem:$0x1CC00] =	vst v63  }
0x11a: {  	_ =	swait.ge [sflag:s17], $0x4000  }
0x11b: {  	[sflag:s17] =	ssyncset.done $0x0  }
0x11c: {  	s15 =	rddreg [dreg:$0x13];
	[sflag:s17] =	ssyncadd.s32 $0xFFFFC000  }
0x11d: {  	[spmem:s15] =	stream.linear.scatter [tilespmem:s16], [sflag:$0x3], $0x4000, $0x38;
	[tilespmem:$0x1CC00] =	vst v63  }
0x11e: {  	_ =	swait.ge [sflag:s17], $0x4000  }
0x11f: {  	[sflag:s17] =	ssyncset.done $0x0  }
0x120: {  	s12 =	rddreg [dreg:$0x14];
	[sflag:s17] =	ssyncadd.s32 $0xFFFFC000  }
0x121: {  	[spmem:s12] =	stream.linear.scatter [tilespmem:s16], [sflag:$0x3], $0x4000, $0x38;
	[tilespmem:$0x1CC00] =	vst v63  }
0x122: {  	_ =	swait.ge [sflag:s17], $0x4000  }
0x123: {  	[sflag:s17] =	ssyncset.done $0x0  }
0x124: {  	s13 =	rddreg [dreg:$0x15];
	[sflag:s17] =	ssyncadd.s32 $0xFFFFC000  }
0x125: {  	[spmem:s13] =	stream.linear.scatter [tilespmem:s16], [sflag:$0x3], $0x4000, $0x38;
	[tilespmem:$0x1CC00] =	vst v63  }
0x126: {  	_ =	swait.ge [sflag:s17], $0x4000  }
0x127: {  	[sflag:s17] =	ssyncset.done $0x0  }
0x128: {  	s15 =	rddreg [dreg:$0x16];
	[sflag:s17] =	ssyncadd.s32 $0xFFFFC000  }
0x129: {  	[spmem:s15] =	stream.linear.scatter [tilespmem:s16], [sflag:$0x3], $0x3C00, $0x38;
	[tilespmem:$0x1CC00] =	vst v63  }
0x12a: {  	_ =	swait.ge [sflag:s17], $0x3C00  }
0x12b: {  	[sflag:s17] =	ssyncset.done $0x0  }
.Ltmp3:
0x12c: {  	[sflag:s17] =	ssyncadd.s32 $0xFFFFC400;
	(pc) =	sbr.rel @p0 .LBB2_7-.Ltmp3, $4  }
0x12d: {  	[bflag:$0x0] =	sbarrier.arrive $0xFFFF  }
0x12e: {  	s13 =	rddreg [dreg:$0x19]  }
0x12f: {  	s5 =	rddreg [dreg:$0x1a]  }
0x130: {  	s15 =	rddreg [dreg:$0x1d]  }
0x131: {  	s5 =	rddreg [dreg:$0x5]  }
0x132: {  	s5 =	sadd.s32 $0x0, s5  }
0x133: {  	[tilespmem:s3], [sflag:$0x3] =	stream.linear.gather [hbm4b:s5+s3], $0x800, $0x38;
	[tilespmem:$0x1CC00] =	vst v63  }
0x134: {  	_ =	swait.ge [sflag:s17], $0x800  }
0x135: {  	s13 =	rddreg [dreg:$0x4];
	[sflag:s17] =	ssyncset.done $0x0  }
0x136: {  	[sflag:s17] =	ssyncadd.s32 $0xFFFFF800;
	s5 =	sadd.s32 $0x0, s13  }
0x137: {  	[tilespmem:s18], [sflag:$0x3] =	stream.linear.gather [hbm4b:s5+s3], $0x800, $0x38;
	[tilespmem:$0x1CC00] =	vst v63  }
0x138: {  	_ =	swait.ge [sflag:s17], $0x800  }
0x139: {  	[sflag:s17] =	ssyncset.done $0x0  }
0x13a: {  	[sflag:s17] =	ssyncadd.s32 $0xFFFFF800  }
0x13b: {  	[tilespmem:s16], [sflag:$0x1] =	stream.indirect.gather [hbm4b:s4+s19], $0x80, s3, s19, $0xb8;
	[tilespmem:$0x1CC00] =	vst v63  }
0x13c: {  	_ = 	snop  }
0x13d: {  	[tilespmem:s20], [sflag:$0x2] =	stream.indirect.gather [hbm4b:s4+s19], $0x80, s19, s19, $0xb8;
	[tilespmem:$0x1CC00] =	vst v63  }
0x13e: {  	_ =	swait.ge [sflag:s21], $0x4000  }
0x13f: {  	[sflag:s21] =	ssyncset.done $0x0  }
0x140: {  	[sflag:s21] =	ssyncadd.s32 $0xFFFFC000  }
0x141: {  	[spmem:s1] =	stream.indirect.scatter.add.f32 [tilespmem:s16], [sflag:$0x3], $0x80, s18, s19, $0xb8;
	[tilespmem:$0x1CC00] =	vst v63  }
0x142: {  	_ =	swait.ge [sflag:s17], $0x4000  }
0x143: {  	[sflag:s17] =	ssyncset.done $0x0  }
0x144: {  	[sflag:s17] =	ssyncadd.s32 $0xFFFFC000  }
0x145: {  	_ =	swait.ge [sflag:s22], $0x4000  }
0x146: {  	[sflag:s22] =	ssyncset.done $0x0  }
0x147: {  	[sflag:s22] =	ssyncadd.s32 $0xFFFFC000  }
0x148: {  	[spmem:s1] =	stream.indirect.scatter.add.f32 [tilespmem:s20], [sflag:$0x3], $0x80, s23, s19, $0xb8;
	[tilespmem:$0x1CC00] =	vst v63  }
0x149: {  	_ =	swait.ge [sflag:s17], $0x4000  }
0x14a: {  	[sflag:s17] =	ssyncset.done $0x0  }
0x14b: {  	[sflag:s17] =	ssyncadd.s32 $0xFFFFC000  }
0x14c: {  	[tilespmem:s16], [sflag:$0x1] =	stream.indirect.gather [hbm4b:s4+s19], $0x80, s24, s19, $0xb8;
	[tilespmem:$0x1CC00] =	vst v63  }
0x14d: {  	_ = 	snop  }
0x14e: {  	[tilespmem:s20], [sflag:$0x2] =	stream.indirect.gather [hbm4b:s4+s19], $0x80, s25, s19, $0xb8;
	[tilespmem:$0x1CC00] =	vst v63  }
0x14f: {  	_ =	swait.ge [sflag:s21], $0x4000  }
0x150: {  	[sflag:s21] =	ssyncset.done $0x0  }
0x151: {  	[sflag:s21] =	ssyncadd.s32 $0xFFFFC000  }
0x152: {  	[spmem:s1] =	stream.indirect.scatter.add.f32 [tilespmem:s16], [sflag:$0x3], $0x80, s26, s19, $0xb8;
	[tilespmem:$0x1CC00] =	vst v63  }
0x153: {  	_ =	swait.ge [sflag:s17], $0x4000  }
0x154: {  	[sflag:s17] =	ssyncset.done $0x0  }
0x155: {  	[sflag:s17] =	ssyncadd.s32 $0xFFFFC000  }
0x156: {  	_ =	swait.ge [sflag:s22], $0x4000  }
0x157: {  	[sflag:s22] =	ssyncset.done $0x0  }
0x158: {  	[sflag:s22] =	ssyncadd.s32 $0xFFFFC000  }
0x159: {  	[spmem:s1] =	stream.indirect.scatter.add.f32 [tilespmem:s20], [sflag:$0x3], $0x80, s28, s19, $0xb8;
	[tilespmem:$0x1CC00] =	vst v63  }
0x15a: {  	_ =	swait.ge [sflag:s17], $0x4000  }
0x15b: {  	[sflag:s17] =	ssyncset.done $0x0  }
0x15c: {  	[sflag:s17] =	ssyncadd.s32 $0xFFFFC000  }
0x15d: {  	[tilespmem:s16], [sflag:$0x1] =	stream.indirect.gather [hbm4b:s4+s19], $0x80, s29, s19, $0xb8;
	[tilespmem:$0x1CC00] =	vst v63  }
0x15e: {  	_ = 	snop  }
0x15f: {  	[tilespmem:s20], [sflag:$0x2] =	stream.indirect.gather [hbm4b:s4+s19], $0x80, s30, s19, $0xb8;
	[tilespmem:$0x1CC00] =	vst v63  }
0x160: {  	_ =	swait.ge [sflag:s21], $0x4000  }
0x161: {  	[sflag:s21] =	ssyncset.done $0x0  }
0x162: {  	[sflag:s21] =	ssyncadd.s32 $0xFFFFC000  }
0x163: {  	[spmem:s1] =	stream.indirect.scatter.add.f32 [tilespmem:s16], [sflag:$0x3], $0x80, s31, s19, $0xb8;
	[tilespmem:$0x1CC00] =	vst v63  }
0x164: {  	_ =	swait.ge [sflag:s17], $0x4000  }
0x165: {  	[sflag:s17] =	ssyncset.done $0x0  }
0x166: {  	[sflag:s17] =	ssyncadd.s32 $0xFFFFC000  }
0x167: {  	_ =	swait.ge [sflag:s22], $0x4000  }
0x168: {  	[sflag:s22] =	ssyncset.done $0x0  }
0x169: {  	[sflag:s22] =	ssyncadd.s32 $0xFFFFC000  }
0x16a: {  	[spmem:s1] =	stream.indirect.scatter.add.f32 [tilespmem:s20], [sflag:$0x3], $0x80, s0, s19, $0xb8;
	[tilespmem:$0x1CC00] =	vst v63  }
0x16b: {  	_ =	swait.ge [sflag:s17], $0x4000  }
0x16c: {  	[sflag:s17] =	ssyncset.done $0x0  }
0x16d: {  	[sflag:s17] =	ssyncadd.s32 $0xFFFFC000  }
0x16e: {  	[tilespmem:s16], [sflag:$0x1] =	stream.indirect.gather [hbm4b:s4+s19], $0x80, s10, s19, $0xb8;
	[tilespmem:$0x1CC00] =	vst v63  }
0x16f: {  	_ = 	snop  }
0x170: {  	[tilespmem:s20], [sflag:$0x2] =	stream.indirect.gather [hbm4b:s4+s19], $0x80, s11, s19, $0xb8;
	[tilespmem:$0x1CC00] =	vst v63  }
0x171: {  	_ =	swait.ge [sflag:s21], $0x4000  }
0x172: {  	[sflag:s21] =	ssyncset.done $0x0  }
0x173: {  	[sflag:s21] =	ssyncadd.s32 $0xFFFFC000  }
0x174: {  	[spmem:s1] =	stream.indirect.scatter.add.f32 [tilespmem:s16], [sflag:$0x3], $0x80, s2, s19, $0xb8;
	[tilespmem:$0x1CC00] =	vst v63  }
0x175: {  	_ =	swait.ge [sflag:s17], $0x4000  }
0x176: {  	[sflag:s17] =	ssyncset.done $0x0  }
0x177: {  	[sflag:s17] =	ssyncadd.s32 $0xFFFFC000  }
0x178: {  	_ =	swait.ge [sflag:s22], $0x4000  }
0x179: {  	[sflag:s22] =	ssyncset.done $0x0  }
0x17a: {  	[sflag:s22] =	ssyncadd.s32 $0xFFFFC000  }
0x17b: {  	[spmem:s1] =	stream.indirect.scatter.add.f32 [tilespmem:s20], [sflag:$0x3], $0x80, s6, s19, $0xb8;
	[tilespmem:$0x1CC00] =	vst v63  }
0x17c: {  	_ =	swait.ge [sflag:s17], $0x4000  }
0x17d: {  	[sflag:s17] =	ssyncset.done $0x0  }
0x17e: {  	s15 =	rddreg [dreg:$0x6];
	[sflag:s17] =	ssyncadd.s32 $0xFFFFC000  }
0x17f: {  	[tilespmem:s16], [sflag:$0x1] =	stream.indirect.gather [hbm4b:s4+s19], $0x80, s15, s19, $0xb8;
	[tilespmem:$0x1CC00] =	vst v63  }
0x180: {  	s12 =	rddreg [dreg:$0x7]  }
0x181: {  	[tilespmem:s20], [sflag:$0x2] =	stream.indirect.gather [hbm4b:s4+s19], $0x80, s12, s19, $0xb8;
	[tilespmem:$0x1CC00] =	vst v63  }
0x182: {  	_ =	swait.ge [sflag:s21], $0x4000  }
0x183: {  	[sflag:s21] =	ssyncset.done $0x0  }
0x184: {  	s13 =	rddreg [dreg:$0x8];
	[sflag:s21] =	ssyncadd.s32 $0xFFFFC000  }
0x185: {  	[spmem:s1] =	stream.indirect.scatter.add.f32 [tilespmem:s16], [sflag:$0x3], $0x80, s13, s19, $0xb8;
	[tilespmem:$0x1CC00] =	vst v63  }
0x186: {  	_ =	swait.ge [sflag:s17], $0x4000  }
0x187: {  	[sflag:s17] =	ssyncset.done $0x0  }
0x188: {  	[sflag:s17] =	ssyncadd.s32 $0xFFFFC000  }
0x189: {  	_ =	swait.ge [sflag:s22], $0x4000  }
0x18a: {  	[sflag:s22] =	ssyncset.done $0x0  }
0x18b: {  	s15 =	rddreg [dreg:$0x9];
	[sflag:s22] =	ssyncadd.s32 $0xFFFFC000  }
0x18c: {  	[spmem:s1] =	stream.indirect.scatter.add.f32 [tilespmem:s20], [sflag:$0x3], $0x80, s15, s19, $0xb8;
	[tilespmem:$0x1CC00] =	vst v63  }
0x18d: {  	_ =	swait.ge [sflag:s17], $0x4000  }
0x18e: {  	[sflag:s17] =	ssyncset.done $0x0  }
0x18f: {  	s12 =	rddreg [dreg:$0xa];
	[sflag:s17] =	ssyncadd.s32 $0xFFFFC000  }
0x190: {  	[tilespmem:s16], [sflag:$0x1] =	stream.indirect.gather [hbm4b:s4+s19], $0x80, s12, s19, $0xb8;
	[tilespmem:$0x1CC00] =	vst v63  }
0x191: {  	s13 =	rddreg [dreg:$0xb]  }
0x192: {  	[tilespmem:s20], [sflag:$0x2] =	stream.indirect.gather [hbm4b:s4+s19], $0x80, s13, s19, $0xb8;
	[tilespmem:$0x1CC00] =	vst v63  }
0x193: {  	_ =	swait.ge [sflag:s21], $0x4000  }
0x194: {  	[sflag:s21] =	ssyncset.done $0x0  }
0x195: {  	s15 =	rddreg [dreg:$0xc];
	[sflag:s21] =	ssyncadd.s32 $0xFFFFC000  }
0x196: {  	[spmem:s1] =	stream.indirect.scatter.add.f32 [tilespmem:s16], [sflag:$0x3], $0x80, s15, s19, $0xb8;
	[tilespmem:$0x1CC00] =	vst v63  }
0x197: {  	_ =	swait.ge [sflag:s17], $0x4000  }
0x198: {  	[sflag:s17] =	ssyncset.done $0x0  }
0x199: {  	[sflag:s17] =	ssyncadd.s32 $0xFFFFC000  }
0x19a: {  	_ =	swait.ge [sflag:s22], $0x4000  }
0x19b: {  	[sflag:s22] =	ssyncset.done $0x0  }
0x19c: {  	s12 =	rddreg [dreg:$0xd];
	[sflag:s22] =	ssyncadd.s32 $0xFFFFC000  }
0x19d: {  	[spmem:s1] =	stream.indirect.scatter.add.f32 [tilespmem:s20], [sflag:$0x3], $0x80, s12, s19, $0xb8;
	[tilespmem:$0x1CC00] =	vst v63  }
0x19e: {  	_ =	swait.ge [sflag:s17], $0x4000  }
0x19f: {  	[sflag:s17] =	ssyncset.done $0x0  }
0x1a0: {  	s13 =	rddreg [dreg:$0xe];
	[sflag:s17] =	ssyncadd.s32 $0xFFFFC000  }
0x1a1: {  	[tilespmem:s16], [sflag:$0x1] =	stream.indirect.gather [hbm4b:s4+s19], $0x80, s13, s19, $0xb8;
	[tilespmem:$0x1CC00] =	vst v63  }
0x1a2: {  	s15 =	rddreg [dreg:$0xf]  }
0x1a3: {  	[tilespmem:s20], [sflag:$0x2] =	stream.indirect.gather [hbm4b:s4+s19], $0x80, s15, s19, $0xb8;
	[tilespmem:$0x1CC00] =	vst v63  }
0x1a4: {  	_ =	swait.ge [sflag:s21], $0x4000  }
0x1a5: {  	[sflag:s21] =	ssyncset.done $0x0  }
0x1a6: {  	s13 =	rddreg [dreg:$0x10];
	[sflag:s21] =	ssyncadd.s32 $0xFFFFC000  }
0x1a7: {  	[spmem:s1] =	stream.indirect.scatter.add.f32 [tilespmem:s16], [sflag:$0x3], $0x80, s13, s19, $0xb8;
	[tilespmem:$0x1CC00] =	vst v63  }
0x1a8: {  	_ =	swait.ge [sflag:s17], $0x4000  }
0x1a9: {  	[sflag:s17] =	ssyncset.done $0x0  }
0x1aa: {  	[sflag:s17] =	ssyncadd.s32 $0xFFFFC000  }
0x1ab: {  	_ =	swait.ge [sflag:s22], $0x4000  }
0x1ac: {  	[sflag:s22] =	ssyncset.done $0x0  }
0x1ad: {  	s15 =	rddreg [dreg:$0x11];
	[sflag:s22] =	ssyncadd.s32 $0xFFFFC000  }
0x1ae: {  	[spmem:s1] =	stream.indirect.scatter.add.f32 [tilespmem:s20], [sflag:$0x3], $0x80, s15, s19, $0xb8;
	[tilespmem:$0x1CC00] =	vst v63  }
0x1af: {  	_ =	swait.ge [sflag:s17], $0x4000  }
0x1b0: {  	[sflag:s17] =	ssyncset.done $0x0  }
0x1b1: {  	[sflag:s17] =	ssyncadd.s32 $0xFFFFC000  }
0x1b2: {  	[tilespmem:s16], [sflag:$0x1] =	stream.indirect.gather [hbm4b:s4+s19], $0x80, s7, s19, $0xb8;
	[tilespmem:$0x1CC00] =	vst v63  }
0x1b3: {  	_ = 	snop  }
0x1b4: {  	[tilespmem:s20], [sflag:$0x2] =	stream.indirect.gather [hbm4b:s4+s19], $0x80, s8, s19, $0xb8;
	[tilespmem:$0x1CC00] =	vst v63  }
0x1b5: {  	_ =	swait.ge [sflag:s21], $0x4000  }
0x1b6: {  	[sflag:s21] =	ssyncset.done $0x0  }
0x1b7: {  	[sflag:s21] =	ssyncadd.s32 $0xFFFFC000  }
0x1b8: {  	[spmem:s1] =	stream.indirect.scatter.add.f32 [tilespmem:s16], [sflag:$0x3], $0x80, s9, s19, $0xb8;
	[tilespmem:$0x1CC00] =	vst v63  }
0x1b9: {  	_ =	swait.ge [sflag:s17], $0x4000  }
0x1ba: {  	[sflag:s17] =	ssyncset.done $0x0  }
0x1bb: {  	[sflag:s17] =	ssyncadd.s32 $0xFFFFC000  }
0x1bc: {  	_ =	swait.ge [sflag:s22], $0x4000  }
0x1bd: {  	[sflag:s22] =	ssyncset.done $0x0  }
0x1be: {  	[sflag:s22] =	ssyncadd.s32 $0xFFFFC000  }
0x1bf: {  	[spmem:s1] =	stream.indirect.scatter.add.f32 [tilespmem:s20], [sflag:$0x3], $0x80, s14, s19, $0xb8;
	[tilespmem:$0x1CC00] =	vst v63  }
0x1c0: {  	s13 =	simm.s32 $0x200;
	_ =	swait.ge [sflag:s17], $0x4000  }
0x1c1: {  	s15 =	simm.s32 $0x100;
	s5 =	rddreg [dreg:$0x5];
	[sflag:s17] =	ssyncset.done $0x0  }
.LBB2_5:
0x1c2: {  	[sflag:s17] =	ssyncadd.s32 $0xFFFFC000;
	s5 =	sadd.s32 s15, s5  }
0x1c3: {  	[tilespmem:s3], [sflag:$0x3] =	stream.linear.gather [hbm4b:s5+s3], $0x800, $0x38;
	[tilespmem:$0x1CC00] =	vst v63  }
0x1c4: {  	_ =	swait.ge [sflag:s17], $0x800  }
0x1c5: {  	s5 =	rddreg [dreg:$0x4];
	[sflag:s17] =	ssyncset.done $0x0  }
0x1c6: {  	[sflag:s17] =	ssyncadd.s32 $0xFFFFF800;
	s5 =	sadd.s32 s15, s5  }
0x1c7: {  	[tilespmem:s18], [sflag:$0x3] =	stream.linear.gather [hbm4b:s5+s3], $0x800, $0x38;
	[tilespmem:$0x1CC00] =	vst v63  }
0x1c8: {  	_ =	swait.ge [sflag:s17], $0x800  }
0x1c9: {  	[sflag:s17] =	ssyncset.done $0x0  }
0x1ca: {  	[sflag:s17] =	ssyncadd.s32 $0xFFFFF800  }
0x1cb: {  	[tilespmem:s16], [sflag:$0x1] =	stream.indirect.gather [hbm4b:s4+s19], $0x80, s3, s19, $0xb8;
	[tilespmem:$0x1CC00] =	vst v63  }
0x1cc: {  	_ = 	snop  }
0x1cd: {  	[tilespmem:s20], [sflag:$0x2] =	stream.indirect.gather [hbm4b:s4+s19], $0x80, s19, s19, $0xb8;
	[tilespmem:$0x1CC00] =	vst v63  }
0x1ce: {  	_ =	swait.ge [sflag:s21], $0x4000  }
0x1cf: {  	[sflag:s21] =	ssyncset.done $0x0  }
0x1d0: {  	[sflag:s21] =	ssyncadd.s32 $0xFFFFC000  }
0x1d1: {  	[spmem:s1] =	stream.indirect.scatter.add.f32 [tilespmem:s16], [sflag:$0x3], $0x80, s18, s19, $0xb8;
	[tilespmem:$0x1CC00] =	vst v63  }
0x1d2: {  	_ =	swait.ge [sflag:s17], $0x4000  }
0x1d3: {  	[sflag:s17] =	ssyncset.done $0x0  }
0x1d4: {  	[sflag:s17] =	ssyncadd.s32 $0xFFFFC000  }
0x1d5: {  	_ =	swait.ge [sflag:s22], $0x4000  }
0x1d6: {  	[sflag:s22] =	ssyncset.done $0x0  }
0x1d7: {  	[sflag:s22] =	ssyncadd.s32 $0xFFFFC000  }
0x1d8: {  	[spmem:s1] =	stream.indirect.scatter.add.f32 [tilespmem:s20], [sflag:$0x3], $0x80, s23, s19, $0xb8;
	[tilespmem:$0x1CC00] =	vst v63  }
0x1d9: {  	_ =	swait.ge [sflag:s17], $0x4000  }
0x1da: {  	[sflag:s17] =	ssyncset.done $0x0  }
0x1db: {  	[sflag:s17] =	ssyncadd.s32 $0xFFFFC000  }
0x1dc: {  	[tilespmem:s16], [sflag:$0x1] =	stream.indirect.gather [hbm4b:s4+s19], $0x80, s24, s19, $0xb8;
	[tilespmem:$0x1CC00] =	vst v63  }
0x1dd: {  	_ = 	snop  }
0x1de: {  	[tilespmem:s20], [sflag:$0x2] =	stream.indirect.gather [hbm4b:s4+s19], $0x80, s25, s19, $0xb8;
	[tilespmem:$0x1CC00] =	vst v63  }
0x1df: {  	_ =	swait.ge [sflag:s21], $0x4000  }
0x1e0: {  	[sflag:s21] =	ssyncset.done $0x0  }
0x1e1: {  	[sflag:s21] =	ssyncadd.s32 $0xFFFFC000  }
0x1e2: {  	[spmem:s1] =	stream.indirect.scatter.add.f32 [tilespmem:s16], [sflag:$0x3], $0x80, s26, s19, $0xb8;
	[tilespmem:$0x1CC00] =	vst v63  }
0x1e3: {  	_ =	swait.ge [sflag:s17], $0x4000  }
0x1e4: {  	[sflag:s17] =	ssyncset.done $0x0  }
0x1e5: {  	[sflag:s17] =	ssyncadd.s32 $0xFFFFC000  }
0x1e6: {  	_ =	swait.ge [sflag:s22], $0x4000  }
0x1e7: {  	[sflag:s22] =	ssyncset.done $0x0  }
0x1e8: {  	[sflag:s22] =	ssyncadd.s32 $0xFFFFC000  }
0x1e9: {  	[spmem:s1] =	stream.indirect.scatter.add.f32 [tilespmem:s20], [sflag:$0x3], $0x80, s28, s19, $0xb8;
	[tilespmem:$0x1CC00] =	vst v63  }
0x1ea: {  	_ =	swait.ge [sflag:s17], $0x4000  }
0x1eb: {  	[sflag:s17] =	ssyncset.done $0x0  }
0x1ec: {  	[sflag:s17] =	ssyncadd.s32 $0xFFFFC000  }
0x1ed: {  	[tilespmem:s16], [sflag:$0x1] =	stream.indirect.gather [hbm4b:s4+s19], $0x80, s29, s19, $0xb8;
	[tilespmem:$0x1CC00] =	vst v63  }
0x1ee: {  	_ = 	snop  }
0x1ef: {  	[tilespmem:s20], [sflag:$0x2] =	stream.indirect.gather [hbm4b:s4+s19], $0x80, s30, s19, $0xb8;
	[tilespmem:$0x1CC00] =	vst v63  }
0x1f0: {  	_ =	swait.ge [sflag:s21], $0x4000  }
0x1f1: {  	[sflag:s21] =	ssyncset.done $0x0  }
0x1f2: {  	[sflag:s21] =	ssyncadd.s32 $0xFFFFC000  }
0x1f3: {  	[spmem:s1] =	stream.indirect.scatter.add.f32 [tilespmem:s16], [sflag:$0x3], $0x80, s31, s19, $0xb8;
	[tilespmem:$0x1CC00] =	vst v63  }
0x1f4: {  	_ =	swait.ge [sflag:s17], $0x4000  }
0x1f5: {  	[sflag:s17] =	ssyncset.done $0x0  }
0x1f6: {  	[sflag:s17] =	ssyncadd.s32 $0xFFFFC000  }
0x1f7: {  	_ =	swait.ge [sflag:s22], $0x4000  }
0x1f8: {  	[sflag:s22] =	ssyncset.done $0x0  }
0x1f9: {  	[sflag:s22] =	ssyncadd.s32 $0xFFFFC000  }
0x1fa: {  	[spmem:s1] =	stream.indirect.scatter.add.f32 [tilespmem:s20], [sflag:$0x3], $0x80, s0, s19, $0xb8;
	[tilespmem:$0x1CC00] =	vst v63  }
0x1fb: {  	_ =	swait.ge [sflag:s17], $0x4000  }
0x1fc: {  	[sflag:s17] =	ssyncset.done $0x0  }
0x1fd: {  	[sflag:s17] =	ssyncadd.s32 $0xFFFFC000  }
0x1fe: {  	[tilespmem:s16], [sflag:$0x1] =	stream.indirect.gather [hbm4b:s4+s19], $0x80, s10, s19, $0xb8;
	[tilespmem:$0x1CC00] =	vst v63  }
0x1ff: {  	_ = 	snop  }
0x200: {  	[tilespmem:s20], [sflag:$0x2] =	stream.indirect.gather [hbm4b:s4+s19], $0x80, s11, s19, $0xb8;
	[tilespmem:$0x1CC00] =	vst v63  }
0x201: {  	_ =	swait.ge [sflag:s21], $0x4000  }
0x202: {  	[sflag:s21] =	ssyncset.done $0x0  }
0x203: {  	[sflag:s21] =	ssyncadd.s32 $0xFFFFC000  }
0x204: {  	[spmem:s1] =	stream.indirect.scatter.add.f32 [tilespmem:s16], [sflag:$0x3], $0x80, s2, s19, $0xb8;
	[tilespmem:$0x1CC00] =	vst v63  }
0x205: {  	_ =	swait.ge [sflag:s17], $0x4000  }
0x206: {  	[sflag:s17] =	ssyncset.done $0x0  }
0x207: {  	[sflag:s17] =	ssyncadd.s32 $0xFFFFC000  }
0x208: {  	_ =	swait.ge [sflag:s22], $0x4000  }
0x209: {  	[sflag:s22] =	ssyncset.done $0x0  }
0x20a: {  	[sflag:s22] =	ssyncadd.s32 $0xFFFFC000  }
0x20b: {  	[spmem:s1] =	stream.indirect.scatter.add.f32 [tilespmem:s20], [sflag:$0x3], $0x80, s6, s19, $0xb8;
	[tilespmem:$0x1CC00] =	vst v63  }
0x20c: {  	_ =	swait.ge [sflag:s17], $0x4000  }
0x20d: {  	[sflag:s17] =	ssyncset.done $0x0  }
0x20e: {  	s12 =	smov.u32 s13;
	s5 =	rddreg [dreg:$0x6];
	[sflag:s17] =	ssyncadd.s32 $0xFFFFC000  }
0x20f: {  	[tilespmem:s16], [sflag:$0x1] =	stream.indirect.gather [hbm4b:s4+s19], $0x80, s5, s19, $0xb8;
	[tilespmem:$0x1CC00] =	vst v63  }
0x210: {  	s15 =	smov.u32 s12;
	s12 =	rddreg [dreg:$0x7]  }
0x211: {  	[tilespmem:s20], [sflag:$0x2] =	stream.indirect.gather [hbm4b:s4+s19], $0x80, s12, s19, $0xb8;
	[tilespmem:$0x1CC00] =	vst v63  }
0x212: {  	_ =	swait.ge [sflag:s21], $0x4000  }
0x213: {  	[sflag:s21] =	ssyncset.done $0x0  }
0x214: {  	s12 =	rddreg [dreg:$0x8];
	[sflag:s21] =	ssyncadd.s32 $0xFFFFC000  }
0x215: {  	[spmem:s1] =	stream.indirect.scatter.add.f32 [tilespmem:s16], [sflag:$0x3], $0x80, s12, s19, $0xb8;
	[tilespmem:$0x1CC00] =	vst v63  }
0x216: {  	_ =	swait.ge [sflag:s17], $0x4000  }
0x217: {  	[sflag:s17] =	ssyncset.done $0x0  }
0x218: {  	[sflag:s17] =	ssyncadd.s32 $0xFFFFC000  }
0x219: {  	_ =	swait.ge [sflag:s22], $0x4000  }
0x21a: {  	[sflag:s22] =	ssyncset.done $0x0  }
0x21b: {  	s12 =	rddreg [dreg:$0x9];
	[sflag:s22] =	ssyncadd.s32 $0xFFFFC000  }
0x21c: {  	[spmem:s1] =	stream.indirect.scatter.add.f32 [tilespmem:s20], [sflag:$0x3], $0x80, s12, s19, $0xb8;
	[tilespmem:$0x1CC00] =	vst v63  }
0x21d: {  	_ =	swait.ge [sflag:s17], $0x4000  }
0x21e: {  	[sflag:s17] =	ssyncset.done $0x0  }
0x21f: {  	s5 =	rddreg [dreg:$0xa];
	[sflag:s17] =	ssyncadd.s32 $0xFFFFC000  }
0x220: {  	[tilespmem:s16], [sflag:$0x1] =	stream.indirect.gather [hbm4b:s4+s19], $0x80, s5, s19, $0xb8;
	[tilespmem:$0x1CC00] =	vst v63  }
0x221: {  	s12 =	rddreg [dreg:$0xb]  }
0x222: {  	[tilespmem:s20], [sflag:$0x2] =	stream.indirect.gather [hbm4b:s4+s19], $0x80, s12, s19, $0xb8;
	[tilespmem:$0x1CC00] =	vst v63  }
0x223: {  	_ =	swait.ge [sflag:s21], $0x4000  }
0x224: {  	[sflag:s21] =	ssyncset.done $0x0  }
0x225: {  	s12 =	rddreg [dreg:$0xc];
	[sflag:s21] =	ssyncadd.s32 $0xFFFFC000  }
0x226: {  	[spmem:s1] =	stream.indirect.scatter.add.f32 [tilespmem:s16], [sflag:$0x3], $0x80, s12, s19, $0xb8;
	[tilespmem:$0x1CC00] =	vst v63  }
0x227: {  	_ =	swait.ge [sflag:s17], $0x4000  }
0x228: {  	[sflag:s17] =	ssyncset.done $0x0  }
0x229: {  	[sflag:s17] =	ssyncadd.s32 $0xFFFFC000  }
0x22a: {  	_ =	swait.ge [sflag:s22], $0x4000  }
0x22b: {  	[sflag:s22] =	ssyncset.done $0x0  }
0x22c: {  	s12 =	rddreg [dreg:$0xd];
	[sflag:s22] =	ssyncadd.s32 $0xFFFFC000  }
0x22d: {  	[spmem:s1] =	stream.indirect.scatter.add.f32 [tilespmem:s20], [sflag:$0x3], $0x80, s12, s19, $0xb8;
	[tilespmem:$0x1CC00] =	vst v63  }
0x22e: {  	_ =	swait.ge [sflag:s17], $0x4000  }
0x22f: {  	[sflag:s17] =	ssyncset.done $0x0  }
0x230: {  	s5 =	rddreg [dreg:$0xe];
	[sflag:s17] =	ssyncadd.s32 $0xFFFFC000  }
0x231: {  	[tilespmem:s16], [sflag:$0x1] =	stream.indirect.gather [hbm4b:s4+s19], $0x80, s5, s19, $0xb8;
	[tilespmem:$0x1CC00] =	vst v63  }
0x232: {  	s12 =	rddreg [dreg:$0xf]  }
0x233: {  	[tilespmem:s20], [sflag:$0x2] =	stream.indirect.gather [hbm4b:s4+s19], $0x80, s12, s19, $0xb8;
	[tilespmem:$0x1CC00] =	vst v63  }
0x234: {  	_ =	swait.ge [sflag:s21], $0x4000  }
0x235: {  	[sflag:s21] =	ssyncset.done $0x0  }
0x236: {  	s12 =	rddreg [dreg:$0x10];
	[sflag:s21] =	ssyncadd.s32 $0xFFFFC000  }
0x237: {  	[spmem:s1] =	stream.indirect.scatter.add.f32 [tilespmem:s16], [sflag:$0x3], $0x80, s12, s19, $0xb8;
	[tilespmem:$0x1CC00] =	vst v63  }
0x238: {  	_ =	swait.ge [sflag:s17], $0x4000  }
0x239: {  	[sflag:s17] =	ssyncset.done $0x0  }
0x23a: {  	[sflag:s17] =	ssyncadd.s32 $0xFFFFC000  }
0x23b: {  	_ =	swait.ge [sflag:s22], $0x4000  }
0x23c: {  	[sflag:s22] =	ssyncset.done $0x0  }
0x23d: {  	s12 =	rddreg [dreg:$0x11];
	[sflag:s22] =	ssyncadd.s32 $0xFFFFC000  }
0x23e: {  	[spmem:s1] =	stream.indirect.scatter.add.f32 [tilespmem:s20], [sflag:$0x3], $0x80, s12, s19, $0xb8;
	[tilespmem:$0x1CC00] =	vst v63  }
0x23f: {  	_ =	swait.ge [sflag:s17], $0x4000  }
0x240: {  	[sflag:s17] =	ssyncset.done $0x0  }
0x241: {  	[sflag:s17] =	ssyncadd.s32 $0xFFFFC000  }
0x242: {  	[tilespmem:s16], [sflag:$0x1] =	stream.indirect.gather [hbm4b:s4+s19], $0x80, s7, s19, $0xb8;
	[tilespmem:$0x1CC00] =	vst v63  }
0x243: {  	_ = 	snop  }
0x244: {  	[tilespmem:s20], [sflag:$0x2] =	stream.indirect.gather [hbm4b:s4+s19], $0x80, s8, s19, $0xb8;
	[tilespmem:$0x1CC00] =	vst v63  }
0x245: {  	_ =	swait.ge [sflag:s21], $0x4000  }
0x246: {  	[sflag:s21] =	ssyncset.done $0x0  }
0x247: {  	[sflag:s21] =	ssyncadd.s32 $0xFFFFC000  }
0x248: {  	[spmem:s1] =	stream.indirect.scatter.add.f32 [tilespmem:s16], [sflag:$0x3], $0x80, s9, s19, $0xb8;
	[tilespmem:$0x1CC00] =	vst v63  }
0x249: {  	_ =	swait.ge [sflag:s17], $0x4000  }
0x24a: {  	[sflag:s17] =	ssyncset.done $0x0  }
0x24b: {  	[sflag:s17] =	ssyncadd.s32 $0xFFFFC000  }
0x24c: {  	p1 =	sne.s32 s13, $0x800;
	_ =	swait.ge [sflag:s22], $0x4000  }
.Ltmp4:
0x24d: {  	[sflag:s22] =	ssyncset.done $0x0;
	(pc) =	sbr.rel @p1 .LBB2_5-.Ltmp4, $4  }
0x24e: {  	[sflag:s22] =	ssyncadd.s32 $0xFFFFC000  }
0x24f: {  	[spmem:s1] =	stream.indirect.scatter.add.f32 [tilespmem:s20], [sflag:$0x3], $0x80, s14, s19, $0xb8;
	[tilespmem:$0x1CC00] =	vst v63  }
0x250: {  	_ =	swait.ge [sflag:s17], $0x4000  }
0x251: {  	s13 =	sadd.s32 $0x100, s13;
	s5 =	rddreg [dreg:$0x5];
	[sflag:s17] =	ssyncset.done $0x0  }
.Ltmp5:
0x252: {  	_ = 	snop;
	(pc) =	sbr.rel .LBB2_6-.Ltmp5, $1  }
0x253: {  	_ =	sdelay $0x3  }
.LBB2_8:
0x254: {  	_ =	sfence.sel $0x180000  }
0x255: {  	[bflag:$0x0] =	sbarrier.arrive $0xFFFF  }
0x256: {  	_ =	strace $0x9000004D  }
0x257: {  	s0 =	stileid.u32;
	[bflag:$0x2] =	sbarrier.arrive $0xFFFF  }
0x258: {  	p0 =	sne.s32 s0, $0x0;
	s0 =	rddreg [dreg:$0x3]  }
0x259: {  	s0 =	sadd.s32 @!p0 $0x100000, s0  }
0x25a: {  	[sflag:s0] =	ssyncadd.tile.s32 @!p0 $0x1;
	_ =	shalt  }
.Lfunc_end2:
_tile_overlayer_lowered:
.L_overlay_start_2:
0x25b: {  	(tag) =	ssettag $0x2  }
0x25c: {  	s0 =	rddreg [dreg:$0x0];
	s2 =	stileid.u32  }
0x25d: {  	s1 =	rddreg [dreg:$0x1];
	p0 =	sne.s32 s2, $0x0  }
0x25e: {  	s3 =	rddreg [dreg:$0x2];
	[bflag:$0x3] =	sbarrier.arrive $0xFFFF;
	s2 =	simm.s32 @!p0 $0x1C03  }
0x25f: {  	[timem:s3], [sflag:s2] =	dma.local @!p0 [hbm:s0], s1  }
0x260: {  	s0 =	simm.s32 @!p0 $0x3  }
0x261: {  	_ =	swait.ge @!p0 [sflag:s0], s1  }
0x262: {  	s1 =	ssub.s32 @!p0 $0x0, s1;
	[sflag:s0] =	ssyncset.done @!p0 $0x0  }
0x263: {  	[sflag:s0] =	ssyncadd.s32 @!p0 s1  }
0x264: {  	[bflag:$0x3] =	sbarrier.arrive $0xFFFF  }
0x265: {  	_ =	shalt  }

// kernel: kernel.8.cloned.1.call-start
scs
__scs_entry_jumppad:
0x0: {  	(pc) =	sbr.rel $0x88, $3  }
0x1: {  	(tag) =	ssettag $0x0;
	lr =	simm.s32 $0x1  }
0x2: {  	[smem:$0x3F9B] =	sst lr;
	_ =	strace $0xD0000000  }
0x3: {  	_ = 	snop  }
0x4: {  	_ = 	snop  }
0x5: {  	_ = 	snop  }
0x6: {  	_ = 	snop  }
0x7: {  	_ = 	snop  }
__scs_overlays_trampoline_lowered:
0x8: {  	[smem:$0x3FAA] =	sst s0  }
0x9: {  	[smem:$0x3FAB] =	sst s1  }
0xa: {  	[smem:$0x3FAC] =	sst s2  }
0xb: {  	[smem:$0x3FAD] =	sst s3  }
0xc: {  	[smem:$0x3FAE] =	sst s4  }
0xd: {  	[smem:$0x3FAF] =	sst s5  }
0xe: {  	[smem:$0x3FB0] =	sst s6  }
0xf: {  	[smem:$0x3FB1] =	sst s7  }
0x10: {  	[smem:$0x3FB2] =	sst s8  }
0x11: {  	[smem:$0x3FB3] =	sst s9;
	s0 =	simm.s32 @!p0 $0x0  }
0x12: {  	s1 =	sld [smem:$0x3F99];
	s0 =	simm.s32 @p0 $0x1  }
0x13: {  	[smem:$0x3FB4] =	sst s0;
	s0 =	simm.s32 @!p1 $0x0  }
0x14: {  	s2 =	sld [smem:$0x3F98];
	s0 =	simm.s32 @p1 $0x1  }
0x15: {  	[smem:$0x3FB5] =	sst s0;
	s0 =	simm.s32 @!p2 $0x0  }
0x16: {  	s3 =	sld [smem:$0x3FDB];
	s0 =	simm.s32 @p2 $0x1  }
0x17: {  	s4 =	simm.s32 $0x1BF5;
	[smem:$0x3FB7] =	sst s0  }
0x18: {  	s0 =	sld [smem:$0x3F9A];
	_ =	swait.ge [sflag:s4], $0x0  }
0x19: {  	s7 =	sld [smem:$0x3F9B]  }
0x1a: {  	s8 =	sadd.s32 $0xFFFFE003, lr  }
0x1b: {  	s9 =	sadd.s32 $0xFFFFFEF7, lr;
	s5 =	simm.s32 $0xFFFFFFFF;
	p2 =	slt.u32 s8, $0xFFFFF086  }
0x1c: {  	p1 =	slt.u32 s9, $0xF7A;
	s5 =	simm.s32 @!p2 $0x0  }
0x1d: {  	s5 =	simm.s32 @p1 $0x1;
	p0 =	seq.s32 s7, s2  }
0x1e: {  	s7 =	smul.u32 @!p0 $0xF7A, s2;
	p2 =	seq.s32 @!p0 s5, $0x0  }
0x1f: {  	s9 =	smul.u32 $0xF7A, s1;
	s8 =	simm.s32 @!p0 $0x1BF5;
	p2 =	por !p2, p0  }
0x20: {  	[sflag:s8] =	ssyncset.s32 @!p0 $0xFFFFF086;
	s6 =	sadd.s32 @!p0 s3, s7;
	s7 =	simm.s32 @!p0 $0x108  }
0x21: {  	s3 =	sadd.s32 s3, s9;
	s6 =	sadd.s32 @!p0 $0x88, s6;
	s7 =	simm.s32 @p2 $0x1082  }
0x22: {  	[simem:s7], [sflag:s8] =	dma.local @!p0 [hbm:s6], $0xF7A  }
0x23: {  	s9 =	sor.u32 $0xD0000000, s2;
	s6 =	simm.s32 $0x108;
	_ =	swait.ge @!p0 [sflag:s8], $0x0  }
0x24: {  	s3 =	sadd.s32 $0x88, s3;
	s6 =	simm.s32 @!p1 $0x1082;
	[sflag:s4] =	ssyncset.s32 $0xFFFFF086  }
0x25: {  	[simem:s6], [sflag:s4] =	dma.local [hbm:s3], $0xF7A  }
0x26: {  	[smem:$0x3F9B] =	sst s1;
	(tag) =	ssettag s2;
	_ =	strace s9  }
0x27: {  	s1 =	sld [smem:$0x3FAB]  }
0x28: {  	s2 =	sld [smem:$0x3FAC]  }
0x29: {  	s4 =	sld [smem:$0x3FAE]  }
0x2a: {  	p0 =	seq.s32 s5, $0x0;
	s5 =	sld [smem:$0x3FAF]  }
0x2b: {  	s6 =	sld [smem:$0x3FB0]  }
0x2c: {  	s7 =	sld [smem:$0x3FB1]  }
0x2d: {  	s3 =	simm.s32 $0x108;
	s8 =	sld [smem:$0x3FB2]  }
0x2e: {  	s3 =	simm.s32 @!p0 $0x1082;
	s9 =	sld [smem:$0x3FB3]  }
0x2f: {  	lr =	sadd.s32 s0, s3;
	s0 =	sld [smem:$0x3FAA]  }
0x30: {  	s3 =	sld [smem:$0x3FAD]  }
0x31: {  	[smem:$0x3FB6] =	sst s10  }
0x32: {  	s10 =	sld [smem:$0x3FB4];
	_ =	sdelay $0x3  }
0x33: {  	p0 =	seq.s32 s10, $0x1;
	s10 =	sld [smem:$0x3FB6];
	_ =	sdelay $0x3  }
0x34: {  	[smem:$0x3FB6] =	sst s10  }
0x35: {  	s10 =	sld [smem:$0x3FB5];
	_ =	sdelay $0x3  }
0x36: {  	p1 =	seq.s32 s10, $0x1;
	s10 =	sld [smem:$0x3FB6];
	_ =	sdelay $0x3  }
0x37: {  	[smem:$0x3FB6] =	sst s10  }
0x38: {  	s10 =	sld [smem:$0x3FB7]  }
0x39: {  	_ = 	snop;
	(pc) =	sbr.ind lr, $3  }
0x3a: {  	_ = 	snop  }
0x3b: {  	_ = 	snop  }
0x3c: {  	p2 =	seq.s32 s10, $0x1;
	s10 =	sld [smem:$0x3FB6]  }
0x3d: {  	_ =	shalt  }
0x3e: {  	_ =	shalt  }
0x3f: {  	_ =	shalt  }
0x40: {  	_ =	shalt  }
0x41: {  	_ =	shalt  }
0x42: {  	_ =	shalt  }
0x43: {  	_ =	shalt  }
0x44: {  	_ =	shalt  }
0x45: {  	_ =	shalt  }
0x46: {  	_ =	shalt  }
0x47: {  	_ =	shalt  }
0x48: {  	_ =	shalt  }
0x49: {  	_ =	shalt  }
0x4a: {  	_ =	shalt  }
0x4b: {  	_ =	shalt  }
0x4c: {  	_ =	shalt  }
0x4d: {  	_ =	shalt  }
0x4e: {  	_ =	shalt  }
0x4f: {  	_ =	shalt  }
0x50: {  	_ =	shalt  }
0x51: {  	_ =	shalt  }
0x52: {  	_ =	shalt  }
0x53: {  	_ =	shalt  }
0x54: {  	_ =	shalt  }
0x55: {  	_ =	shalt  }
0x56: {  	_ =	shalt  }
0x57: {  	_ =	shalt  }
0x58: {  	_ =	shalt  }
0x59: {  	_ =	shalt  }
0x5a: {  	_ =	shalt  }
0x5b: {  	_ =	shalt  }
0x5c: {  	_ =	shalt  }
0x5d: {  	_ =	shalt  }
0x5e: {  	_ =	shalt  }
0x5f: {  	_ =	shalt  }
0x60: {  	_ =	shalt  }
0x61: {  	_ =	shalt  }
0x62: {  	_ =	shalt  }
0x63: {  	_ =	shalt  }
0x64: {  	_ =	shalt  }
0x65: {  	_ =	shalt  }
0x66: {  	_ =	shalt  }
0x67: {  	_ =	shalt  }
0x68: {  	_ =	shalt  }
0x69: {  	_ =	shalt  }
0x6a: {  	_ =	shalt  }
0x6b: {  	_ =	shalt  }
0x6c: {  	_ =	shalt  }
0x6d: {  	_ =	shalt  }
0x6e: {  	_ =	shalt  }
0x6f: {  	_ =	shalt  }
0x70: {  	_ =	shalt  }
0x71: {  	_ =	shalt  }
0x72: {  	_ =	shalt  }
0x73: {  	_ =	shalt  }
0x74: {  	_ =	shalt  }
0x75: {  	_ =	shalt  }
0x76: {  	_ =	shalt  }
0x77: {  	_ =	shalt  }
0x78: {  	_ =	shalt  }
0x79: {  	_ =	shalt  }
0x7a: {  	_ =	shalt  }
0x7b: {  	_ =	shalt  }
0x7c: {  	_ =	shalt  }
0x7d: {  	_ =	shalt  }
0x7e: {  	_ =	shalt  }
0x7f: {  	_ =	shalt  }
0x80: {  	_ =	shalt  }
0x81: {  	_ =	shalt  }
0x82: {  	_ =	shalt  }
0x83: {  	_ =	shalt  }
0x84: {  	_ =	shalt  }
0x85: {  	_ =	shalt  }
0x86: {  	_ =	shalt  }
0x87: {  	_ =	shalt  }
.Lfunc_end0:
.L_simem_size_0:
called_computation_lowered:
.L_overlay_start_0:
0x88: {  	s2 =	sld [smem:$0x3FD9]  }
0x89: {  	s3 =	sld [smem:$0x3FFE];
	_ =	sdelay $0x1  }
0x8a: {  	s1 =	srdreg.scid  }
0x8b: {  	s0 =	sand.u32 $0x1, s1  }
0x8c: {  	s16 =	sshll.u32 s0, $0xA;
	s2 =	sadd.s32 s3, s2  }
0x8d: {  	s2 =	sadd.s32 s2, s16  }
0x8e: {  	[smem:$0x3FC2] =	sst s2  }
0x8f: {  	_ = 	snop  }
0x90: {  	(tm) =	ssettm $0x1  }
0x91: {  	s17 =	sld [smem:$0x3FFB];
	_ =	sdelay $0x3  }
0x92: {  	_ =	strace s17  }
0x93: {  	s2 =	sld [smem:$0x3FFC];
	_ =	sdelay $0x3  }
0x94: {  	_ =	strace s2  }
0x95: {  	s2 =	sld [smem:$0x3FFD];
	_ =	sdelay $0x3  }
0x96: {  	_ =	strace s2  }
0x97: {  	_ =	strace $0x8FFFFFFF  }
0x98: {  	s18 =	sld [smem:$0x3FDB];
	_ =	sdelay $0x1  }
0x99: {  	s19 =	simm.s32 $_scs_section_size  }
0x9a: {  	s4 =	simm.s32 $_size__tile_overlayer_lowered;
	s5 =	simm.s32 $_tile_overlayer_lowered  }
0x9b: {  	s22 =	simm.s32 $0x1BFF;
	s21 =	sshll.u32 s5, $0x1;
	s2 =	sadd.s32 s19, s18  }
0x9c: {  	s6 =	simm.s32 $0x0;
	s20 =	sshll.u32 s4, $0x1;
	s4 =	sadd.s32 s21, s2  }
0x9d: {  	[timem:s6], [sflag:s22] =	dma.local [hbm:s4], s20  }
0x9e: {  	_ =	swait.ge [sflag:s22], s20  }
0x9f: {  	s3 =	ssub.s32 $0x0, s20;
	[sflag:s22] =	ssyncset.done $0x0  }
0xa0: {  	[sflag:s22] =	ssyncadd.s32 s3;
	_ =	sdelay $0x1  }
0xa1: {  	s23 =	simm.s32 $0x1B8B  }
0xa2: {  	_ =	swait.ge [sflag:s23], $0x1  }
0xa3: {  	[sflag:s23] =	ssyncset.done $0x0  }
0xa4: {  	s25 =	simm.s32 $0x1B8E;
	s24 =	sld [smem:$0x3FFE];
	[sflag:s23] =	ssyncadd.s32 $0xFFFFFFFF  }
0xa5: {  	s26 =	simm.s32 $execute0_lowered;
	[smem:$0x3FD2] =	sst s25  }
0xa6: {  	s4 =	sshll.u32 s26, $0x1;
	_ =	strace $0x80000046;
	[dreg:$0x1] =	wrdreg $0xFFFFFFFF  }
0xa7: {  	s28 =	simm.s32 $_size_execute0_lowered;
	s2 =	sadd.s32 s2, s4;
	[dreg:$0x0] =	wrdreg $0x0  }
0xa8: {  	s4 =	sshll.u32 s28, $0x1;
	[dreg:$0x2] =	wrdreg s2  }
0xa9: {  	[dreg:$0x3] =	wrdreg s4  }
0xaa: {  	[dreg:$0x4] =	wrdreg $0xC0  }
0xab: {  	_ =	task [dreg:s6], $0x5FFFF  }
0xac: {  	[dreg:$0x1] =	wrdreg $0xFFFFFFFF  }
0xad: {  	[dreg:$0x0] =	wrdreg $0x60  }
0xae: {  	[dreg:$0x2] =	wrdreg s24  }
0xaf: {  	[dreg:$0x3] =	wrdreg $0xB000  }
0xb0: {  	[dreg:$0x4] =	wrdreg $0x9  }
0xb1: {  	_ =	task.clear_ibuf [dreg:s6], $0x5FFFF;
	_ =	strace $0x90000046  }
0xb2: {  	s29 =	simm.s32 $0x9;
	_ =	strace $0x80000048  }
0xb3: {  	_ =	swait.ge [sflag:s29], $0x1  }
0xb4: {  	[sflag:s29] =	ssyncadd.s32 $0xFFFFFFFF  }
0xb5: {  	_ =	strace $0x90000048  }
0xb6: {  	_ =	sfence  }
0xb7: {  	s30 =	sld [smem:$0x0];
	_ =	sdelay $0x2  }
0xb8: {  	s31 =	sshll.u32 s1, $0xD;
	s1 =	sshrl.u32 s1, $0x2  }
0xb9: {  	s3 =	sand.u32 $0x4000, s31;
	s1 =	sadd.s32 s1, s30  }
0xba: {  	s0 =	sor.u32 s3, s0;
	s1 =	sshll.u32 s1, $0x11  }
0xbb: {  	s0 =	sor.u32 s1, s0  }
0xbc: {  	s0 =	sadd.s32 $0x8F2B, s0  }
0xbd: {  	[sflag:s0] =	ssyncadd.remote.s32 $0x1  }
0xbe: {  	_ =	sfence.sel $0xFFFF  }
0xbf: {  	[dreg:$0x0] =	wrdreg $0xFFFFFFFF;
	(pc) =	sbr.abs _section_cstart, $3  }
0xc0: {  	[dreg:$0x1] =	wrdreg $0xFFFFFFFF  }
0xc1: {  	_ =	task.clear_ibuf [dreg:s6], $0x2FFFF;
	_ =	strace $0x9FFFFFFF  }
0xc2: {  	(tm) =	ssettm $0x7FFFFFFF  }
0xc3: {  	_ =	shalt  }
tec
execute0_lowered:
.L_overlay_start_1:
0x0: {  	(tag) =	ssettag $0x1  }
0x1: {  	s0 =	rddreg [dreg:$0x0]  }
0x2: {  	s2 =	rddreg [dreg:$0x1];
	s3 =	simm.s32 $0x0;
	s10 =	stileid.u32  }
0x3: {  	s1 =	srdreg.scid;
	s11 =	simm.s32 $0x1;
	s12 =	simm.s32 $0x80  }
0x4: {  	s13 =	simm.s32 $0x800;
	s14 =	simm.s32 $0x100;
	s15 =	simm.s32 $0x180  }
0x5: {  	s16 =	simm.s32 $0x200;
	s17 =	simm.s32 $0x280;
	s18 =	simm.s32 $0x300  }
0x6: {  	s19 =	simm.s32 $0x380;
	s28 =	simm.s32 $0x580;
	s29 =	simm.s32 $0x600  }
0x7: {  	s30 =	simm.s32 $0x680;
	s31 =	simm.s32 $0x700;
	s4 =	smul.u32 $0x500, s10  }
0x8: {  	[smem:$0x7FF] =	sst s3;
	s1 =	sand.u32 $0x1, s1;
	s20 =	smul.u32 $0xA00, s10  }
0x9: {  	s5 =	sadd.s32 $0x1800, s0;
	s7 =	sshll.u32 s10, $0x7;
	s9 =	smul.u32 $0x4C00, s10  }
0xa: {  	s24 =	smul.u32 $0x980, s10;
	s26 =	sshll.u32 s10, $0x6;
	s10 =	simm.s32 $0x20  }
0xb: {  	_ =	strace $0x80000047;
	s6 =	sshll.u32 s1, $0x7;
	s8 =	ssub.s32 $0x2, s1  }
0xc: {  	s7 =	sadd.s32 s7, s0;
	p0 =	seq.s32 s1, $0x1;
	s1 =	simm.s32 $0x0  }
0xd: {  	s4 =	sor.u32 s6, s4;
	s21 =	sshrl.u32 s8, $0x1;
	s22 =	sshrl.u32 s20, $0x2  }
0xe: {  	s23 =	sshrl.u32 s9, $0x3;
	s9 =	sadd.s32 s24, s5;
	s20 =	sor.u32 $0x1C01, s26  }
0xf: {  	s24 =	simm.s32 $0x400;
	s26 =	simm.s32 $0x500;
	s4 =	sshrl.u32 s4, $0x3  }
.Ltmp0:
0x10: {  	s8 =	ssub.s32 s8, s21;
	s6 =	sadd.s32 s5, s23;
	(pc) =	sbr.rel .LBB2_1-.Ltmp0, $4  }
0x11: {  	s23 =	simm.s32 $0x10;
	s0 =	sadd.s32 s4, s0;
	s4 =	sadd.s32 s22, s2  }
0x12: {  	s25 =	sadd.s32 $0x900, s6;
	s6 =	sadd.s32 $0xB000, s7;
	s8 =	smax.u32 s8, $0x1  }
0x13: {  	s22 =	simm.s32 $0x880;
	[dreg:$0x3] =	wrdreg s25;
	s7 =	sadd.s32 $0xB800, s0  }
0x14: {  	v0 =	vimm.f32 $1.000000000e+00;
	v1 =	vimm.f32 $0.0e+00;
	s21 =	sshrl.u32 s4, $0x3;
	s25 =	simm.s32 $0x480;
	s0 =	simm.s32 $0x780  }
.LBB2_4:
0x15: {  	s5 =	sadd.s32 s10, s9;
	[sflag:s11] =	ssyncadd.s32 $0xFFFFFF80  }
0x16: {  	[tilespmem:s3], [sflag:$0x1] =	stream.linear.gather [hbm4b:s5+s3], $0x800, $0x38;
	[tilespmem:$0xD80] =	vst v63  }
0x17: {  	_ =	swait.ge [sflag:s11], $0x800  }
0x18: {  	[sflag:s11] =	ssyncset.done $0x0  }
0x19: {  	[sflag:s11] =	ssyncadd.s32 $0xFFFFF800  }
0x1a: {  	[spmem:s2] =	stream.indirect.scatter.add.f32 [tilespmem:s13], [sflag:$0x1], $0x1, s3, s12, $0xb8;
	[tilespmem:$0xD80] =	vst v63  }
0x1b: {  	_ =	swait.ge [sflag:s11], $0x80  }
0x1c: {  	[sflag:s11] =	ssyncset.done $0x0  }
0x1d: {  	[sflag:s11] =	ssyncadd.s32 $0xFFFFFF80  }
0x1e: {  	[spmem:s2] =	stream.indirect.scatter.add.f32 [tilespmem:s13], [sflag:$0x1], $0x1, s12, s12, $0xb8;
	[tilespmem:$0xD80] =	vst v63  }
0x1f: {  	_ =	swait.ge [sflag:s11], $0x80  }
0x20: {  	[sflag:s11] =	ssyncset.done $0x0  }
0x21: {  	[sflag:s11] =	ssyncadd.s32 $0xFFFFFF80  }
0x22: {  	[spmem:s2] =	stream.indirect.scatter.add.f32 [tilespmem:s13], [sflag:$0x1], $0x1, s14, s12, $0xb8;
	[tilespmem:$0xD80] =	vst v63  }
0x23: {  	_ =	swait.ge [sflag:s11], $0x80  }
0x24: {  	[sflag:s11] =	ssyncset.done $0x0  }
0x25: {  	[sflag:s11] =	ssyncadd.s32 $0xFFFFFF80  }
0x26: {  	[spmem:s2] =	stream.indirect.scatter.add.f32 [tilespmem:s13], [sflag:$0x1], $0x1, s15, s12, $0xb8;
	[tilespmem:$0xD80] =	vst v63  }
0x27: {  	_ =	swait.ge [sflag:s11], $0x80  }
0x28: {  	[sflag:s11] =	ssyncset.done $0x0  }
0x29: {  	[sflag:s11] =	ssyncadd.s32 $0xFFFFFF80  }
0x2a: {  	[spmem:s2] =	stream.indirect.scatter.add.f32 [tilespmem:s13], [sflag:$0x1], $0x1, s16, s12, $0xb8;
	[tilespmem:$0xD80] =	vst v63  }
0x2b: {  	_ =	swait.ge [sflag:s11], $0x80  }
0x2c: {  	[sflag:s11] =	ssyncset.done $0x0  }
0x2d: {  	[sflag:s11] =	ssyncadd.s32 $0xFFFFFF80  }
0x2e: {  	[spmem:s2] =	stream.indirect.scatter.add.f32 [tilespmem:s13], [sflag:$0x1], $0x1, s17, s12, $0xb8;
	[tilespmem:$0xD80] =	vst v63  }
0x2f: {  	_ =	swait.ge [sflag:s11], $0x80  }
0x30: {  	[sflag:s11] =	ssyncset.done $0x0  }
0x31: {  	[sflag:s11] =	ssyncadd.s32 $0xFFFFFF80  }
0x32: {  	[spmem:s2] =	stream.indirect.scatter.add.f32 [tilespmem:s13], [sflag:$0x1], $0x1, s18, s12, $0xb8;
	[tilespmem:$0xD80] =	vst v63  }
0x33: {  	_ =	swait.ge [sflag:s11], $0x80  }
0x34: {  	[sflag:s11] =	ssyncset.done $0x0  }
0x35: {  	[sflag:s11] =	ssyncadd.s32 $0xFFFFFF80  }
0x36: {  	[spmem:s2] =	stream.indirect.scatter.add.f32 [tilespmem:s13], [sflag:$0x1], $0x1, s19, s12, $0xb8;
	[tilespmem:$0xD80] =	vst v63  }
0x37: {  	_ =	swait.ge [sflag:s11], $0x80  }
0x38: {  	[sflag:s11] =	ssyncset.done $0x0  }
0x39: {  	[sflag:s11] =	ssyncadd.s32 $0xFFFFFF80  }
0x3a: {  	[spmem:s2] =	stream.indirect.scatter.add.f32 [tilespmem:s13], [sflag:$0x1], $0x1, s24, s12, $0xb8;
	[tilespmem:$0xD80] =	vst v63  }
0x3b: {  	_ =	swait.ge [sflag:s11], $0x80  }
0x3c: {  	[sflag:s11] =	ssyncset.done $0x0  }
0x3d: {  	[sflag:s11] =	ssyncadd.s32 $0xFFFFFF80  }
0x3e: {  	[spmem:s2] =	stream.indirect.scatter.add.f32 [tilespmem:s13], [sflag:$0x1], $0x1, s25, s12, $0xb8;
	[tilespmem:$0xD80] =	vst v63  }
0x3f: {  	_ =	swait.ge [sflag:s11], $0x80  }
0x40: {  	[sflag:s11] =	ssyncset.done $0x0  }
0x41: {  	[sflag:s11] =	ssyncadd.s32 $0xFFFFFF80  }
0x42: {  	[spmem:s2] =	stream.indirect.scatter.add.f32 [tilespmem:s13], [sflag:$0x1], $0x1, s26, s12, $0xb8;
	[tilespmem:$0xD80] =	vst v63  }
0x43: {  	_ =	swait.ge [sflag:s11], $0x80  }
0x44: {  	[sflag:s11] =	ssyncset.done $0x0  }
0x45: {  	[sflag:s11] =	ssyncadd.s32 $0xFFFFFF80  }
0x46: {  	[spmem:s2] =	stream.indirect.scatter.add.f32 [tilespmem:s13], [sflag:$0x1], $0x1, s28, s12, $0xb8;
	[tilespmem:$0xD80] =	vst v63  }
0x47: {  	_ =	swait.ge [sflag:s11], $0x80  }
0x48: {  	[sflag:s11] =	ssyncset.done $0x0  }
0x49: {  	[sflag:s11] =	ssyncadd.s32 $0xFFFFFF80  }
0x4a: {  	[spmem:s2] =	stream.indirect.scatter.add.f32 [tilespmem:s13], [sflag:$0x1], $0x1, s29, s12, $0xb8;
	[tilespmem:$0xD80] =	vst v63  }
0x4b: {  	_ =	swait.ge [sflag:s11], $0x80  }
0x4c: {  	[sflag:s11] =	ssyncset.done $0x0  }
0x4d: {  	[sflag:s11] =	ssyncadd.s32 $0xFFFFFF80  }
0x4e: {  	[spmem:s2] =	stream.indirect.scatter.add.f32 [tilespmem:s13], [sflag:$0x1], $0x1, s30, s12, $0xb8;
	[tilespmem:$0xD80] =	vst v63  }
0x4f: {  	_ =	swait.ge [sflag:s11], $0x80  }
0x50: {  	[sflag:s11] =	ssyncset.done $0x0  }
0x51: {  	[sflag:s11] =	ssyncadd.s32 $0xFFFFFF80  }
0x52: {  	[spmem:s2] =	stream.indirect.scatter.add.f32 [tilespmem:s13], [sflag:$0x1], $0x1, s31, s12, $0xb8;
	[tilespmem:$0xD80] =	vst v63  }
0x53: {  	_ =	swait.ge [sflag:s11], $0x80  }
0x54: {  	[sflag:s11] =	ssyncset.done $0x0  }
0x55: {  	[sflag:s11] =	ssyncadd.s32 $0xFFFFFF80  }
0x56: {  	[spmem:s2] =	stream.indirect.scatter.add.f32 [tilespmem:s13], [sflag:$0x1], $0x1, s0, s12, $0xb8;
	[tilespmem:$0xD80] =	vst v63  }
0x57: {  	_ =	swait.ge [sflag:s11], $0x80  }
0x58: {  	s22 =	simm.s32 $0x880;
	s10 =	simm.s32 $0x20;
	[sflag:s11] =	ssyncset.done $0x0  }
0x59: {  	s23 =	simm.s32 $0x10;
	s5 =	rddreg [dreg:$0x3];
	[sflag:s11] =	ssyncadd.s32 $0xFFFFFF80  }
.LBB2_5:
0x5a: {  	[tilespmem:s3], [sflag:$0x1] =	stream.linear.gather [hbm4b:s5+s3], $0x400, $0x38;
	[tilespmem:$0xD80] =	vst v63  }
0x5b: {  	_ =	swait.ge [sflag:s11], $0x400  }
0x5c: {  	[sflag:s11] =	ssyncset.done $0x0  }
0x5d: {  	[sflag:s11] =	ssyncadd.s32 $0xFFFFFC00  }
0x5e: {  	[spmem:s2] =	stream.indirect.scatter.add.f32 [tilespmem:s13], [sflag:$0x1], $0x1, s3, s12, $0xb8;
	[tilespmem:$0xD80] =	vst v63  }
0x5f: {  	_ =	swait.ge [sflag:s11], $0x80  }
0x60: {  	[sflag:s11] =	ssyncset.done $0x0  }
0x61: {  	[sflag:s11] =	ssyncadd.s32 $0xFFFFFF80  }
0x62: {  	[spmem:s2] =	stream.indirect.scatter.add.f32 [tilespmem:s13], [sflag:$0x1], $0x1, s12, s12, $0xb8;
	[tilespmem:$0xD80] =	vst v63  }
0x63: {  	_ =	swait.ge [sflag:s11], $0x80  }
0x64: {  	[sflag:s11] =	ssyncset.done $0x0  }
0x65: {  	[sflag:s11] =	ssyncadd.s32 $0xFFFFFF80  }
0x66: {  	[spmem:s2] =	stream.indirect.scatter.add.f32 [tilespmem:s13], [sflag:$0x1], $0x1, s14, s12, $0xb8;
	[tilespmem:$0xD80] =	vst v63  }
0x67: {  	_ =	swait.ge [sflag:s11], $0x80  }
0x68: {  	[sflag:s11] =	ssyncset.done $0x0  }
0x69: {  	[sflag:s11] =	ssyncadd.s32 $0xFFFFFF80  }
0x6a: {  	[spmem:s2] =	stream.indirect.scatter.add.f32 [tilespmem:s13], [sflag:$0x1], $0x1, s15, s12, $0xb8;
	[tilespmem:$0xD80] =	vst v63  }
0x6b: {  	_ =	swait.ge [sflag:s11], $0x80  }
0x6c: {  	[sflag:s11] =	ssyncset.done $0x0  }
0x6d: {  	[sflag:s11] =	ssyncadd.s32 $0xFFFFFF80  }
0x6e: {  	[spmem:s2] =	stream.indirect.scatter.add.f32 [tilespmem:s13], [sflag:$0x1], $0x1, s16, s12, $0xb8;
	[tilespmem:$0xD80] =	vst v63  }
0x6f: {  	_ =	swait.ge [sflag:s11], $0x80  }
0x70: {  	[sflag:s11] =	ssyncset.done $0x0  }
0x71: {  	[sflag:s11] =	ssyncadd.s32 $0xFFFFFF80  }
0x72: {  	[spmem:s2] =	stream.indirect.scatter.add.f32 [tilespmem:s13], [sflag:$0x1], $0x1, s17, s12, $0xb8;
	[tilespmem:$0xD80] =	vst v63  }
0x73: {  	_ =	swait.ge [sflag:s11], $0x80  }
0x74: {  	[sflag:s11] =	ssyncset.done $0x0  }
0x75: {  	[sflag:s11] =	ssyncadd.s32 $0xFFFFFF80  }
0x76: {  	[spmem:s2] =	stream.indirect.scatter.add.f32 [tilespmem:s13], [sflag:$0x1], $0x1, s18, s12, $0xb8;
	[tilespmem:$0xD80] =	vst v63  }
0x77: {  	_ =	swait.ge [sflag:s11], $0x80  }
0x78: {  	[sflag:s11] =	ssyncset.done $0x0  }
0x79: {  	[sflag:s11] =	ssyncadd.s32 $0xFFFFFF80  }
0x7a: {  	[spmem:s2] =	stream.indirect.scatter.add.f32 [tilespmem:s13], [sflag:$0x1], $0x1, s19, s12, $0xb8;
	[tilespmem:$0xD80] =	vst v63  }
0x7b: {  	_ =	swait.ge [sflag:s11], $0x80  }
0x7c: {  	s1 =	sadd.s32 $0x1, s1;
	[sflag:s11] =	ssyncset.done $0x0  }
0x7d: {  	p1 =	sne.s32 s1, s8;
	[sflag:s11] =	ssyncadd.s32 $0xFFFFFF80  }
.Ltmp1:
0x7e: {  	[bflag:$0x0] =	sbarrier.arrive $0xFFFF;
	(pc) =	sbr.rel @!p1 .LBB2_6-.Ltmp1, $4  }
0x7f: {  	[hbm:s7@s10], [sflag:s20] =	dma.strided [spmem:s21@s23], $0x50, s11, $0x10   }
0x80: {  	_ =	swait.ge [sflag:s11], $0x50  }
0x81: {  	[sflag:s11] =	ssyncset.done $0x0  }
0x82: {  	[sflag:s11] =	ssyncadd.s32 $0xFFFFFFB0  }
.LBB2_1:
0x83: {  	[tilespmem:$0x800] =	vst v0  }
0x84: {  	[tilespmem:$0x810] =	vst v0  }
0x85: {  	[tilespmem:$0x820] =	vst v0  }
0x86: {  	[tilespmem:$0x830] =	vst v0  }
0x87: {  	[tilespmem:$0x840] =	vst v0  }
0x88: {  	[tilespmem:$0x850] =	vst v0  }
0x89: {  	[tilespmem:$0x860] =	vst v0  }
0x8a: {  	[tilespmem:$0x870] =	vst v0  }
0x8b: {  	[tilespmem:$0x880] =	vst v1  }
0x8c: {  	[tilespmem:$0x890] =	vst v1  }
0x8d: {  	[tilespmem:$0x8A0] =	vst v1  }
0x8e: {  	[tilespmem:$0x8B0] =	vst v1  }
0x8f: {  	[tilespmem:$0x8C0] =	vst v1  }
0x90: {  	[tilespmem:$0x8D0] =	vst v1  }
0x91: {  	[tilespmem:$0x8E0] =	vst v1  }
0x92: {  	[tilespmem:$0x8F0] =	vst v1  }
0x93: {  	[tilespmem:$0x900] =	vst v1  }
0x94: {  	[tilespmem:$0x910] =	vst v1  }
0x95: {  	[tilespmem:$0x920] =	vst v1  }
0x96: {  	[tilespmem:$0x930] =	vst v1  }
0x97: {  	[tilespmem:$0x940] =	vst v1  }
0x98: {  	[tilespmem:$0x950] =	vst v1  }
0x99: {  	[tilespmem:$0x960] =	vst v1  }
0x9a: {  	[tilespmem:$0x970] =	vst v1  }
0x9b: {  	[tilespmem:$0x980] =	vst v1  }
0x9c: {  	[tilespmem:$0x990] =	vst v1  }
0x9d: {  	[tilespmem:$0x9A0] =	vst v1  }
0x9e: {  	[tilespmem:$0x9B0] =	vst v1  }
0x9f: {  	[tilespmem:$0x9C0] =	vst v1  }
0xa0: {  	[tilespmem:$0x9D0] =	vst v1  }
0xa1: {  	[tilespmem:$0x9E0] =	vst v1  }
0xa2: {  	[tilespmem:$0x9F0] =	vst v1  }
0xa3: {  	[tilespmem:$0xA00] =	vst v1  }
0xa4: {  	[tilespmem:$0xA10] =	vst v1  }
0xa5: {  	[tilespmem:$0xA20] =	vst v1  }
0xa6: {  	[tilespmem:$0xA30] =	vst v1  }
0xa7: {  	[tilespmem:$0xA40] =	vst v1  }
0xa8: {  	[tilespmem:$0xA50] =	vst v1  }
0xa9: {  	[tilespmem:$0xA60] =	vst v1  }
0xaa: {  	[tilespmem:$0xA70] =	vst v1  }
0xab: {  	[tilespmem:$0xA80] =	vst v1  }
0xac: {  	[tilespmem:$0xA90] =	vst v1  }
0xad: {  	[tilespmem:$0xAA0] =	vst v1  }
0xae: {  	[tilespmem:$0xAB0] =	vst v1  }
0xaf: {  	[tilespmem:$0xAC0] =	vst v1  }
0xb0: {  	[tilespmem:$0xAD0] =	vst v1  }
0xb1: {  	[tilespmem:$0xAE0] =	vst v1  }
0xb2: {  	[tilespmem:$0xAF0] =	vst v1  }
0xb3: {  	[spmem:s4] =	stream.linear.scatter [tilespmem:s22], [sflag:$0x1], $0x280, $0x38;
	[tilespmem:$0xD80] =	vst v63  }
.Ltmp2:
0xb4: {  	_ =	swait.ge [sflag:s11], $0x280;
	(pc) =	sbr.rel @p0 .LBB2_5-.Ltmp2, $4  }
0xb5: {  	[sflag:s11] =	ssyncset.done $0x0  }
0xb6: {  	[sflag:s11] =	ssyncadd.s32 $0xFFFFFD80  }
0xb7: {  	[bflag:$0x0] =	sbarrier.arrive $0xFFFF  }
0xb8: {  	s5 =	smov.u32 s6  }
0xb9: {  	s5 =	sadd.s32 $0x0, s9  }
0xba: {  	[tilespmem:s3], [sflag:$0x1] =	stream.linear.gather [hbm4b:s5+s3], $0x800, $0x38;
	[tilespmem:$0xD80] =	vst v63  }
0xbb: {  	_ =	swait.ge [sflag:s11], $0x800  }
0xbc: {  	[sflag:s11] =	ssyncset.done $0x0  }
0xbd: {  	[sflag:s11] =	ssyncadd.s32 $0xFFFFF800  }
0xbe: {  	[spmem:s2] =	stream.indirect.scatter.add.f32 [tilespmem:s13], [sflag:$0x1], $0x1, s3, s12, $0xb8;
	[tilespmem:$0xD80] =	vst v63  }
0xbf: {  	_ =	swait.ge [sflag:s11], $0x80  }
0xc0: {  	[sflag:s11] =	ssyncset.done $0x0  }
0xc1: {  	[sflag:s11] =	ssyncadd.s32 $0xFFFFFF80  }
0xc2: {  	[spmem:s2] =	stream.indirect.scatter.add.f32 [tilespmem:s13], [sflag:$0x1], $0x1, s12, s12, $0xb8;
	[tilespmem:$0xD80] =	vst v63  }
0xc3: {  	_ =	swait.ge [sflag:s11], $0x80  }
0xc4: {  	[sflag:s11] =	ssyncset.done $0x0  }
0xc5: {  	[sflag:s11] =	ssyncadd.s32 $0xFFFFFF80  }
0xc6: {  	[spmem:s2] =	stream.indirect.scatter.add.f32 [tilespmem:s13], [sflag:$0x1], $0x1, s14, s12, $0xb8;
	[tilespmem:$0xD80] =	vst v63  }
0xc7: {  	_ =	swait.ge [sflag:s11], $0x80  }
0xc8: {  	[sflag:s11] =	ssyncset.done $0x0  }
0xc9: {  	[sflag:s11] =	ssyncadd.s32 $0xFFFFFF80  }
0xca: {  	[spmem:s2] =	stream.indirect.scatter.add.f32 [tilespmem:s13], [sflag:$0x1], $0x1, s15, s12, $0xb8;
	[tilespmem:$0xD80] =	vst v63  }
0xcb: {  	_ =	swait.ge [sflag:s11], $0x80  }
0xcc: {  	[sflag:s11] =	ssyncset.done $0x0  }
0xcd: {  	[sflag:s11] =	ssyncadd.s32 $0xFFFFFF80  }
0xce: {  	[spmem:s2] =	stream.indirect.scatter.add.f32 [tilespmem:s13], [sflag:$0x1], $0x1, s16, s12, $0xb8;
	[tilespmem:$0xD80] =	vst v63  }
0xcf: {  	_ =	swait.ge [sflag:s11], $0x80  }
0xd0: {  	[sflag:s11] =	ssyncset.done $0x0  }
0xd1: {  	[sflag:s11] =	ssyncadd.s32 $0xFFFFFF80  }
0xd2: {  	[spmem:s2] =	stream.indirect.scatter.add.f32 [tilespmem:s13], [sflag:$0x1], $0x1, s17, s12, $0xb8;
	[tilespmem:$0xD80] =	vst v63  }
0xd3: {  	_ =	swait.ge [sflag:s11], $0x80  }
0xd4: {  	[sflag:s11] =	ssyncset.done $0x0  }
0xd5: {  	[sflag:s11] =	ssyncadd.s32 $0xFFFFFF80  }
0xd6: {  	[spmem:s2] =	stream.indirect.scatter.add.f32 [tilespmem:s13], [sflag:$0x1], $0x1, s18, s12, $0xb8;
	[tilespmem:$0xD80] =	vst v63  }
0xd7: {  	_ =	swait.ge [sflag:s11], $0x80  }
0xd8: {  	[sflag:s11] =	ssyncset.done $0x0  }
0xd9: {  	[sflag:s11] =	ssyncadd.s32 $0xFFFFFF80  }
0xda: {  	[spmem:s2] =	stream.indirect.scatter.add.f32 [tilespmem:s13], [sflag:$0x1], $0x1, s19, s12, $0xb8;
	[tilespmem:$0xD80] =	vst v63  }
0xdb: {  	_ =	swait.ge [sflag:s11], $0x80  }
0xdc: {  	[sflag:s11] =	ssyncset.done $0x0  }
0xdd: {  	[sflag:s11] =	ssyncadd.s32 $0xFFFFFF80  }
0xde: {  	[spmem:s2] =	stream.indirect.scatter.add.f32 [tilespmem:s13], [sflag:$0x1], $0x1, s24, s12, $0xb8;
	[tilespmem:$0xD80] =	vst v63  }
0xdf: {  	_ =	swait.ge [sflag:s11], $0x80  }
0xe0: {  	[sflag:s11] =	ssyncset.done $0x0  }
0xe1: {  	[sflag:s11] =	ssyncadd.s32 $0xFFFFFF80  }
0xe2: {  	[spmem:s2] =	stream.indirect.scatter.add.f32 [tilespmem:s13], [sflag:$0x1], $0x1, s25, s12, $0xb8;
	[tilespmem:$0xD80] =	vst v63  }
0xe3: {  	_ =	swait.ge [sflag:s11], $0x80  }
0xe4: {  	[sflag:s11] =	ssyncset.done $0x0  }
0xe5: {  	[sflag:s11] =	ssyncadd.s32 $0xFFFFFF80  }
0xe6: {  	[spmem:s2] =	stream.indirect.scatter.add.f32 [tilespmem:s13], [sflag:$0x1], $0x1, s26, s12, $0xb8;
	[tilespmem:$0xD80] =	vst v63  }
0xe7: {  	_ =	swait.ge [sflag:s11], $0x80  }
0xe8: {  	[sflag:s11] =	ssyncset.done $0x0  }
0xe9: {  	[sflag:s11] =	ssyncadd.s32 $0xFFFFFF80  }
0xea: {  	[spmem:s2] =	stream.indirect.scatter.add.f32 [tilespmem:s13], [sflag:$0x1], $0x1, s28, s12, $0xb8;
	[tilespmem:$0xD80] =	vst v63  }
0xeb: {  	_ =	swait.ge [sflag:s11], $0x80  }
0xec: {  	[sflag:s11] =	ssyncset.done $0x0  }
0xed: {  	[sflag:s11] =	ssyncadd.s32 $0xFFFFFF80  }
0xee: {  	[spmem:s2] =	stream.indirect.scatter.add.f32 [tilespmem:s13], [sflag:$0x1], $0x1, s29, s12, $0xb8;
	[tilespmem:$0xD80] =	vst v63  }
0xef: {  	_ =	swait.ge [sflag:s11], $0x80  }
0xf0: {  	[sflag:s11] =	ssyncset.done $0x0  }
0xf1: {  	[sflag:s11] =	ssyncadd.s32 $0xFFFFFF80  }
0xf2: {  	[spmem:s2] =	stream.indirect.scatter.add.f32 [tilespmem:s13], [sflag:$0x1], $0x1, s30, s12, $0xb8;
	[tilespmem:$0xD80] =	vst v63  }
0xf3: {  	_ =	swait.ge [sflag:s11], $0x80  }
0xf4: {  	[sflag:s11] =	ssyncset.done $0x0  }
0xf5: {  	[sflag:s11] =	ssyncadd.s32 $0xFFFFFF80  }
0xf6: {  	[spmem:s2] =	stream.indirect.scatter.add.f32 [tilespmem:s13], [sflag:$0x1], $0x1, s31, s12, $0xb8;
	[tilespmem:$0xD80] =	vst v63  }
0xf7: {  	_ =	swait.ge [sflag:s11], $0x80  }
0xf8: {  	[sflag:s11] =	ssyncset.done $0x0  }
0xf9: {  	[sflag:s11] =	ssyncadd.s32 $0xFFFFFF80  }
0xfa: {  	[spmem:s2] =	stream.indirect.scatter.add.f32 [tilespmem:s13], [sflag:$0x1], $0x1, s0, s12, $0xb8;
	[tilespmem:$0xD80] =	vst v63  }
0xfb: {  	_ =	swait.ge [sflag:s11], $0x80  }
0xfc: {  	s10 =	simm.s32 $0x100;
	s5 =	simm.s32 $0x200;
	[sflag:s11] =	ssyncset.done $0x0  }
.LBB2_3:
0xfd: {  	s23 =	sadd.s32 s10, s9  }
0xfe: {  	[sflag:s11] =	ssyncadd.s32 $0xFFFFFF80;
	s10 =	smov.u32 s5;
	s22 =	sadd.s32 $0x100, s5  }
0xff: {  	[tilespmem:s3], [sflag:$0x1] =	stream.linear.gather [hbm4b:s23+s3], $0x800, $0x38;
	[tilespmem:$0xD80] =	vst v63  }
0x100: {  	p1 =	sne.s32 s5, $0x800;
	_ =	swait.ge [sflag:s11], $0x800  }
0x101: {  	[sflag:s11] =	ssyncset.done $0x0  }
0x102: {  	[sflag:s11] =	ssyncadd.s32 $0xFFFFF800  }
0x103: {  	[spmem:s2] =	stream.indirect.scatter.add.f32 [tilespmem:s13], [sflag:$0x1], $0x1, s3, s12, $0xb8;
	[tilespmem:$0xD80] =	vst v63  }
0x104: {  	_ =	swait.ge [sflag:s11], $0x80  }
0x105: {  	[sflag:s11] =	ssyncset.done $0x0  }
0x106: {  	[sflag:s11] =	ssyncadd.s32 $0xFFFFFF80  }
0x107: {  	[spmem:s2] =	stream.indirect.scatter.add.f32 [tilespmem:s13], [sflag:$0x1], $0x1, s12, s12, $0xb8;
	[tilespmem:$0xD80] =	vst v63  }
0x108: {  	_ =	swait.ge [sflag:s11], $0x80  }
0x109: {  	[sflag:s11] =	ssyncset.done $0x0  }
0x10a: {  	[sflag:s11] =	ssyncadd.s32 $0xFFFFFF80  }
0x10b: {  	[spmem:s2] =	stream.indirect.scatter.add.f32 [tilespmem:s13], [sflag:$0x1], $0x1, s14, s12, $0xb8;
	[tilespmem:$0xD80] =	vst v63  }
0x10c: {  	_ =	swait.ge [sflag:s11], $0x80  }
0x10d: {  	[sflag:s11] =	ssyncset.done $0x0  }
0x10e: {  	[sflag:s11] =	ssyncadd.s32 $0xFFFFFF80  }
0x10f: {  	[spmem:s2] =	stream.indirect.scatter.add.f32 [tilespmem:s13], [sflag:$0x1], $0x1, s15, s12, $0xb8;
	[tilespmem:$0xD80] =	vst v63  }
0x110: {  	_ =	swait.ge [sflag:s11], $0x80  }
0x111: {  	[sflag:s11] =	ssyncset.done $0x0  }
0x112: {  	[sflag:s11] =	ssyncadd.s32 $0xFFFFFF80  }
0x113: {  	[spmem:s2] =	stream.indirect.scatter.add.f32 [tilespmem:s13], [sflag:$0x1], $0x1, s16, s12, $0xb8;
	[tilespmem:$0xD80] =	vst v63  }
0x114: {  	_ =	swait.ge [sflag:s11], $0x80  }
0x115: {  	[sflag:s11] =	ssyncset.done $0x0  }
0x116: {  	[sflag:s11] =	ssyncadd.s32 $0xFFFFFF80  }
0x117: {  	[spmem:s2] =	stream.indirect.scatter.add.f32 [tilespmem:s13], [sflag:$0x1], $0x1, s17, s12, $0xb8;
	[tilespmem:$0xD80] =	vst v63  }
0x118: {  	_ =	swait.ge [sflag:s11], $0x80  }
0x119: {  	[sflag:s11] =	ssyncset.done $0x0  }
0x11a: {  	[sflag:s11] =	ssyncadd.s32 $0xFFFFFF80  }
0x11b: {  	[spmem:s2] =	stream.indirect.scatter.add.f32 [tilespmem:s13], [sflag:$0x1], $0x1, s18, s12, $0xb8;
	[tilespmem:$0xD80] =	vst v63  }
0x11c: {  	_ =	swait.ge [sflag:s11], $0x80  }
0x11d: {  	[sflag:s11] =	ssyncset.done $0x0  }
0x11e: {  	[sflag:s11] =	ssyncadd.s32 $0xFFFFFF80  }
0x11f: {  	[spmem:s2] =	stream.indirect.scatter.add.f32 [tilespmem:s13], [sflag:$0x1], $0x1, s19, s12, $0xb8;
	[tilespmem:$0xD80] =	vst v63  }
0x120: {  	_ =	swait.ge [sflag:s11], $0x80  }
0x121: {  	[sflag:s11] =	ssyncset.done $0x0  }
0x122: {  	[sflag:s11] =	ssyncadd.s32 $0xFFFFFF80  }
0x123: {  	[spmem:s2] =	stream.indirect.scatter.add.f32 [tilespmem:s13], [sflag:$0x1], $0x1, s24, s12, $0xb8;
	[tilespmem:$0xD80] =	vst v63  }
0x124: {  	_ =	swait.ge [sflag:s11], $0x80  }
0x125: {  	[sflag:s11] =	ssyncset.done $0x0  }
0x126: {  	[sflag:s11] =	ssyncadd.s32 $0xFFFFFF80  }
0x127: {  	[spmem:s2] =	stream.indirect.scatter.add.f32 [tilespmem:s13], [sflag:$0x1], $0x1, s25, s12, $0xb8;
	[tilespmem:$0xD80] =	vst v63  }
0x128: {  	_ =	swait.ge [sflag:s11], $0x80  }
0x129: {  	[sflag:s11] =	ssyncset.done $0x0  }
0x12a: {  	[sflag:s11] =	ssyncadd.s32 $0xFFFFFF80  }
0x12b: {  	[spmem:s2] =	stream.indirect.scatter.add.f32 [tilespmem:s13], [sflag:$0x1], $0x1, s26, s12, $0xb8;
	[tilespmem:$0xD80] =	vst v63  }
0x12c: {  	_ =	swait.ge [sflag:s11], $0x80  }
0x12d: {  	[sflag:s11] =	ssyncset.done $0x0  }
0x12e: {  	[sflag:s11] =	ssyncadd.s32 $0xFFFFFF80  }
0x12f: {  	[spmem:s2] =	stream.indirect.scatter.add.f32 [tilespmem:s13], [sflag:$0x1], $0x1, s28, s12, $0xb8;
	[tilespmem:$0xD80] =	vst v63  }
0x130: {  	_ =	swait.ge [sflag:s11], $0x80  }
0x131: {  	[sflag:s11] =	ssyncset.done $0x0  }
0x132: {  	[sflag:s11] =	ssyncadd.s32 $0xFFFFFF80  }
0x133: {  	[spmem:s2] =	stream.indirect.scatter.add.f32 [tilespmem:s13], [sflag:$0x1], $0x1, s29, s12, $0xb8;
	[tilespmem:$0xD80] =	vst v63  }
0x134: {  	_ =	swait.ge [sflag:s11], $0x80  }
0x135: {  	[sflag:s11] =	ssyncset.done $0x0  }
0x136: {  	[sflag:s11] =	ssyncadd.s32 $0xFFFFFF80  }
0x137: {  	[spmem:s2] =	stream.indirect.scatter.add.f32 [tilespmem:s13], [sflag:$0x1], $0x1, s30, s12, $0xb8;
	[tilespmem:$0xD80] =	vst v63  }
0x138: {  	_ =	swait.ge [sflag:s11], $0x80  }
0x139: {  	[sflag:s11] =	ssyncset.done $0x0  }
0x13a: {  	[sflag:s11] =	ssyncadd.s32 $0xFFFFFF80  }
0x13b: {  	[spmem:s2] =	stream.indirect.scatter.add.f32 [tilespmem:s13], [sflag:$0x1], $0x1, s31, s12, $0xb8;
	[tilespmem:$0xD80] =	vst v63  }
0x13c: {  	_ =	swait.ge [sflag:s11], $0x80  }
.Ltmp3:
0x13d: {  	[sflag:s11] =	ssyncset.done $0x0;
	(pc) =	sbr.rel @p1 .LBB2_3-.Ltmp3, $4  }
0x13e: {  	[sflag:s11] =	ssyncadd.s32 $0xFFFFFF80  }
0x13f: {  	[spmem:s2] =	stream.indirect.scatter.add.f32 [tilespmem:s13], [sflag:$0x1], $0x1, s0, s12, $0xb8;
	[tilespmem:$0xD80] =	vst v63  }
0x140: {  	_ =	swait.ge [sflag:s11], $0x80  }
0x141: {  	s5 =	smov.u32 s22;
	[sflag:s11] =	ssyncset.done $0x0  }
.Ltmp4:
0x142: {  	_ = 	snop;
	(pc) =	sbr.rel .LBB2_4-.Ltmp4, $1  }
0x143: {  	_ =	sdelay $0x3  }
.LBB2_6:
0x144: {  	_ =	sfence.sel $0x180000  }
0x145: {  	[bflag:$0x0] =	sbarrier.arrive $0xFFFF  }
0x146: {  	_ =	strace $0x90000047  }
0x147: {  	s0 =	stileid.u32;
	[bflag:$0x2] =	sbarrier.arrive $0xFFFF  }
0x148: {  	p0 =	sne.s32 s0, $0x0;
	s0 =	rddreg [dreg:$0x2]  }
0x149: {  	s0 =	sadd.s32 @!p0 $0x100000, s0  }
0x14a: {  	[sflag:s0] =	ssyncadd.tile.s32 @!p0 $0x1;
	_ =	shalt  }
.Lfunc_end2:
_tile_overlayer_lowered:
.L_overlay_start_2:
0x14b: {  	(tag) =	ssettag $0x2  }
0x14c: {  	s0 =	rddreg [dreg:$0x0];
	s2 =	stileid.u32  }
0x14d: {  	s1 =	rddreg [dreg:$0x1];
	p0 =	sne.s32 s2, $0x0  }
0x14e: {  	s3 =	rddreg [dreg:$0x2];
	[bflag:$0x3] =	sbarrier.arrive $0xFFFF;
	s2 =	simm.s32 @!p0 $0x1C01  }
0x14f: {  	[timem:s3], [sflag:s2] =	dma.local @!p0 [hbm:s0], s1  }
0x150: {  	s0 =	simm.s32 @!p0 $0x1  }
0x151: {  	_ =	swait.ge @!p0 [sflag:s0], s1  }
0x152: {  	s1 =	ssub.s32 @!p0 $0x0, s1;
	[sflag:s0] =	ssyncset.done @!p0 $0x0  }
0x153: {  	[sflag:s0] =	ssyncadd.s32 @!p0 s1  }
0x154: {  	[bflag:$0x3] =	sbarrier.arrive $0xFFFF  }
0x155: {  	_ =	shalt  }

</sc_bundles>
